<compile_context>
chip_gen: v7x
topology: tpu7x:2x2x1
jax: 0.10.2.dev20260603
libtpu: 0.0.44.dev20260713+nightly
codegen_flags: <defaults>
</compile_context>

<pallas_src>
import functools

import jax
import jax.numpy as jnp
from jax import lax
from jax.experimental import pallas as pl
from jax.experimental.pallas import tpu as pltpu
from jax.experimental.pallas import tpu_sc as plsc

NC = 2
NS = 16
CHUNK = 128
ROWS_PER_STEP = 8
GCOLS = 16


def _make_agg_kernel(n_nodes, idx_rows, acc_rows):
    rows_per_sub = idx_rows // NS
    steps = rows_per_sub // ROWS_PER_STEP
    half_rows_per_sub = idx_rows // 2 // NS
    half_steps = half_rows_per_sub // ROWS_PER_STEP
    zrows = acc_rows // NS
    mesh = plsc.VectorSubcoreMesh(core_axis_name="c", subcore_axis_name="s")
    oshape = jax.ShapeDtypeStruct((acc_rows, GCOLS), jnp.float32)

    @functools.partial(
        pl.kernel,
        out_type=(oshape, oshape, oshape, oshape),
        mesh=mesh,
        scratch_types=[
            pltpu.VMEM((2 * ROWS_PER_STEP, CHUNK), jnp.int32),
            pltpu.VMEM((2 * ROWS_PER_STEP, CHUNK), jnp.int32),
            pltpu.VMEM((ROWS_PER_STEP, CHUNK, GCOLS), jnp.float32),
            pltpu.VMEM_SHARED((acc_rows, GCOLS), jnp.float32),
            pltpu.SemaphoreType.DMA,
            pltpu.SemaphoreType.DMA,
            pltpu.SemaphoreType.DMA,
        ],
        compiler_params=pltpu.CompilerParams(use_tc_tiling_on_sc=False),
    )
    def agg_kernel(t0_hbm, t1_hbm, t2_hbm, idxb_hbm, zeros_hbm,
                   out0, out1, out2a, out2b,
                   ib0, ib1, rb, acc, gsem, ssem, isem):
        cid = lax.axis_index("c")
        sid = lax.axis_index("s")
        depth = 6
        blk = 2 * ROWS_PER_STEP

        def zero_acc():
            pltpu.sync_copy(zeros_hbm.at[pl.ds(sid * zrows, zrows)],
                            acc.at[pl.ds(sid * zrows, zrows)])

        def scan(table, step_base, nsteps):
            pltpu.async_copy(idxb_hbm.at[pl.ds(step_base * blk, blk)],
                             ib0, isem)

            def run_step(b, cur, nxt, prefetch):
                pltpu.make_async_copy(
                    idxb_hbm.at[pl.ds(0, blk)], cur, isem).wait()
                if prefetch:
                    @pl.when(b + 1 < nsteps)
                    def _():
                        pltpu.async_copy(
                            idxb_hbm.at[pl.ds((step_base + b + 1) * blk, blk)],
                            nxt, isem)
                g = [pltpu.async_copy(table.at[cur.at[j]], rb.at[j], gsem)
                     for j in range(depth)]
                s = []
                for j in range(ROWS_PER_STEP):
                    g[j].wait()
                    if j + depth < ROWS_PER_STEP:
                        g.append(pltpu.async_copy(
                            table.at[cur.at[j + depth]], rb.at[j + depth],
                            gsem))
                    s.append(pltpu.async_copy(
                        rb.at[j], acc.at[cur.at[ROWS_PER_STEP + j]], ssem,
                        add=True))
                for d in s:
                    d.wait()

            def double_step(b2, carry):
                run_step(2 * b2, ib0, ib1, True)
                run_step(2 * b2 + 1, ib1, ib0, True)
                return carry
            lax.fori_loop(0, nsteps // 2, double_step, 0)
            if nsteps % 2:
                run_step(nsteps - 1, ib0, ib1, False)

        def dump(out):
            pltpu.sync_copy(acc.at[pl.ds(sid * zrows, zrows)],
                            out.at[pl.ds(sid * zrows, zrows)])

        zero_acc()
        plsc.subcore_barrier()

        @pl.when(cid == 0)
        def _():
            scan(t0_hbm, sid * steps, steps)

        @pl.when(cid == 1)
        def _():
            scan(t1_hbm, sid * steps, steps)
        plsc.subcore_barrier()

        @pl.when(cid == 0)
        def _():
            dump(out0)

        @pl.when(cid == 1)
        def _():
            dump(out1)
        plsc.subcore_barrier()

        zero_acc()
        plsc.subcore_barrier()
        scan(t2_hbm,
             cid * (idx_rows // 2 // ROWS_PER_STEP) + sid * half_steps,
             half_steps)
        plsc.subcore_barrier()

        @pl.when(cid == 0)
        def _():
            dump(out2a)

        @pl.when(cid == 1)
        def _():
            dump(out2b)

    return agg_kernel


def _dense_body(x_ref, h_ref, c0_ref, a0_ref, a1_ref, a2a_ref, a2b_ref,
                w_ref, b_ref, lw_ref, lb_ref,
                out_ref, hn_ref, c_ref, *, filt, lags, kdim):
    def dot(a, b):
        return lax.dot_general(a, b, (((1,), (0,)), ((), ())),
                               precision=lax.Precision.HIGHEST,
                               preferred_element_type=jnp.float32)
    g4 = 4 * filt
    a2a = a2a_ref[...]
    a2b = a2b_ref[...]
    zc = jnp.concatenate(
        [x_ref[...], h_ref[...], a0_ref[...], a1_ref[...], a2a, a2b], axis=1)
    o = dot(zc, w_ref[...])
    cnt = a2a[:, lags:lags + 1] + a2b[:, lags:lags + 1]
    inv = 1.0 / jnp.maximum(cnt, 1.0)
    pre = o[:, :g4] + inv * o[:, g4:2 * g4] + b_ref[...]
    i_g = jax.nn.sigmoid(pre[:, 0 * filt:1 * filt])
    f_g = jax.nn.sigmoid(pre[:, 1 * filt:2 * filt])
    t_g = jnp.tanh(pre[:, 2 * filt:3 * filt])
    o_g = jax.nn.sigmoid(pre[:, 3 * filt:4 * filt])
    c = f_g * c0_ref[...] + i_g * t_g
    hn = o_g * jnp.tanh(c)
    h = jnp.maximum(hn, 0.0)
    out_ref[...] = dot(h, lw_ref[...]) + lb_ref[...]
    hn_ref[...] = hn
    c_ref[...] = c


def _make_dense_kernel(n_nodes, lags, filt, kdim, row_block):
    grid = (n_nodes // row_block,)
    g4 = 4 * filt
    row = lambda i: (i, 0)
    rep = lambda i: (0, 0)
    return pl.pallas_call(
        functools.partial(_dense_body, filt=filt, lags=lags, kdim=kdim),
        grid=grid,
        in_specs=[
            pl.BlockSpec((row_block, lags), row),
            pl.BlockSpec((row_block, filt), row),
            pl.BlockSpec((row_block, filt), row),
            pl.BlockSpec((row_block, GCOLS), row),
            pl.BlockSpec((row_block, GCOLS), row),
            pl.BlockSpec((row_block, GCOLS), row),
            pl.BlockSpec((row_block, GCOLS), row),
            pl.BlockSpec((kdim, 2 * g4), rep),
            pl.BlockSpec((1, g4), rep),
            pl.BlockSpec((filt, 1), rep),
            pl.BlockSpec((1, 1), rep),
        ],
        out_specs=[
            pl.BlockSpec((row_block, 1), row),
            pl.BlockSpec((row_block, filt), row),
            pl.BlockSpec((row_block, filt), row),
        ],
        out_shape=[
            jax.ShapeDtypeStruct((n_nodes, 1), jnp.float32),
            jax.ShapeDtypeStruct((n_nodes, filt), jnp.float32),
            jax.ShapeDtypeStruct((n_nodes, filt), jnp.float32),
        ],
    )


def kernel(x, edge_index, edge_weight, h_0, c_0, params):
    n, lags = x.shape
    filt = h_0.shape[1]
    e = edge_index.shape[1]

    t0 = h_0[:, :GCOLS]
    t1 = h_0[:, GCOLS:2 * GCOLS]
    t2 = jnp.concatenate(
        [x, jnp.ones((n, 1), jnp.float32),
         jnp.zeros((n, GCOLS - lags - 1), jnp.float32)], axis=1)

    rows = -(-e // CHUNK)
    blk = 2 * NS * ROWS_PER_STEP
    rows_p = -(-rows // blk) * blk
    e_pad = rows_p * CHUNK - e
    acc_rows = ((n + 1 + 8 * NS - 1) // (8 * NS)) * (8 * NS)
    pad_src = (jnp.arange(e_pad, dtype=jnp.int32) * 37) % n
    pad_dst = n + (jnp.arange(e_pad, dtype=jnp.int32) % (acc_rows - n))
    src2 = jnp.concatenate(
        [edge_index[0].astype(jnp.int32), pad_src]).reshape(
            rows_p // ROWS_PER_STEP, ROWS_PER_STEP, CHUNK)
    dst2 = jnp.concatenate(
        [edge_index[1].astype(jnp.int32), pad_dst]).reshape(
            rows_p // ROWS_PER_STEP, ROWS_PER_STEP, CHUNK)
    idxb = jnp.concatenate([src2, dst2], axis=1).reshape(2 * rows_p, CHUNK)

    zeros_hbm = jnp.zeros((acc_rows, GCOLS), jnp.float32)

    a0, a1, a2a, a2b = _make_agg_kernel(n, rows_p, acc_rows)(
        t0, t1, t2, idxb, zeros_hbm)

    gates_x = ['x_i', 'x_f', 'x_c', 'x_o']
    gates_h = ['h_i', 'h_f', 'h_c', 'h_o']

    def rel_w(p):
        return jnp.einsum('rb,bio->rio', p['comp'], p['basis'])[0]

    g4 = 4 * filt
    wx = jnp.concatenate([params[g]['root'] for g in gates_x], axis=1)
    wh = jnp.concatenate([params[g]['root'] for g in gates_h], axis=1)
    wax = jnp.concatenate([rel_w(params[g]) for g in gates_x], axis=1)
    wah = jnp.concatenate([rel_w(params[g]) for g in gates_h], axis=1)
    bias = jnp.concatenate(
        [params[gx]['bias'] + params[gh]['bias']
         for gx, gh in zip(gates_x, gates_h)])[None, :]
    w2 = jnp.concatenate(
        [wax, jnp.zeros((GCOLS - lags, g4), jnp.float32)], axis=0)

    kdim = lags + filt + 4 * GCOLS
    w_left = jnp.concatenate([wx, wh, jnp.zeros((4 * GCOLS, g4))], axis=0)
    w_right = jnp.concatenate(
        [jnp.zeros((lags + filt, g4)), wah[:GCOLS], wah[GCOLS:2 * GCOLS],
         w2, w2], axis=0)
    w256 = jnp.concatenate([w_left, w_right], axis=1)

    row_block = 2000
    out, h_new, c = _make_dense_kernel(n, lags, filt, kdim, row_block)(
        x, h_0, c_0, a0, a1, a2a, a2b,
        w256, bias, params['lin_w'], params['lin_b'].reshape(1, 1))
    return (out, h_new, c)

# --- scband reference (transcript-rebuilt; emitter-appended) ---
"""Pipeline reference for scband-lrgcn-recurrent-gcn-16192026706537 (READ-ONLY COPY).

The authoritative reference and input builder live on the scoring server;
editing this copy changes nothing except your own understanding.
"""

import jax, jax.numpy as jnp
import numpy as np

N = 100000
E = 1600000
LAGS = 4
FILT = 32
R = 1  # num_relations
B = 1  # num_bases
GATES = ['x_i', 'h_i', 'x_f', 'h_f', 'x_c', 'h_c', 'x_o', 'h_o']


def _glorot(key, shape):
    fan_in, fan_out = shape[-2], shape[-1]
    lim = (6.0 / (fan_in + fan_out)) ** 0.5
    return jax.random.uniform(key, shape, minval=-lim, maxval=lim, dtype=jnp.float32)


def setup_inputs(seed: int = 0) -> dict:
    key = jax.random.key(seed)
    kx, ke, kh, kc, kp = jax.random.split(key, 5)
    x = jax.random.normal(kx, (N, LAGS), dtype=jnp.float32)
    edge_index = jax.random.randint(ke, (2, E), 0, N)
    edge_weight = jnp.zeros((E,), dtype=jnp.int32)  # edge_type, num_relations=1 -> all zeros
    h_0 = jax.random.normal(kh, (N, FILT), dtype=jnp.float32)
    c_0 = jax.random.normal(kc, (N, FILT), dtype=jnp.float32)
    params = {}
    for gi, name in enumerate(GATES):
        in_dim = LAGS if name.startswith('x') else FILT
        k1, k2, k3 = jax.random.split(jax.random.fold_in(kp, gi), 3)
        params[name] = {
            'basis': _glorot(k1, (B, in_dim, FILT)),
            'comp': _glorot(k2, (R, B)),
            'root': _glorot(k3, (in_dim, FILT)),
            'bias': jnp.zeros((FILT,), dtype=jnp.float32),
        }
    kl = jax.random.fold_in(kp, 100)
    params['lin_w'] = _glorot(kl, (FILT, 1))
    params['lin_b'] = jnp.zeros((1,), dtype=jnp.float32)
    return {'x': x, 'edge_index': edge_index, 'edge_weight': edge_weight, 'h_0': h_0, 'c_0': c_0, 'params': params}


def _rgcn_conv(feat, src, dst, etype, basis, comp, root, bias):
    # basis decomposition: weight[r] = sum_b comp[r,b] * basis[b]
    weight = jnp.einsum('rb,bio->rio', comp, basis)
    out = feat @ root + bias
    n = feat.shape[0]
    for r in range(R):
        m = (etype == r).astype(feat.dtype)
        msg = feat[src] * m[:, None]
        agg = jax.ops.segment_sum(msg, dst, num_segments=n)
        cnt = jax.ops.segment_sum(m, dst, num_segments=n)
        agg = agg / jnp.clip(cnt, 1.0)[:, None]  # mean aggregation per relation
        out = out + agg @ weight[r]
    return out


def reference(x, edge_index, edge_weight, h_0, c_0, params):
    src, dst = edge_index[0], edge_index[1]
    et = edge_weight

    def conv(name, feat):
        p = params[name]
        return _rgcn_conv(feat, src, dst, et, p['basis'], p['comp'], p['root'], p['bias'])

    i = jax.nn.sigmoid(conv('x_i', x) + conv('h_i', h_0))
    f = jax.nn.sigmoid(conv('x_f', x) + conv('h_f', h_0))
    t = jnp.tanh(conv('x_c', x) + conv('h_c', h_0))
    c = f * c_0 + i * t
    o = jax.nn.sigmoid(conv('x_o', x) + conv('h_o', h_0))
    h_new = o * jnp.tanh(c)
    h = jax.nn.relu(h_new)
    out = h @ params['lin_w'] + params['lin_b']
    return (out, h_new, c)

if __name__ == "__main__":
    import jax
    _d = setup_inputs()
    print(jax.jit(kernel)(*tuple(_d.values())))

</pallas_src>

<mosaic_0001>
#map = affine_map<(d0, d1) -> (0, 0)>
module attributes {stable_mosaic.version = 14 : i64} {
  func.func @agg_kernel(%arg0: i32, %arg1: i32, %arg2: memref<100000x16xf32, #tpu.memory_space<hbm>>, %arg3: memref<100000x16xf32, #tpu.memory_space<hbm>>, %arg4: memref<100000x16xf32, #tpu.memory_space<hbm>>, %arg5: memref<25088x128xi32, #tpu.memory_space<hbm>>, %arg6: memref<100096x16xf32, #tpu.memory_space<hbm>>, %arg7: memref<100096x16xf32, #tpu.memory_space<hbm>>, %arg8: memref<100096x16xf32, #tpu.memory_space<hbm>>, %arg9: memref<100096x16xf32, #tpu.memory_space<hbm>>, %arg10: memref<100096x16xf32, #tpu.memory_space<hbm>>, %arg11: memref<16x128xi32, #tpu.memory_space<vmem>>, %arg12: memref<16x128xi32, #tpu.memory_space<vmem>>, %arg13: memref<8x128x16xf32, #tpu.memory_space<vmem>>, %arg14: memref<100096x16xf32, #tpu.memory_space<vmem_shared>>, %arg15: memref<!tpu.dma_semaphore, #tpu.memory_space<semaphore_mem>>, %arg16: memref<!tpu.dma_semaphore, #tpu.memory_space<semaphore_mem>>, %arg17: memref<!tpu.dma_semaphore, #tpu.memory_space<semaphore_mem>>) attributes {dimension_semantics = [#tpu.dimension_semantics<core_parallel>, #tpu.dimension_semantics<subcore_parallel>], iteration_bounds = array<i64: 2, 16>, scalar_prefetch = 0 : i64, scratch_operands = 7 : i64, tpu.core_type = #tpu.core_type<sc_vector_subcore>, window_params = [{transform_indices = #map}, {transform_indices = #map}, {transform_indices = #map}, {transform_indices = #map}, {transform_indices = #map}, {transform_indices = #map}, {transform_indices = #map}, {transform_indices = #map}, {transform_indices = #map}]} {
    %mul3A = arith.constant 6256 : i32
    %mul3A_0 = arith.muli %arg1, %mul3A : i32
    %mul3A_1 = arith.constant 6256 : i32
    %mul3A_2 = arith.muli %arg1, %mul3A_1 : i32
    "tpu.region"() ({
      %run_scoped3A = tpu.sem_alloc : memref<!tpu.dma_semaphore, #tpu.memory_space<semaphore_mem>>
      %dma_start3A_441 = arith.constant 0 : i32
      %dma_start3A_442 = tpu.memref_slice %arg14[%mul3A_2, %dma_start3A_441] : memref<100096x16xf32, #tpu.memory_space<vmem_shared>> -> memref<6256x16xf32, #tpu.memory_space<vmem_shared>>
      %dma_start3A_443 = arith.constant 0 : i32
      %dma_start3A_444 = tpu.memref_slice %arg6[%mul3A_0, %dma_start3A_443] : memref<100096x16xf32, #tpu.memory_space<hbm>> -> memref<6256x16xf32, #tpu.memory_space<hbm>>
      tpu.enqueue_dma source(%dma_start3A_444 : memref<6256x16xf32, #tpu.memory_space<hbm>>) target(%dma_start3A_442 : memref<6256x16xf32, #tpu.memory_space<vmem_shared>>) target_semaphore(%run_scoped3A : memref<!tpu.dma_semaphore, #tpu.memory_space<semaphore_mem>>)
      %dma_wait3A_445 = arith.constant 0 : i32
      %dma_wait3A_446 = tpu.memref_slice %arg14[%mul3A_2, %dma_wait3A_445] : memref<100096x16xf32, #tpu.memory_space<vmem_shared>> -> memref<6256x16xf32, #tpu.memory_space<vmem_shared>>
      %dma_wait3A_447 = arith.constant 0 : i32
      %dma_wait3A_448 = tpu.memref_slice %arg6[%mul3A_0, %dma_wait3A_447] : memref<100096x16xf32, #tpu.memory_space<hbm>> -> memref<6256x16xf32, #tpu.memory_space<hbm>>
      tpu.wait_dma2 semaphore(%run_scoped3A : memref<!tpu.dma_semaphore, #tpu.memory_space<semaphore_mem>>) src(%dma_wait3A_448 : memref<6256x16xf32, #tpu.memory_space<hbm>>) dst(%dma_wait3A_446 : memref<6256x16xf32, #tpu.memory_space<vmem_shared>>)
      tpu.yield
    }) : () -> ()
    %barrier3A = arith.constant 0 : index
    tpu.barrier barrier_id(%barrier3A)
    %eq3A = arith.constant 0 : i32
    %eq3A_3 = arith.cmpi eq, %arg0, %eq3A : i32
    %convert_element_type3A = arith.extui %eq3A_3 : i1 to i32
    %cond3A = arith.constant 0 : i32
    %cond3A_4 = arith.cmpi ne, %convert_element_type3A, %cond3A : i32
    scf.if %cond3A_4 {
      %mul3A_441 = arith.constant 98 : i32
      %mul3A_442 = arith.muli %arg1, %mul3A_441 : i32
      %mul3A_443 = arith.constant 16 : i32
      %mul3A_444 = arith.muli %mul3A_442, %mul3A_443 : i32
      %dma_start3A_445 = arith.constant 0 : i32
      %dma_start3A_446 = tpu.memref_slice %arg5[%mul3A_444, %dma_start3A_445] : memref<25088x128xi32, #tpu.memory_space<hbm>> -> memref<16x128xi32, #tpu.memory_space<hbm>>
      %dma_start3A_447 = arith.constant 0 : i32
      %dma_start3A_448 = tpu.memref_slice %arg5[%mul3A_444, %dma_start3A_447] : memref<25088x128xi32, #tpu.memory_space<hbm>> -> memref<16x128xi32, #tpu.memory_space<hbm>>
      tpu.enqueue_dma source(%dma_start3A_448 : memref<16x128xi32, #tpu.memory_space<hbm>>) target(%arg11 : memref<16x128xi32, #tpu.memory_space<vmem>>) target_semaphore(%arg17 : memref<!tpu.dma_semaphore, #tpu.memory_space<semaphore_mem>>)
      %scan3A_449 = arith.constant 0 : i32
      %scan3A_450 = arith.constant 0 : i32
      %scan3A_451 = arith.constant 49 : i32
      %scan3A_452 = arith.addi %scan3A_450, %scan3A_451 : i32
      %scan3A_453 = arith.constant 1 : i32
      scf.for %scan3A_455 = %scan3A_450 to %scan3A_452 step %scan3A_453  : i32 {
        %mul3A_456 = arith.constant 2 : i32
        %mul3A_457 = arith.muli %mul3A_456, %scan3A_455 : i32
        %dma_wait3A_458 = arith.constant 0 : i32
        %dma_wait3A_459 = arith.constant 0 : i32
        %dma_wait3A_460 = tpu.memref_slice %arg5[%dma_wait3A_458, %dma_wait3A_459] : memref<25088x128xi32, #tpu.memory_space<hbm>> -> memref<16x128xi32, #tpu.memory_space<hbm>>
        %dma_wait3A_461 = arith.constant 0 : i32
        %dma_wait3A_462 = arith.constant 0 : i32
        %dma_wait3A_463 = tpu.memref_slice %arg5[%dma_wait3A_461, %dma_wait3A_462] : memref<25088x128xi32, #tpu.memory_space<hbm>> -> memref<16x128xi32, #tpu.memory_space<hbm>>
        tpu.wait_dma2 semaphore(%arg17 : memref<!tpu.dma_semaphore, #tpu.memory_space<semaphore_mem>>) src(%dma_wait3A_463 : memref<16x128xi32, #tpu.memory_space<hbm>>) dst(%arg11 : memref<16x128xi32, #tpu.memory_space<vmem>>)
        %add3A_464 = arith.constant 1 : i32
        %add3A_465 = arith.addi %mul3A_457, %add3A_464 : i32
        %lt3A = arith.constant 98 : i32
        %lt3A_466 = arith.cmpi slt, %add3A_465, %lt3A : i32
        %convert_element_type3A_467 = arith.extui %lt3A_466 : i1 to i32
        %cond3A_468 = arith.constant 0 : i32
        %cond3A_469 = arith.cmpi ne, %convert_element_type3A_467, %cond3A_468 : i32
        scf.if %cond3A_469 {
          %add3A_1255 = arith.addi %mul3A_442, %mul3A_457 : i32
          %add3A_1256 = arith.constant 1 : i32
          %add3A_1257 = arith.addi %add3A_1255, %add3A_1256 : i32
          %mul3A_1258 = arith.constant 16 : i32
          %mul3A_1259 = arith.muli %add3A_1257, %mul3A_1258 : i32
          %dma_start3A_1260 = arith.constant 0 : i32
          %dma_start3A_1261 = tpu.memref_slice %arg5[%mul3A_1259, %dma_start3A_1260] : memref<25088x128xi32, #tpu.memory_space<hbm>> -> memref<16x128xi32, #tpu.memory_space<hbm>>
          %dma_start3A_1262 = arith.constant 0 : i32
          %dma_start3A_1263 = tpu.memref_slice %arg5[%mul3A_1259, %dma_start3A_1262] : memref<25088x128xi32, #tpu.memory_space<hbm>> -> memref<16x128xi32, #tpu.memory_space<hbm>>
          tpu.enqueue_dma source(%dma_start3A_1263 : memref<16x128xi32, #tpu.memory_space<hbm>>) target(%arg12 : memref<16x128xi32, #tpu.memory_space<vmem>>) target_semaphore(%arg17 : memref<!tpu.dma_semaphore, #tpu.memory_space<semaphore_mem>>)
        } else {
        }
        %dma_start3A_470 = arith.constant 0 : i32
        %dma_start3A_471 = arith.constant 0 : i32
        %dma_start3A_472 = arith.constant 0 : i32
        %dma_start3A_473 = arith.constant 0 : i32
        %dma_start3A_474 = tpu.memref_slice %arg13[%dma_start3A_471, %dma_start3A_472, %dma_start3A_473] : memref<8x128x16xf32, #tpu.memory_space<vmem>> -> memref<1x128x16xf32, #tpu.memory_space<vmem>>
        %dma_start3A_475 = tpu.memref_squeeze %dma_start3A_474 : memref<1x128x16xf32, #tpu.memory_space<vmem>> -> memref<128x16xf32, #tpu.memory_space<vmem>>
        %dma_start3A_476 = arith.constant 0 : i32
        %dma_start3A_477 = tpu.memref_slice %arg11[%dma_start3A_470, %dma_start3A_476] : memref<16x128xi32, #tpu.memory_space<vmem>> -> memref<1x128xi32, #tpu.memory_space<vmem>>
        %dma_start3A_478 = tpu.memref_squeeze %dma_start3A_477 : memref<1x128xi32, #tpu.memory_space<vmem>> -> memref<128xi32, #tpu.memory_space<vmem>>
        %dma_start3A_479 = arith.constant 0 : i32
        %dma_start3A_480 = arith.constant 0 : i32
        %dma_start3A_481 = tpu.memref_slice %arg2[%dma_start3A_479, %dma_start3A_480] : memref<100000x16xf32, #tpu.memory_space<hbm>> -> memref<100000x16xf32, #tpu.memory_space<hbm>>
        tpu.enqueue_indirect_dma source(%dma_start3A_481 : memref<100000x16xf32, #tpu.memory_space<hbm>>) target(%dma_start3A_475 : memref<128x16xf32, #tpu.memory_space<vmem>>) offsets(%dma_start3A_478 : memref<128xi32, #tpu.memory_space<vmem>>) semaphore(%arg15 : memref<!tpu.dma_semaphore, #tpu.memory_space<semaphore_mem>>)
        %dma_start3A_482 = arith.constant 1 : i32
        %dma_start3A_483 = arith.constant 1 : i32
        %dma_start3A_484 = arith.constant 0 : i32
        %dma_start3A_485 = arith.constant 0 : i32
        %dma_start3A_486 = tpu.memref_slice %arg13[%dma_start3A_483, %dma_start3A_484, %dma_start3A_485] : memref<8x128x16xf32, #tpu.memory_space<vmem>> -> memref<1x128x16xf32, #tpu.memory_space<vmem>>
        %dma_start3A_487 = tpu.memref_squeeze %dma_start3A_486 : memref<1x128x16xf32, #tpu.memory_space<vmem>> -> memref<128x16xf32, #tpu.memory_space<vmem>>
        %dma_start3A_488 = arith.constant 0 : i32
        %dma_start3A_489 = tpu.memref_slice %arg11[%dma_start3A_482, %dma_start3A_488] : memref<16x128xi32, #tpu.memory_space<vmem>> -> memref<1x128xi32, #tpu.memory_space<vmem>>
        %dma_start3A_490 = tpu.memref_squeeze %dma_start3A_489 : memref<1x128xi32, #tpu.memory_space<vmem>> -> memref<128xi32, #tpu.memory_space<vmem>>
        %dma_start3A_491 = arith.constant 0 : i32
        %dma_start3A_492 = arith.constant 0 : i32
        %dma_start3A_493 = tpu.memref_slice %arg2[%dma_start3A_491, %dma_start3A_492] : memref<100000x16xf32, #tpu.memory_space<hbm>> -> memref<100000x16xf32, #tpu.memory_space<hbm>>
        tpu.enqueue_indirect_dma source(%dma_start3A_493 : memref<100000x16xf32, #tpu.memory_space<hbm>>) target(%dma_start3A_487 : memref<128x16xf32, #tpu.memory_space<vmem>>) offsets(%dma_start3A_490 : memref<128xi32, #tpu.memory_space<vmem>>) semaphore(%arg15 : memref<!tpu.dma_semaphore, #tpu.memory_space<semaphore_mem>>)
        %dma_start3A_494 = arith.constant 2 : i32
        %dma_start3A_495 = arith.constant 2 : i32
        %dma_start3A_496 = arith.constant 0 : i32
        %dma_start3A_497 = arith.constant 0 : i32
        %dma_start3A_498 = tpu.memref_slice %arg13[%dma_start3A_495, %dma_start3A_496, %dma_start3A_497] : memref<8x128x16xf32, #tpu.memory_space<vmem>> -> memref<1x128x16xf32, #tpu.memory_space<vmem>>
        %dma_start3A_499 = tpu.memref_squeeze %dma_start3A_498 : memref<1x128x16xf32, #tpu.memory_space<vmem>> -> memref<128x16xf32, #tpu.memory_space<vmem>>
        %dma_start3A_500 = arith.constant 0 : i32
        %dma_start3A_501 = tpu.memref_slice %arg11[%dma_start3A_494, %dma_start3A_500] : memref<16x128xi32, #tpu.memory_space<vmem>> -> memref<1x128xi32, #tpu.memory_space<vmem>>
        %dma_start3A_502 = tpu.memref_squeeze %dma_start3A_501 : memref<1x128xi32, #tpu.memory_space<vmem>> -> memref<128xi32, #tpu.memory_space<vmem>>
        %dma_start3A_503 = arith.constant 0 : i32
        %dma_start3A_504 = arith.constant 0 : i32
        %dma_start3A_505 = tpu.memref_slice %arg2[%dma_start3A_503, %dma_start3A_504] : memref<100000x16xf32, #tpu.memory_space<hbm>> -> memref<100000x16xf32, #tpu.memory_space<hbm>>
        tpu.enqueue_indirect_dma source(%dma_start3A_505 : memref<100000x16xf32, #tpu.memory_space<hbm>>) target(%dma_start3A_499 : memref<128x16xf32, #tpu.memory_space<vmem>>) offsets(%dma_start3A_502 : memref<128xi32, #tpu.memory_space<vmem>>) semaphore(%arg15 : memref<!tpu.dma_semaphore, #tpu.memory_space<semaphore_mem>>)
        %dma_start3A_506 = arith.constant 3 : i32
        %dma_start3A_507 = arith.constant 3 : i32
        %dma_start3A_508 = arith.constant 0 : i32
        %dma_start3A_509 = arith.constant 0 : i32
        %dma_start3A_510 = tpu.memref_slice %arg13[%dma_start3A_507, %dma_start3A_508, %dma_start3A_509] : memref<8x128x16xf32, #tpu.memory_space<vmem>> -> memref<1x128x16xf32, #tpu.memory_space<vmem>>
        %dma_start3A_511 = tpu.memref_squeeze %dma_start3A_510 : memref<1x128x16xf32, #tpu.memory_space<vmem>> -> memref<128x16xf32, #tpu.memory_space<vmem>>
        %dma_start3A_512 = arith.constant 0 : i32
        %dma_start3A_513 = tpu.memref_slice %arg11[%dma_start3A_506, %dma_start3A_512] : memref<16x128xi32, #tpu.memory_space<vmem>> -> memref<1x128xi32, #tpu.memory_space<vmem>>
        %dma_start3A_514 = tpu.memref_squeeze %dma_start3A_513 : memref<1x128xi32, #tpu.memory_space<vmem>> -> memref<128xi32, #tpu.memory_space<vmem>>
        %dma_start3A_515 = arith.constant 0 : i32
        %dma_start3A_516 = arith.constant 0 : i32
        %dma_start3A_517 = tpu.memref_slice %arg2[%dma_start3A_515, %dma_start3A_516] : memref<100000x16xf32, #tpu.memory_space<hbm>> -> memref<100000x16xf32, #tpu.memory_space<hbm>>
        tpu.enqueue_indirect_dma source(%dma_start3A_517 : memref<100000x16xf32, #tpu.memory_space<hbm>>) target(%dma_start3A_511 : memref<128x16xf32, #tpu.memory_space<vmem>>) offsets(%dma_start3A_514 : memref<128xi32, #tpu.memory_space<vmem>>) semaphore(%arg15 : memref<!tpu.dma_semaphore, #tpu.memory_space<semaphore_mem>>)
        %dma_start3A_518 = arith.constant 4 : i32
        %dma_start3A_519 = arith.constant 4 : i32
        %dma_start3A_520 = arith.constant 0 : i32
        %dma_start3A_521 = arith.constant 0 : i32
        %dma_start3A_522 = tpu.memref_slice %arg13[%dma_start3A_519, %dma_start3A_520, %dma_start3A_521] : memref<8x128x16xf32, #tpu.memory_space<vmem>> -> memref<1x128x16xf32, #tpu.memory_space<vmem>>
        %dma_start3A_523 = tpu.memref_squeeze %dma_start3A_522 : memref<1x128x16xf32, #tpu.memory_space<vmem>> -> memref<128x16xf32, #tpu.memory_space<vmem>>
        %dma_start3A_524 = arith.constant 0 : i32
        %dma_start3A_525 = tpu.memref_slice %arg11[%dma_start3A_518, %dma_start3A_524] : memref<16x128xi32, #tpu.memory_space<vmem>> -> memref<1x128xi32, #tpu.memory_space<vmem>>
        %dma_start3A_526 = tpu.memref_squeeze %dma_start3A_525 : memref<1x128xi32, #tpu.memory_space<vmem>> -> memref<128xi32, #tpu.memory_space<vmem>>
        %dma_start3A_527 = arith.constant 0 : i32
        %dma_start3A_528 = arith.constant 0 : i32
        %dma_start3A_529 = tpu.memref_slice %arg2[%dma_start3A_527, %dma_start3A_528] : memref<100000x16xf32, #tpu.memory_space<hbm>> -> memref<100000x16xf32, #tpu.memory_space<hbm>>
        tpu.enqueue_indirect_dma source(%dma_start3A_529 : memref<100000x16xf32, #tpu.memory_space<hbm>>) target(%dma_start3A_523 : memref<128x16xf32, #tpu.memory_space<vmem>>) offsets(%dma_start3A_526 : memref<128xi32, #tpu.memory_space<vmem>>) semaphore(%arg15 : memref<!tpu.dma_semaphore, #tpu.memory_space<semaphore_mem>>)
        %dma_start3A_530 = arith.constant 5 : i32
        %dma_start3A_531 = arith.constant 5 : i32
        %dma_start3A_532 = arith.constant 0 : i32
        %dma_start3A_533 = arith.constant 0 : i32
        %dma_start3A_534 = tpu.memref_slice %arg13[%dma_start3A_531, %dma_start3A_532, %dma_start3A_533] : memref<8x128x16xf32, #tpu.memory_space<vmem>> -> memref<1x128x16xf32, #tpu.memory_space<vmem>>
        %dma_start3A_535 = tpu.memref_squeeze %dma_start3A_534 : memref<1x128x16xf32, #tpu.memory_space<vmem>> -> memref<128x16xf32, #tpu.memory_space<vmem>>
        %dma_start3A_536 = arith.constant 0 : i32
        %dma_start3A_537 = tpu.memref_slice %arg11[%dma_start3A_530, %dma_start3A_536] : memref<16x128xi32, #tpu.memory_space<vmem>> -> memref<1x128xi32, #tpu.memory_space<vmem>>
        %dma_start3A_538 = tpu.memref_squeeze %dma_start3A_537 : memref<1x128xi32, #tpu.memory_space<vmem>> -> memref<128xi32, #tpu.memory_space<vmem>>
        %dma_start3A_539 = arith.constant 0 : i32
        %dma_start3A_540 = arith.constant 0 : i32
        %dma_start3A_541 = tpu.memref_slice %arg2[%dma_start3A_539, %dma_start3A_540] : memref<100000x16xf32, #tpu.memory_space<hbm>> -> memref<100000x16xf32, #tpu.memory_space<hbm>>
        tpu.enqueue_indirect_dma source(%dma_start3A_541 : memref<100000x16xf32, #tpu.memory_space<hbm>>) target(%dma_start3A_535 : memref<128x16xf32, #tpu.memory_space<vmem>>) offsets(%dma_start3A_538 : memref<128xi32, #tpu.memory_space<vmem>>) semaphore(%arg15 : memref<!tpu.dma_semaphore, #tpu.memory_space<semaphore_mem>>)
        %dma_wait3A_542 = arith.constant 0 : i32
        %dma_wait3A_543 = arith.constant 0 : i32
        %dma_wait3A_544 = arith.constant 0 : i32
        %dma_wait3A_545 = arith.constant 0 : i32
        %dma_wait3A_546 = tpu.memref_slice %arg13[%dma_wait3A_543, %dma_wait3A_544, %dma_wait3A_545] : memref<8x128x16xf32, #tpu.memory_space<vmem>> -> memref<1x128x16xf32, #tpu.memory_space<vmem>>
        %dma_wait3A_547 = tpu.memref_squeeze %dma_wait3A_546 : memref<1x128x16xf32, #tpu.memory_space<vmem>> -> memref<128x16xf32, #tpu.memory_space<vmem>>
        %dma_wait3A_548 = arith.constant 0 : i32
        %dma_wait3A_549 = tpu.memref_slice %arg11[%dma_wait3A_542, %dma_wait3A_548] : memref<16x128xi32, #tpu.memory_space<vmem>> -> memref<1x128xi32, #tpu.memory_space<vmem>>
        %dma_wait3A_550 = tpu.memref_squeeze %dma_wait3A_549 : memref<1x128xi32, #tpu.memory_space<vmem>> -> memref<128xi32, #tpu.memory_space<vmem>>
        %dma_wait3A_551 = arith.constant 0 : i32
        %dma_wait3A_552 = arith.constant 0 : i32
        %dma_wait3A_553 = tpu.memref_slice %arg2[%dma_wait3A_551, %dma_wait3A_552] : memref<100000x16xf32, #tpu.memory_space<hbm>> -> memref<100000x16xf32, #tpu.memory_space<hbm>>
        tpu.wait_indirect_dma semaphore(%arg15 : memref<!tpu.dma_semaphore, #tpu.memory_space<semaphore_mem>>) src(%dma_wait3A_553 : memref<100000x16xf32, #tpu.memory_space<hbm>>) dst(%dma_wait3A_547 : memref<128x16xf32, #tpu.memory_space<vmem>>)
        %dma_start3A_554 = arith.constant 6 : i32
        %dma_start3A_555 = arith.constant 6 : i32
        %dma_start3A_556 = arith.constant 0 : i32
        %dma_start3A_557 = arith.constant 0 : i32
        %dma_start3A_558 = tpu.memref_slice %arg13[%dma_start3A_555, %dma_start3A_556, %dma_start3A_557] : memref<8x128x16xf32, #tpu.memory_space<vmem>> -> memref<1x128x16xf32, #tpu.memory_space<vmem>>
        %dma_start3A_559 = tpu.memref_squeeze %dma_start3A_558 : memref<1x128x16xf32, #tpu.memory_space<vmem>> -> memref<128x16xf32, #tpu.memory_space<vmem>>
        %dma_start3A_560 = arith.constant 0 : i32
        %dma_start3A_561 = tpu.memref_slice %arg11[%dma_start3A_554, %dma_start3A_560] : memref<16x128xi32, #tpu.memory_space<vmem>> -> memref<1x128xi32, #tpu.memory_space<vmem>>
        %dma_start3A_562 = tpu.memref_squeeze %dma_start3A_561 : memref<1x128xi32, #tpu.memory_space<vmem>> -> memref<128xi32, #tpu.memory_space<vmem>>
        %dma_start3A_563 = arith.constant 0 : i32
        %dma_start3A_564 = arith.constant 0 : i32
        %dma_start3A_565 = tpu.memref_slice %arg2[%dma_start3A_563, %dma_start3A_564] : memref<100000x16xf32, #tpu.memory_space<hbm>> -> memref<100000x16xf32, #tpu.memory_space<hbm>>
        tpu.enqueue_indirect_dma source(%dma_start3A_565 : memref<100000x16xf32, #tpu.memory_space<hbm>>) target(%dma_start3A_559 : memref<128x16xf32, #tpu.memory_space<vmem>>) offsets(%dma_start3A_562 : memref<128xi32, #tpu.memory_space<vmem>>) semaphore(%arg15 : memref<!tpu.dma_semaphore, #tpu.memory_space<semaphore_mem>>)
        %dma_start3A_566 = arith.constant 0 : i32
        %dma_start3A_567 = arith.constant 8 : i32
        %dma_start3A_568 = arith.constant 0 : i32
        %dma_start3A_569 = arith.constant 0 : i32
        %dma_start3A_570 = tpu.memref_slice %arg13[%dma_start3A_566, %dma_start3A_568, %dma_start3A_569] : memref<8x128x16xf32, #tpu.memory_space<vmem>> -> memref<1x128x16xf32, #tpu.memory_space<vmem>>
        %dma_start3A_571 = tpu.memref_squeeze %dma_start3A_570 : memref<1x128x16xf32, #tpu.memory_space<vmem>> -> memref<128x16xf32, #tpu.memory_space<vmem>>
        %dma_start3A_572 = arith.constant 0 : i32
        %dma_start3A_573 = tpu.memref_slice %arg11[%dma_start3A_567, %dma_start3A_572] : memref<16x128xi32, #tpu.memory_space<vmem>> -> memref<1x128xi32, #tpu.memory_space<vmem>>
        %dma_start3A_574 = tpu.memref_squeeze %dma_start3A_573 : memref<1x128xi32, #tpu.memory_space<vmem>> -> memref<128xi32, #tpu.memory_space<vmem>>
        %dma_start3A_575 = arith.constant 0 : i32
        %dma_start3A_576 = arith.constant 0 : i32
        %dma_start3A_577 = tpu.memref_slice %arg14[%dma_start3A_575, %dma_start3A_576] : memref<100096x16xf32, #tpu.memory_space<vmem_shared>> -> memref<100096x16xf32, #tpu.memory_space<vmem_shared>>
        tpu.enqueue_indirect_dma source(%dma_start3A_571 : memref<128x16xf32, #tpu.memory_space<vmem>>) target(%dma_start3A_577 : memref<100096x16xf32, #tpu.memory_space<vmem_shared>>) offsets(%dma_start3A_574 : memref<128xi32, #tpu.memory_space<vmem>>) semaphore(%arg16 : memref<!tpu.dma_semaphore, #tpu.memory_space<semaphore_mem>>) {add = true}
        %dma_wait3A_578 = arith.constant 1 : i32
        %dma_wait3A_579 = arith.constant 1 : i32
        %dma_wait3A_580 = arith.constant 0 : i32
        %dma_wait3A_581 = arith.constant 0 : i32
        %dma_wait3A_582 = tpu.memref_slice %arg13[%dma_wait3A_579, %dma_wait3A_580, %dma_wait3A_581] : memref<8x128x16xf32, #tpu.memory_space<vmem>> -> memref<1x128x16xf32, #tpu.memory_space<vmem>>
        %dma_wait3A_583 = tpu.memref_squeeze %dma_wait3A_582 : memref<1x128x16xf32, #tpu.memory_space<vmem>> -> memref<128x16xf32, #tpu.memory_space<vmem>>
        %dma_wait3A_584 = arith.constant 0 : i32
        %dma_wait3A_585 = tpu.memref_slice %arg11[%dma_wait3A_578, %dma_wait3A_584] : memref<16x128xi32, #tpu.memory_space<vmem>> -> memref<1x128xi32, #tpu.memory_space<vmem>>
        %dma_wait3A_586 = tpu.memref_squeeze %dma_wait3A_585 : memref<1x128xi32, #tpu.memory_space<vmem>> -> memref<128xi32, #tpu.memory_space<vmem>>
        %dma_wait3A_587 = arith.constant 0 : i32
        %dma_wait3A_588 = arith.constant 0 : i32
        %dma_wait3A_589 = tpu.memref_slice %arg2[%dma_wait3A_587, %dma_wait3A_588] : memref<100000x16xf32, #tpu.memory_space<hbm>> -> memref<100000x16xf32, #tpu.memory_space<hbm>>
        tpu.wait_indirect_dma semaphore(%arg15 : memref<!tpu.dma_semaphore, #tpu.memory_space<semaphore_mem>>) src(%dma_wait3A_589 : memref<100000x16xf32, #tpu.memory_space<hbm>>) dst(%dma_wait3A_583 : memref<128x16xf32, #tpu.memory_space<vmem>>)
        %dma_start3A_590 = arith.constant 7 : i32
        %dma_start3A_591 = arith.constant 7 : i32
        %dma_start3A_592 = arith.constant 0 : i32
        %dma_start3A_593 = arith.constant 0 : i32
        %dma_start3A_594 = tpu.memref_slice %arg13[%dma_start3A_591, %dma_start3A_592, %dma_start3A_593] : memref<8x128x16xf32, #tpu.memory_space<vmem>> -> memref<1x128x16xf32, #tpu.memory_space<vmem>>
        %dma_start3A_595 = tpu.memref_squeeze %dma_start3A_594 : memref<1x128x16xf32, #tpu.memory_space<vmem>> -> memref<128x16xf32, #tpu.memory_space<vmem>>
        %dma_start3A_596 = arith.constant 0 : i32
        %dma_start3A_597 = tpu.memref_slice %arg11[%dma_start3A_590, %dma_start3A_596] : memref<16x128xi32, #tpu.memory_space<vmem>> -> memref<1x128xi32, #tpu.memory_space<vmem>>
        %dma_start3A_598 = tpu.memref_squeeze %dma_start3A_597 : memref<1x128xi32, #tpu.memory_space<vmem>> -> memref<128xi32, #tpu.memory_space<vmem>>
        %dma_start3A_599 = arith.constant 0 : i32
        %dma_start3A_600 = arith.constant 0 : i32
        %dma_start3A_601 = tpu.memref_slice %arg2[%dma_start3A_599, %dma_start3A_600] : memref<100000x16xf32, #tpu.memory_space<hbm>> -> memref<100000x16xf32, #tpu.memory_space<hbm>>
        tpu.enqueue_indirect_dma source(%dma_start3A_601 : memref<100000x16xf32, #tpu.memory_space<hbm>>) target(%dma_start3A_595 : memref<128x16xf32, #tpu.memory_space<vmem>>) offsets(%dma_start3A_598 : memref<128xi32, #tpu.memory_space<vmem>>) semaphore(%arg15 : memref<!tpu.dma_semaphore, #tpu.memory_space<semaphore_mem>>)
        %dma_start3A_602 = arith.constant 1 : i32
        %dma_start3A_603 = arith.constant 9 : i32
        %dma_start3A_604 = arith.constant 0 : i32
        %dma_start3A_605 = arith.constant 0 : i32
        %dma_start3A_606 = tpu.memref_slice %arg13[%dma_start3A_602, %dma_start3A_604, %dma_start3A_605] : memref<8x128x16xf32, #tpu.memory_space<vmem>> -> memref<1x128x16xf32, #tpu.memory_space<vmem>>
        %dma_start3A_607 = tpu.memref_squeeze %dma_start3A_606 : memref<1x128x16xf32, #tpu.memory_space<vmem>> -> memref<128x16xf32, #tpu.memory_space<vmem>>
        %dma_start3A_608 = arith.constant 0 : i32
        %dma_start3A_609 = tpu.memref_slice %arg11[%dma_start3A_603, %dma_start3A_608] : memref<16x128xi32, #tpu.memory_space<vmem>> -> memref<1x128xi32, #tpu.memory_space<vmem>>
        %dma_start3A_610 = tpu.memref_squeeze %dma_start3A_609 : memref<1x128xi32, #tpu.memory_space<vmem>> -> memref<128xi32, #tpu.memory_space<vmem>>
        %dma_start3A_611 = arith.constant 0 : i32
        %dma_start3A_612 = arith.constant 0 : i32
        %dma_start3A_613 = tpu.memref_slice %arg14[%dma_start3A_611, %dma_start3A_612] : memref<100096x16xf32, #tpu.memory_space<vmem_shared>> -> memref<100096x16xf32, #tpu.memory_space<vmem_shared>>
        tpu.enqueue_indirect_dma source(%dma_start3A_607 : memref<128x16xf32, #tpu.memory_space<vmem>>) target(%dma_start3A_613 : memref<100096x16xf32, #tpu.memory_space<vmem_shared>>) offsets(%dma_start3A_610 : memref<128xi32, #tpu.memory_space<vmem>>) semaphore(%arg16 : memref<!tpu.dma_semaphore, #tpu.memory_space<semaphore_mem>>) {add = true}
        %dma_wait3A_614 = arith.constant 2 : i32
        %dma_wait3A_615 = arith.constant 2 : i32
        %dma_wait3A_616 = arith.constant 0 : i32
        %dma_wait3A_617 = arith.constant 0 : i32
        %dma_wait3A_618 = tpu.memref_slice %arg13[%dma_wait3A_615, %dma_wait3A_616, %dma_wait3A_617] : memref<8x128x16xf32, #tpu.memory_space<vmem>> -> memref<1x128x16xf32, #tpu.memory_space<vmem>>
        %dma_wait3A_619 = tpu.memref_squeeze %dma_wait3A_618 : memref<1x128x16xf32, #tpu.memory_space<vmem>> -> memref<128x16xf32, #tpu.memory_space<vmem>>
        %dma_wait3A_620 = arith.constant 0 : i32
        %dma_wait3A_621 = tpu.memref_slice %arg11[%dma_wait3A_614, %dma_wait3A_620] : memref<16x128xi32, #tpu.memory_space<vmem>> -> memref<1x128xi32, #tpu.memory_space<vmem>>
        %dma_wait3A_622 = tpu.memref_squeeze %dma_wait3A_621 : memref<1x128xi32, #tpu.memory_space<vmem>> -> memref<128xi32, #tpu.memory_space<vmem>>
        %dma_wait3A_623 = arith.constant 0 : i32
        %dma_wait3A_624 = arith.constant 0 : i32
        %dma_wait3A_625 = tpu.memref_slice %arg2[%dma_wait3A_623, %dma_wait3A_624] : memref<100000x16xf32, #tpu.memory_space<hbm>> -> memref<100000x16xf32, #tpu.memory_space<hbm>>
        tpu.wait_indirect_dma semaphore(%arg15 : memref<!tpu.dma_semaphore, #tpu.memory_space<semaphore_mem>>) src(%dma_wait3A_625 : memref<100000x16xf32, #tpu.memory_space<hbm>>) dst(%dma_wait3A_619 : memref<128x16xf32, #tpu.memory_space<vmem>>)
        %dma_start3A_626 = arith.constant 2 : i32
        %dma_start3A_627 = arith.constant 10 : i32
        %dma_start3A_628 = arith.constant 0 : i32
        %dma_start3A_629 = arith.constant 0 : i32
        %dma_start3A_630 = tpu.memref_slice %arg13[%dma_start3A_626, %dma_start3A_628, %dma_start3A_629] : memref<8x128x16xf32, #tpu.memory_space<vmem>> -> memref<1x128x16xf32, #tpu.memory_space<vmem>>
        %dma_start3A_631 = tpu.memref_squeeze %dma_start3A_630 : memref<1x128x16xf32, #tpu.memory_space<vmem>> -> memref<128x16xf32, #tpu.memory_space<vmem>>
        %dma_start3A_632 = arith.constant 0 : i32
        %dma_start3A_633 = tpu.memref_slice %arg11[%dma_start3A_627, %dma_start3A_632] : memref<16x128xi32, #tpu.memory_space<vmem>> -> memref<1x128xi32, #tpu.memory_space<vmem>>
        %dma_start3A_634 = tpu.memref_squeeze %dma_start3A_633 : memref<1x128xi32, #tpu.memory_space<vmem>> -> memref<128xi32, #tpu.memory_space<vmem>>
        %dma_start3A_635 = arith.constant 0 : i32
        %dma_start3A_636 = arith.constant 0 : i32
        %dma_start3A_637 = tpu.memref_slice %arg14[%dma_start3A_635, %dma_start3A_636] : memref<100096x16xf32, #tpu.memory_space<vmem_shared>> -> memref<100096x16xf32, #tpu.memory_space<vmem_shared>>
        tpu.enqueue_indirect_dma source(%dma_start3A_631 : memref<128x16xf32, #tpu.memory_space<vmem>>) target(%dma_start3A_637 : memref<100096x16xf32, #tpu.memory_space<vmem_shared>>) offsets(%dma_start3A_634 : memref<128xi32, #tpu.memory_space<vmem>>) semaphore(%arg16 : memref<!tpu.dma_semaphore, #tpu.memory_space<semaphore_mem>>) {add = true}
        %dma_wait3A_638 = arith.constant 3 : i32
        %dma_wait3A_639 = arith.constant 3 : i32
        %dma_wait3A_640 = arith.constant 0 : i32
        %dma_wait3A_641 = arith.constant 0 : i32
        %dma_wait3A_642 = tpu.memref_slice %arg13[%dma_wait3A_639, %dma_wait3A_640, %dma_wait3A_641] : memref<8x128x16xf32, #tpu.memory_space<vmem>> -> memref<1x128x16xf32, #tpu.memory_space<vmem>>
        %dma_wait3A_643 = tpu.memref_squeeze %dma_wait3A_642 : memref<1x128x16xf32, #tpu.memory_space<vmem>> -> memref<128x16xf32, #tpu.memory_space<vmem>>
        %dma_wait3A_644 = arith.constant 0 : i32
        %dma_wait3A_645 = tpu.memref_slice %arg11[%dma_wait3A_638, %dma_wait3A_644] : memref<16x128xi32, #tpu.memory_space<vmem>> -> memref<1x128xi32, #tpu.memory_space<vmem>>
        %dma_wait3A_646 = tpu.memref_squeeze %dma_wait3A_645 : memref<1x128xi32, #tpu.memory_space<vmem>> -> memref<128xi32, #tpu.memory_space<vmem>>
        %dma_wait3A_647 = arith.constant 0 : i32
        %dma_wait3A_648 = arith.constant 0 : i32
        %dma_wait3A_649 = tpu.memref_slice %arg2[%dma_wait3A_647, %dma_wait3A_648] : memref<100000x16xf32, #tpu.memory_space<hbm>> -> memref<100000x16xf32, #tpu.memory_space<hbm>>
        tpu.wait_indirect_dma semaphore(%arg15 : memref<!tpu.dma_semaphore, #tpu.memory_space<semaphore_mem>>) src(%dma_wait3A_649 : memref<100000x16xf32, #tpu.memory_space<hbm>>) dst(%dma_wait3A_643 : memref<128x16xf32, #tpu.memory_space<vmem>>)
        %dma_start3A_650 = arith.constant 3 : i32
        %dma_start3A_651 = arith.constant 11 : i32
        %dma_start3A_652 = arith.constant 0 : i32
        %dma_start3A_653 = arith.constant 0 : i32
        %dma_start3A_654 = tpu.memref_slice %arg13[%dma_start3A_650, %dma_start3A_652, %dma_start3A_653] : memref<8x128x16xf32, #tpu.memory_space<vmem>> -> memref<1x128x16xf32, #tpu.memory_space<vmem>>
        %dma_start3A_655 = tpu.memref_squeeze %dma_start3A_654 : memref<1x128x16xf32, #tpu.memory_space<vmem>> -> memref<128x16xf32, #tpu.memory_space<vmem>>
        %dma_start3A_656 = arith.constant 0 : i32
        %dma_start3A_657 = tpu.memref_slice %arg11[%dma_start3A_651, %dma_start3A_656] : memref<16x128xi32, #tpu.memory_space<vmem>> -> memref<1x128xi32, #tpu.memory_space<vmem>>
        %dma_start3A_658 = tpu.memref_squeeze %dma_start3A_657 : memref<1x128xi32, #tpu.memory_space<vmem>> -> memref<128xi32, #tpu.memory_space<vmem>>
        %dma_start3A_659 = arith.constant 0 : i32
        %dma_start3A_660 = arith.constant 0 : i32
        %dma_start3A_661 = tpu.memref_slice %arg14[%dma_start3A_659, %dma_start3A_660] : memref<100096x16xf32, #tpu.memory_space<vmem_shared>> -> memref<100096x16xf32, #tpu.memory_space<vmem_shared>>
        tpu.enqueue_indirect_dma source(%dma_start3A_655 : memref<128x16xf32, #tpu.memory_space<vmem>>) target(%dma_start3A_661 : memref<100096x16xf32, #tpu.memory_space<vmem_shared>>) offsets(%dma_start3A_658 : memref<128xi32, #tpu.memory_space<vmem>>) semaphore(%arg16 : memref<!tpu.dma_semaphore, #tpu.memory_space<semaphore_mem>>) {add = true}
        %dma_wait3A_662 = arith.constant 4 : i32
        %dma_wait3A_663 = arith.constant 4 : i32
        %dma_wait3A_664 = arith.constant 0 : i32
        %dma_wait3A_665 = arith.constant 0 : i32
        %dma_wait3A_666 = tpu.memref_slice %arg13[%dma_wait3A_663, %dma_wait3A_664, %dma_wait3A_665] : memref<8x128x16xf32, #tpu.memory_space<vmem>> -> memref<1x128x16xf32, #tpu.memory_space<vmem>>
        %dma_wait3A_667 = tpu.memref_squeeze %dma_wait3A_666 : memref<1x128x16xf32, #tpu.memory_space<vmem>> -> memref<128x16xf32, #tpu.memory_space<vmem>>
        %dma_wait3A_668 = arith.constant 0 : i32
        %dma_wait3A_669 = tpu.memref_slice %arg11[%dma_wait3A_662, %dma_wait3A_668] : memref<16x128xi32, #tpu.memory_space<vmem>> -> memref<1x128xi32, #tpu.memory_space<vmem>>
        %dma_wait3A_670 = tpu.memref_squeeze %dma_wait3A_669 : memref<1x128xi32, #tpu.memory_space<vmem>> -> memref<128xi32, #tpu.memory_space<vmem>>
        %dma_wait3A_671 = arith.constant 0 : i32
        %dma_wait3A_672 = arith.constant 0 : i32
        %dma_wait3A_673 = tpu.memref_slice %arg2[%dma_wait3A_671, %dma_wait3A_672] : memref<100000x16xf32, #tpu.memory_space<hbm>> -> memref<100000x16xf32, #tpu.memory_space<hbm>>
        tpu.wait_indirect_dma semaphore(%arg15 : memref<!tpu.dma_semaphore, #tpu.memory_space<semaphore_mem>>) src(%dma_wait3A_673 : memref<100000x16xf32, #tpu.memory_space<hbm>>) dst(%dma_wait3A_667 : memref<128x16xf32, #tpu.memory_space<vmem>>)
        %dma_start3A_674 = arith.constant 4 : i32
        %dma_start3A_675 = arith.constant 12 : i32
        %dma_start3A_676 = arith.constant 0 : i32
        %dma_start3A_677 = arith.constant 0 : i32
        %dma_start3A_678 = tpu.memref_slice %arg13[%dma_start3A_674, %dma_start3A_676, %dma_start3A_677] : memref<8x128x16xf32, #tpu.memory_space<vmem>> -> memref<1x128x16xf32, #tpu.memory_space<vmem>>
        %dma_start3A_679 = tpu.memref_squeeze %dma_start3A_678 : memref<1x128x16xf32, #tpu.memory_space<vmem>> -> memref<128x16xf32, #tpu.memory_space<vmem>>
        %dma_start3A_680 = arith.constant 0 : i32
        %dma_start3A_681 = tpu.memref_slice %arg11[%dma_start3A_675, %dma_start3A_680] : memref<16x128xi32, #tpu.memory_space<vmem>> -> memref<1x128xi32, #tpu.memory_space<vmem>>
        %dma_start3A_682 = tpu.memref_squeeze %dma_start3A_681 : memref<1x128xi32, #tpu.memory_space<vmem>> -> memref<128xi32, #tpu.memory_space<vmem>>
        %dma_start3A_683 = arith.constant 0 : i32
        %dma_start3A_684 = arith.constant 0 : i32
        %dma_start3A_685 = tpu.memref_slice %arg14[%dma_start3A_683, %dma_start3A_684] : memref<100096x16xf32, #tpu.memory_space<vmem_shared>> -> memref<100096x16xf32, #tpu.memory_space<vmem_shared>>
        tpu.enqueue_indirect_dma source(%dma_start3A_679 : memref<128x16xf32, #tpu.memory_space<vmem>>) target(%dma_start3A_685 : memref<100096x16xf32, #tpu.memory_space<vmem_shared>>) offsets(%dma_start3A_682 : memref<128xi32, #tpu.memory_space<vmem>>) semaphore(%arg16 : memref<!tpu.dma_semaphore, #tpu.memory_space<semaphore_mem>>) {add = true}
        %dma_wait3A_686 = arith.constant 5 : i32
        %dma_wait3A_687 = arith.constant 5 : i32
        %dma_wait3A_688 = arith.constant 0 : i32
        %dma_wait3A_689 = arith.constant 0 : i32
        %dma_wait3A_690 = tpu.memref_slice %arg13[%dma_wait3A_687, %dma_wait3A_688, %dma_wait3A_689] : memref<8x128x16xf32, #tpu.memory_space<vmem>> -> memref<1x128x16xf32, #tpu.memory_space<vmem>>
        %dma_wait3A_691 = tpu.memref_squeeze %dma_wait3A_690 : memref<1x128x16xf32, #tpu.memory_space<vmem>> -> memref<128x16xf32, #tpu.memory_space<vmem>>
        %dma_wait3A_692 = arith.constant 0 : i32
        %dma_wait3A_693 = tpu.memref_slice %arg11[%dma_wait3A_686, %dma_wait3A_692] : memref<16x128xi32, #tpu.memory_space<vmem>> -> memref<1x128xi32, #tpu.memory_space<vmem>>
        %dma_wait3A_694 = tpu.memref_squeeze %dma_wait3A_693 : memref<1x128xi32, #tpu.memory_space<vmem>> -> memref<128xi32, #tpu.memory_space<vmem>>
        %dma_wait3A_695 = arith.constant 0 : i32
        %dma_wait3A_696 = arith.constant 0 : i32
        %dma_wait3A_697 = tpu.memref_slice %arg2[%dma_wait3A_695, %dma_wait3A_696] : memref<100000x16xf32, #tpu.memory_space<hbm>> -> memref<100000x16xf32, #tpu.memory_space<hbm>>
        tpu.wait_indirect_dma semaphore(%arg15 : memref<!tpu.dma_semaphore, #tpu.memory_space<semaphore_mem>>) src(%dma_wait3A_697 : memref<100000x16xf32, #tpu.memory_space<hbm>>) dst(%dma_wait3A_691 : memref<128x16xf32, #tpu.memory_space<vmem>>)
        %dma_start3A_698 = arith.constant 5 : i32
        %dma_start3A_699 = arith.constant 13 : i32
        %dma_start3A_700 = arith.constant 0 : i32
        %dma_start3A_701 = arith.constant 0 : i32
        %dma_start3A_702 = tpu.memref_slice %arg13[%dma_start3A_698, %dma_start3A_700, %dma_start3A_701] : memref<8x128x16xf32, #tpu.memory_space<vmem>> -> memref<1x128x16xf32, #tpu.memory_space<vmem>>
        %dma_start3A_703 = tpu.memref_squeeze %dma_start3A_702 : memref<1x128x16xf32, #tpu.memory_space<vmem>> -> memref<128x16xf32, #tpu.memory_space<vmem>>
        %dma_start3A_704 = arith.constant 0 : i32
        %dma_start3A_705 = tpu.memref_slice %arg11[%dma_start3A_699, %dma_start3A_704] : memref<16x128xi32, #tpu.memory_space<vmem>> -> memref<1x128xi32, #tpu.memory_space<vmem>>
        %dma_start3A_706 = tpu.memref_squeeze %dma_start3A_705 : memref<1x128xi32, #tpu.memory_space<vmem>> -> memref<128xi32, #tpu.memory_space<vmem>>
        %dma_start3A_707 = arith.constant 0 : i32
        %dma_start3A_708 = arith.constant 0 : i32
        %dma_start3A_709 = tpu.memref_slice %arg14[%dma_start3A_707, %dma_start3A_708] : memref<100096x16xf32, #tpu.memory_space<vmem_shared>> -> memref<100096x16xf32, #tpu.memory_space<vmem_shared>>
        tpu.enqueue_indirect_dma source(%dma_start3A_703 : memref<128x16xf32, #tpu.memory_space<vmem>>) target(%dma_start3A_709 : memref<100096x16xf32, #tpu.memory_space<vmem_shared>>) offsets(%dma_start3A_706 : memref<128xi32, #tpu.memory_space<vmem>>) semaphore(%arg16 : memref<!tpu.dma_semaphore, #tpu.memory_space<semaphore_mem>>) {add = true}
        %dma_wait3A_710 = arith.constant 6 : i32
        %dma_wait3A_711 = arith.constant 6 : i32
        %dma_wait3A_712 = arith.constant 0 : i32
        %dma_wait3A_713 = arith.constant 0 : i32
        %dma_wait3A_714 = tpu.memref_slice %arg13[%dma_wait3A_711, %dma_wait3A_712, %dma_wait3A_713] : memref<8x128x16xf32, #tpu.memory_space<vmem>> -> memref<1x128x16xf32, #tpu.memory_space<vmem>>
        %dma_wait3A_715 = tpu.memref_squeeze %dma_wait3A_714 : memref<1x128x16xf32, #tpu.memory_space<vmem>> -> memref<128x16xf32, #tpu.memory_space<vmem>>
        %dma_wait3A_716 = arith.constant 0 : i32
        %dma_wait3A_717 = tpu.memref_slice %arg11[%dma_wait3A_710, %dma_wait3A_716] : memref<16x128xi32, #tpu.memory_space<vmem>> -> memref<1x128xi32, #tpu.memory_space<vmem>>
        %dma_wait3A_718 = tpu.memref_squeeze %dma_wait3A_717 : memref<1x128xi32, #tpu.memory_space<vmem>> -> memref<128xi32, #tpu.memory_space<vmem>>
        %dma_wait3A_719 = arith.constant 0 : i32
        %dma_wait3A_720 = arith.constant 0 : i32
        %dma_wait3A_721 = tpu.memref_slice %arg2[%dma_wait3A_719, %dma_wait3A_720] : memref<100000x16xf32, #tpu.memory_space<hbm>> -> memref<100000x16xf32, #tpu.memory_space<hbm>>
        tpu.wait_indirect_dma semaphore(%arg15 : memref<!tpu.dma_semaphore, #tpu.memory_space<semaphore_mem>>) src(%dma_wait3A_721 : memref<100000x16xf32, #tpu.memory_space<hbm>>) dst(%dma_wait3A_715 : memref<128x16xf32, #tpu.memory_space<vmem>>)
        %dma_start3A_722 = arith.constant 6 : i32
        %dma_start3A_723 = arith.constant 14 : i32
        %dma_start3A_724 = arith.constant 0 : i32
        %dma_start3A_725 = arith.constant 0 : i32
        %dma_start3A_726 = tpu.memref_slice %arg13[%dma_start3A_722, %dma_start3A_724, %dma_start3A_725] : memref<8x128x16xf32, #tpu.memory_space<vmem>> -> memref<1x128x16xf32, #tpu.memory_space<vmem>>
        %dma_start3A_727 = tpu.memref_squeeze %dma_start3A_726 : memref<1x128x16xf32, #tpu.memory_space<vmem>> -> memref<128x16xf32, #tpu.memory_space<vmem>>
        %dma_start3A_728 = arith.constant 0 : i32
        %dma_start3A_729 = tpu.memref_slice %arg11[%dma_start3A_723, %dma_start3A_728] : memref<16x128xi32, #tpu.memory_space<vmem>> -> memref<1x128xi32, #tpu.memory_space<vmem>>
        %dma_start3A_730 = tpu.memref_squeeze %dma_start3A_729 : memref<1x128xi32, #tpu.memory_space<vmem>> -> memref<128xi32, #tpu.memory_space<vmem>>
        %dma_start3A_731 = arith.constant 0 : i32
        %dma_start3A_732 = arith.constant 0 : i32
        %dma_start3A_733 = tpu.memref_slice %arg14[%dma_start3A_731, %dma_start3A_732] : memref<100096x16xf32, #tpu.memory_space<vmem_shared>> -> memref<100096x16xf32, #tpu.memory_space<vmem_shared>>
        tpu.enqueue_indirect_dma source(%dma_start3A_727 : memref<128x16xf32, #tpu.memory_space<vmem>>) target(%dma_start3A_733 : memref<100096x16xf32, #tpu.memory_space<vmem_shared>>) offsets(%dma_start3A_730 : memref<128xi32, #tpu.memory_space<vmem>>) semaphore(%arg16 : memref<!tpu.dma_semaphore, #tpu.memory_space<semaphore_mem>>) {add = true}
        %dma_wait3A_734 = arith.constant 7 : i32
        %dma_wait3A_735 = arith.constant 7 : i32
        %dma_wait3A_736 = arith.constant 0 : i32
        %dma_wait3A_737 = arith.constant 0 : i32
        %dma_wait3A_738 = tpu.memref_slice %arg13[%dma_wait3A_735, %dma_wait3A_736, %dma_wait3A_737] : memref<8x128x16xf32, #tpu.memory_space<vmem>> -> memref<1x128x16xf32, #tpu.memory_space<vmem>>
        %dma_wait3A_739 = tpu.memref_squeeze %dma_wait3A_738 : memref<1x128x16xf32, #tpu.memory_space<vmem>> -> memref<128x16xf32, #tpu.memory_space<vmem>>
        %dma_wait3A_740 = arith.constant 0 : i32
        %dma_wait3A_741 = tpu.memref_slice %arg11[%dma_wait3A_734, %dma_wait3A_740] : memref<16x128xi32, #tpu.memory_space<vmem>> -> memref<1x128xi32, #tpu.memory_space<vmem>>
        %dma_wait3A_742 = tpu.memref_squeeze %dma_wait3A_741 : memref<1x128xi32, #tpu.memory_space<vmem>> -> memref<128xi32, #tpu.memory_space<vmem>>
        %dma_wait3A_743 = arith.constant 0 : i32
        %dma_wait3A_744 = arith.constant 0 : i32
        %dma_wait3A_745 = tpu.memref_slice %arg2[%dma_wait3A_743, %dma_wait3A_744] : memref<100000x16xf32, #tpu.memory_space<hbm>> -> memref<100000x16xf32, #tpu.memory_space<hbm>>
        tpu.wait_indirect_dma semaphore(%arg15 : memref<!tpu.dma_semaphore, #tpu.memory_space<semaphore_mem>>) src(%dma_wait3A_745 : memref<100000x16xf32, #tpu.memory_space<hbm>>) dst(%dma_wait3A_739 : memref<128x16xf32, #tpu.memory_space<vmem>>)
        %dma_start3A_746 = arith.constant 7 : i32
        %dma_start3A_747 = arith.constant 15 : i32
        %dma_start3A_748 = arith.constant 0 : i32
        %dma_start3A_749 = arith.constant 0 : i32
        %dma_start3A_750 = tpu.memref_slice %arg13[%dma_start3A_746, %dma_start3A_748, %dma_start3A_749] : memref<8x128x16xf32, #tpu.memory_space<vmem>> -> memref<1x128x16xf32, #tpu.memory_space<vmem>>
        %dma_start3A_751 = tpu.memref_squeeze %dma_start3A_750 : memref<1x128x16xf32, #tpu.memory_space<vmem>> -> memref<128x16xf32, #tpu.memory_space<vmem>>
        %dma_start3A_752 = arith.constant 0 : i32
        %dma_start3A_753 = tpu.memref_slice %arg11[%dma_start3A_747, %dma_start3A_752] : memref<16x128xi32, #tpu.memory_space<vmem>> -> memref<1x128xi32, #tpu.memory_space<vmem>>
        %dma_start3A_754 = tpu.memref_squeeze %dma_start3A_753 : memref<1x128xi32, #tpu.memory_space<vmem>> -> memref<128xi32, #tpu.memory_space<vmem>>
        %dma_start3A_755 = arith.constant 0 : i32
        %dma_start3A_756 = arith.constant 0 : i32
        %dma_start3A_757 = tpu.memref_slice %arg14[%dma_start3A_755, %dma_start3A_756] : memref<100096x16xf32, #tpu.memory_space<vmem_shared>> -> memref<100096x16xf32, #tpu.memory_space<vmem_shared>>
        tpu.enqueue_indirect_dma source(%dma_start3A_751 : memref<128x16xf32, #tpu.memory_space<vmem>>) target(%dma_start3A_757 : memref<100096x16xf32, #tpu.memory_space<vmem_shared>>) offsets(%dma_start3A_754 : memref<128xi32, #tpu.memory_space<vmem>>) semaphore(%arg16 : memref<!tpu.dma_semaphore, #tpu.memory_space<semaphore_mem>>) {add = true}
        %dma_wait3A_758 = arith.constant 0 : i32
        %dma_wait3A_759 = arith.constant 8 : i32
        %dma_wait3A_760 = arith.constant 0 : i32
        %dma_wait3A_761 = arith.constant 0 : i32
        %dma_wait3A_762 = tpu.memref_slice %arg13[%dma_wait3A_758, %dma_wait3A_760, %dma_wait3A_761] : memref<8x128x16xf32, #tpu.memory_space<vmem>> -> memref<1x128x16xf32, #tpu.memory_space<vmem>>
        %dma_wait3A_763 = tpu.memref_squeeze %dma_wait3A_762 : memref<1x128x16xf32, #tpu.memory_space<vmem>> -> memref<128x16xf32, #tpu.memory_space<vmem>>
        %dma_wait3A_764 = arith.constant 0 : i32
        %dma_wait3A_765 = tpu.memref_slice %arg11[%dma_wait3A_759, %dma_wait3A_764] : memref<16x128xi32, #tpu.memory_space<vmem>> -> memref<1x128xi32, #tpu.memory_space<vmem>>
        %dma_wait3A_766 = tpu.memref_squeeze %dma_wait3A_765 : memref<1x128xi32, #tpu.memory_space<vmem>> -> memref<128xi32, #tpu.memory_space<vmem>>
        %dma_wait3A_767 = arith.constant 0 : i32
        %dma_wait3A_768 = arith.constant 0 : i32
        %dma_wait3A_769 = tpu.memref_slice %arg14[%dma_wait3A_767, %dma_wait3A_768] : memref<100096x16xf32, #tpu.memory_space<vmem_shared>> -> memref<100096x16xf32, #tpu.memory_space<vmem_shared>>
        tpu.wait_indirect_dma semaphore(%arg16 : memref<!tpu.dma_semaphore, #tpu.memory_space<semaphore_mem>>) src(%dma_wait3A_763 : memref<128x16xf32, #tpu.memory_space<vmem>>) dst(%dma_wait3A_769 : memref<100096x16xf32, #tpu.memory_space<vmem_shared>>)
        %dma_wait3A_770 = arith.constant 1 : i32
        %dma_wait3A_771 = arith.constant 9 : i32
        %dma_wait3A_772 = arith.constant 0 : i32
        %dma_wait3A_773 = arith.constant 0 : i32
        %dma_wait3A_774 = tpu.memref_slice %arg13[%dma_wait3A_770, %dma_wait3A_772, %dma_wait3A_773] : memref<8x128x16xf32, #tpu.memory_space<vmem>> -> memref<1x128x16xf32, #tpu.memory_space<vmem>>
        %dma_wait3A_775 = tpu.memref_squeeze %dma_wait3A_774 : memref<1x128x16xf32, #tpu.memory_space<vmem>> -> memref<128x16xf32, #tpu.memory_space<vmem>>
        %dma_wait3A_776 = arith.constant 0 : i32
        %dma_wait3A_777 = tpu.memref_slice %arg11[%dma_wait3A_771, %dma_wait3A_776] : memref<16x128xi32, #tpu.memory_space<vmem>> -> memref<1x128xi32, #tpu.memory_space<vmem>>
        %dma_wait3A_778 = tpu.memref_squeeze %dma_wait3A_777 : memref<1x128xi32, #tpu.memory_space<vmem>> -> memref<128xi32, #tpu.memory_space<vmem>>
        %dma_wait3A_779 = arith.constant 0 : i32
        %dma_wait3A_780 = arith.constant 0 : i32
        %dma_wait3A_781 = tpu.memref_slice %arg14[%dma_wait3A_779, %dma_wait3A_780] : memref<100096x16xf32, #tpu.memory_space<vmem_shared>> -> memref<100096x16xf32, #tpu.memory_space<vmem_shared>>
        tpu.wait_indirect_dma semaphore(%arg16 : memref<!tpu.dma_semaphore, #tpu.memory_space<semaphore_mem>>) src(%dma_wait3A_775 : memref<128x16xf32, #tpu.memory_space<vmem>>) dst(%dma_wait3A_781 : memref<100096x16xf32, #tpu.memory_space<vmem_shared>>)
        %dma_wait3A_782 = arith.constant 2 : i32
        %dma_wait3A_783 = arith.constant 10 : i32
        %dma_wait3A_784 = arith.constant 0 : i32
        %dma_wait3A_785 = arith.constant 0 : i32
        %dma_wait3A_786 = tpu.memref_slice %arg13[%dma_wait3A_782, %dma_wait3A_784, %dma_wait3A_785] : memref<8x128x16xf32, #tpu.memory_space<vmem>> -> memref<1x128x16xf32, #tpu.memory_space<vmem>>
        %dma_wait3A_787 = tpu.memref_squeeze %dma_wait3A_786 : memref<1x128x16xf32, #tpu.memory_space<vmem>> -> memref<128x16xf32, #tpu.memory_space<vmem>>
        %dma_wait3A_788 = arith.constant 0 : i32
        %dma_wait3A_789 = tpu.memref_slice %arg11[%dma_wait3A_783, %dma_wait3A_788] : memref<16x128xi32, #tpu.memory_space<vmem>> -> memref<1x128xi32, #tpu.memory_space<vmem>>
        %dma_wait3A_790 = tpu.memref_squeeze %dma_wait3A_789 : memref<1x128xi32, #tpu.memory_space<vmem>> -> memref<128xi32, #tpu.memory_space<vmem>>
        %dma_wait3A_791 = arith.constant 0 : i32
        %dma_wait3A_792 = arith.constant 0 : i32
        %dma_wait3A_793 = tpu.memref_slice %arg14[%dma_wait3A_791, %dma_wait3A_792] : memref<100096x16xf32, #tpu.memory_space<vmem_shared>> -> memref<100096x16xf32, #tpu.memory_space<vmem_shared>>
        tpu.wait_indirect_dma semaphore(%arg16 : memref<!tpu.dma_semaphore, #tpu.memory_space<semaphore_mem>>) src(%dma_wait3A_787 : memref<128x16xf32, #tpu.memory_space<vmem>>) dst(%dma_wait3A_793 : memref<100096x16xf32, #tpu.memory_space<vmem_shared>>)
        %dma_wait3A_794 = arith.constant 3 : i32
        %dma_wait3A_795 = arith.constant 11 : i32
        %dma_wait3A_796 = arith.constant 0 : i32
        %dma_wait3A_797 = arith.constant 0 : i32
        %dma_wait3A_798 = tpu.memref_slice %arg13[%dma_wait3A_794, %dma_wait3A_796, %dma_wait3A_797] : memref<8x128x16xf32, #tpu.memory_space<vmem>> -> memref<1x128x16xf32, #tpu.memory_space<vmem>>
        %dma_wait3A_799 = tpu.memref_squeeze %dma_wait3A_798 : memref<1x128x16xf32, #tpu.memory_space<vmem>> -> memref<128x16xf32, #tpu.memory_space<vmem>>
        %dma_wait3A_800 = arith.constant 0 : i32
        %dma_wait3A_801 = tpu.memref_slice %arg11[%dma_wait3A_795, %dma_wait3A_800] : memref<16x128xi32, #tpu.memory_space<vmem>> -> memref<1x128xi32, #tpu.memory_space<vmem>>
        %dma_wait3A_802 = tpu.memref_squeeze %dma_wait3A_801 : memref<1x128xi32, #tpu.memory_space<vmem>> -> memref<128xi32, #tpu.memory_space<vmem>>
        %dma_wait3A_803 = arith.constant 0 : i32
        %dma_wait3A_804 = arith.constant 0 : i32
        %dma_wait3A_805 = tpu.memref_slice %arg14[%dma_wait3A_803, %dma_wait3A_804] : memref<100096x16xf32, #tpu.memory_space<vmem_shared>> -> memref<100096x16xf32, #tpu.memory_space<vmem_shared>>
        tpu.wait_indirect_dma semaphore(%arg16 : memref<!tpu.dma_semaphore, #tpu.memory_space<semaphore_mem>>) src(%dma_wait3A_799 : memref<128x16xf32, #tpu.memory_space<vmem>>) dst(%dma_wait3A_805 : memref<100096x16xf32, #tpu.memory_space<vmem_shared>>)
        %dma_wait3A_806 = arith.constant 4 : i32
        %dma_wait3A_807 = arith.constant 12 : i32
        %dma_wait3A_808 = arith.constant 0 : i32
        %dma_wait3A_809 = arith.constant 0 : i32
        %dma_wait3A_810 = tpu.memref_slice %arg13[%dma_wait3A_806, %dma_wait3A_808, %dma_wait3A_809] : memref<8x128x16xf32, #tpu.memory_space<vmem>> -> memref<1x128x16xf32, #tpu.memory_space<vmem>>
        %dma_wait3A_811 = tpu.memref_squeeze %dma_wait3A_810 : memref<1x128x16xf32, #tpu.memory_space<vmem>> -> memref<128x16xf32, #tpu.memory_space<vmem>>
        %dma_wait3A_812 = arith.constant 0 : i32
        %dma_wait3A_813 = tpu.memref_slice %arg11[%dma_wait3A_807, %dma_wait3A_812] : memref<16x128xi32, #tpu.memory_space<vmem>> -> memref<1x128xi32, #tpu.memory_space<vmem>>
        %dma_wait3A_814 = tpu.memref_squeeze %dma_wait3A_813 : memref<1x128xi32, #tpu.memory_space<vmem>> -> memref<128xi32, #tpu.memory_space<vmem>>
        %dma_wait3A_815 = arith.constant 0 : i32
        %dma_wait3A_816 = arith.constant 0 : i32
        %dma_wait3A_817 = tpu.memref_slice %arg14[%dma_wait3A_815, %dma_wait3A_816] : memref<100096x16xf32, #tpu.memory_space<vmem_shared>> -> memref<100096x16xf32, #tpu.memory_space<vmem_shared>>
        tpu.wait_indirect_dma semaphore(%arg16 : memref<!tpu.dma_semaphore, #tpu.memory_space<semaphore_mem>>) src(%dma_wait3A_811 : memref<128x16xf32, #tpu.memory_space<vmem>>) dst(%dma_wait3A_817 : memref<100096x16xf32, #tpu.memory_space<vmem_shared>>)
        %dma_wait3A_818 = arith.constant 5 : i32
        %dma_wait3A_819 = arith.constant 13 : i32
        %dma_wait3A_820 = arith.constant 0 : i32
        %dma_wait3A_821 = arith.constant 0 : i32
        %dma_wait3A_822 = tpu.memref_slice %arg13[%dma_wait3A_818, %dma_wait3A_820, %dma_wait3A_821] : memref<8x128x16xf32, #tpu.memory_space<vmem>> -> memref<1x128x16xf32, #tpu.memory_space<vmem>>
        %dma_wait3A_823 = tpu.memref_squeeze %dma_wait3A_822 : memref<1x128x16xf32, #tpu.memory_space<vmem>> -> memref<128x16xf32, #tpu.memory_space<vmem>>
        %dma_wait3A_824 = arith.constant 0 : i32
        %dma_wait3A_825 = tpu.memref_slice %arg11[%dma_wait3A_819, %dma_wait3A_824] : memref<16x128xi32, #tpu.memory_space<vmem>> -> memref<1x128xi32, #tpu.memory_space<vmem>>
        %dma_wait3A_826 = tpu.memref_squeeze %dma_wait3A_825 : memref<1x128xi32, #tpu.memory_space<vmem>> -> memref<128xi32, #tpu.memory_space<vmem>>
        %dma_wait3A_827 = arith.constant 0 : i32
        %dma_wait3A_828 = arith.constant 0 : i32
        %dma_wait3A_829 = tpu.memref_slice %arg14[%dma_wait3A_827, %dma_wait3A_828] : memref<100096x16xf32, #tpu.memory_space<vmem_shared>> -> memref<100096x16xf32, #tpu.memory_space<vmem_shared>>
        tpu.wait_indirect_dma semaphore(%arg16 : memref<!tpu.dma_semaphore, #tpu.memory_space<semaphore_mem>>) src(%dma_wait3A_823 : memref<128x16xf32, #tpu.memory_space<vmem>>) dst(%dma_wait3A_829 : memref<100096x16xf32, #tpu.memory_space<vmem_shared>>)
        %dma_wait3A_830 = arith.constant 6 : i32
        %dma_wait3A_831 = arith.constant 14 : i32
        %dma_wait3A_832 = arith.constant 0 : i32
        %dma_wait3A_833 = arith.constant 0 : i32
        %dma_wait3A_834 = tpu.memref_slice %arg13[%dma_wait3A_830, %dma_wait3A_832, %dma_wait3A_833] : memref<8x128x16xf32, #tpu.memory_space<vmem>> -> memref<1x128x16xf32, #tpu.memory_space<vmem>>
        %dma_wait3A_835 = tpu.memref_squeeze %dma_wait3A_834 : memref<1x128x16xf32, #tpu.memory_space<vmem>> -> memref<128x16xf32, #tpu.memory_space<vmem>>
        %dma_wait3A_836 = arith.constant 0 : i32
        %dma_wait3A_837 = tpu.memref_slice %arg11[%dma_wait3A_831, %dma_wait3A_836] : memref<16x128xi32, #tpu.memory_space<vmem>> -> memref<1x128xi32, #tpu.memory_space<vmem>>
        %dma_wait3A_838 = tpu.memref_squeeze %dma_wait3A_837 : memref<1x128xi32, #tpu.memory_space<vmem>> -> memref<128xi32, #tpu.memory_space<vmem>>
        %dma_wait3A_839 = arith.constant 0 : i32
        %dma_wait3A_840 = arith.constant 0 : i32
        %dma_wait3A_841 = tpu.memref_slice %arg14[%dma_wait3A_839, %dma_wait3A_840] : memref<100096x16xf32, #tpu.memory_space<vmem_shared>> -> memref<100096x16xf32, #tpu.memory_space<vmem_shared>>
        tpu.wait_indirect_dma semaphore(%arg16 : memref<!tpu.dma_semaphore, #tpu.memory_space<semaphore_mem>>) src(%dma_wait3A_835 : memref<128x16xf32, #tpu.memory_space<vmem>>) dst(%dma_wait3A_841 : memref<100096x16xf32, #tpu.memory_space<vmem_shared>>)
        %dma_wait3A_842 = arith.constant 7 : i32
        %dma_wait3A_843 = arith.constant 15 : i32
        %dma_wait3A_844 = arith.constant 0 : i32
        %dma_wait3A_845 = arith.constant 0 : i32
        %dma_wait3A_846 = tpu.memref_slice %arg13[%dma_wait3A_842, %dma_wait3A_844, %dma_wait3A_845] : memref<8x128x16xf32, #tpu.memory_space<vmem>> -> memref<1x128x16xf32, #tpu.memory_space<vmem>>
        %dma_wait3A_847 = tpu.memref_squeeze %dma_wait3A_846 : memref<1x128x16xf32, #tpu.memory_space<vmem>> -> memref<128x16xf32, #tpu.memory_space<vmem>>
        %dma_wait3A_848 = arith.constant 0 : i32
        %dma_wait3A_849 = tpu.memref_slice %arg11[%dma_wait3A_843, %dma_wait3A_848] : memref<16x128xi32, #tpu.memory_space<vmem>> -> memref<1x128xi32, #tpu.memory_space<vmem>>
        %dma_wait3A_850 = tpu.memref_squeeze %dma_wait3A_849 : memref<1x128xi32, #tpu.memory_space<vmem>> -> memref<128xi32, #tpu.memory_space<vmem>>
        %dma_wait3A_851 = arith.constant 0 : i32
        %dma_wait3A_852 = arith.constant 0 : i32
        %dma_wait3A_853 = tpu.memref_slice %arg14[%dma_wait3A_851, %dma_wait3A_852] : memref<100096x16xf32, #tpu.memory_space<vmem_shared>> -> memref<100096x16xf32, #tpu.memory_space<vmem_shared>>
        tpu.wait_indirect_dma semaphore(%arg16 : memref<!tpu.dma_semaphore, #tpu.memory_space<semaphore_mem>>) src(%dma_wait3A_847 : memref<128x16xf32, #tpu.memory_space<vmem>>) dst(%dma_wait3A_853 : memref<100096x16xf32, #tpu.memory_space<vmem_shared>>)
        %mul3A_854 = arith.constant 2 : i32
        %mul3A_855 = arith.muli %mul3A_854, %scan3A_455 : i32
        %add3A_856 = arith.constant 1 : i32
        %add3A_857 = arith.addi %mul3A_855, %add3A_856 : i32
        %dma_wait3A_858 = arith.constant 0 : i32
        %dma_wait3A_859 = arith.constant 0 : i32
        %dma_wait3A_860 = tpu.memref_slice %arg5[%dma_wait3A_858, %dma_wait3A_859] : memref<25088x128xi32, #tpu.memory_space<hbm>> -> memref<16x128xi32, #tpu.memory_space<hbm>>
        %dma_wait3A_861 = arith.constant 0 : i32
        %dma_wait3A_862 = arith.constant 0 : i32
        %dma_wait3A_863 = tpu.memref_slice %arg5[%dma_wait3A_861, %dma_wait3A_862] : memref<25088x128xi32, #tpu.memory_space<hbm>> -> memref<16x128xi32, #tpu.memory_space<hbm>>
        tpu.wait_dma2 semaphore(%arg17 : memref<!tpu.dma_semaphore, #tpu.memory_space<semaphore_mem>>) src(%dma_wait3A_863 : memref<16x128xi32, #tpu.memory_space<hbm>>) dst(%arg12 : memref<16x128xi32, #tpu.memory_space<vmem>>)
        %add3A_864 = arith.constant 1 : i32
        %add3A_865 = arith.addi %add3A_857, %add3A_864 : i32
        %lt3A_866 = arith.constant 98 : i32
        %lt3A_867 = arith.cmpi slt, %add3A_865, %lt3A_866 : i32
        %convert_element_type3A_868 = arith.extui %lt3A_867 : i1 to i32
        %cond3A_869 = arith.constant 0 : i32
        %cond3A_870 = arith.cmpi ne, %convert_element_type3A_868, %cond3A_869 : i32
        scf.if %cond3A_870 {
          %add3A_1255 = arith.addi %mul3A_442, %add3A_857 : i32
          %add3A_1256 = arith.constant 1 : i32
          %add3A_1257 = arith.addi %add3A_1255, %add3A_1256 : i32
          %mul3A_1258 = arith.constant 16 : i32
          %mul3A_1259 = arith.muli %add3A_1257, %mul3A_1258 : i32
          %dma_start3A_1260 = arith.constant 0 : i32
          %dma_start3A_1261 = tpu.memref_slice %arg5[%mul3A_1259, %dma_start3A_1260] : memref<25088x128xi32, #tpu.memory_space<hbm>> -> memref<16x128xi32, #tpu.memory_space<hbm>>
          %dma_start3A_1262 = arith.constant 0 : i32
          %dma_start3A_1263 = tpu.memref_slice %arg5[%mul3A_1259, %dma_start3A_1262] : memref<25088x128xi32, #tpu.memory_space<hbm>> -> memref<16x128xi32, #tpu.memory_space<hbm>>
          tpu.enqueue_dma source(%dma_start3A_1263 : memref<16x128xi32, #tpu.memory_space<hbm>>) target(%arg11 : memref<16x128xi32, #tpu.memory_space<vmem>>) target_semaphore(%arg17 : memref<!tpu.dma_semaphore, #tpu.memory_space<semaphore_mem>>)
        } else {
        }
        %dma_start3A_871 = arith.constant 0 : i32
        %dma_start3A_872 = arith.constant 0 : i32
        %dma_start3A_873 = arith.constant 0 : i32
        %dma_start3A_874 = arith.constant 0 : i32
        %dma_start3A_875 = tpu.memref_slice %arg13[%dma_start3A_872, %dma_start3A_873, %dma_start3A_874] : memref<8x128x16xf32, #tpu.memory_space<vmem>> -> memref<1x128x16xf32, #tpu.memory_space<vmem>>
        %dma_start3A_876 = tpu.memref_squeeze %dma_start3A_875 : memref<1x128x16xf32, #tpu.memory_space<vmem>> -> memref<128x16xf32, #tpu.memory_space<vmem>>
        %dma_start3A_877 = arith.constant 0 : i32
        %dma_start3A_878 = tpu.memref_slice %arg12[%dma_start3A_871, %dma_start3A_877] : memref<16x128xi32, #tpu.memory_space<vmem>> -> memref<1x128xi32, #tpu.memory_space<vmem>>
        %dma_start3A_879 = tpu.memref_squeeze %dma_start3A_878 : memref<1x128xi32, #tpu.memory_space<vmem>> -> memref<128xi32, #tpu.memory_space<vmem>>
        %dma_start3A_880 = arith.constant 0 : i32
        %dma_start3A_881 = arith.constant 0 : i32
        %dma_start3A_882 = tpu.memref_slice %arg2[%dma_start3A_880, %dma_start3A_881] : memref<100000x16xf32, #tpu.memory_space<hbm>> -> memref<100000x16xf32, #tpu.memory_space<hbm>>
        tpu.enqueue_indirect_dma source(%dma_start3A_882 : memref<100000x16xf32, #tpu.memory_space<hbm>>) target(%dma_start3A_876 : memref<128x16xf32, #tpu.memory_space<vmem>>) offsets(%dma_start3A_879 : memref<128xi32, #tpu.memory_space<vmem>>) semaphore(%arg15 : memref<!tpu.dma_semaphore, #tpu.memory_space<semaphore_mem>>)
        %dma_start3A_883 = arith.constant 1 : i32
        %dma_start3A_884 = arith.constant 1 : i32
        %dma_start3A_885 = arith.constant 0 : i32
        %dma_start3A_886 = arith.constant 0 : i32
        %dma_start3A_887 = tpu.memref_slice %arg13[%dma_start3A_884, %dma_start3A_885, %dma_start3A_886] : memref<8x128x16xf32, #tpu.memory_space<vmem>> -> memref<1x128x16xf32, #tpu.memory_space<vmem>>
        %dma_start3A_888 = tpu.memref_squeeze %dma_start3A_887 : memref<1x128x16xf32, #tpu.memory_space<vmem>> -> memref<128x16xf32, #tpu.memory_space<vmem>>
        %dma_start3A_889 = arith.constant 0 : i32
        %dma_start3A_890 = tpu.memref_slice %arg12[%dma_start3A_883, %dma_start3A_889] : memref<16x128xi32, #tpu.memory_space<vmem>> -> memref<1x128xi32, #tpu.memory_space<vmem>>
        %dma_start3A_891 = tpu.memref_squeeze %dma_start3A_890 : memref<1x128xi32, #tpu.memory_space<vmem>> -> memref<128xi32, #tpu.memory_space<vmem>>
        %dma_start3A_892 = arith.constant 0 : i32
        %dma_start3A_893 = arith.constant 0 : i32
        %dma_start3A_894 = tpu.memref_slice %arg2[%dma_start3A_892, %dma_start3A_893] : memref<100000x16xf32, #tpu.memory_space<hbm>> -> memref<100000x16xf32, #tpu.memory_space<hbm>>
        tpu.enqueue_indirect_dma source(%dma_start3A_894 : memref<100000x16xf32, #tpu.memory_space<hbm>>) target(%dma_start3A_888 : memref<128x16xf32, #tpu.memory_space<vmem>>) offsets(%dma_start3A_891 : memref<128xi32, #tpu.memory_space<vmem>>) semaphore(%arg15 : memref<!tpu.dma_semaphore, #tpu.memory_space<semaphore_mem>>)
        %dma_start3A_895 = arith.constant 2 : i32
        %dma_start3A_896 = arith.constant 2 : i32
        %dma_start3A_897 = arith.constant 0 : i32
        %dma_start3A_898 = arith.constant 0 : i32
        %dma_start3A_899 = tpu.memref_slice %arg13[%dma_start3A_896, %dma_start3A_897, %dma_start3A_898] : memref<8x128x16xf32, #tpu.memory_space<vmem>> -> memref<1x128x16xf32, #tpu.memory_space<vmem>>
        %dma_start3A_900 = tpu.memref_squeeze %dma_start3A_899 : memref<1x128x16xf32, #tpu.memory_space<vmem>> -> memref<128x16xf32, #tpu.memory_space<vmem>>
        %dma_start3A_901 = arith.constant 0 : i32
        %dma_start3A_902 = tpu.memref_slice %arg12[%dma_start3A_895, %dma_start3A_901] : memref<16x128xi32, #tpu.memory_space<vmem>> -> memref<1x128xi32, #tpu.memory_space<vmem>>
        %dma_start3A_903 = tpu.memref_squeeze %dma_start3A_902 : memref<1x128xi32, #tpu.memory_space<vmem>> -> memref<128xi32, #tpu.memory_space<vmem>>
        %dma_start3A_904 = arith.constant 0 : i32
        %dma_start3A_905 = arith.constant 0 : i32
        %dma_start3A_906 = tpu.memref_slice %arg2[%dma_start3A_904, %dma_start3A_905] : memref<100000x16xf32, #tpu.memory_space<hbm>> -> memref<100000x16xf32, #tpu.memory_space<hbm>>
        tpu.enqueue_indirect_dma source(%dma_start3A_906 : memref<100000x16xf32, #tpu.memory_space<hbm>>) target(%dma_start3A_900 : memref<128x16xf32, #tpu.memory_space<vmem>>) offsets(%dma_start3A_903 : memref<128xi32, #tpu.memory_space<vmem>>) semaphore(%arg15 : memref<!tpu.dma_semaphore, #tpu.memory_space<semaphore_mem>>)
        %dma_start3A_907 = arith.constant 3 : i32
        %dma_start3A_908 = arith.constant 3 : i32
        %dma_start3A_909 = arith.constant 0 : i32
        %dma_start3A_910 = arith.constant 0 : i32
        %dma_start3A_911 = tpu.memref_slice %arg13[%dma_start3A_908, %dma_start3A_909, %dma_start3A_910] : memref<8x128x16xf32, #tpu.memory_space<vmem>> -> memref<1x128x16xf32, #tpu.memory_space<vmem>>
        %dma_start3A_912 = tpu.memref_squeeze %dma_start3A_911 : memref<1x128x16xf32, #tpu.memory_space<vmem>> -> memref<128x16xf32, #tpu.memory_space<vmem>>
        %dma_start3A_913 = arith.constant 0 : i32
        %dma_start3A_914 = tpu.memref_slice %arg12[%dma_start3A_907, %dma_start3A_913] : memref<16x128xi32, #tpu.memory_space<vmem>> -> memref<1x128xi32, #tpu.memory_space<vmem>>
        %dma_start3A_915 = tpu.memref_squeeze %dma_start3A_914 : memref<1x128xi32, #tpu.memory_space<vmem>> -> memref<128xi32, #tpu.memory_space<vmem>>
        %dma_start3A_916 = arith.constant 0 : i32
        %dma_start3A_917 = arith.constant 0 : i32
        %dma_start3A_918 = tpu.memref_slice %arg2[%dma_start3A_916, %dma_start3A_917] : memref<100000x16xf32, #tpu.memory_space<hbm>> -> memref<100000x16xf32, #tpu.memory_space<hbm>>
        tpu.enqueue_indirect_dma source(%dma_start3A_918 : memref<100000x16xf32, #tpu.memory_space<hbm>>) target(%dma_start3A_912 : memref<128x16xf32, #tpu.memory_space<vmem>>) offsets(%dma_start3A_915 : memref<128xi32, #tpu.memory_space<vmem>>) semaphore(%arg15 : memref<!tpu.dma_semaphore, #tpu.memory_space<semaphore_mem>>)
        %dma_start3A_919 = arith.constant 4 : i32
        %dma_start3A_920 = arith.constant 4 : i32
        %dma_start3A_921 = arith.constant 0 : i32
        %dma_start3A_922 = arith.constant 0 : i32
        %dma_start3A_923 = tpu.memref_slice %arg13[%dma_start3A_920, %dma_start3A_921, %dma_start3A_922] : memref<8x128x16xf32, #tpu.memory_space<vmem>> -> memref<1x128x16xf32, #tpu.memory_space<vmem>>
        %dma_start3A_924 = tpu.memref_squeeze %dma_start3A_923 : memref<1x128x16xf32, #tpu.memory_space<vmem>> -> memref<128x16xf32, #tpu.memory_space<vmem>>
        %dma_start3A_925 = arith.constant 0 : i32
        %dma_start3A_926 = tpu.memref_slice %arg12[%dma_start3A_919, %dma_start3A_925] : memref<16x128xi32, #tpu.memory_space<vmem>> -> memref<1x128xi32, #tpu.memory_space<vmem>>
        %dma_start3A_927 = tpu.memref_squeeze %dma_start3A_926 : memref<1x128xi32, #tpu.memory_space<vmem>> -> memref<128xi32, #tpu.memory_space<vmem>>
        %dma_start3A_928 = arith.constant 0 : i32
        %dma_start3A_929 = arith.constant 0 : i32
        %dma_start3A_930 = tpu.memref_slice %arg2[%dma_start3A_928, %dma_start3A_929] : memref<100000x16xf32, #tpu.memory_space<hbm>> -> memref<100000x16xf32, #tpu.memory_space<hbm>>
        tpu.enqueue_indirect_dma source(%dma_start3A_930 : memref<100000x16xf32, #tpu.memory_space<hbm>>) target(%dma_start3A_924 : memref<128x16xf32, #tpu.memory_space<vmem>>) offsets(%dma_start3A_927 : memref<128xi32, #tpu.memory_space<vmem>>) semaphore(%arg15 : memref<!tpu.dma_semaphore, #tpu.memory_space<semaphore_mem>>)
        %dma_start3A_931 = arith.constant 5 : i32
        %dma_start3A_932 = arith.constant 5 : i32
        %dma_start3A_933 = arith.constant 0 : i32
        %dma_start3A_934 = arith.constant 0 : i32
        %dma_start3A_935 = tpu.memref_slice %arg13[%dma_start3A_932, %dma_start3A_933, %dma_start3A_934] : memref<8x128x16xf32, #tpu.memory_space<vmem>> -> memref<1x128x16xf32, #tpu.memory_space<vmem>>
        %dma_start3A_936 = tpu.memref_squeeze %dma_start3A_935 : memref<1x128x16xf32, #tpu.memory_space<vmem>> -> memref<128x16xf32, #tpu.memory_space<vmem>>
        %dma_start3A_937 = arith.constant 0 : i32
        %dma_start3A_938 = tpu.memref_slice %arg12[%dma_start3A_931, %dma_start3A_937] : memref<16x128xi32, #tpu.memory_space<vmem>> -> memref<1x128xi32, #tpu.memory_space<vmem>>
        %dma_start3A_939 = tpu.memref_squeeze %dma_start3A_938 : memref<1x128xi32, #tpu.memory_space<vmem>> -> memref<128xi32, #tpu.memory_space<vmem>>
        %dma_start3A_940 = arith.constant 0 : i32
        %dma_start3A_941 = arith.constant 0 : i32
        %dma_start3A_942 = tpu.memref_slice %arg2[%dma_start3A_940, %dma_start3A_941] : memref<100000x16xf32, #tpu.memory_space<hbm>> -> memref<100000x16xf32, #tpu.memory_space<hbm>>
        tpu.enqueue_indirect_dma source(%dma_start3A_942 : memref<100000x16xf32, #tpu.memory_space<hbm>>) target(%dma_start3A_936 : memref<128x16xf32, #tpu.memory_space<vmem>>) offsets(%dma_start3A_939 : memref<128xi32, #tpu.memory_space<vmem>>) semaphore(%arg15 : memref<!tpu.dma_semaphore, #tpu.memory_space<semaphore_mem>>)
        %dma_wait3A_943 = arith.constant 0 : i32
        %dma_wait3A_944 = arith.constant 0 : i32
        %dma_wait3A_945 = arith.constant 0 : i32
        %dma_wait3A_946 = arith.constant 0 : i32
        %dma_wait3A_947 = tpu.memref_slice %arg13[%dma_wait3A_944, %dma_wait3A_945, %dma_wait3A_946] : memref<8x128x16xf32, #tpu.memory_space<vmem>> -> memref<1x128x16xf32, #tpu.memory_space<vmem>>
        %dma_wait3A_948 = tpu.memref_squeeze %dma_wait3A_947 : memref<1x128x16xf32, #tpu.memory_space<vmem>> -> memref<128x16xf32, #tpu.memory_space<vmem>>
        %dma_wait3A_949 = arith.constant 0 : i32
        %dma_wait3A_950 = tpu.memref_slice %arg12[%dma_wait3A_943, %dma_wait3A_949] : memref<16x128xi32, #tpu.memory_space<vmem>> -> memref<1x128xi32, #tpu.memory_space<vmem>>
        %dma_wait3A_951 = tpu.memref_squeeze %dma_wait3A_950 : memref<1x128xi32, #tpu.memory_space<vmem>> -> memref<128xi32, #tpu.memory_space<vmem>>
        %dma_wait3A_952 = arith.constant 0 : i32
        %dma_wait3A_953 = arith.constant 0 : i32
        %dma_wait3A_954 = tpu.memref_slice %arg2[%dma_wait3A_952, %dma_wait3A_953] : memref<100000x16xf32, #tpu.memory_space<hbm>> -> memref<100000x16xf32, #tpu.memory_space<hbm>>
        tpu.wait_indirect_dma semaphore(%arg15 : memref<!tpu.dma_semaphore, #tpu.memory_space<semaphore_mem>>) src(%dma_wait3A_954 : memref<100000x16xf32, #tpu.memory_space<hbm>>) dst(%dma_wait3A_948 : memref<128x16xf32, #tpu.memory_space<vmem>>)
        %dma_start3A_955 = arith.constant 6 : i32
        %dma_start3A_956 = arith.constant 6 : i32
        %dma_start3A_957 = arith.constant 0 : i32
        %dma_start3A_958 = arith.constant 0 : i32
        %dma_start3A_959 = tpu.memref_slice %arg13[%dma_start3A_956, %dma_start3A_957, %dma_start3A_958] : memref<8x128x16xf32, #tpu.memory_space<vmem>> -> memref<1x128x16xf32, #tpu.memory_space<vmem>>
        %dma_start3A_960 = tpu.memref_squeeze %dma_start3A_959 : memref<1x128x16xf32, #tpu.memory_space<vmem>> -> memref<128x16xf32, #tpu.memory_space<vmem>>
        %dma_start3A_961 = arith.constant 0 : i32
        %dma_start3A_962 = tpu.memref_slice %arg12[%dma_start3A_955, %dma_start3A_961] : memref<16x128xi32, #tpu.memory_space<vmem>> -> memref<1x128xi32, #tpu.memory_space<vmem>>
        %dma_start3A_963 = tpu.memref_squeeze %dma_start3A_962 : memref<1x128xi32, #tpu.memory_space<vmem>> -> memref<128xi32, #tpu.memory_space<vmem>>
        %dma_start3A_964 = arith.constant 0 : i32
        %dma_start3A_965 = arith.constant 0 : i32
        %dma_start3A_966 = tpu.memref_slice %arg2[%dma_start3A_964, %dma_start3A_965] : memref<100000x16xf32, #tpu.memory_space<hbm>> -> memref<100000x16xf32, #tpu.memory_space<hbm>>
        tpu.enqueue_indirect_dma source(%dma_start3A_966 : memref<100000x16xf32, #tpu.memory_space<hbm>>) target(%dma_start3A_960 : memref<128x16xf32, #tpu.memory_space<vmem>>) offsets(%dma_start3A_963 : memref<128xi32, #tpu.memory_space<vmem>>) semaphore(%arg15 : memref<!tpu.dma_semaphore, #tpu.memory_space<semaphore_mem>>)
        %dma_start3A_967 = arith.constant 0 : i32
        %dma_start3A_968 = arith.constant 8 : i32
        %dma_start3A_969 = arith.constant 0 : i32
        %dma_start3A_970 = arith.constant 0 : i32
        %dma_start3A_971 = tpu.memref_slice %arg13[%dma_start3A_967, %dma_start3A_969, %dma_start3A_970] : memref<8x128x16xf32, #tpu.memory_space<vmem>> -> memref<1x128x16xf32, #tpu.memory_space<vmem>>
        %dma_start3A_972 = tpu.memref_squeeze %dma_start3A_971 : memref<1x128x16xf32, #tpu.memory_space<vmem>> -> memref<128x16xf32, #tpu.memory_space<vmem>>
        %dma_start3A_973 = arith.constant 0 : i32
        %dma_start3A_974 = tpu.memref_slice %arg12[%dma_start3A_968, %dma_start3A_973] : memref<16x128xi32, #tpu.memory_space<vmem>> -> memref<1x128xi32, #tpu.memory_space<vmem>>
        %dma_start3A_975 = tpu.memref_squeeze %dma_start3A_974 : memref<1x128xi32, #tpu.memory_space<vmem>> -> memref<128xi32, #tpu.memory_space<vmem>>
        %dma_start3A_976 = arith.constant 0 : i32
        %dma_start3A_977 = arith.constant 0 : i32
        %dma_start3A_978 = tpu.memref_slice %arg14[%dma_start3A_976, %dma_start3A_977] : memref<100096x16xf32, #tpu.memory_space<vmem_shared>> -> memref<100096x16xf32, #tpu.memory_space<vmem_shared>>
        tpu.enqueue_indirect_dma source(%dma_start3A_972 : memref<128x16xf32, #tpu.memory_space<vmem>>) target(%dma_start3A_978 : memref<100096x16xf32, #tpu.memory_space<vmem_shared>>) offsets(%dma_start3A_975 : memref<128xi32, #tpu.memory_space<vmem>>) semaphore(%arg16 : memref<!tpu.dma_semaphore, #tpu.memory_space<semaphore_mem>>) {add = true}
        %dma_wait3A_979 = arith.constant 1 : i32
        %dma_wait3A_980 = arith.constant 1 : i32
        %dma_wait3A_981 = arith.constant 0 : i32
        %dma_wait3A_982 = arith.constant 0 : i32
        %dma_wait3A_983 = tpu.memref_slice %arg13[%dma_wait3A_980, %dma_wait3A_981, %dma_wait3A_982] : memref<8x128x16xf32, #tpu.memory_space<vmem>> -> memref<1x128x16xf32, #tpu.memory_space<vmem>>
        %dma_wait3A_984 = tpu.memref_squeeze %dma_wait3A_983 : memref<1x128x16xf32, #tpu.memory_space<vmem>> -> memref<128x16xf32, #tpu.memory_space<vmem>>
        %dma_wait3A_985 = arith.constant 0 : i32
        %dma_wait3A_986 = tpu.memref_slice %arg12[%dma_wait3A_979, %dma_wait3A_985] : memref<16x128xi32, #tpu.memory_space<vmem>> -> memref<1x128xi32, #tpu.memory_space<vmem>>
        %dma_wait3A_987 = tpu.memref_squeeze %dma_wait3A_986 : memref<1x128xi32, #tpu.memory_space<vmem>> -> memref<128xi32, #tpu.memory_space<vmem>>
        %dma_wait3A_988 = arith.constant 0 : i32
        %dma_wait3A_989 = arith.constant 0 : i32
        %dma_wait3A_990 = tpu.memref_slice %arg2[%dma_wait3A_988, %dma_wait3A_989] : memref<100000x16xf32, #tpu.memory_space<hbm>> -> memref<100000x16xf32, #tpu.memory_space<hbm>>
        tpu.wait_indirect_dma semaphore(%arg15 : memref<!tpu.dma_semaphore, #tpu.memory_space<semaphore_mem>>) src(%dma_wait3A_990 : memref<100000x16xf32, #tpu.memory_space<hbm>>) dst(%dma_wait3A_984 : memref<128x16xf32, #tpu.memory_space<vmem>>)
        %dma_start3A_991 = arith.constant 7 : i32
        %dma_start3A_992 = arith.constant 7 : i32
        %dma_start3A_993 = arith.constant 0 : i32
        %dma_start3A_994 = arith.constant 0 : i32
        %dma_start3A_995 = tpu.memref_slice %arg13[%dma_start3A_992, %dma_start3A_993, %dma_start3A_994] : memref<8x128x16xf32, #tpu.memory_space<vmem>> -> memref<1x128x16xf32, #tpu.memory_space<vmem>>
        %dma_start3A_996 = tpu.memref_squeeze %dma_start3A_995 : memref<1x128x16xf32, #tpu.memory_space<vmem>> -> memref<128x16xf32, #tpu.memory_space<vmem>>
        %dma_start3A_997 = arith.constant 0 : i32
        %dma_start3A_998 = tpu.memref_slice %arg12[%dma_start3A_991, %dma_start3A_997] : memref<16x128xi32, #tpu.memory_space<vmem>> -> memref<1x128xi32, #tpu.memory_space<vmem>>
        %dma_start3A_999 = tpu.memref_squeeze %dma_start3A_998 : memref<1x128xi32, #tpu.memory_space<vmem>> -> memref<128xi32, #tpu.memory_space<vmem>>
        %dma_start3A_1000 = arith.constant 0 : i32
        %dma_start3A_1001 = arith.constant 0 : i32
        %dma_start3A_1002 = tpu.memref_slice %arg2[%dma_start3A_1000, %dma_start3A_1001] : memref<100000x16xf32, #tpu.memory_space<hbm>> -> memref<100000x16xf32, #tpu.memory_space<hbm>>
        tpu.enqueue_indirect_dma source(%dma_start3A_1002 : memref<100000x16xf32, #tpu.memory_space<hbm>>) target(%dma_start3A_996 : memref<128x16xf32, #tpu.memory_space<vmem>>) offsets(%dma_start3A_999 : memref<128xi32, #tpu.memory_space<vmem>>) semaphore(%arg15 : memref<!tpu.dma_semaphore, #tpu.memory_space<semaphore_mem>>)
        %dma_start3A_1003 = arith.constant 1 : i32
        %dma_start3A_1004 = arith.constant 9 : i32
        %dma_start3A_1005 = arith.constant 0 : i32
        %dma_start3A_1006 = arith.constant 0 : i32
        %dma_start3A_1007 = tpu.memref_slice %arg13[%dma_start3A_1003, %dma_start3A_1005, %dma_start3A_1006] : memref<8x128x16xf32, #tpu.memory_space<vmem>> -> memref<1x128x16xf32, #tpu.memory_space<vmem>>
        %dma_start3A_1008 = tpu.memref_squeeze %dma_start3A_1007 : memref<1x128x16xf32, #tpu.memory_space<vmem>> -> memref<128x16xf32, #tpu.memory_space<vmem>>
        %dma_start3A_1009 = arith.constant 0 : i32
        %dma_start3A_1010 = tpu.memref_slice %arg12[%dma_start3A_1004, %dma_start3A_1009] : memref<16x128xi32, #tpu.memory_space<vmem>> -> memref<1x128xi32, #tpu.memory_space<vmem>>
        %dma_start3A_1011 = tpu.memref_squeeze %dma_start3A_1010 : memref<1x128xi32, #tpu.memory_space<vmem>> -> memref<128xi32, #tpu.memory_space<vmem>>
        %dma_start3A_1012 = arith.constant 0 : i32
        %dma_start3A_1013 = arith.constant 0 : i32
        %dma_start3A_1014 = tpu.memref_slice %arg14[%dma_start3A_1012, %dma_start3A_1013] : memref<100096x16xf32, #tpu.memory_space<vmem_shared>> -> memref<100096x16xf32, #tpu.memory_space<vmem_shared>>
        tpu.enqueue_indirect_dma source(%dma_start3A_1008 : memref<128x16xf32, #tpu.memory_space<vmem>>) target(%dma_start3A_1014 : memref<100096x16xf32, #tpu.memory_space<vmem_shared>>) offsets(%dma_start3A_1011 : memref<128xi32, #tpu.memory_space<vmem>>) semaphore(%arg16 : memref<!tpu.dma_semaphore, #tpu.memory_space<semaphore_mem>>) {add = true}
        %dma_wait3A_1015 = arith.constant 2 : i32
        %dma_wait3A_1016 = arith.constant 2 : i32
        %dma_wait3A_1017 = arith.constant 0 : i32
        %dma_wait3A_1018 = arith.constant 0 : i32
        %dma_wait3A_1019 = tpu.memref_slice %arg13[%dma_wait3A_1016, %dma_wait3A_1017, %dma_wait3A_1018] : memref<8x128x16xf32, #tpu.memory_space<vmem>> -> memref<1x128x16xf32, #tpu.memory_space<vmem>>
        %dma_wait3A_1020 = tpu.memref_squeeze %dma_wait3A_1019 : memref<1x128x16xf32, #tpu.memory_space<vmem>> -> memref<128x16xf32, #tpu.memory_space<vmem>>
        %dma_wait3A_1021 = arith.constant 0 : i32
        %dma_wait3A_1022 = tpu.memref_slice %arg12[%dma_wait3A_1015, %dma_wait3A_1021] : memref<16x128xi32, #tpu.memory_space<vmem>> -> memref<1x128xi32, #tpu.memory_space<vmem>>
        %dma_wait3A_1023 = tpu.memref_squeeze %dma_wait3A_1022 : memref<1x128xi32, #tpu.memory_space<vmem>> -> memref<128xi32, #tpu.memory_space<vmem>>
        %dma_wait3A_1024 = arith.constant 0 : i32
        %dma_wait3A_1025 = arith.constant 0 : i32
        %dma_wait3A_1026 = tpu.memref_slice %arg2[%dma_wait3A_1024, %dma_wait3A_1025] : memref<100000x16xf32, #tpu.memory_space<hbm>> -> memref<100000x16xf32, #tpu.memory_space<hbm>>
        tpu.wait_indirect_dma semaphore(%arg15 : memref<!tpu.dma_semaphore, #tpu.memory_space<semaphore_mem>>) src(%dma_wait3A_1026 : memref<100000x16xf32, #tpu.memory_space<hbm>>) dst(%dma_wait3A_1020 : memref<128x16xf32, #tpu.memory_space<vmem>>)
        %dma_start3A_1027 = arith.constant 2 : i32
        %dma_start3A_1028 = arith.constant 10 : i32
        %dma_start3A_1029 = arith.constant 0 : i32
        %dma_start3A_1030 = arith.constant 0 : i32
        %dma_start3A_1031 = tpu.memref_slice %arg13[%dma_start3A_1027, %dma_start3A_1029, %dma_start3A_1030] : memref<8x128x16xf32, #tpu.memory_space<vmem>> -> memref<1x128x16xf32, #tpu.memory_space<vmem>>
        %dma_start3A_1032 = tpu.memref_squeeze %dma_start3A_1031 : memref<1x128x16xf32, #tpu.memory_space<vmem>> -> memref<128x16xf32, #tpu.memory_space<vmem>>
        %dma_start3A_1033 = arith.constant 0 : i32
        %dma_start3A_1034 = tpu.memref_slice %arg12[%dma_start3A_1028, %dma_start3A_1033] : memref<16x128xi32, #tpu.memory_space<vmem>> -> memref<1x128xi32, #tpu.memory_space<vmem>>
        %dma_start3A_1035 = tpu.memref_squeeze %dma_start3A_1034 : memref<1x128xi32, #tpu.memory_space<vmem>> -> memref<128xi32, #tpu.memory_space<vmem>>
        %dma_start3A_1036 = arith.constant 0 : i32
        %dma_start3A_1037 = arith.constant 0 : i32
        %dma_start3A_1038 = tpu.memref_slice %arg14[%dma_start3A_1036, %dma_start3A_1037] : memref<100096x16xf32, #tpu.memory_space<vmem_shared>> -> memref<100096x16xf32, #tpu.memory_space<vmem_shared>>
        tpu.enqueue_indirect_dma source(%dma_start3A_1032 : memref<128x16xf32, #tpu.memory_space<vmem>>) target(%dma_start3A_1038 : memref<100096x16xf32, #tpu.memory_space<vmem_shared>>) offsets(%dma_start3A_1035 : memref<128xi32, #tpu.memory_space<vmem>>) semaphore(%arg16 : memref<!tpu.dma_semaphore, #tpu.memory_space<semaphore_mem>>) {add = true}
        %dma_wait3A_1039 = arith.constant 3 : i32
        %dma_wait3A_1040 = arith.constant 3 : i32
        %dma_wait3A_1041 = arith.constant 0 : i32
        %dma_wait3A_1042 = arith.constant 0 : i32
        %dma_wait3A_1043 = tpu.memref_slice %arg13[%dma_wait3A_1040, %dma_wait3A_1041, %dma_wait3A_1042] : memref<8x128x16xf32, #tpu.memory_space<vmem>> -> memref<1x128x16xf32, #tpu.memory_space<vmem>>
        %dma_wait3A_1044 = tpu.memref_squeeze %dma_wait3A_1043 : memref<1x128x16xf32, #tpu.memory_space<vmem>> -> memref<128x16xf32, #tpu.memory_space<vmem>>
        %dma_wait3A_1045 = arith.constant 0 : i32
        %dma_wait3A_1046 = tpu.memref_slice %arg12[%dma_wait3A_1039, %dma_wait3A_1045] : memref<16x128xi32, #tpu.memory_space<vmem>> -> memref<1x128xi32, #tpu.memory_space<vmem>>
        %dma_wait3A_1047 = tpu.memref_squeeze %dma_wait3A_1046 : memref<1x128xi32, #tpu.memory_space<vmem>> -> memref<128xi32, #tpu.memory_space<vmem>>
        %dma_wait3A_1048 = arith.constant 0 : i32
        %dma_wait3A_1049 = arith.constant 0 : i32
        %dma_wait3A_1050 = tpu.memref_slice %arg2[%dma_wait3A_1048, %dma_wait3A_1049] : memref<100000x16xf32, #tpu.memory_space<hbm>> -> memref<100000x16xf32, #tpu.memory_space<hbm>>
        tpu.wait_indirect_dma semaphore(%arg15 : memref<!tpu.dma_semaphore, #tpu.memory_space<semaphore_mem>>) src(%dma_wait3A_1050 : memref<100000x16xf32, #tpu.memory_space<hbm>>) dst(%dma_wait3A_1044 : memref<128x16xf32, #tpu.memory_space<vmem>>)
        %dma_start3A_1051 = arith.constant 3 : i32
        %dma_start3A_1052 = arith.constant 11 : i32
        %dma_start3A_1053 = arith.constant 0 : i32
        %dma_start3A_1054 = arith.constant 0 : i32
        %dma_start3A_1055 = tpu.memref_slice %arg13[%dma_start3A_1051, %dma_start3A_1053, %dma_start3A_1054] : memref<8x128x16xf32, #tpu.memory_space<vmem>> -> memref<1x128x16xf32, #tpu.memory_space<vmem>>
        %dma_start3A_1056 = tpu.memref_squeeze %dma_start3A_1055 : memref<1x128x16xf32, #tpu.memory_space<vmem>> -> memref<128x16xf32, #tpu.memory_space<vmem>>
        %dma_start3A_1057 = arith.constant 0 : i32
        %dma_start3A_1058 = tpu.memref_slice %arg12[%dma_start3A_1052, %dma_start3A_1057] : memref<16x128xi32, #tpu.memory_space<vmem>> -> memref<1x128xi32, #tpu.memory_space<vmem>>
        %dma_start3A_1059 = tpu.memref_squeeze %dma_start3A_1058 : memref<1x128xi32, #tpu.memory_space<vmem>> -> memref<128xi32, #tpu.memory_space<vmem>>
        %dma_start3A_1060 = arith.constant 0 : i32
        %dma_start3A_1061 = arith.constant 0 : i32
        %dma_start3A_1062 = tpu.memref_slice %arg14[%dma_start3A_1060, %dma_start3A_1061] : memref<100096x16xf32, #tpu.memory_space<vmem_shared>> -> memref<100096x16xf32, #tpu.memory_space<vmem_shared>>
        tpu.enqueue_indirect_dma source(%dma_start3A_1056 : memref<128x16xf32, #tpu.memory_space<vmem>>) target(%dma_start3A_1062 : memref<100096x16xf32, #tpu.memory_space<vmem_shared>>) offsets(%dma_start3A_1059 : memref<128xi32, #tpu.memory_space<vmem>>) semaphore(%arg16 : memref<!tpu.dma_semaphore, #tpu.memory_space<semaphore_mem>>) {add = true}
        %dma_wait3A_1063 = arith.constant 4 : i32
        %dma_wait3A_1064 = arith.constant 4 : i32
        %dma_wait3A_1065 = arith.constant 0 : i32
        %dma_wait3A_1066 = arith.constant 0 : i32
        %dma_wait3A_1067 = tpu.memref_slice %arg13[%dma_wait3A_1064, %dma_wait3A_1065, %dma_wait3A_1066] : memref<8x128x16xf32, #tpu.memory_space<vmem>> -> memref<1x128x16xf32, #tpu.memory_space<vmem>>
        %dma_wait3A_1068 = tpu.memref_squeeze %dma_wait3A_1067 : memref<1x128x16xf32, #tpu.memory_space<vmem>> -> memref<128x16xf32, #tpu.memory_space<vmem>>
        %dma_wait3A_1069 = arith.constant 0 : i32
        %dma_wait3A_1070 = tpu.memref_slice %arg12[%dma_wait3A_1063, %dma_wait3A_1069] : memref<16x128xi32, #tpu.memory_space<vmem>> -> memref<1x128xi32, #tpu.memory_space<vmem>>
        %dma_wait3A_1071 = tpu.memref_squeeze %dma_wait3A_1070 : memref<1x128xi32, #tpu.memory_space<vmem>> -> memref<128xi32, #tpu.memory_space<vmem>>
        %dma_wait3A_1072 = arith.constant 0 : i32
        %dma_wait3A_1073 = arith.constant 0 : i32
        %dma_wait3A_1074 = tpu.memref_slice %arg2[%dma_wait3A_1072, %dma_wait3A_1073] : memref<100000x16xf32, #tpu.memory_space<hbm>> -> memref<100000x16xf32, #tpu.memory_space<hbm>>
        tpu.wait_indirect_dma semaphore(%arg15 : memref<!tpu.dma_semaphore, #tpu.memory_space<semaphore_mem>>) src(%dma_wait3A_1074 : memref<100000x16xf32, #tpu.memory_space<hbm>>) dst(%dma_wait3A_1068 : memref<128x16xf32, #tpu.memory_space<vmem>>)
        %dma_start3A_1075 = arith.constant 4 : i32
        %dma_start3A_1076 = arith.constant 12 : i32
        %dma_start3A_1077 = arith.constant 0 : i32
        %dma_start3A_1078 = arith.constant 0 : i32
        %dma_start3A_1079 = tpu.memref_slice %arg13[%dma_start3A_1075, %dma_start3A_1077, %dma_start3A_1078] : memref<8x128x16xf32, #tpu.memory_space<vmem>> -> memref<1x128x16xf32, #tpu.memory_space<vmem>>
        %dma_start3A_1080 = tpu.memref_squeeze %dma_start3A_1079 : memref<1x128x16xf32, #tpu.memory_space<vmem>> -> memref<128x16xf32, #tpu.memory_space<vmem>>
        %dma_start3A_1081 = arith.constant 0 : i32
        %dma_start3A_1082 = tpu.memref_slice %arg12[%dma_start3A_1076, %dma_start3A_1081] : memref<16x128xi32, #tpu.memory_space<vmem>> -> memref<1x128xi32, #tpu.memory_space<vmem>>
        %dma_start3A_1083 = tpu.memref_squeeze %dma_start3A_1082 : memref<1x128xi32, #tpu.memory_space<vmem>> -> memref<128xi32, #tpu.memory_space<vmem>>
        %dma_start3A_1084 = arith.constant 0 : i32
        %dma_start3A_1085 = arith.constant 0 : i32
        %dma_start3A_1086 = tpu.memref_slice %arg14[%dma_start3A_1084, %dma_start3A_1085] : memref<100096x16xf32, #tpu.memory_space<vmem_shared>> -> memref<100096x16xf32, #tpu.memory_space<vmem_shared>>
        tpu.enqueue_indirect_dma source(%dma_start3A_1080 : memref<128x16xf32, #tpu.memory_space<vmem>>) target(%dma_start3A_1086 : memref<100096x16xf32, #tpu.memory_space<vmem_shared>>) offsets(%dma_start3A_1083 : memref<128xi32, #tpu.memory_space<vmem>>) semaphore(%arg16 : memref<!tpu.dma_semaphore, #tpu.memory_space<semaphore_mem>>) {add = true}
        %dma_wait3A_1087 = arith.constant 5 : i32
        %dma_wait3A_1088 = arith.constant 5 : i32
        %dma_wait3A_1089 = arith.constant 0 : i32
        %dma_wait3A_1090 = arith.constant 0 : i32
        %dma_wait3A_1091 = tpu.memref_slice %arg13[%dma_wait3A_1088, %dma_wait3A_1089, %dma_wait3A_1090] : memref<8x128x16xf32, #tpu.memory_space<vmem>> -> memref<1x128x16xf32, #tpu.memory_space<vmem>>
        %dma_wait3A_1092 = tpu.memref_squeeze %dma_wait3A_1091 : memref<1x128x16xf32, #tpu.memory_space<vmem>> -> memref<128x16xf32, #tpu.memory_space<vmem>>
        %dma_wait3A_1093 = arith.constant 0 : i32
        %dma_wait3A_1094 = tpu.memref_slice %arg12[%dma_wait3A_1087, %dma_wait3A_1093] : memref<16x128xi32, #tpu.memory_space<vmem>> -> memref<1x128xi32, #tpu.memory_space<vmem>>
        %dma_wait3A_1095 = tpu.memref_squeeze %dma_wait3A_1094 : memref<1x128xi32, #tpu.memory_space<vmem>> -> memref<128xi32, #tpu.memory_space<vmem>>
        %dma_wait3A_1096 = arith.constant 0 : i32
        %dma_wait3A_1097 = arith.constant 0 : i32
        %dma_wait3A_1098 = tpu.memref_slice %arg2[%dma_wait3A_1096, %dma_wait3A_1097] : memref<100000x16xf32, #tpu.memory_space<hbm>> -> memref<100000x16xf32, #tpu.memory_space<hbm>>
        tpu.wait_indirect_dma semaphore(%arg15 : memref<!tpu.dma_semaphore, #tpu.memory_space<semaphore_mem>>) src(%dma_wait3A_1098 : memref<100000x16xf32, #tpu.memory_space<hbm>>) dst(%dma_wait3A_1092 : memref<128x16xf32, #tpu.memory_space<vmem>>)
        %dma_start3A_1099 = arith.constant 5 : i32
        %dma_start3A_1100 = arith.constant 13 : i32
        %dma_start3A_1101 = arith.constant 0 : i32
        %dma_start3A_1102 = arith.constant 0 : i32
        %dma_start3A_1103 = tpu.memref_slice %arg13[%dma_start3A_1099, %dma_start3A_1101, %dma_start3A_1102] : memref<8x128x16xf32, #tpu.memory_space<vmem>> -> memref<1x128x16xf32, #tpu.memory_space<vmem>>
        %dma_start3A_1104 = tpu.memref_squeeze %dma_start3A_1103 : memref<1x128x16xf32, #tpu.memory_space<vmem>> -> memref<128x16xf32, #tpu.memory_space<vmem>>
        %dma_start3A_1105 = arith.constant 0 : i32
        %dma_start3A_1106 = tpu.memref_slice %arg12[%dma_start3A_1100, %dma_start3A_1105] : memref<16x128xi32, #tpu.memory_space<vmem>> -> memref<1x128xi32, #tpu.memory_space<vmem>>
        %dma_start3A_1107 = tpu.memref_squeeze %dma_start3A_1106 : memref<1x128xi32, #tpu.memory_space<vmem>> -> memref<128xi32, #tpu.memory_space<vmem>>
        %dma_start3A_1108 = arith.constant 0 : i32
        %dma_start3A_1109 = arith.constant 0 : i32
        %dma_start3A_1110 = tpu.memref_slice %arg14[%dma_start3A_1108, %dma_start3A_1109] : memref<100096x16xf32, #tpu.memory_space<vmem_shared>> -> memref<100096x16xf32, #tpu.memory_space<vmem_shared>>
        tpu.enqueue_indirect_dma source(%dma_start3A_1104 : memref<128x16xf32, #tpu.memory_space<vmem>>) target(%dma_start3A_1110 : memref<100096x16xf32, #tpu.memory_space<vmem_shared>>) offsets(%dma_start3A_1107 : memref<128xi32, #tpu.memory_space<vmem>>) semaphore(%arg16 : memref<!tpu.dma_semaphore, #tpu.memory_space<semaphore_mem>>) {add = true}
        %dma_wait3A_1111 = arith.constant 6 : i32
        %dma_wait3A_1112 = arith.constant 6 : i32
        %dma_wait3A_1113 = arith.constant 0 : i32
        %dma_wait3A_1114 = arith.constant 0 : i32
        %dma_wait3A_1115 = tpu.memref_slice %arg13[%dma_wait3A_1112, %dma_wait3A_1113, %dma_wait3A_1114] : memref<8x128x16xf32, #tpu.memory_space<vmem>> -> memref<1x128x16xf32, #tpu.memory_space<vmem>>
        %dma_wait3A_1116 = tpu.memref_squeeze %dma_wait3A_1115 : memref<1x128x16xf32, #tpu.memory_space<vmem>> -> memref<128x16xf32, #tpu.memory_space<vmem>>
        %dma_wait3A_1117 = arith.constant 0 : i32
        %dma_wait3A_1118 = tpu.memref_slice %arg12[%dma_wait3A_1111, %dma_wait3A_1117] : memref<16x128xi32, #tpu.memory_space<vmem>> -> memref<1x128xi32, #tpu.memory_space<vmem>>
        %dma_wait3A_1119 = tpu.memref_squeeze %dma_wait3A_1118 : memref<1x128xi32, #tpu.memory_space<vmem>> -> memref<128xi32, #tpu.memory_space<vmem>>
        %dma_wait3A_1120 = arith.constant 0 : i32
        %dma_wait3A_1121 = arith.constant 0 : i32
        %dma_wait3A_1122 = tpu.memref_slice %arg2[%dma_wait3A_1120, %dma_wait3A_1121] : memref<100000x16xf32, #tpu.memory_space<hbm>> -> memref<100000x16xf32, #tpu.memory_space<hbm>>
        tpu.wait_indirect_dma semaphore(%arg15 : memref<!tpu.dma_semaphore, #tpu.memory_space<semaphore_mem>>) src(%dma_wait3A_1122 : memref<100000x16xf32, #tpu.memory_space<hbm>>) dst(%dma_wait3A_1116 : memref<128x16xf32, #tpu.memory_space<vmem>>)
        %dma_start3A_1123 = arith.constant 6 : i32
        %dma_start3A_1124 = arith.constant 14 : i32
        %dma_start3A_1125 = arith.constant 0 : i32
        %dma_start3A_1126 = arith.constant 0 : i32
        %dma_start3A_1127 = tpu.memref_slice %arg13[%dma_start3A_1123, %dma_start3A_1125, %dma_start3A_1126] : memref<8x128x16xf32, #tpu.memory_space<vmem>> -> memref<1x128x16xf32, #tpu.memory_space<vmem>>
        %dma_start3A_1128 = tpu.memref_squeeze %dma_start3A_1127 : memref<1x128x16xf32, #tpu.memory_space<vmem>> -> memref<128x16xf32, #tpu.memory_space<vmem>>
        %dma_start3A_1129 = arith.constant 0 : i32
        %dma_start3A_1130 = tpu.memref_slice %arg12[%dma_start3A_1124, %dma_start3A_1129] : memref<16x128xi32, #tpu.memory_space<vmem>> -> memref<1x128xi32, #tpu.memory_space<vmem>>
        %dma_start3A_1131 = tpu.memref_squeeze %dma_start3A_1130 : memref<1x128xi32, #tpu.memory_space<vmem>> -> memref<128xi32, #tpu.memory_space<vmem>>
        %dma_start3A_1132 = arith.constant 0 : i32
        %dma_start3A_1133 = arith.constant 0 : i32
        %dma_start3A_1134 = tpu.memref_slice %arg14[%dma_start3A_1132, %dma_start3A_1133] : memref<100096x16xf32, #tpu.memory_space<vmem_shared>> -> memref<100096x16xf32, #tpu.memory_space<vmem_shared>>
        tpu.enqueue_indirect_dma source(%dma_start3A_1128 : memref<128x16xf32, #tpu.memory_space<vmem>>) target(%dma_start3A_1134 : memref<100096x16xf32, #tpu.memory_space<vmem_shared>>) offsets(%dma_start3A_1131 : memref<128xi32, #tpu.memory_space<vmem>>) semaphore(%arg16 : memref<!tpu.dma_semaphore, #tpu.memory_space<semaphore_mem>>) {add = true}
        %dma_wait3A_1135 = arith.constant 7 : i32
        %dma_wait3A_1136 = arith.constant 7 : i32
        %dma_wait3A_1137 = arith.constant 0 : i32
        %dma_wait3A_1138 = arith.constant 0 : i32
        %dma_wait3A_1139 = tpu.memref_slice %arg13[%dma_wait3A_1136, %dma_wait3A_1137, %dma_wait3A_1138] : memref<8x128x16xf32, #tpu.memory_space<vmem>> -> memref<1x128x16xf32, #tpu.memory_space<vmem>>
        %dma_wait3A_1140 = tpu.memref_squeeze %dma_wait3A_1139 : memref<1x128x16xf32, #tpu.memory_space<vmem>> -> memref<128x16xf32, #tpu.memory_space<vmem>>
        %dma_wait3A_1141 = arith.constant 0 : i32
        %dma_wait3A_1142 = tpu.memref_slice %arg12[%dma_wait3A_1135, %dma_wait3A_1141] : memref<16x128xi32, #tpu.memory_space<vmem>> -> memref<1x128xi32, #tpu.memory_space<vmem>>
        %dma_wait3A_1143 = tpu.memref_squeeze %dma_wait3A_1142 : memref<1x128xi32, #tpu.memory_space<vmem>> -> memref<128xi32, #tpu.memory_space<vmem>>
        %dma_wait3A_1144 = arith.constant 0 : i32
        %dma_wait3A_1145 = arith.constant 0 : i32
        %dma_wait3A_1146 = tpu.memref_slice %arg2[%dma_wait3A_1144, %dma_wait3A_1145] : memref<100000x16xf32, #tpu.memory_space<hbm>> -> memref<100000x16xf32, #tpu.memory_space<hbm>>
        tpu.wait_indirect_dma semaphore(%arg15 : memref<!tpu.dma_semaphore, #tpu.memory_space<semaphore_mem>>) src(%dma_wait3A_1146 : memref<100000x16xf32, #tpu.memory_space<hbm>>) dst(%dma_wait3A_1140 : memref<128x16xf32, #tpu.memory_space<vmem>>)
        %dma_start3A_1147 = arith.constant 7 : i32
        %dma_start3A_1148 = arith.constant 15 : i32
        %dma_start3A_1149 = arith.constant 0 : i32
        %dma_start3A_1150 = arith.constant 0 : i32
        %dma_start3A_1151 = tpu.memref_slice %arg13[%dma_start3A_1147, %dma_start3A_1149, %dma_start3A_1150] : memref<8x128x16xf32, #tpu.memory_space<vmem>> -> memref<1x128x16xf32, #tpu.memory_space<vmem>>
        %dma_start3A_1152 = tpu.memref_squeeze %dma_start3A_1151 : memref<1x128x16xf32, #tpu.memory_space<vmem>> -> memref<128x16xf32, #tpu.memory_space<vmem>>
        %dma_start3A_1153 = arith.constant 0 : i32
        %dma_start3A_1154 = tpu.memref_slice %arg12[%dma_start3A_1148, %dma_start3A_1153] : memref<16x128xi32, #tpu.memory_space<vmem>> -> memref<1x128xi32, #tpu.memory_space<vmem>>
        %dma_start3A_1155 = tpu.memref_squeeze %dma_start3A_1154 : memref<1x128xi32, #tpu.memory_space<vmem>> -> memref<128xi32, #tpu.memory_space<vmem>>
        %dma_start3A_1156 = arith.constant 0 : i32
        %dma_start3A_1157 = arith.constant 0 : i32
        %dma_start3A_1158 = tpu.memref_slice %arg14[%dma_start3A_1156, %dma_start3A_1157] : memref<100096x16xf32, #tpu.memory_space<vmem_shared>> -> memref<100096x16xf32, #tpu.memory_space<vmem_shared>>
        tpu.enqueue_indirect_dma source(%dma_start3A_1152 : memref<128x16xf32, #tpu.memory_space<vmem>>) target(%dma_start3A_1158 : memref<100096x16xf32, #tpu.memory_space<vmem_shared>>) offsets(%dma_start3A_1155 : memref<128xi32, #tpu.memory_space<vmem>>) semaphore(%arg16 : memref<!tpu.dma_semaphore, #tpu.memory_space<semaphore_mem>>) {add = true}
        %dma_wait3A_1159 = arith.constant 0 : i32
        %dma_wait3A_1160 = arith.constant 8 : i32
        %dma_wait3A_1161 = arith.constant 0 : i32
        %dma_wait3A_1162 = arith.constant 0 : i32
        %dma_wait3A_1163 = tpu.memref_slice %arg13[%dma_wait3A_1159, %dma_wait3A_1161, %dma_wait3A_1162] : memref<8x128x16xf32, #tpu.memory_space<vmem>> -> memref<1x128x16xf32, #tpu.memory_space<vmem>>
        %dma_wait3A_1164 = tpu.memref_squeeze %dma_wait3A_1163 : memref<1x128x16xf32, #tpu.memory_space<vmem>> -> memref<128x16xf32, #tpu.memory_space<vmem>>
        %dma_wait3A_1165 = arith.constant 0 : i32
        %dma_wait3A_1166 = tpu.memref_slice %arg12[%dma_wait3A_1160, %dma_wait3A_1165] : memref<16x128xi32, #tpu.memory_space<vmem>> -> memref<1x128xi32, #tpu.memory_space<vmem>>
        %dma_wait3A_1167 = tpu.memref_squeeze %dma_wait3A_1166 : memref<1x128xi32, #tpu.memory_space<vmem>> -> memref<128xi32, #tpu.memory_space<vmem>>
        %dma_wait3A_1168 = arith.constant 0 : i32
        %dma_wait3A_1169 = arith.constant 0 : i32
        %dma_wait3A_1170 = tpu.memref_slice %arg14[%dma_wait3A_1168, %dma_wait3A_1169] : memref<100096x16xf32, #tpu.memory_space<vmem_shared>> -> memref<100096x16xf32, #tpu.memory_space<vmem_shared>>
        tpu.wait_indirect_dma semaphore(%arg16 : memref<!tpu.dma_semaphore, #tpu.memory_space<semaphore_mem>>) src(%dma_wait3A_1164 : memref<128x16xf32, #tpu.memory_space<vmem>>) dst(%dma_wait3A_1170 : memref<100096x16xf32, #tpu.memory_space<vmem_shared>>)
        %dma_wait3A_1171 = arith.constant 1 : i32
        %dma_wait3A_1172 = arith.constant 9 : i32
        %dma_wait3A_1173 = arith.constant 0 : i32
        %dma_wait3A_1174 = arith.constant 0 : i32
        %dma_wait3A_1175 = tpu.memref_slice %arg13[%dma_wait3A_1171, %dma_wait3A_1173, %dma_wait3A_1174] : memref<8x128x16xf32, #tpu.memory_space<vmem>> -> memref<1x128x16xf32, #tpu.memory_space<vmem>>
        %dma_wait3A_1176 = tpu.memref_squeeze %dma_wait3A_1175 : memref<1x128x16xf32, #tpu.memory_space<vmem>> -> memref<128x16xf32, #tpu.memory_space<vmem>>
        %dma_wait3A_1177 = arith.constant 0 : i32
        %dma_wait3A_1178 = tpu.memref_slice %arg12[%dma_wait3A_1172, %dma_wait3A_1177] : memref<16x128xi32, #tpu.memory_space<vmem>> -> memref<1x128xi32, #tpu.memory_space<vmem>>
        %dma_wait3A_1179 = tpu.memref_squeeze %dma_wait3A_1178 : memref<1x128xi32, #tpu.memory_space<vmem>> -> memref<128xi32, #tpu.memory_space<vmem>>
        %dma_wait3A_1180 = arith.constant 0 : i32
        %dma_wait3A_1181 = arith.constant 0 : i32
        %dma_wait3A_1182 = tpu.memref_slice %arg14[%dma_wait3A_1180, %dma_wait3A_1181] : memref<100096x16xf32, #tpu.memory_space<vmem_shared>> -> memref<100096x16xf32, #tpu.memory_space<vmem_shared>>
        tpu.wait_indirect_dma semaphore(%arg16 : memref<!tpu.dma_semaphore, #tpu.memory_space<semaphore_mem>>) src(%dma_wait3A_1176 : memref<128x16xf32, #tpu.memory_space<vmem>>) dst(%dma_wait3A_1182 : memref<100096x16xf32, #tpu.memory_space<vmem_shared>>)
        %dma_wait3A_1183 = arith.constant 2 : i32
        %dma_wait3A_1184 = arith.constant 10 : i32
        %dma_wait3A_1185 = arith.constant 0 : i32
        %dma_wait3A_1186 = arith.constant 0 : i32
        %dma_wait3A_1187 = tpu.memref_slice %arg13[%dma_wait3A_1183, %dma_wait3A_1185, %dma_wait3A_1186] : memref<8x128x16xf32, #tpu.memory_space<vmem>> -> memref<1x128x16xf32, #tpu.memory_space<vmem>>
        %dma_wait3A_1188 = tpu.memref_squeeze %dma_wait3A_1187 : memref<1x128x16xf32, #tpu.memory_space<vmem>> -> memref<128x16xf32, #tpu.memory_space<vmem>>
        %dma_wait3A_1189 = arith.constant 0 : i32
        %dma_wait3A_1190 = tpu.memref_slice %arg12[%dma_wait3A_1184, %dma_wait3A_1189] : memref<16x128xi32, #tpu.memory_space<vmem>> -> memref<1x128xi32, #tpu.memory_space<vmem>>
        %dma_wait3A_1191 = tpu.memref_squeeze %dma_wait3A_1190 : memref<1x128xi32, #tpu.memory_space<vmem>> -> memref<128xi32, #tpu.memory_space<vmem>>
        %dma_wait3A_1192 = arith.constant 0 : i32
        %dma_wait3A_1193 = arith.constant 0 : i32
        %dma_wait3A_1194 = tpu.memref_slice %arg14[%dma_wait3A_1192, %dma_wait3A_1193] : memref<100096x16xf32, #tpu.memory_space<vmem_shared>> -> memref<100096x16xf32, #tpu.memory_space<vmem_shared>>
        tpu.wait_indirect_dma semaphore(%arg16 : memref<!tpu.dma_semaphore, #tpu.memory_space<semaphore_mem>>) src(%dma_wait3A_1188 : memref<128x16xf32, #tpu.memory_space<vmem>>) dst(%dma_wait3A_1194 : memref<100096x16xf32, #tpu.memory_space<vmem_shared>>)
        %dma_wait3A_1195 = arith.constant 3 : i32
        %dma_wait3A_1196 = arith.constant 11 : i32
        %dma_wait3A_1197 = arith.constant 0 : i32
        %dma_wait3A_1198 = arith.constant 0 : i32
        %dma_wait3A_1199 = tpu.memref_slice %arg13[%dma_wait3A_1195, %dma_wait3A_1197, %dma_wait3A_1198] : memref<8x128x16xf32, #tpu.memory_space<vmem>> -> memref<1x128x16xf32, #tpu.memory_space<vmem>>
        %dma_wait3A_1200 = tpu.memref_squeeze %dma_wait3A_1199 : memref<1x128x16xf32, #tpu.memory_space<vmem>> -> memref<128x16xf32, #tpu.memory_space<vmem>>
        %dma_wait3A_1201 = arith.constant 0 : i32
        %dma_wait3A_1202 = tpu.memref_slice %arg12[%dma_wait3A_1196, %dma_wait3A_1201] : memref<16x128xi32, #tpu.memory_space<vmem>> -> memref<1x128xi32, #tpu.memory_space<vmem>>
        %dma_wait3A_1203 = tpu.memref_squeeze %dma_wait3A_1202 : memref<1x128xi32, #tpu.memory_space<vmem>> -> memref<128xi32, #tpu.memory_space<vmem>>
        %dma_wait3A_1204 = arith.constant 0 : i32
        %dma_wait3A_1205 = arith.constant 0 : i32
        %dma_wait3A_1206 = tpu.memref_slice %arg14[%dma_wait3A_1204, %dma_wait3A_1205] : memref<100096x16xf32, #tpu.memory_space<vmem_shared>> -> memref<100096x16xf32, #tpu.memory_space<vmem_shared>>
        tpu.wait_indirect_dma semaphore(%arg16 : memref<!tpu.dma_semaphore, #tpu.memory_space<semaphore_mem>>) src(%dma_wait3A_1200 : memref<128x16xf32, #tpu.memory_space<vmem>>) dst(%dma_wait3A_1206 : memref<100096x16xf32, #tpu.memory_space<vmem_shared>>)
        %dma_wait3A_1207 = arith.constant 4 : i32
        %dma_wait3A_1208 = arith.constant 12 : i32
        %dma_wait3A_1209 = arith.constant 0 : i32
        %dma_wait3A_1210 = arith.constant 0 : i32
        %dma_wait3A_1211 = tpu.memref_slice %arg13[%dma_wait3A_1207, %dma_wait3A_1209, %dma_wait3A_1210] : memref<8x128x16xf32, #tpu.memory_space<vmem>> -> memref<1x128x16xf32, #tpu.memory_space<vmem>>
        %dma_wait3A_1212 = tpu.memref_squeeze %dma_wait3A_1211 : memref<1x128x16xf32, #tpu.memory_space<vmem>> -> memref<128x16xf32, #tpu.memory_space<vmem>>
        %dma_wait3A_1213 = arith.constant 0 : i32
        %dma_wait3A_1214 = tpu.memref_slice %arg12[%dma_wait3A_1208, %dma_wait3A_1213] : memref<16x128xi32, #tpu.memory_space<vmem>> -> memref<1x128xi32, #tpu.memory_space<vmem>>
        %dma_wait3A_1215 = tpu.memref_squeeze %dma_wait3A_1214 : memref<1x128xi32, #tpu.memory_space<vmem>> -> memref<128xi32, #tpu.memory_space<vmem>>
        %dma_wait3A_1216 = arith.constant 0 : i32
        %dma_wait3A_1217 = arith.constant 0 : i32
        %dma_wait3A_1218 = tpu.memref_slice %arg14[%dma_wait3A_1216, %dma_wait3A_1217] : memref<100096x16xf32, #tpu.memory_space<vmem_shared>> -> memref<100096x16xf32, #tpu.memory_space<vmem_shared>>
        tpu.wait_indirect_dma semaphore(%arg16 : memref<!tpu.dma_semaphore, #tpu.memory_space<semaphore_mem>>) src(%dma_wait3A_1212 : memref<128x16xf32, #tpu.memory_space<vmem>>) dst(%dma_wait3A_1218 : memref<100096x16xf32, #tpu.memory_space<vmem_shared>>)
        %dma_wait3A_1219 = arith.constant 5 : i32
        %dma_wait3A_1220 = arith.constant 13 : i32
        %dma_wait3A_1221 = arith.constant 0 : i32
        %dma_wait3A_1222 = arith.constant 0 : i32
        %dma_wait3A_1223 = tpu.memref_slice %arg13[%dma_wait3A_1219, %dma_wait3A_1221, %dma_wait3A_1222] : memref<8x128x16xf32, #tpu.memory_space<vmem>> -> memref<1x128x16xf32, #tpu.memory_space<vmem>>
        %dma_wait3A_1224 = tpu.memref_squeeze %dma_wait3A_1223 : memref<1x128x16xf32, #tpu.memory_space<vmem>> -> memref<128x16xf32, #tpu.memory_space<vmem>>
        %dma_wait3A_1225 = arith.constant 0 : i32
        %dma_wait3A_1226 = tpu.memref_slice %arg12[%dma_wait3A_1220, %dma_wait3A_1225] : memref<16x128xi32, #tpu.memory_space<vmem>> -> memref<1x128xi32, #tpu.memory_space<vmem>>
        %dma_wait3A_1227 = tpu.memref_squeeze %dma_wait3A_1226 : memref<1x128xi32, #tpu.memory_space<vmem>> -> memref<128xi32, #tpu.memory_space<vmem>>
        %dma_wait3A_1228 = arith.constant 0 : i32
        %dma_wait3A_1229 = arith.constant 0 : i32
        %dma_wait3A_1230 = tpu.memref_slice %arg14[%dma_wait3A_1228, %dma_wait3A_1229] : memref<100096x16xf32, #tpu.memory_space<vmem_shared>> -> memref<100096x16xf32, #tpu.memory_space<vmem_shared>>
        tpu.wait_indirect_dma semaphore(%arg16 : memref<!tpu.dma_semaphore, #tpu.memory_space<semaphore_mem>>) src(%dma_wait3A_1224 : memref<128x16xf32, #tpu.memory_space<vmem>>) dst(%dma_wait3A_1230 : memref<100096x16xf32, #tpu.memory_space<vmem_shared>>)
        %dma_wait3A_1231 = arith.constant 6 : i32
        %dma_wait3A_1232 = arith.constant 14 : i32
        %dma_wait3A_1233 = arith.constant 0 : i32
        %dma_wait3A_1234 = arith.constant 0 : i32
        %dma_wait3A_1235 = tpu.memref_slice %arg13[%dma_wait3A_1231, %dma_wait3A_1233, %dma_wait3A_1234] : memref<8x128x16xf32, #tpu.memory_space<vmem>> -> memref<1x128x16xf32, #tpu.memory_space<vmem>>
        %dma_wait3A_1236 = tpu.memref_squeeze %dma_wait3A_1235 : memref<1x128x16xf32, #tpu.memory_space<vmem>> -> memref<128x16xf32, #tpu.memory_space<vmem>>
        %dma_wait3A_1237 = arith.constant 0 : i32
        %dma_wait3A_1238 = tpu.memref_slice %arg12[%dma_wait3A_1232, %dma_wait3A_1237] : memref<16x128xi32, #tpu.memory_space<vmem>> -> memref<1x128xi32, #tpu.memory_space<vmem>>
        %dma_wait3A_1239 = tpu.memref_squeeze %dma_wait3A_1238 : memref<1x128xi32, #tpu.memory_space<vmem>> -> memref<128xi32, #tpu.memory_space<vmem>>
        %dma_wait3A_1240 = arith.constant 0 : i32
        %dma_wait3A_1241 = arith.constant 0 : i32
        %dma_wait3A_1242 = tpu.memref_slice %arg14[%dma_wait3A_1240, %dma_wait3A_1241] : memref<100096x16xf32, #tpu.memory_space<vmem_shared>> -> memref<100096x16xf32, #tpu.memory_space<vmem_shared>>
        tpu.wait_indirect_dma semaphore(%arg16 : memref<!tpu.dma_semaphore, #tpu.memory_space<semaphore_mem>>) src(%dma_wait3A_1236 : memref<128x16xf32, #tpu.memory_space<vmem>>) dst(%dma_wait3A_1242 : memref<100096x16xf32, #tpu.memory_space<vmem_shared>>)
        %dma_wait3A_1243 = arith.constant 7 : i32
        %dma_wait3A_1244 = arith.constant 15 : i32
        %dma_wait3A_1245 = arith.constant 0 : i32
        %dma_wait3A_1246 = arith.constant 0 : i32
        %dma_wait3A_1247 = tpu.memref_slice %arg13[%dma_wait3A_1243, %dma_wait3A_1245, %dma_wait3A_1246] : memref<8x128x16xf32, #tpu.memory_space<vmem>> -> memref<1x128x16xf32, #tpu.memory_space<vmem>>
        %dma_wait3A_1248 = tpu.memref_squeeze %dma_wait3A_1247 : memref<1x128x16xf32, #tpu.memory_space<vmem>> -> memref<128x16xf32, #tpu.memory_space<vmem>>
        %dma_wait3A_1249 = arith.constant 0 : i32
        %dma_wait3A_1250 = tpu.memref_slice %arg12[%dma_wait3A_1244, %dma_wait3A_1249] : memref<16x128xi32, #tpu.memory_space<vmem>> -> memref<1x128xi32, #tpu.memory_space<vmem>>
        %dma_wait3A_1251 = tpu.memref_squeeze %dma_wait3A_1250 : memref<1x128xi32, #tpu.memory_space<vmem>> -> memref<128xi32, #tpu.memory_space<vmem>>
        %dma_wait3A_1252 = arith.constant 0 : i32
        %dma_wait3A_1253 = arith.constant 0 : i32
        %dma_wait3A_1254 = tpu.memref_slice %arg14[%dma_wait3A_1252, %dma_wait3A_1253] : memref<100096x16xf32, #tpu.memory_space<vmem_shared>> -> memref<100096x16xf32, #tpu.memory_space<vmem_shared>>
        tpu.wait_indirect_dma semaphore(%arg16 : memref<!tpu.dma_semaphore, #tpu.memory_space<semaphore_mem>>) src(%dma_wait3A_1248 : memref<128x16xf32, #tpu.memory_space<vmem>>) dst(%dma_wait3A_1254 : memref<100096x16xf32, #tpu.memory_space<vmem_shared>>)
      }
      %scan3A_454 = arith.constant 49 : i32
    } else {
    }
    %eq3A_5 = arith.constant 1 : i32
    %eq3A_6 = arith.cmpi eq, %arg0, %eq3A_5 : i32
    %convert_element_type3A_7 = arith.extui %eq3A_6 : i1 to i32
    %cond3A_8 = arith.constant 0 : i32
    %cond3A_9 = arith.cmpi ne, %convert_element_type3A_7, %cond3A_8 : i32
    scf.if %cond3A_9 {
      %mul3A_441 = arith.constant 98 : i32
      %mul3A_442 = arith.muli %arg1, %mul3A_441 : i32
      %mul3A_443 = arith.constant 16 : i32
      %mul3A_444 = arith.muli %mul3A_442, %mul3A_443 : i32
      %dma_start3A_445 = arith.constant 0 : i32
      %dma_start3A_446 = tpu.memref_slice %arg5[%mul3A_444, %dma_start3A_445] : memref<25088x128xi32, #tpu.memory_space<hbm>> -> memref<16x128xi32, #tpu.memory_space<hbm>>
      %dma_start3A_447 = arith.constant 0 : i32
      %dma_start3A_448 = tpu.memref_slice %arg5[%mul3A_444, %dma_start3A_447] : memref<25088x128xi32, #tpu.memory_space<hbm>> -> memref<16x128xi32, #tpu.memory_space<hbm>>
      tpu.enqueue_dma source(%dma_start3A_448 : memref<16x128xi32, #tpu.memory_space<hbm>>) target(%arg11 : memref<16x128xi32, #tpu.memory_space<vmem>>) target_semaphore(%arg17 : memref<!tpu.dma_semaphore, #tpu.memory_space<semaphore_mem>>)
      %scan3A_449 = arith.constant 0 : i32
      %scan3A_450 = arith.constant 0 : i32
      %scan3A_451 = arith.constant 49 : i32
      %scan3A_452 = arith.addi %scan3A_450, %scan3A_451 : i32
      %scan3A_453 = arith.constant 1 : i32
      scf.for %scan3A_455 = %scan3A_450 to %scan3A_452 step %scan3A_453  : i32 {
        %mul3A_456 = arith.constant 2 : i32
        %mul3A_457 = arith.muli %mul3A_456, %scan3A_455 : i32
        %dma_wait3A_458 = arith.constant 0 : i32
        %dma_wait3A_459 = arith.constant 0 : i32
        %dma_wait3A_460 = tpu.memref_slice %arg5[%dma_wait3A_458, %dma_wait3A_459] : memref<25088x128xi32, #tpu.memory_space<hbm>> -> memref<16x128xi32, #tpu.memory_space<hbm>>
        %dma_wait3A_461 = arith.constant 0 : i32
        %dma_wait3A_462 = arith.constant 0 : i32
        %dma_wait3A_463 = tpu.memref_slice %arg5[%dma_wait3A_461, %dma_wait3A_462] : memref<25088x128xi32, #tpu.memory_space<hbm>> -> memref<16x128xi32, #tpu.memory_space<hbm>>
        tpu.wait_dma2 semaphore(%arg17 : memref<!tpu.dma_semaphore, #tpu.memory_space<semaphore_mem>>) src(%dma_wait3A_463 : memref<16x128xi32, #tpu.memory_space<hbm>>) dst(%arg11 : memref<16x128xi32, #tpu.memory_space<vmem>>)
        %add3A_464 = arith.constant 1 : i32
        %add3A_465 = arith.addi %mul3A_457, %add3A_464 : i32
        %lt3A = arith.constant 98 : i32
        %lt3A_466 = arith.cmpi slt, %add3A_465, %lt3A : i32
        %convert_element_type3A_467 = arith.extui %lt3A_466 : i1 to i32
        %cond3A_468 = arith.constant 0 : i32
        %cond3A_469 = arith.cmpi ne, %convert_element_type3A_467, %cond3A_468 : i32
        scf.if %cond3A_469 {
          %add3A_1255 = arith.addi %mul3A_442, %mul3A_457 : i32
          %add3A_1256 = arith.constant 1 : i32
          %add3A_1257 = arith.addi %add3A_1255, %add3A_1256 : i32
          %mul3A_1258 = arith.constant 16 : i32
          %mul3A_1259 = arith.muli %add3A_1257, %mul3A_1258 : i32
          %dma_start3A_1260 = arith.constant 0 : i32
          %dma_start3A_1261 = tpu.memref_slice %arg5[%mul3A_1259, %dma_start3A_1260] : memref<25088x128xi32, #tpu.memory_space<hbm>> -> memref<16x128xi32, #tpu.memory_space<hbm>>
          %dma_start3A_1262 = arith.constant 0 : i32
          %dma_start3A_1263 = tpu.memref_slice %arg5[%mul3A_1259, %dma_start3A_1262] : memref<25088x128xi32, #tpu.memory_space<hbm>> -> memref<16x128xi32, #tpu.memory_space<hbm>>
          tpu.enqueue_dma source(%dma_start3A_1263 : memref<16x128xi32, #tpu.memory_space<hbm>>) target(%arg12 : memref<16x128xi32, #tpu.memory_space<vmem>>) target_semaphore(%arg17 : memref<!tpu.dma_semaphore, #tpu.memory_space<semaphore_mem>>)
        } else {
        }
        %dma_start3A_470 = arith.constant 0 : i32
        %dma_start3A_471 = arith.constant 0 : i32
        %dma_start3A_472 = arith.constant 0 : i32
        %dma_start3A_473 = arith.constant 0 : i32
        %dma_start3A_474 = tpu.memref_slice %arg13[%dma_start3A_471, %dma_start3A_472, %dma_start3A_473] : memref<8x128x16xf32, #tpu.memory_space<vmem>> -> memref<1x128x16xf32, #tpu.memory_space<vmem>>
        %dma_start3A_475 = tpu.memref_squeeze %dma_start3A_474 : memref<1x128x16xf32, #tpu.memory_space<vmem>> -> memref<128x16xf32, #tpu.memory_space<vmem>>
        %dma_start3A_476 = arith.constant 0 : i32
        %dma_start3A_477 = tpu.memref_slice %arg11[%dma_start3A_470, %dma_start3A_476] : memref<16x128xi32, #tpu.memory_space<vmem>> -> memref<1x128xi32, #tpu.memory_space<vmem>>
        %dma_start3A_478 = tpu.memref_squeeze %dma_start3A_477 : memref<1x128xi32, #tpu.memory_space<vmem>> -> memref<128xi32, #tpu.memory_space<vmem>>
        %dma_start3A_479 = arith.constant 0 : i32
        %dma_start3A_480 = arith.constant 0 : i32
        %dma_start3A_481 = tpu.memref_slice %arg3[%dma_start3A_479, %dma_start3A_480] : memref<100000x16xf32, #tpu.memory_space<hbm>> -> memref<100000x16xf32, #tpu.memory_space<hbm>>
        tpu.enqueue_indirect_dma source(%dma_start3A_481 : memref<100000x16xf32, #tpu.memory_space<hbm>>) target(%dma_start3A_475 : memref<128x16xf32, #tpu.memory_space<vmem>>) offsets(%dma_start3A_478 : memref<128xi32, #tpu.memory_space<vmem>>) semaphore(%arg15 : memref<!tpu.dma_semaphore, #tpu.memory_space<semaphore_mem>>)
        %dma_start3A_482 = arith.constant 1 : i32
        %dma_start3A_483 = arith.constant 1 : i32
        %dma_start3A_484 = arith.constant 0 : i32
        %dma_start3A_485 = arith.constant 0 : i32
        %dma_start3A_486 = tpu.memref_slice %arg13[%dma_start3A_483, %dma_start3A_484, %dma_start3A_485] : memref<8x128x16xf32, #tpu.memory_space<vmem>> -> memref<1x128x16xf32, #tpu.memory_space<vmem>>
        %dma_start3A_487 = tpu.memref_squeeze %dma_start3A_486 : memref<1x128x16xf32, #tpu.memory_space<vmem>> -> memref<128x16xf32, #tpu.memory_space<vmem>>
        %dma_start3A_488 = arith.constant 0 : i32
        %dma_start3A_489 = tpu.memref_slice %arg11[%dma_start3A_482, %dma_start3A_488] : memref<16x128xi32, #tpu.memory_space<vmem>> -> memref<1x128xi32, #tpu.memory_space<vmem>>
        %dma_start3A_490 = tpu.memref_squeeze %dma_start3A_489 : memref<1x128xi32, #tpu.memory_space<vmem>> -> memref<128xi32, #tpu.memory_space<vmem>>
        %dma_start3A_491 = arith.constant 0 : i32
        %dma_start3A_492 = arith.constant 0 : i32
        %dma_start3A_493 = tpu.memref_slice %arg3[%dma_start3A_491, %dma_start3A_492] : memref<100000x16xf32, #tpu.memory_space<hbm>> -> memref<100000x16xf32, #tpu.memory_space<hbm>>
        tpu.enqueue_indirect_dma source(%dma_start3A_493 : memref<100000x16xf32, #tpu.memory_space<hbm>>) target(%dma_start3A_487 : memref<128x16xf32, #tpu.memory_space<vmem>>) offsets(%dma_start3A_490 : memref<128xi32, #tpu.memory_space<vmem>>) semaphore(%arg15 : memref<!tpu.dma_semaphore, #tpu.memory_space<semaphore_mem>>)
        %dma_start3A_494 = arith.constant 2 : i32
        %dma_start3A_495 = arith.constant 2 : i32
        %dma_start3A_496 = arith.constant 0 : i32
        %dma_start3A_497 = arith.constant 0 : i32
        %dma_start3A_498 = tpu.memref_slice %arg13[%dma_start3A_495, %dma_start3A_496, %dma_start3A_497] : memref<8x128x16xf32, #tpu.memory_space<vmem>> -> memref<1x128x16xf32, #tpu.memory_space<vmem>>
        %dma_start3A_499 = tpu.memref_squeeze %dma_start3A_498 : memref<1x128x16xf32, #tpu.memory_space<vmem>> -> memref<128x16xf32, #tpu.memory_space<vmem>>
        %dma_start3A_500 = arith.constant 0 : i32
        %dma_start3A_501 = tpu.memref_slice %arg11[%dma_start3A_494, %dma_start3A_500] : memref<16x128xi32, #tpu.memory_space<vmem>> -> memref<1x128xi32, #tpu.memory_space<vmem>>
        %dma_start3A_502 = tpu.memref_squeeze %dma_start3A_501 : memref<1x128xi32, #tpu.memory_space<vmem>> -> memref<128xi32, #tpu.memory_space<vmem>>
        %dma_start3A_503 = arith.constant 0 : i32
        %dma_start3A_504 = arith.constant 0 : i32
        %dma_start3A_505 = tpu.memref_slice %arg3[%dma_start3A_503, %dma_start3A_504] : memref<100000x16xf32, #tpu.memory_space<hbm>> -> memref<100000x16xf32, #tpu.memory_space<hbm>>
        tpu.enqueue_indirect_dma source(%dma_start3A_505 : memref<100000x16xf32, #tpu.memory_space<hbm>>) target(%dma_start3A_499 : memref<128x16xf32, #tpu.memory_space<vmem>>) offsets(%dma_start3A_502 : memref<128xi32, #tpu.memory_space<vmem>>) semaphore(%arg15 : memref<!tpu.dma_semaphore, #tpu.memory_space<semaphore_mem>>)
        %dma_start3A_506 = arith.constant 3 : i32
        %dma_start3A_507 = arith.constant 3 : i32
        %dma_start3A_508 = arith.constant 0 : i32
        %dma_start3A_509 = arith.constant 0 : i32
        %dma_start3A_510 = tpu.memref_slice %arg13[%dma_start3A_507, %dma_start3A_508, %dma_start3A_509] : memref<8x128x16xf32, #tpu.memory_space<vmem>> -> memref<1x128x16xf32, #tpu.memory_space<vmem>>
        %dma_start3A_511 = tpu.memref_squeeze %dma_start3A_510 : memref<1x128x16xf32, #tpu.memory_space<vmem>> -> memref<128x16xf32, #tpu.memory_space<vmem>>
        %dma_start3A_512 = arith.constant 0 : i32
        %dma_start3A_513 = tpu.memref_slice %arg11[%dma_start3A_506, %dma_start3A_512] : memref<16x128xi32, #tpu.memory_space<vmem>> -> memref<1x128xi32, #tpu.memory_space<vmem>>
        %dma_start3A_514 = tpu.memref_squeeze %dma_start3A_513 : memref<1x128xi32, #tpu.memory_space<vmem>> -> memref<128xi32, #tpu.memory_space<vmem>>
        %dma_start3A_515 = arith.constant 0 : i32
        %dma_start3A_516 = arith.constant 0 : i32
        %dma_start3A_517 = tpu.memref_slice %arg3[%dma_start3A_515, %dma_start3A_516] : memref<100000x16xf32, #tpu.memory_space<hbm>> -> memref<100000x16xf32, #tpu.memory_space<hbm>>
        tpu.enqueue_indirect_dma source(%dma_start3A_517 : memref<100000x16xf32, #tpu.memory_space<hbm>>) target(%dma_start3A_511 : memref<128x16xf32, #tpu.memory_space<vmem>>) offsets(%dma_start3A_514 : memref<128xi32, #tpu.memory_space<vmem>>) semaphore(%arg15 : memref<!tpu.dma_semaphore, #tpu.memory_space<semaphore_mem>>)
        %dma_start3A_518 = arith.constant 4 : i32
        %dma_start3A_519 = arith.constant 4 : i32
        %dma_start3A_520 = arith.constant 0 : i32
        %dma_start3A_521 = arith.constant 0 : i32
        %dma_start3A_522 = tpu.memref_slice %arg13[%dma_start3A_519, %dma_start3A_520, %dma_start3A_521] : memref<8x128x16xf32, #tpu.memory_space<vmem>> -> memref<1x128x16xf32, #tpu.memory_space<vmem>>
        %dma_start3A_523 = tpu.memref_squeeze %dma_start3A_522 : memref<1x128x16xf32, #tpu.memory_space<vmem>> -> memref<128x16xf32, #tpu.memory_space<vmem>>
        %dma_start3A_524 = arith.constant 0 : i32
        %dma_start3A_525 = tpu.memref_slice %arg11[%dma_start3A_518, %dma_start3A_524] : memref<16x128xi32, #tpu.memory_space<vmem>> -> memref<1x128xi32, #tpu.memory_space<vmem>>
        %dma_start3A_526 = tpu.memref_squeeze %dma_start3A_525 : memref<1x128xi32, #tpu.memory_space<vmem>> -> memref<128xi32, #tpu.memory_space<vmem>>
        %dma_start3A_527 = arith.constant 0 : i32
        %dma_start3A_528 = arith.constant 0 : i32
        %dma_start3A_529 = tpu.memref_slice %arg3[%dma_start3A_527, %dma_start3A_528] : memref<100000x16xf32, #tpu.memory_space<hbm>> -> memref<100000x16xf32, #tpu.memory_space<hbm>>
        tpu.enqueue_indirect_dma source(%dma_start3A_529 : memref<100000x16xf32, #tpu.memory_space<hbm>>) target(%dma_start3A_523 : memref<128x16xf32, #tpu.memory_space<vmem>>) offsets(%dma_start3A_526 : memref<128xi32, #tpu.memory_space<vmem>>) semaphore(%arg15 : memref<!tpu.dma_semaphore, #tpu.memory_space<semaphore_mem>>)
        %dma_start3A_530 = arith.constant 5 : i32
        %dma_start3A_531 = arith.constant 5 : i32
        %dma_start3A_532 = arith.constant 0 : i32
        %dma_start3A_533 = arith.constant 0 : i32
        %dma_start3A_534 = tpu.memref_slice %arg13[%dma_start3A_531, %dma_start3A_532, %dma_start3A_533] : memref<8x128x16xf32, #tpu.memory_space<vmem>> -> memref<1x128x16xf32, #tpu.memory_space<vmem>>
        %dma_start3A_535 = tpu.memref_squeeze %dma_start3A_534 : memref<1x128x16xf32, #tpu.memory_space<vmem>> -> memref<128x16xf32, #tpu.memory_space<vmem>>
        %dma_start3A_536 = arith.constant 0 : i32
        %dma_start3A_537 = tpu.memref_slice %arg11[%dma_start3A_530, %dma_start3A_536] : memref<16x128xi32, #tpu.memory_space<vmem>> -> memref<1x128xi32, #tpu.memory_space<vmem>>
        %dma_start3A_538 = tpu.memref_squeeze %dma_start3A_537 : memref<1x128xi32, #tpu.memory_space<vmem>> -> memref<128xi32, #tpu.memory_space<vmem>>
        %dma_start3A_539 = arith.constant 0 : i32
        %dma_start3A_540 = arith.constant 0 : i32
        %dma_start3A_541 = tpu.memref_slice %arg3[%dma_start3A_539, %dma_start3A_540] : memref<100000x16xf32, #tpu.memory_space<hbm>> -> memref<100000x16xf32, #tpu.memory_space<hbm>>
        tpu.enqueue_indirect_dma source(%dma_start3A_541 : memref<100000x16xf32, #tpu.memory_space<hbm>>) target(%dma_start3A_535 : memref<128x16xf32, #tpu.memory_space<vmem>>) offsets(%dma_start3A_538 : memref<128xi32, #tpu.memory_space<vmem>>) semaphore(%arg15 : memref<!tpu.dma_semaphore, #tpu.memory_space<semaphore_mem>>)
        %dma_wait3A_542 = arith.constant 0 : i32
        %dma_wait3A_543 = arith.constant 0 : i32
        %dma_wait3A_544 = arith.constant 0 : i32
        %dma_wait3A_545 = arith.constant 0 : i32
        %dma_wait3A_546 = tpu.memref_slice %arg13[%dma_wait3A_543, %dma_wait3A_544, %dma_wait3A_545] : memref<8x128x16xf32, #tpu.memory_space<vmem>> -> memref<1x128x16xf32, #tpu.memory_space<vmem>>
        %dma_wait3A_547 = tpu.memref_squeeze %dma_wait3A_546 : memref<1x128x16xf32, #tpu.memory_space<vmem>> -> memref<128x16xf32, #tpu.memory_space<vmem>>
        %dma_wait3A_548 = arith.constant 0 : i32
        %dma_wait3A_549 = tpu.memref_slice %arg11[%dma_wait3A_542, %dma_wait3A_548] : memref<16x128xi32, #tpu.memory_space<vmem>> -> memref<1x128xi32, #tpu.memory_space<vmem>>
        %dma_wait3A_550 = tpu.memref_squeeze %dma_wait3A_549 : memref<1x128xi32, #tpu.memory_space<vmem>> -> memref<128xi32, #tpu.memory_space<vmem>>
        %dma_wait3A_551 = arith.constant 0 : i32
        %dma_wait3A_552 = arith.constant 0 : i32
        %dma_wait3A_553 = tpu.memref_slice %arg3[%dma_wait3A_551, %dma_wait3A_552] : memref<100000x16xf32, #tpu.memory_space<hbm>> -> memref<100000x16xf32, #tpu.memory_space<hbm>>
        tpu.wait_indirect_dma semaphore(%arg15 : memref<!tpu.dma_semaphore, #tpu.memory_space<semaphore_mem>>) src(%dma_wait3A_553 : memref<100000x16xf32, #tpu.memory_space<hbm>>) dst(%dma_wait3A_547 : memref<128x16xf32, #tpu.memory_space<vmem>>)
        %dma_start3A_554 = arith.constant 6 : i32
        %dma_start3A_555 = arith.constant 6 : i32
        %dma_start3A_556 = arith.constant 0 : i32
        %dma_start3A_557 = arith.constant 0 : i32
        %dma_start3A_558 = tpu.memref_slice %arg13[%dma_start3A_555, %dma_start3A_556, %dma_start3A_557] : memref<8x128x16xf32, #tpu.memory_space<vmem>> -> memref<1x128x16xf32, #tpu.memory_space<vmem>>
        %dma_start3A_559 = tpu.memref_squeeze %dma_start3A_558 : memref<1x128x16xf32, #tpu.memory_space<vmem>> -> memref<128x16xf32, #tpu.memory_space<vmem>>
        %dma_start3A_560 = arith.constant 0 : i32
        %dma_start3A_561 = tpu.memref_slice %arg11[%dma_start3A_554, %dma_start3A_560] : memref<16x128xi32, #tpu.memory_space<vmem>> -> memref<1x128xi32, #tpu.memory_space<vmem>>
        %dma_start3A_562 = tpu.memref_squeeze %dma_start3A_561 : memref<1x128xi32, #tpu.memory_space<vmem>> -> memref<128xi32, #tpu.memory_space<vmem>>
        %dma_start3A_563 = arith.constant 0 : i32
        %dma_start3A_564 = arith.constant 0 : i32
        %dma_start3A_565 = tpu.memref_slice %arg3[%dma_start3A_563, %dma_start3A_564] : memref<100000x16xf32, #tpu.memory_space<hbm>> -> memref<100000x16xf32, #tpu.memory_space<hbm>>
        tpu.enqueue_indirect_dma source(%dma_start3A_565 : memref<100000x16xf32, #tpu.memory_space<hbm>>) target(%dma_start3A_559 : memref<128x16xf32, #tpu.memory_space<vmem>>) offsets(%dma_start3A_562 : memref<128xi32, #tpu.memory_space<vmem>>) semaphore(%arg15 : memref<!tpu.dma_semaphore, #tpu.memory_space<semaphore_mem>>)
        %dma_start3A_566 = arith.constant 0 : i32
        %dma_start3A_567 = arith.constant 8 : i32
        %dma_start3A_568 = arith.constant 0 : i32
        %dma_start3A_569 = arith.constant 0 : i32
        %dma_start3A_570 = tpu.memref_slice %arg13[%dma_start3A_566, %dma_start3A_568, %dma_start3A_569] : memref<8x128x16xf32, #tpu.memory_space<vmem>> -> memref<1x128x16xf32, #tpu.memory_space<vmem>>
        %dma_start3A_571 = tpu.memref_squeeze %dma_start3A_570 : memref<1x128x16xf32, #tpu.memory_space<vmem>> -> memref<128x16xf32, #tpu.memory_space<vmem>>
        %dma_start3A_572 = arith.constant 0 : i32
        %dma_start3A_573 = tpu.memref_slice %arg11[%dma_start3A_567, %dma_start3A_572] : memref<16x128xi32, #tpu.memory_space<vmem>> -> memref<1x128xi32, #tpu.memory_space<vmem>>
        %dma_start3A_574 = tpu.memref_squeeze %dma_start3A_573 : memref<1x128xi32, #tpu.memory_space<vmem>> -> memref<128xi32, #tpu.memory_space<vmem>>
        %dma_start3A_575 = arith.constant 0 : i32
        %dma_start3A_576 = arith.constant 0 : i32
        %dma_start3A_577 = tpu.memref_slice %arg14[%dma_start3A_575, %dma_start3A_576] : memref<100096x16xf32, #tpu.memory_space<vmem_shared>> -> memref<100096x16xf32, #tpu.memory_space<vmem_shared>>
        tpu.enqueue_indirect_dma source(%dma_start3A_571 : memref<128x16xf32, #tpu.memory_space<vmem>>) target(%dma_start3A_577 : memref<100096x16xf32, #tpu.memory_space<vmem_shared>>) offsets(%dma_start3A_574 : memref<128xi32, #tpu.memory_space<vmem>>) semaphore(%arg16 : memref<!tpu.dma_semaphore, #tpu.memory_space<semaphore_mem>>) {add = true}
        %dma_wait3A_578 = arith.constant 1 : i32
        %dma_wait3A_579 = arith.constant 1 : i32
        %dma_wait3A_580 = arith.constant 0 : i32
        %dma_wait3A_581 = arith.constant 0 : i32
        %dma_wait3A_582 = tpu.memref_slice %arg13[%dma_wait3A_579, %dma_wait3A_580, %dma_wait3A_581] : memref<8x128x16xf32, #tpu.memory_space<vmem>> -> memref<1x128x16xf32, #tpu.memory_space<vmem>>
        %dma_wait3A_583 = tpu.memref_squeeze %dma_wait3A_582 : memref<1x128x16xf32, #tpu.memory_space<vmem>> -> memref<128x16xf32, #tpu.memory_space<vmem>>
        %dma_wait3A_584 = arith.constant 0 : i32
        %dma_wait3A_585 = tpu.memref_slice %arg11[%dma_wait3A_578, %dma_wait3A_584] : memref<16x128xi32, #tpu.memory_space<vmem>> -> memref<1x128xi32, #tpu.memory_space<vmem>>
        %dma_wait3A_586 = tpu.memref_squeeze %dma_wait3A_585 : memref<1x128xi32, #tpu.memory_space<vmem>> -> memref<128xi32, #tpu.memory_space<vmem>>
        %dma_wait3A_587 = arith.constant 0 : i32
        %dma_wait3A_588 = arith.constant 0 : i32
        %dma_wait3A_589 = tpu.memref_slice %arg3[%dma_wait3A_587, %dma_wait3A_588] : memref<100000x16xf32, #tpu.memory_space<hbm>> -> memref<100000x16xf32, #tpu.memory_space<hbm>>
        tpu.wait_indirect_dma semaphore(%arg15 : memref<!tpu.dma_semaphore, #tpu.memory_space<semaphore_mem>>) src(%dma_wait3A_589 : memref<100000x16xf32, #tpu.memory_space<hbm>>) dst(%dma_wait3A_583 : memref<128x16xf32, #tpu.memory_space<vmem>>)
        %dma_start3A_590 = arith.constant 7 : i32
        %dma_start3A_591 = arith.constant 7 : i32
        %dma_start3A_592 = arith.constant 0 : i32
        %dma_start3A_593 = arith.constant 0 : i32
        %dma_start3A_594 = tpu.memref_slice %arg13[%dma_start3A_591, %dma_start3A_592, %dma_start3A_593] : memref<8x128x16xf32, #tpu.memory_space<vmem>> -> memref<1x128x16xf32, #tpu.memory_space<vmem>>
        %dma_start3A_595 = tpu.memref_squeeze %dma_start3A_594 : memref<1x128x16xf32, #tpu.memory_space<vmem>> -> memref<128x16xf32, #tpu.memory_space<vmem>>
        %dma_start3A_596 = arith.constant 0 : i32
        %dma_start3A_597 = tpu.memref_slice %arg11[%dma_start3A_590, %dma_start3A_596] : memref<16x128xi32, #tpu.memory_space<vmem>> -> memref<1x128xi32, #tpu.memory_space<vmem>>
        %dma_start3A_598 = tpu.memref_squeeze %dma_start3A_597 : memref<1x128xi32, #tpu.memory_space<vmem>> -> memref<128xi32, #tpu.memory_space<vmem>>
        %dma_start3A_599 = arith.constant 0 : i32
        %dma_start3A_600 = arith.constant 0 : i32
        %dma_start3A_601 = tpu.memref_slice %arg3[%dma_start3A_599, %dma_start3A_600] : memref<100000x16xf32, #tpu.memory_space<hbm>> -> memref<100000x16xf32, #tpu.memory_space<hbm>>
        tpu.enqueue_indirect_dma source(%dma_start3A_601 : memref<100000x16xf32, #tpu.memory_space<hbm>>) target(%dma_start3A_595 : memref<128x16xf32, #tpu.memory_space<vmem>>) offsets(%dma_start3A_598 : memref<128xi32, #tpu.memory_space<vmem>>) semaphore(%arg15 : memref<!tpu.dma_semaphore, #tpu.memory_space<semaphore_mem>>)
        %dma_start3A_602 = arith.constant 1 : i32
        %dma_start3A_603 = arith.constant 9 : i32
        %dma_start3A_604 = arith.constant 0 : i32
        %dma_start3A_605 = arith.constant 0 : i32
        %dma_start3A_606 = tpu.memref_slice %arg13[%dma_start3A_602, %dma_start3A_604, %dma_start3A_605] : memref<8x128x16xf32, #tpu.memory_space<vmem>> -> memref<1x128x16xf32, #tpu.memory_space<vmem>>
        %dma_start3A_607 = tpu.memref_squeeze %dma_start3A_606 : memref<1x128x16xf32, #tpu.memory_space<vmem>> -> memref<128x16xf32, #tpu.memory_space<vmem>>
        %dma_start3A_608 = arith.constant 0 : i32
        %dma_start3A_609 = tpu.memref_slice %arg11[%dma_start3A_603, %dma_start3A_608] : memref<16x128xi32, #tpu.memory_space<vmem>> -> memref<1x128xi32, #tpu.memory_space<vmem>>
        %dma_start3A_610 = tpu.memref_squeeze %dma_start3A_609 : memref<1x128xi32, #tpu.memory_space<vmem>> -> memref<128xi32, #tpu.memory_space<vmem>>
        %dma_start3A_611 = arith.constant 0 : i32
        %dma_start3A_612 = arith.constant 0 : i32
        %dma_start3A_613 = tpu.memref_slice %arg14[%dma_start3A_611, %dma_start3A_612] : memref<100096x16xf32, #tpu.memory_space<vmem_shared>> -> memref<100096x16xf32, #tpu.memory_space<vmem_shared>>
        tpu.enqueue_indirect_dma source(%dma_start3A_607 : memref<128x16xf32, #tpu.memory_space<vmem>>) target(%dma_start3A_613 : memref<100096x16xf32, #tpu.memory_space<vmem_shared>>) offsets(%dma_start3A_610 : memref<128xi32, #tpu.memory_space<vmem>>) semaphore(%arg16 : memref<!tpu.dma_semaphore, #tpu.memory_space<semaphore_mem>>) {add = true}
        %dma_wait3A_614 = arith.constant 2 : i32
        %dma_wait3A_615 = arith.constant 2 : i32
        %dma_wait3A_616 = arith.constant 0 : i32
        %dma_wait3A_617 = arith.constant 0 : i32
        %dma_wait3A_618 = tpu.memref_slice %arg13[%dma_wait3A_615, %dma_wait3A_616, %dma_wait3A_617] : memref<8x128x16xf32, #tpu.memory_space<vmem>> -> memref<1x128x16xf32, #tpu.memory_space<vmem>>
        %dma_wait3A_619 = tpu.memref_squeeze %dma_wait3A_618 : memref<1x128x16xf32, #tpu.memory_space<vmem>> -> memref<128x16xf32, #tpu.memory_space<vmem>>
        %dma_wait3A_620 = arith.constant 0 : i32
        %dma_wait3A_621 = tpu.memref_slice %arg11[%dma_wait3A_614, %dma_wait3A_620] : memref<16x128xi32, #tpu.memory_space<vmem>> -> memref<1x128xi32, #tpu.memory_space<vmem>>
        %dma_wait3A_622 = tpu.memref_squeeze %dma_wait3A_621 : memref<1x128xi32, #tpu.memory_space<vmem>> -> memref<128xi32, #tpu.memory_space<vmem>>
        %dma_wait3A_623 = arith.constant 0 : i32
        %dma_wait3A_624 = arith.constant 0 : i32
        %dma_wait3A_625 = tpu.memref_slice %arg3[%dma_wait3A_623, %dma_wait3A_624] : memref<100000x16xf32, #tpu.memory_space<hbm>> -> memref<100000x16xf32, #tpu.memory_space<hbm>>
        tpu.wait_indirect_dma semaphore(%arg15 : memref<!tpu.dma_semaphore, #tpu.memory_space<semaphore_mem>>) src(%dma_wait3A_625 : memref<100000x16xf32, #tpu.memory_space<hbm>>) dst(%dma_wait3A_619 : memref<128x16xf32, #tpu.memory_space<vmem>>)
        %dma_start3A_626 = arith.constant 2 : i32
        %dma_start3A_627 = arith.constant 10 : i32
        %dma_start3A_628 = arith.constant 0 : i32
        %dma_start3A_629 = arith.constant 0 : i32
        %dma_start3A_630 = tpu.memref_slice %arg13[%dma_start3A_626, %dma_start3A_628, %dma_start3A_629] : memref<8x128x16xf32, #tpu.memory_space<vmem>> -> memref<1x128x16xf32, #tpu.memory_space<vmem>>
        %dma_start3A_631 = tpu.memref_squeeze %dma_start3A_630 : memref<1x128x16xf32, #tpu.memory_space<vmem>> -> memref<128x16xf32, #tpu.memory_space<vmem>>
        %dma_start3A_632 = arith.constant 0 : i32
        %dma_start3A_633 = tpu.memref_slice %arg11[%dma_start3A_627, %dma_start3A_632] : memref<16x128xi32, #tpu.memory_space<vmem>> -> memref<1x128xi32, #tpu.memory_space<vmem>>
        %dma_start3A_634 = tpu.memref_squeeze %dma_start3A_633 : memref<1x128xi32, #tpu.memory_space<vmem>> -> memref<128xi32, #tpu.memory_space<vmem>>
        %dma_start3A_635 = arith.constant 0 : i32
        %dma_start3A_636 = arith.constant 0 : i32
        %dma_start3A_637 = tpu.memref_slice %arg14[%dma_start3A_635, %dma_start3A_636] : memref<100096x16xf32, #tpu.memory_space<vmem_shared>> -> memref<100096x16xf32, #tpu.memory_space<vmem_shared>>
        tpu.enqueue_indirect_dma source(%dma_start3A_631 : memref<128x16xf32, #tpu.memory_space<vmem>>) target(%dma_start3A_637 : memref<100096x16xf32, #tpu.memory_space<vmem_shared>>) offsets(%dma_start3A_634 : memref<128xi32, #tpu.memory_space<vmem>>) semaphore(%arg16 : memref<!tpu.dma_semaphore, #tpu.memory_space<semaphore_mem>>) {add = true}
        %dma_wait3A_638 = arith.constant 3 : i32
        %dma_wait3A_639 = arith.constant 3 : i32
        %dma_wait3A_640 = arith.constant 0 : i32
        %dma_wait3A_641 = arith.constant 0 : i32
        %dma_wait3A_642 = tpu.memref_slice %arg13[%dma_wait3A_639, %dma_wait3A_640, %dma_wait3A_641] : memref<8x128x16xf32, #tpu.memory_space<vmem>> -> memref<1x128x16xf32, #tpu.memory_space<vmem>>
        %dma_wait3A_643 = tpu.memref_squeeze %dma_wait3A_642 : memref<1x128x16xf32, #tpu.memory_space<vmem>> -> memref<128x16xf32, #tpu.memory_space<vmem>>
        %dma_wait3A_644 = arith.constant 0 : i32
        %dma_wait3A_645 = tpu.memref_slice %arg11[%dma_wait3A_638, %dma_wait3A_644] : memref<16x128xi32, #tpu.memory_space<vmem>> -> memref<1x128xi32, #tpu.memory_space<vmem>>
        %dma_wait3A_646 = tpu.memref_squeeze %dma_wait3A_645 : memref<1x128xi32, #tpu.memory_space<vmem>> -> memref<128xi32, #tpu.memory_space<vmem>>
        %dma_wait3A_647 = arith.constant 0 : i32
        %dma_wait3A_648 = arith.constant 0 : i32
        %dma_wait3A_649 = tpu.memref_slice %arg3[%dma_wait3A_647, %dma_wait3A_648] : memref<100000x16xf32, #tpu.memory_space<hbm>> -> memref<100000x16xf32, #tpu.memory_space<hbm>>
        tpu.wait_indirect_dma semaphore(%arg15 : memref<!tpu.dma_semaphore, #tpu.memory_space<semaphore_mem>>) src(%dma_wait3A_649 : memref<100000x16xf32, #tpu.memory_space<hbm>>) dst(%dma_wait3A_643 : memref<128x16xf32, #tpu.memory_space<vmem>>)
        %dma_start3A_650 = arith.constant 3 : i32
        %dma_start3A_651 = arith.constant 11 : i32
        %dma_start3A_652 = arith.constant 0 : i32
        %dma_start3A_653 = arith.constant 0 : i32
        %dma_start3A_654 = tpu.memref_slice %arg13[%dma_start3A_650, %dma_start3A_652, %dma_start3A_653] : memref<8x128x16xf32, #tpu.memory_space<vmem>> -> memref<1x128x16xf32, #tpu.memory_space<vmem>>
        %dma_start3A_655 = tpu.memref_squeeze %dma_start3A_654 : memref<1x128x16xf32, #tpu.memory_space<vmem>> -> memref<128x16xf32, #tpu.memory_space<vmem>>
        %dma_start3A_656 = arith.constant 0 : i32
        %dma_start3A_657 = tpu.memref_slice %arg11[%dma_start3A_651, %dma_start3A_656] : memref<16x128xi32, #tpu.memory_space<vmem>> -> memref<1x128xi32, #tpu.memory_space<vmem>>
        %dma_start3A_658 = tpu.memref_squeeze %dma_start3A_657 : memref<1x128xi32, #tpu.memory_space<vmem>> -> memref<128xi32, #tpu.memory_space<vmem>>
        %dma_start3A_659 = arith.constant 0 : i32
        %dma_start3A_660 = arith.constant 0 : i32
        %dma_start3A_661 = tpu.memref_slice %arg14[%dma_start3A_659, %dma_start3A_660] : memref<100096x16xf32, #tpu.memory_space<vmem_shared>> -> memref<100096x16xf32, #tpu.memory_space<vmem_shared>>
        tpu.enqueue_indirect_dma source(%dma_start3A_655 : memref<128x16xf32, #tpu.memory_space<vmem>>) target(%dma_start3A_661 : memref<100096x16xf32, #tpu.memory_space<vmem_shared>>) offsets(%dma_start3A_658 : memref<128xi32, #tpu.memory_space<vmem>>) semaphore(%arg16 : memref<!tpu.dma_semaphore, #tpu.memory_space<semaphore_mem>>) {add = true}
        %dma_wait3A_662 = arith.constant 4 : i32
        %dma_wait3A_663 = arith.constant 4 : i32
        %dma_wait3A_664 = arith.constant 0 : i32
        %dma_wait3A_665 = arith.constant 0 : i32
        %dma_wait3A_666 = tpu.memref_slice %arg13[%dma_wait3A_663, %dma_wait3A_664, %dma_wait3A_665] : memref<8x128x16xf32, #tpu.memory_space<vmem>> -> memref<1x128x16xf32, #tpu.memory_space<vmem>>
        %dma_wait3A_667 = tpu.memref_squeeze %dma_wait3A_666 : memref<1x128x16xf32, #tpu.memory_space<vmem>> -> memref<128x16xf32, #tpu.memory_space<vmem>>
        %dma_wait3A_668 = arith.constant 0 : i32
        %dma_wait3A_669 = tpu.memref_slice %arg11[%dma_wait3A_662, %dma_wait3A_668] : memref<16x128xi32, #tpu.memory_space<vmem>> -> memref<1x128xi32, #tpu.memory_space<vmem>>
        %dma_wait3A_670 = tpu.memref_squeeze %dma_wait3A_669 : memref<1x128xi32, #tpu.memory_space<vmem>> -> memref<128xi32, #tpu.memory_space<vmem>>
        %dma_wait3A_671 = arith.constant 0 : i32
        %dma_wait3A_672 = arith.constant 0 : i32
        %dma_wait3A_673 = tpu.memref_slice %arg3[%dma_wait3A_671, %dma_wait3A_672] : memref<100000x16xf32, #tpu.memory_space<hbm>> -> memref<100000x16xf32, #tpu.memory_space<hbm>>
        tpu.wait_indirect_dma semaphore(%arg15 : memref<!tpu.dma_semaphore, #tpu.memory_space<semaphore_mem>>) src(%dma_wait3A_673 : memref<100000x16xf32, #tpu.memory_space<hbm>>) dst(%dma_wait3A_667 : memref<128x16xf32, #tpu.memory_space<vmem>>)
        %dma_start3A_674 = arith.constant 4 : i32
        %dma_start3A_675 = arith.constant 12 : i32
        %dma_start3A_676 = arith.constant 0 : i32
        %dma_start3A_677 = arith.constant 0 : i32
        %dma_start3A_678 = tpu.memref_slice %arg13[%dma_start3A_674, %dma_start3A_676, %dma_start3A_677] : memref<8x128x16xf32, #tpu.memory_space<vmem>> -> memref<1x128x16xf32, #tpu.memory_space<vmem>>
        %dma_start3A_679 = tpu.memref_squeeze %dma_start3A_678 : memref<1x128x16xf32, #tpu.memory_space<vmem>> -> memref<128x16xf32, #tpu.memory_space<vmem>>
        %dma_start3A_680 = arith.constant 0 : i32
        %dma_start3A_681 = tpu.memref_slice %arg11[%dma_start3A_675, %dma_start3A_680] : memref<16x128xi32, #tpu.memory_space<vmem>> -> memref<1x128xi32, #tpu.memory_space<vmem>>
        %dma_start3A_682 = tpu.memref_squeeze %dma_start3A_681 : memref<1x128xi32, #tpu.memory_space<vmem>> -> memref<128xi32, #tpu.memory_space<vmem>>
        %dma_start3A_683 = arith.constant 0 : i32
        %dma_start3A_684 = arith.constant 0 : i32
        %dma_start3A_685 = tpu.memref_slice %arg14[%dma_start3A_683, %dma_start3A_684] : memref<100096x16xf32, #tpu.memory_space<vmem_shared>> -> memref<100096x16xf32, #tpu.memory_space<vmem_shared>>
        tpu.enqueue_indirect_dma source(%dma_start3A_679 : memref<128x16xf32, #tpu.memory_space<vmem>>) target(%dma_start3A_685 : memref<100096x16xf32, #tpu.memory_space<vmem_shared>>) offsets(%dma_start3A_682 : memref<128xi32, #tpu.memory_space<vmem>>) semaphore(%arg16 : memref<!tpu.dma_semaphore, #tpu.memory_space<semaphore_mem>>) {add = true}
        %dma_wait3A_686 = arith.constant 5 : i32
        %dma_wait3A_687 = arith.constant 5 : i32
        %dma_wait3A_688 = arith.constant 0 : i32
        %dma_wait3A_689 = arith.constant 0 : i32
        %dma_wait3A_690 = tpu.memref_slice %arg13[%dma_wait3A_687, %dma_wait3A_688, %dma_wait3A_689] : memref<8x128x16xf32, #tpu.memory_space<vmem>> -> memref<1x128x16xf32, #tpu.memory_space<vmem>>
        %dma_wait3A_691 = tpu.memref_squeeze %dma_wait3A_690 : memref<1x128x16xf32, #tpu.memory_space<vmem>> -> memref<128x16xf32, #tpu.memory_space<vmem>>
        %dma_wait3A_692 = arith.constant 0 : i32
        %dma_wait3A_693 = tpu.memref_slice %arg11[%dma_wait3A_686, %dma_wait3A_692] : memref<16x128xi32, #tpu.memory_space<vmem>> -> memref<1x128xi32, #tpu.memory_space<vmem>>
        %dma_wait3A_694 = tpu.memref_squeeze %dma_wait3A_693 : memref<1x128xi32, #tpu.memory_space<vmem>> -> memref<128xi32, #tpu.memory_space<vmem>>
        %dma_wait3A_695 = arith.constant 0 : i32
        %dma_wait3A_696 = arith.constant 0 : i32
        %dma_wait3A_697 = tpu.memref_slice %arg3[%dma_wait3A_695, %dma_wait3A_696] : memref<100000x16xf32, #tpu.memory_space<hbm>> -> memref<100000x16xf32, #tpu.memory_space<hbm>>
        tpu.wait_indirect_dma semaphore(%arg15 : memref<!tpu.dma_semaphore, #tpu.memory_space<semaphore_mem>>) src(%dma_wait3A_697 : memref<100000x16xf32, #tpu.memory_space<hbm>>) dst(%dma_wait3A_691 : memref<128x16xf32, #tpu.memory_space<vmem>>)
        %dma_start3A_698 = arith.constant 5 : i32
        %dma_start3A_699 = arith.constant 13 : i32
        %dma_start3A_700 = arith.constant 0 : i32
        %dma_start3A_701 = arith.constant 0 : i32
        %dma_start3A_702 = tpu.memref_slice %arg13[%dma_start3A_698, %dma_start3A_700, %dma_start3A_701] : memref<8x128x16xf32, #tpu.memory_space<vmem>> -> memref<1x128x16xf32, #tpu.memory_space<vmem>>
        %dma_start3A_703 = tpu.memref_squeeze %dma_start3A_702 : memref<1x128x16xf32, #tpu.memory_space<vmem>> -> memref<128x16xf32, #tpu.memory_space<vmem>>
        %dma_start3A_704 = arith.constant 0 : i32
        %dma_start3A_705 = tpu.memref_slice %arg11[%dma_start3A_699, %dma_start3A_704] : memref<16x128xi32, #tpu.memory_space<vmem>> -> memref<1x128xi32, #tpu.memory_space<vmem>>
        %dma_start3A_706 = tpu.memref_squeeze %dma_start3A_705 : memref<1x128xi32, #tpu.memory_space<vmem>> -> memref<128xi32, #tpu.memory_space<vmem>>
        %dma_start3A_707 = arith.constant 0 : i32
        %dma_start3A_708 = arith.constant 0 : i32
        %dma_start3A_709 = tpu.memref_slice %arg14[%dma_start3A_707, %dma_start3A_708] : memref<100096x16xf32, #tpu.memory_space<vmem_shared>> -> memref<100096x16xf32, #tpu.memory_space<vmem_shared>>
        tpu.enqueue_indirect_dma source(%dma_start3A_703 : memref<128x16xf32, #tpu.memory_space<vmem>>) target(%dma_start3A_709 : memref<100096x16xf32, #tpu.memory_space<vmem_shared>>) offsets(%dma_start3A_706 : memref<128xi32, #tpu.memory_space<vmem>>) semaphore(%arg16 : memref<!tpu.dma_semaphore, #tpu.memory_space<semaphore_mem>>) {add = true}
        %dma_wait3A_710 = arith.constant 6 : i32
        %dma_wait3A_711 = arith.constant 6 : i32
        %dma_wait3A_712 = arith.constant 0 : i32
        %dma_wait3A_713 = arith.constant 0 : i32
        %dma_wait3A_714 = tpu.memref_slice %arg13[%dma_wait3A_711, %dma_wait3A_712, %dma_wait3A_713] : memref<8x128x16xf32, #tpu.memory_space<vmem>> -> memref<1x128x16xf32, #tpu.memory_space<vmem>>
        %dma_wait3A_715 = tpu.memref_squeeze %dma_wait3A_714 : memref<1x128x16xf32, #tpu.memory_space<vmem>> -> memref<128x16xf32, #tpu.memory_space<vmem>>
        %dma_wait3A_716 = arith.constant 0 : i32
        %dma_wait3A_717 = tpu.memref_slice %arg11[%dma_wait3A_710, %dma_wait3A_716] : memref<16x128xi32, #tpu.memory_space<vmem>> -> memref<1x128xi32, #tpu.memory_space<vmem>>
        %dma_wait3A_718 = tpu.memref_squeeze %dma_wait3A_717 : memref<1x128xi32, #tpu.memory_space<vmem>> -> memref<128xi32, #tpu.memory_space<vmem>>
        %dma_wait3A_719 = arith.constant 0 : i32
        %dma_wait3A_720 = arith.constant 0 : i32
        %dma_wait3A_721 = tpu.memref_slice %arg3[%dma_wait3A_719, %dma_wait3A_720] : memref<100000x16xf32, #tpu.memory_space<hbm>> -> memref<100000x16xf32, #tpu.memory_space<hbm>>
        tpu.wait_indirect_dma semaphore(%arg15 : memref<!tpu.dma_semaphore, #tpu.memory_space<semaphore_mem>>) src(%dma_wait3A_721 : memref<100000x16xf32, #tpu.memory_space<hbm>>) dst(%dma_wait3A_715 : memref<128x16xf32, #tpu.memory_space<vmem>>)
        %dma_start3A_722 = arith.constant 6 : i32
        %dma_start3A_723 = arith.constant 14 : i32
        %dma_start3A_724 = arith.constant 0 : i32
        %dma_start3A_725 = arith.constant 0 : i32
        %dma_start3A_726 = tpu.memref_slice %arg13[%dma_start3A_722, %dma_start3A_724, %dma_start3A_725] : memref<8x128x16xf32, #tpu.memory_space<vmem>> -> memref<1x128x16xf32, #tpu.memory_space<vmem>>
        %dma_start3A_727 = tpu.memref_squeeze %dma_start3A_726 : memref<1x128x16xf32, #tpu.memory_space<vmem>> -> memref<128x16xf32, #tpu.memory_space<vmem>>
        %dma_start3A_728 = arith.constant 0 : i32
        %dma_start3A_729 = tpu.memref_slice %arg11[%dma_start3A_723, %dma_start3A_728] : memref<16x128xi32, #tpu.memory_space<vmem>> -> memref<1x128xi32, #tpu.memory_space<vmem>>
        %dma_start3A_730 = tpu.memref_squeeze %dma_start3A_729 : memref<1x128xi32, #tpu.memory_space<vmem>> -> memref<128xi32, #tpu.memory_space<vmem>>
        %dma_start3A_731 = arith.constant 0 : i32
        %dma_start3A_732 = arith.constant 0 : i32
        %dma_start3A_733 = tpu.memref_slice %arg14[%dma_start3A_731, %dma_start3A_732] : memref<100096x16xf32, #tpu.memory_space<vmem_shared>> -> memref<100096x16xf32, #tpu.memory_space<vmem_shared>>
        tpu.enqueue_indirect_dma source(%dma_start3A_727 : memref<128x16xf32, #tpu.memory_space<vmem>>) target(%dma_start3A_733 : memref<100096x16xf32, #tpu.memory_space<vmem_shared>>) offsets(%dma_start3A_730 : memref<128xi32, #tpu.memory_space<vmem>>) semaphore(%arg16 : memref<!tpu.dma_semaphore, #tpu.memory_space<semaphore_mem>>) {add = true}
        %dma_wait3A_734 = arith.constant 7 : i32
        %dma_wait3A_735 = arith.constant 7 : i32
        %dma_wait3A_736 = arith.constant 0 : i32
        %dma_wait3A_737 = arith.constant 0 : i32
        %dma_wait3A_738 = tpu.memref_slice %arg13[%dma_wait3A_735, %dma_wait3A_736, %dma_wait3A_737] : memref<8x128x16xf32, #tpu.memory_space<vmem>> -> memref<1x128x16xf32, #tpu.memory_space<vmem>>
        %dma_wait3A_739 = tpu.memref_squeeze %dma_wait3A_738 : memref<1x128x16xf32, #tpu.memory_space<vmem>> -> memref<128x16xf32, #tpu.memory_space<vmem>>
        %dma_wait3A_740 = arith.constant 0 : i32
        %dma_wait3A_741 = tpu.memref_slice %arg11[%dma_wait3A_734, %dma_wait3A_740] : memref<16x128xi32, #tpu.memory_space<vmem>> -> memref<1x128xi32, #tpu.memory_space<vmem>>
        %dma_wait3A_742 = tpu.memref_squeeze %dma_wait3A_741 : memref<1x128xi32, #tpu.memory_space<vmem>> -> memref<128xi32, #tpu.memory_space<vmem>>
        %dma_wait3A_743 = arith.constant 0 : i32
        %dma_wait3A_744 = arith.constant 0 : i32
        %dma_wait3A_745 = tpu.memref_slice %arg3[%dma_wait3A_743, %dma_wait3A_744] : memref<100000x16xf32, #tpu.memory_space<hbm>> -> memref<100000x16xf32, #tpu.memory_space<hbm>>
        tpu.wait_indirect_dma semaphore(%arg15 : memref<!tpu.dma_semaphore, #tpu.memory_space<semaphore_mem>>) src(%dma_wait3A_745 : memref<100000x16xf32, #tpu.memory_space<hbm>>) dst(%dma_wait3A_739 : memref<128x16xf32, #tpu.memory_space<vmem>>)
        %dma_start3A_746 = arith.constant 7 : i32
        %dma_start3A_747 = arith.constant 15 : i32
        %dma_start3A_748 = arith.constant 0 : i32
        %dma_start3A_749 = arith.constant 0 : i32
        %dma_start3A_750 = tpu.memref_slice %arg13[%dma_start3A_746, %dma_start3A_748, %dma_start3A_749] : memref<8x128x16xf32, #tpu.memory_space<vmem>> -> memref<1x128x16xf32, #tpu.memory_space<vmem>>
        %dma_start3A_751 = tpu.memref_squeeze %dma_start3A_750 : memref<1x128x16xf32, #tpu.memory_space<vmem>> -> memref<128x16xf32, #tpu.memory_space<vmem>>
        %dma_start3A_752 = arith.constant 0 : i32
        %dma_start3A_753 = tpu.memref_slice %arg11[%dma_start3A_747, %dma_start3A_752] : memref<16x128xi32, #tpu.memory_space<vmem>> -> memref<1x128xi32, #tpu.memory_space<vmem>>
        %dma_start3A_754 = tpu.memref_squeeze %dma_start3A_753 : memref<1x128xi32, #tpu.memory_space<vmem>> -> memref<128xi32, #tpu.memory_space<vmem>>
        %dma_start3A_755 = arith.constant 0 : i32
        %dma_start3A_756 = arith.constant 0 : i32
        %dma_start3A_757 = tpu.memref_slice %arg14[%dma_start3A_755, %dma_start3A_756] : memref<100096x16xf32, #tpu.memory_space<vmem_shared>> -> memref<100096x16xf32, #tpu.memory_space<vmem_shared>>
        tpu.enqueue_indirect_dma source(%dma_start3A_751 : memref<128x16xf32, #tpu.memory_space<vmem>>) target(%dma_start3A_757 : memref<100096x16xf32, #tpu.memory_space<vmem_shared>>) offsets(%dma_start3A_754 : memref<128xi32, #tpu.memory_space<vmem>>) semaphore(%arg16 : memref<!tpu.dma_semaphore, #tpu.memory_space<semaphore_mem>>) {add = true}
        %dma_wait3A_758 = arith.constant 0 : i32
        %dma_wait3A_759 = arith.constant 8 : i32
        %dma_wait3A_760 = arith.constant 0 : i32
        %dma_wait3A_761 = arith.constant 0 : i32
        %dma_wait3A_762 = tpu.memref_slice %arg13[%dma_wait3A_758, %dma_wait3A_760, %dma_wait3A_761] : memref<8x128x16xf32, #tpu.memory_space<vmem>> -> memref<1x128x16xf32, #tpu.memory_space<vmem>>
        %dma_wait3A_763 = tpu.memref_squeeze %dma_wait3A_762 : memref<1x128x16xf32, #tpu.memory_space<vmem>> -> memref<128x16xf32, #tpu.memory_space<vmem>>
        %dma_wait3A_764 = arith.constant 0 : i32
        %dma_wait3A_765 = tpu.memref_slice %arg11[%dma_wait3A_759, %dma_wait3A_764] : memref<16x128xi32, #tpu.memory_space<vmem>> -> memref<1x128xi32, #tpu.memory_space<vmem>>
        %dma_wait3A_766 = tpu.memref_squeeze %dma_wait3A_765 : memref<1x128xi32, #tpu.memory_space<vmem>> -> memref<128xi32, #tpu.memory_space<vmem>>
        %dma_wait3A_767 = arith.constant 0 : i32
        %dma_wait3A_768 = arith.constant 0 : i32
        %dma_wait3A_769 = tpu.memref_slice %arg14[%dma_wait3A_767, %dma_wait3A_768] : memref<100096x16xf32, #tpu.memory_space<vmem_shared>> -> memref<100096x16xf32, #tpu.memory_space<vmem_shared>>
        tpu.wait_indirect_dma semaphore(%arg16 : memref<!tpu.dma_semaphore, #tpu.memory_space<semaphore_mem>>) src(%dma_wait3A_763 : memref<128x16xf32, #tpu.memory_space<vmem>>) dst(%dma_wait3A_769 : memref<100096x16xf32, #tpu.memory_space<vmem_shared>>)
        %dma_wait3A_770 = arith.constant 1 : i32
        %dma_wait3A_771 = arith.constant 9 : i32
        %dma_wait3A_772 = arith.constant 0 : i32
        %dma_wait3A_773 = arith.constant 0 : i32
        %dma_wait3A_774 = tpu.memref_slice %arg13[%dma_wait3A_770, %dma_wait3A_772, %dma_wait3A_773] : memref<8x128x16xf32, #tpu.memory_space<vmem>> -> memref<1x128x16xf32, #tpu.memory_space<vmem>>
        %dma_wait3A_775 = tpu.memref_squeeze %dma_wait3A_774 : memref<1x128x16xf32, #tpu.memory_space<vmem>> -> memref<128x16xf32, #tpu.memory_space<vmem>>
        %dma_wait3A_776 = arith.constant 0 : i32
        %dma_wait3A_777 = tpu.memref_slice %arg11[%dma_wait3A_771, %dma_wait3A_776] : memref<16x128xi32, #tpu.memory_space<vmem>> -> memref<1x128xi32, #tpu.memory_space<vmem>>
        %dma_wait3A_778 = tpu.memref_squeeze %dma_wait3A_777 : memref<1x128xi32, #tpu.memory_space<vmem>> -> memref<128xi32, #tpu.memory_space<vmem>>
        %dma_wait3A_779 = arith.constant 0 : i32
        %dma_wait3A_780 = arith.constant 0 : i32
        %dma_wait3A_781 = tpu.memref_slice %arg14[%dma_wait3A_779, %dma_wait3A_780] : memref<100096x16xf32, #tpu.memory_space<vmem_shared>> -> memref<100096x16xf32, #tpu.memory_space<vmem_shared>>
        tpu.wait_indirect_dma semaphore(%arg16 : memref<!tpu.dma_semaphore, #tpu.memory_space<semaphore_mem>>) src(%dma_wait3A_775 : memref<128x16xf32, #tpu.memory_space<vmem>>) dst(%dma_wait3A_781 : memref<100096x16xf32, #tpu.memory_space<vmem_shared>>)
        %dma_wait3A_782 = arith.constant 2 : i32
        %dma_wait3A_783 = arith.constant 10 : i32
        %dma_wait3A_784 = arith.constant 0 : i32
        %dma_wait3A_785 = arith.constant 0 : i32
        %dma_wait3A_786 = tpu.memref_slice %arg13[%dma_wait3A_782, %dma_wait3A_784, %dma_wait3A_785] : memref<8x128x16xf32, #tpu.memory_space<vmem>> -> memref<1x128x16xf32, #tpu.memory_space<vmem>>
        %dma_wait3A_787 = tpu.memref_squeeze %dma_wait3A_786 : memref<1x128x16xf32, #tpu.memory_space<vmem>> -> memref<128x16xf32, #tpu.memory_space<vmem>>
        %dma_wait3A_788 = arith.constant 0 : i32
        %dma_wait3A_789 = tpu.memref_slice %arg11[%dma_wait3A_783, %dma_wait3A_788] : memref<16x128xi32, #tpu.memory_space<vmem>> -> memref<1x128xi32, #tpu.memory_space<vmem>>
        %dma_wait3A_790 = tpu.memref_squeeze %dma_wait3A_789 : memref<1x128xi32, #tpu.memory_space<vmem>> -> memref<128xi32, #tpu.memory_space<vmem>>
        %dma_wait3A_791 = arith.constant 0 : i32
        %dma_wait3A_792 = arith.constant 0 : i32
        %dma_wait3A_793 = tpu.memref_slice %arg14[%dma_wait3A_791, %dma_wait3A_792] : memref<100096x16xf32, #tpu.memory_space<vmem_shared>> -> memref<100096x16xf32, #tpu.memory_space<vmem_shared>>
        tpu.wait_indirect_dma semaphore(%arg16 : memref<!tpu.dma_semaphore, #tpu.memory_space<semaphore_mem>>) src(%dma_wait3A_787 : memref<128x16xf32, #tpu.memory_space<vmem>>) dst(%dma_wait3A_793 : memref<100096x16xf32, #tpu.memory_space<vmem_shared>>)
        %dma_wait3A_794 = arith.constant 3 : i32
        %dma_wait3A_795 = arith.constant 11 : i32
        %dma_wait3A_796 = arith.constant 0 : i32
        %dma_wait3A_797 = arith.constant 0 : i32
        %dma_wait3A_798 = tpu.memref_slice %arg13[%dma_wait3A_794, %dma_wait3A_796, %dma_wait3A_797] : memref<8x128x16xf32, #tpu.memory_space<vmem>> -> memref<1x128x16xf32, #tpu.memory_space<vmem>>
        %dma_wait3A_799 = tpu.memref_squeeze %dma_wait3A_798 : memref<1x128x16xf32, #tpu.memory_space<vmem>> -> memref<128x16xf32, #tpu.memory_space<vmem>>
        %dma_wait3A_800 = arith.constant 0 : i32
        %dma_wait3A_801 = tpu.memref_slice %arg11[%dma_wait3A_795, %dma_wait3A_800] : memref<16x128xi32, #tpu.memory_space<vmem>> -> memref<1x128xi32, #tpu.memory_space<vmem>>
        %dma_wait3A_802 = tpu.memref_squeeze %dma_wait3A_801 : memref<1x128xi32, #tpu.memory_space<vmem>> -> memref<128xi32, #tpu.memory_space<vmem>>
        %dma_wait3A_803 = arith.constant 0 : i32
        %dma_wait3A_804 = arith.constant 0 : i32
        %dma_wait3A_805 = tpu.memref_slice %arg14[%dma_wait3A_803, %dma_wait3A_804] : memref<100096x16xf32, #tpu.memory_space<vmem_shared>> -> memref<100096x16xf32, #tpu.memory_space<vmem_shared>>
        tpu.wait_indirect_dma semaphore(%arg16 : memref<!tpu.dma_semaphore, #tpu.memory_space<semaphore_mem>>) src(%dma_wait3A_799 : memref<128x16xf32, #tpu.memory_space<vmem>>) dst(%dma_wait3A_805 : memref<100096x16xf32, #tpu.memory_space<vmem_shared>>)
        %dma_wait3A_806 = arith.constant 4 : i32
        %dma_wait3A_807 = arith.constant 12 : i32
        %dma_wait3A_808 = arith.constant 0 : i32
        %dma_wait3A_809 = arith.constant 0 : i32
        %dma_wait3A_810 = tpu.memref_slice %arg13[%dma_wait3A_806, %dma_wait3A_808, %dma_wait3A_809] : memref<8x128x16xf32, #tpu.memory_space<vmem>> -> memref<1x128x16xf32, #tpu.memory_space<vmem>>
        %dma_wait3A_811 = tpu.memref_squeeze %dma_wait3A_810 : memref<1x128x16xf32, #tpu.memory_space<vmem>> -> memref<128x16xf32, #tpu.memory_space<vmem>>
        %dma_wait3A_812 = arith.constant 0 : i32
        %dma_wait3A_813 = tpu.memref_slice %arg11[%dma_wait3A_807, %dma_wait3A_812] : memref<16x128xi32, #tpu.memory_space<vmem>> -> memref<1x128xi32, #tpu.memory_space<vmem>>
        %dma_wait3A_814 = tpu.memref_squeeze %dma_wait3A_813 : memref<1x128xi32, #tpu.memory_space<vmem>> -> memref<128xi32, #tpu.memory_space<vmem>>
        %dma_wait3A_815 = arith.constant 0 : i32
        %dma_wait3A_816 = arith.constant 0 : i32
        %dma_wait3A_817 = tpu.memref_slice %arg14[%dma_wait3A_815, %dma_wait3A_816] : memref<100096x16xf32, #tpu.memory_space<vmem_shared>> -> memref<100096x16xf32, #tpu.memory_space<vmem_shared>>
        tpu.wait_indirect_dma semaphore(%arg16 : memref<!tpu.dma_semaphore, #tpu.memory_space<semaphore_mem>>) src(%dma_wait3A_811 : memref<128x16xf32, #tpu.memory_space<vmem>>) dst(%dma_wait3A_817 : memref<100096x16xf32, #tpu.memory_space<vmem_shared>>)
        %dma_wait3A_818 = arith.constant 5 : i32
        %dma_wait3A_819 = arith.constant 13 : i32
        %dma_wait3A_820 = arith.constant 0 : i32
        %dma_wait3A_821 = arith.constant 0 : i32
        %dma_wait3A_822 = tpu.memref_slice %arg13[%dma_wait3A_818, %dma_wait3A_820, %dma_wait3A_821] : memref<8x128x16xf32, #tpu.memory_space<vmem>> -> memref<1x128x16xf32, #tpu.memory_space<vmem>>
        %dma_wait3A_823 = tpu.memref_squeeze %dma_wait3A_822 : memref<1x128x16xf32, #tpu.memory_space<vmem>> -> memref<128x16xf32, #tpu.memory_space<vmem>>
        %dma_wait3A_824 = arith.constant 0 : i32
        %dma_wait3A_825 = tpu.memref_slice %arg11[%dma_wait3A_819, %dma_wait3A_824] : memref<16x128xi32, #tpu.memory_space<vmem>> -> memref<1x128xi32, #tpu.memory_space<vmem>>
        %dma_wait3A_826 = tpu.memref_squeeze %dma_wait3A_825 : memref<1x128xi32, #tpu.memory_space<vmem>> -> memref<128xi32, #tpu.memory_space<vmem>>
        %dma_wait3A_827 = arith.constant 0 : i32
        %dma_wait3A_828 = arith.constant 0 : i32
        %dma_wait3A_829 = tpu.memref_slice %arg14[%dma_wait3A_827, %dma_wait3A_828] : memref<100096x16xf32, #tpu.memory_space<vmem_shared>> -> memref<100096x16xf32, #tpu.memory_space<vmem_shared>>
        tpu.wait_indirect_dma semaphore(%arg16 : memref<!tpu.dma_semaphore, #tpu.memory_space<semaphore_mem>>) src(%dma_wait3A_823 : memref<128x16xf32, #tpu.memory_space<vmem>>) dst(%dma_wait3A_829 : memref<100096x16xf32, #tpu.memory_space<vmem_shared>>)
        %dma_wait3A_830 = arith.constant 6 : i32
        %dma_wait3A_831 = arith.constant 14 : i32
        %dma_wait3A_832 = arith.constant 0 : i32
        %dma_wait3A_833 = arith.constant 0 : i32
        %dma_wait3A_834 = tpu.memref_slice %arg13[%dma_wait3A_830, %dma_wait3A_832, %dma_wait3A_833] : memref<8x128x16xf32, #tpu.memory_space<vmem>> -> memref<1x128x16xf32, #tpu.memory_space<vmem>>
        %dma_wait3A_835 = tpu.memref_squeeze %dma_wait3A_834 : memref<1x128x16xf32, #tpu.memory_space<vmem>> -> memref<128x16xf32, #tpu.memory_space<vmem>>
        %dma_wait3A_836 = arith.constant 0 : i32
        %dma_wait3A_837 = tpu.memref_slice %arg11[%dma_wait3A_831, %dma_wait3A_836] : memref<16x128xi32, #tpu.memory_space<vmem>> -> memref<1x128xi32, #tpu.memory_space<vmem>>
        %dma_wait3A_838 = tpu.memref_squeeze %dma_wait3A_837 : memref<1x128xi32, #tpu.memory_space<vmem>> -> memref<128xi32, #tpu.memory_space<vmem>>
        %dma_wait3A_839 = arith.constant 0 : i32
        %dma_wait3A_840 = arith.constant 0 : i32
        %dma_wait3A_841 = tpu.memref_slice %arg14[%dma_wait3A_839, %dma_wait3A_840] : memref<100096x16xf32, #tpu.memory_space<vmem_shared>> -> memref<100096x16xf32, #tpu.memory_space<vmem_shared>>
        tpu.wait_indirect_dma semaphore(%arg16 : memref<!tpu.dma_semaphore, #tpu.memory_space<semaphore_mem>>) src(%dma_wait3A_835 : memref<128x16xf32, #tpu.memory_space<vmem>>) dst(%dma_wait3A_841 : memref<100096x16xf32, #tpu.memory_space<vmem_shared>>)
        %dma_wait3A_842 = arith.constant 7 : i32
        %dma_wait3A_843 = arith.constant 15 : i32
        %dma_wait3A_844 = arith.constant 0 : i32
        %dma_wait3A_845 = arith.constant 0 : i32
        %dma_wait3A_846 = tpu.memref_slice %arg13[%dma_wait3A_842, %dma_wait3A_844, %dma_wait3A_845] : memref<8x128x16xf32, #tpu.memory_space<vmem>> -> memref<1x128x16xf32, #tpu.memory_space<vmem>>
        %dma_wait3A_847 = tpu.memref_squeeze %dma_wait3A_846 : memref<1x128x16xf32, #tpu.memory_space<vmem>> -> memref<128x16xf32, #tpu.memory_space<vmem>>
        %dma_wait3A_848 = arith.constant 0 : i32
        %dma_wait3A_849 = tpu.memref_slice %arg11[%dma_wait3A_843, %dma_wait3A_848] : memref<16x128xi32, #tpu.memory_space<vmem>> -> memref<1x128xi32, #tpu.memory_space<vmem>>
        %dma_wait3A_850 = tpu.memref_squeeze %dma_wait3A_849 : memref<1x128xi32, #tpu.memory_space<vmem>> -> memref<128xi32, #tpu.memory_space<vmem>>
        %dma_wait3A_851 = arith.constant 0 : i32
        %dma_wait3A_852 = arith.constant 0 : i32
        %dma_wait3A_853 = tpu.memref_slice %arg14[%dma_wait3A_851, %dma_wait3A_852] : memref<100096x16xf32, #tpu.memory_space<vmem_shared>> -> memref<100096x16xf32, #tpu.memory_space<vmem_shared>>
        tpu.wait_indirect_dma semaphore(%arg16 : memref<!tpu.dma_semaphore, #tpu.memory_space<semaphore_mem>>) src(%dma_wait3A_847 : memref<128x16xf32, #tpu.memory_space<vmem>>) dst(%dma_wait3A_853 : memref<100096x16xf32, #tpu.memory_space<vmem_shared>>)
        %mul3A_854 = arith.constant 2 : i32
        %mul3A_855 = arith.muli %mul3A_854, %scan3A_455 : i32
        %add3A_856 = arith.constant 1 : i32
        %add3A_857 = arith.addi %mul3A_855, %add3A_856 : i32
        %dma_wait3A_858 = arith.constant 0 : i32
        %dma_wait3A_859 = arith.constant 0 : i32
        %dma_wait3A_860 = tpu.memref_slice %arg5[%dma_wait3A_858, %dma_wait3A_859] : memref<25088x128xi32, #tpu.memory_space<hbm>> -> memref<16x128xi32, #tpu.memory_space<hbm>>
        %dma_wait3A_861 = arith.constant 0 : i32
        %dma_wait3A_862 = arith.constant 0 : i32
        %dma_wait3A_863 = tpu.memref_slice %arg5[%dma_wait3A_861, %dma_wait3A_862] : memref<25088x128xi32, #tpu.memory_space<hbm>> -> memref<16x128xi32, #tpu.memory_space<hbm>>
        tpu.wait_dma2 semaphore(%arg17 : memref<!tpu.dma_semaphore, #tpu.memory_space<semaphore_mem>>) src(%dma_wait3A_863 : memref<16x128xi32, #tpu.memory_space<hbm>>) dst(%arg12 : memref<16x128xi32, #tpu.memory_space<vmem>>)
        %add3A_864 = arith.constant 1 : i32
        %add3A_865 = arith.addi %add3A_857, %add3A_864 : i32
        %lt3A_866 = arith.constant 98 : i32
        %lt3A_867 = arith.cmpi slt, %add3A_865, %lt3A_866 : i32
        %convert_element_type3A_868 = arith.extui %lt3A_867 : i1 to i32
        %cond3A_869 = arith.constant 0 : i32
        %cond3A_870 = arith.cmpi ne, %convert_element_type3A_868, %cond3A_869 : i32
        scf.if %cond3A_870 {
          %add3A_1255 = arith.addi %mul3A_442, %add3A_857 : i32
          %add3A_1256 = arith.constant 1 : i32
          %add3A_1257 = arith.addi %add3A_1255, %add3A_1256 : i32
          %mul3A_1258 = arith.constant 16 : i32
          %mul3A_1259 = arith.muli %add3A_1257, %mul3A_1258 : i32
          %dma_start3A_1260 = arith.constant 0 : i32
          %dma_start3A_1261 = tpu.memref_slice %arg5[%mul3A_1259, %dma_start3A_1260] : memref<25088x128xi32, #tpu.memory_space<hbm>> -> memref<16x128xi32, #tpu.memory_space<hbm>>
          %dma_start3A_1262 = arith.constant 0 : i32
          %dma_start3A_1263 = tpu.memref_slice %arg5[%mul3A_1259, %dma_start3A_1262] : memref<25088x128xi32, #tpu.memory_space<hbm>> -> memref<16x128xi32, #tpu.memory_space<hbm>>
          tpu.enqueue_dma source(%dma_start3A_1263 : memref<16x128xi32, #tpu.memory_space<hbm>>) target(%arg11 : memref<16x128xi32, #tpu.memory_space<vmem>>) target_semaphore(%arg17 : memref<!tpu.dma_semaphore, #tpu.memory_space<semaphore_mem>>)
        } else {
        }
        %dma_start3A_871 = arith.constant 0 : i32
        %dma_start3A_872 = arith.constant 0 : i32
        %dma_start3A_873 = arith.constant 0 : i32
        %dma_start3A_874 = arith.constant 0 : i32
        %dma_start3A_875 = tpu.memref_slice %arg13[%dma_start3A_872, %dma_start3A_873, %dma_start3A_874] : memref<8x128x16xf32, #tpu.memory_space<vmem>> -> memref<1x128x16xf32, #tpu.memory_space<vmem>>
        %dma_start3A_876 = tpu.memref_squeeze %dma_start3A_875 : memref<1x128x16xf32, #tpu.memory_space<vmem>> -> memref<128x16xf32, #tpu.memory_space<vmem>>
        %dma_start3A_877 = arith.constant 0 : i32
        %dma_start3A_878 = tpu.memref_slice %arg12[%dma_start3A_871, %dma_start3A_877] : memref<16x128xi32, #tpu.memory_space<vmem>> -> memref<1x128xi32, #tpu.memory_space<vmem>>
        %dma_start3A_879 = tpu.memref_squeeze %dma_start3A_878 : memref<1x128xi32, #tpu.memory_space<vmem>> -> memref<128xi32, #tpu.memory_space<vmem>>
        %dma_start3A_880 = arith.constant 0 : i32
        %dma_start3A_881 = arith.constant 0 : i32
        %dma_start3A_882 = tpu.memref_slice %arg3[%dma_start3A_880, %dma_start3A_881] : memref<100000x16xf32, #tpu.memory_space<hbm>> -> memref<100000x16xf32, #tpu.memory_space<hbm>>
        tpu.enqueue_indirect_dma source(%dma_start3A_882 : memref<100000x16xf32, #tpu.memory_space<hbm>>) target(%dma_start3A_876 : memref<128x16xf32, #tpu.memory_space<vmem>>) offsets(%dma_start3A_879 : memref<128xi32, #tpu.memory_space<vmem>>) semaphore(%arg15 : memref<!tpu.dma_semaphore, #tpu.memory_space<semaphore_mem>>)
        %dma_start3A_883 = arith.constant 1 : i32
        %dma_start3A_884 = arith.constant 1 : i32
        %dma_start3A_885 = arith.constant 0 : i32
        %dma_start3A_886 = arith.constant 0 : i32
        %dma_start3A_887 = tpu.memref_slice %arg13[%dma_start3A_884, %dma_start3A_885, %dma_start3A_886] : memref<8x128x16xf32, #tpu.memory_space<vmem>> -> memref<1x128x16xf32, #tpu.memory_space<vmem>>
        %dma_start3A_888 = tpu.memref_squeeze %dma_start3A_887 : memref<1x128x16xf32, #tpu.memory_space<vmem>> -> memref<128x16xf32, #tpu.memory_space<vmem>>
        %dma_start3A_889 = arith.constant 0 : i32
        %dma_start3A_890 = tpu.memref_slice %arg12[%dma_start3A_883, %dma_start3A_889] : memref<16x128xi32, #tpu.memory_space<vmem>> -> memref<1x128xi32, #tpu.memory_space<vmem>>
        %dma_start3A_891 = tpu.memref_squeeze %dma_start3A_890 : memref<1x128xi32, #tpu.memory_space<vmem>> -> memref<128xi32, #tpu.memory_space<vmem>>
        %dma_start3A_892 = arith.constant 0 : i32
        %dma_start3A_893 = arith.constant 0 : i32
        %dma_start3A_894 = tpu.memref_slice %arg3[%dma_start3A_892, %dma_start3A_893] : memref<100000x16xf32, #tpu.memory_space<hbm>> -> memref<100000x16xf32, #tpu.memory_space<hbm>>
        tpu.enqueue_indirect_dma source(%dma_start3A_894 : memref<100000x16xf32, #tpu.memory_space<hbm>>) target(%dma_start3A_888 : memref<128x16xf32, #tpu.memory_space<vmem>>) offsets(%dma_start3A_891 : memref<128xi32, #tpu.memory_space<vmem>>) semaphore(%arg15 : memref<!tpu.dma_semaphore, #tpu.memory_space<semaphore_mem>>)
        %dma_start3A_895 = arith.constant 2 : i32
        %dma_start3A_896 = arith.constant 2 : i32
        %dma_start3A_897 = arith.constant 0 : i32
        %dma_start3A_898 = arith.constant 0 : i32
        %dma_start3A_899 = tpu.memref_slice %arg13[%dma_start3A_896, %dma_start3A_897, %dma_start3A_898] : memref<8x128x16xf32, #tpu.memory_space<vmem>> -> memref<1x128x16xf32, #tpu.memory_space<vmem>>
        %dma_start3A_900 = tpu.memref_squeeze %dma_start3A_899 : memref<1x128x16xf32, #tpu.memory_space<vmem>> -> memref<128x16xf32, #tpu.memory_space<vmem>>
        %dma_start3A_901 = arith.constant 0 : i32
        %dma_start3A_902 = tpu.memref_slice %arg12[%dma_start3A_895, %dma_start3A_901] : memref<16x128xi32, #tpu.memory_space<vmem>> -> memref<1x128xi32, #tpu.memory_space<vmem>>
        %dma_start3A_903 = tpu.memref_squeeze %dma_start3A_902 : memref<1x128xi32, #tpu.memory_space<vmem>> -> memref<128xi32, #tpu.memory_space<vmem>>
        %dma_start3A_904 = arith.constant 0 : i32
        %dma_start3A_905 = arith.constant 0 : i32
        %dma_start3A_906 = tpu.memref_slice %arg3[%dma_start3A_904, %dma_start3A_905] : memref<100000x16xf32, #tpu.memory_space<hbm>> -> memref<100000x16xf32, #tpu.memory_space<hbm>>
        tpu.enqueue_indirect_dma source(%dma_start3A_906 : memref<100000x16xf32, #tpu.memory_space<hbm>>) target(%dma_start3A_900 : memref<128x16xf32, #tpu.memory_space<vmem>>) offsets(%dma_start3A_903 : memref<128xi32, #tpu.memory_space<vmem>>) semaphore(%arg15 : memref<!tpu.dma_semaphore, #tpu.memory_space<semaphore_mem>>)
        %dma_start3A_907 = arith.constant 3 : i32
        %dma_start3A_908 = arith.constant 3 : i32
        %dma_start3A_909 = arith.constant 0 : i32
        %dma_start3A_910 = arith.constant 0 : i32
        %dma_start3A_911 = tpu.memref_slice %arg13[%dma_start3A_908, %dma_start3A_909, %dma_start3A_910] : memref<8x128x16xf32, #tpu.memory_space<vmem>> -> memref<1x128x16xf32, #tpu.memory_space<vmem>>
        %dma_start3A_912 = tpu.memref_squeeze %dma_start3A_911 : memref<1x128x16xf32, #tpu.memory_space<vmem>> -> memref<128x16xf32, #tpu.memory_space<vmem>>
        %dma_start3A_913 = arith.constant 0 : i32
        %dma_start3A_914 = tpu.memref_slice %arg12[%dma_start3A_907, %dma_start3A_913] : memref<16x128xi32, #tpu.memory_space<vmem>> -> memref<1x128xi32, #tpu.memory_space<vmem>>
        %dma_start3A_915 = tpu.memref_squeeze %dma_start3A_914 : memref<1x128xi32, #tpu.memory_space<vmem>> -> memref<128xi32, #tpu.memory_space<vmem>>
        %dma_start3A_916 = arith.constant 0 : i32
        %dma_start3A_917 = arith.constant 0 : i32
        %dma_start3A_918 = tpu.memref_slice %arg3[%dma_start3A_916, %dma_start3A_917] : memref<100000x16xf32, #tpu.memory_space<hbm>> -> memref<100000x16xf32, #tpu.memory_space<hbm>>
        tpu.enqueue_indirect_dma source(%dma_start3A_918 : memref<100000x16xf32, #tpu.memory_space<hbm>>) target(%dma_start3A_912 : memref<128x16xf32, #tpu.memory_space<vmem>>) offsets(%dma_start3A_915 : memref<128xi32, #tpu.memory_space<vmem>>) semaphore(%arg15 : memref<!tpu.dma_semaphore, #tpu.memory_space<semaphore_mem>>)
        %dma_start3A_919 = arith.constant 4 : i32
        %dma_start3A_920 = arith.constant 4 : i32
        %dma_start3A_921 = arith.constant 0 : i32
        %dma_start3A_922 = arith.constant 0 : i32
        %dma_start3A_923 = tpu.memref_slice %arg13[%dma_start3A_920, %dma_start3A_921, %dma_start3A_922] : memref<8x128x16xf32, #tpu.memory_space<vmem>> -> memref<1x128x16xf32, #tpu.memory_space<vmem>>
        %dma_start3A_924 = tpu.memref_squeeze %dma_start3A_923 : memref<1x128x16xf32, #tpu.memory_space<vmem>> -> memref<128x16xf32, #tpu.memory_space<vmem>>
        %dma_start3A_925 = arith.constant 0 : i32
        %dma_start3A_926 = tpu.memref_slice %arg12[%dma_start3A_919, %dma_start3A_925] : memref<16x128xi32, #tpu.memory_space<vmem>> -> memref<1x128xi32, #tpu.memory_space<vmem>>
        %dma_start3A_927 = tpu.memref_squeeze %dma_start3A_926 : memref<1x128xi32, #tpu.memory_space<vmem>> -> memref<128xi32, #tpu.memory_space<vmem>>
        %dma_start3A_928 = arith.constant 0 : i32
        %dma_start3A_929 = arith.constant 0 : i32
        %dma_start3A_930 = tpu.memref_slice %arg3[%dma_start3A_928, %dma_start3A_929] : memref<100000x16xf32, #tpu.memory_space<hbm>> -> memref<100000x16xf32, #tpu.memory_space<hbm>>
        tpu.enqueue_indirect_dma source(%dma_start3A_930 : memref<100000x16xf32, #tpu.memory_space<hbm>>) target(%dma_start3A_924 : memref<128x16xf32, #tpu.memory_space<vmem>>) offsets(%dma_start3A_927 : memref<128xi32, #tpu.memory_space<vmem>>) semaphore(%arg15 : memref<!tpu.dma_semaphore, #tpu.memory_space<semaphore_mem>>)
        %dma_start3A_931 = arith.constant 5 : i32
        %dma_start3A_932 = arith.constant 5 : i32
        %dma_start3A_933 = arith.constant 0 : i32
        %dma_start3A_934 = arith.constant 0 : i32
        %dma_start3A_935 = tpu.memref_slice %arg13[%dma_start3A_932, %dma_start3A_933, %dma_start3A_934] : memref<8x128x16xf32, #tpu.memory_space<vmem>> -> memref<1x128x16xf32, #tpu.memory_space<vmem>>
        %dma_start3A_936 = tpu.memref_squeeze %dma_start3A_935 : memref<1x128x16xf32, #tpu.memory_space<vmem>> -> memref<128x16xf32, #tpu.memory_space<vmem>>
        %dma_start3A_937 = arith.constant 0 : i32
        %dma_start3A_938 = tpu.memref_slice %arg12[%dma_start3A_931, %dma_start3A_937] : memref<16x128xi32, #tpu.memory_space<vmem>> -> memref<1x128xi32, #tpu.memory_space<vmem>>
        %dma_start3A_939 = tpu.memref_squeeze %dma_start3A_938 : memref<1x128xi32, #tpu.memory_space<vmem>> -> memref<128xi32, #tpu.memory_space<vmem>>
        %dma_start3A_940 = arith.constant 0 : i32
        %dma_start3A_941 = arith.constant 0 : i32
        %dma_start3A_942 = tpu.memref_slice %arg3[%dma_start3A_940, %dma_start3A_941] : memref<100000x16xf32, #tpu.memory_space<hbm>> -> memref<100000x16xf32, #tpu.memory_space<hbm>>
        tpu.enqueue_indirect_dma source(%dma_start3A_942 : memref<100000x16xf32, #tpu.memory_space<hbm>>) target(%dma_start3A_936 : memref<128x16xf32, #tpu.memory_space<vmem>>) offsets(%dma_start3A_939 : memref<128xi32, #tpu.memory_space<vmem>>) semaphore(%arg15 : memref<!tpu.dma_semaphore, #tpu.memory_space<semaphore_mem>>)
        %dma_wait3A_943 = arith.constant 0 : i32
        %dma_wait3A_944 = arith.constant 0 : i32
        %dma_wait3A_945 = arith.constant 0 : i32
        %dma_wait3A_946 = arith.constant 0 : i32
        %dma_wait3A_947 = tpu.memref_slice %arg13[%dma_wait3A_944, %dma_wait3A_945, %dma_wait3A_946] : memref<8x128x16xf32, #tpu.memory_space<vmem>> -> memref<1x128x16xf32, #tpu.memory_space<vmem>>
        %dma_wait3A_948 = tpu.memref_squeeze %dma_wait3A_947 : memref<1x128x16xf32, #tpu.memory_space<vmem>> -> memref<128x16xf32, #tpu.memory_space<vmem>>
        %dma_wait3A_949 = arith.constant 0 : i32
        %dma_wait3A_950 = tpu.memref_slice %arg12[%dma_wait3A_943, %dma_wait3A_949] : memref<16x128xi32, #tpu.memory_space<vmem>> -> memref<1x128xi32, #tpu.memory_space<vmem>>
        %dma_wait3A_951 = tpu.memref_squeeze %dma_wait3A_950 : memref<1x128xi32, #tpu.memory_space<vmem>> -> memref<128xi32, #tpu.memory_space<vmem>>
        %dma_wait3A_952 = arith.constant 0 : i32
        %dma_wait3A_953 = arith.constant 0 : i32
        %dma_wait3A_954 = tpu.memref_slice %arg3[%dma_wait3A_952, %dma_wait3A_953] : memref<100000x16xf32, #tpu.memory_space<hbm>> -> memref<100000x16xf32, #tpu.memory_space<hbm>>
        tpu.wait_indirect_dma semaphore(%arg15 : memref<!tpu.dma_semaphore, #tpu.memory_space<semaphore_mem>>) src(%dma_wait3A_954 : memref<100000x16xf32, #tpu.memory_space<hbm>>) dst(%dma_wait3A_948 : memref<128x16xf32, #tpu.memory_space<vmem>>)
        %dma_start3A_955 = arith.constant 6 : i32
        %dma_start3A_956 = arith.constant 6 : i32
        %dma_start3A_957 = arith.constant 0 : i32
        %dma_start3A_958 = arith.constant 0 : i32
        %dma_start3A_959 = tpu.memref_slice %arg13[%dma_start3A_956, %dma_start3A_957, %dma_start3A_958] : memref<8x128x16xf32, #tpu.memory_space<vmem>> -> memref<1x128x16xf32, #tpu.memory_space<vmem>>
        %dma_start3A_960 = tpu.memref_squeeze %dma_start3A_959 : memref<1x128x16xf32, #tpu.memory_space<vmem>> -> memref<128x16xf32, #tpu.memory_space<vmem>>
        %dma_start3A_961 = arith.constant 0 : i32
        %dma_start3A_962 = tpu.memref_slice %arg12[%dma_start3A_955, %dma_start3A_961] : memref<16x128xi32, #tpu.memory_space<vmem>> -> memref<1x128xi32, #tpu.memory_space<vmem>>
        %dma_start3A_963 = tpu.memref_squeeze %dma_start3A_962 : memref<1x128xi32, #tpu.memory_space<vmem>> -> memref<128xi32, #tpu.memory_space<vmem>>
        %dma_start3A_964 = arith.constant 0 : i32
        %dma_start3A_965 = arith.constant 0 : i32
        %dma_start3A_966 = tpu.memref_slice %arg3[%dma_start3A_964, %dma_start3A_965] : memref<100000x16xf32, #tpu.memory_space<hbm>> -> memref<100000x16xf32, #tpu.memory_space<hbm>>
        tpu.enqueue_indirect_dma source(%dma_start3A_966 : memref<100000x16xf32, #tpu.memory_space<hbm>>) target(%dma_start3A_960 : memref<128x16xf32, #tpu.memory_space<vmem>>) offsets(%dma_start3A_963 : memref<128xi32, #tpu.memory_space<vmem>>) semaphore(%arg15 : memref<!tpu.dma_semaphore, #tpu.memory_space<semaphore_mem>>)
        %dma_start3A_967 = arith.constant 0 : i32
        %dma_start3A_968 = arith.constant 8 : i32
        %dma_start3A_969 = arith.constant 0 : i32
        %dma_start3A_970 = arith.constant 0 : i32
        %dma_start3A_971 = tpu.memref_slice %arg13[%dma_start3A_967, %dma_start3A_969, %dma_start3A_970] : memref<8x128x16xf32, #tpu.memory_space<vmem>> -> memref<1x128x16xf32, #tpu.memory_space<vmem>>
        %dma_start3A_972 = tpu.memref_squeeze %dma_start3A_971 : memref<1x128x16xf32, #tpu.memory_space<vmem>> -> memref<128x16xf32, #tpu.memory_space<vmem>>
        %dma_start3A_973 = arith.constant 0 : i32
        %dma_start3A_974 = tpu.memref_slice %arg12[%dma_start3A_968, %dma_start3A_973] : memref<16x128xi32, #tpu.memory_space<vmem>> -> memref<1x128xi32, #tpu.memory_space<vmem>>
        %dma_start3A_975 = tpu.memref_squeeze %dma_start3A_974 : memref<1x128xi32, #tpu.memory_space<vmem>> -> memref<128xi32, #tpu.memory_space<vmem>>
        %dma_start3A_976 = arith.constant 0 : i32
        %dma_start3A_977 = arith.constant 0 : i32
        %dma_start3A_978 = tpu.memref_slice %arg14[%dma_start3A_976, %dma_start3A_977] : memref<100096x16xf32, #tpu.memory_space<vmem_shared>> -> memref<100096x16xf32, #tpu.memory_space<vmem_shared>>
        tpu.enqueue_indirect_dma source(%dma_start3A_972 : memref<128x16xf32, #tpu.memory_space<vmem>>) target(%dma_start3A_978 : memref<100096x16xf32, #tpu.memory_space<vmem_shared>>) offsets(%dma_start3A_975 : memref<128xi32, #tpu.memory_space<vmem>>) semaphore(%arg16 : memref<!tpu.dma_semaphore, #tpu.memory_space<semaphore_mem>>) {add = true}
        %dma_wait3A_979 = arith.constant 1 : i32
        %dma_wait3A_980 = arith.constant 1 : i32
        %dma_wait3A_981 = arith.constant 0 : i32
        %dma_wait3A_982 = arith.constant 0 : i32
        %dma_wait3A_983 = tpu.memref_slice %arg13[%dma_wait3A_980, %dma_wait3A_981, %dma_wait3A_982] : memref<8x128x16xf32, #tpu.memory_space<vmem>> -> memref<1x128x16xf32, #tpu.memory_space<vmem>>
        %dma_wait3A_984 = tpu.memref_squeeze %dma_wait3A_983 : memref<1x128x16xf32, #tpu.memory_space<vmem>> -> memref<128x16xf32, #tpu.memory_space<vmem>>
        %dma_wait3A_985 = arith.constant 0 : i32
        %dma_wait3A_986 = tpu.memref_slice %arg12[%dma_wait3A_979, %dma_wait3A_985] : memref<16x128xi32, #tpu.memory_space<vmem>> -> memref<1x128xi32, #tpu.memory_space<vmem>>
        %dma_wait3A_987 = tpu.memref_squeeze %dma_wait3A_986 : memref<1x128xi32, #tpu.memory_space<vmem>> -> memref<128xi32, #tpu.memory_space<vmem>>
        %dma_wait3A_988 = arith.constant 0 : i32
        %dma_wait3A_989 = arith.constant 0 : i32
        %dma_wait3A_990 = tpu.memref_slice %arg3[%dma_wait3A_988, %dma_wait3A_989] : memref<100000x16xf32, #tpu.memory_space<hbm>> -> memref<100000x16xf32, #tpu.memory_space<hbm>>
        tpu.wait_indirect_dma semaphore(%arg15 : memref<!tpu.dma_semaphore, #tpu.memory_space<semaphore_mem>>) src(%dma_wait3A_990 : memref<100000x16xf32, #tpu.memory_space<hbm>>) dst(%dma_wait3A_984 : memref<128x16xf32, #tpu.memory_space<vmem>>)
        %dma_start3A_991 = arith.constant 7 : i32
        %dma_start3A_992 = arith.constant 7 : i32
        %dma_start3A_993 = arith.constant 0 : i32
        %dma_start3A_994 = arith.constant 0 : i32
        %dma_start3A_995 = tpu.memref_slice %arg13[%dma_start3A_992, %dma_start3A_993, %dma_start3A_994] : memref<8x128x16xf32, #tpu.memory_space<vmem>> -> memref<1x128x16xf32, #tpu.memory_space<vmem>>
        %dma_start3A_996 = tpu.memref_squeeze %dma_start3A_995 : memref<1x128x16xf32, #tpu.memory_space<vmem>> -> memref<128x16xf32, #tpu.memory_space<vmem>>
        %dma_start3A_997 = arith.constant 0 : i32
        %dma_start3A_998 = tpu.memref_slice %arg12[%dma_start3A_991, %dma_start3A_997] : memref<16x128xi32, #tpu.memory_space<vmem>> -> memref<1x128xi32, #tpu.memory_space<vmem>>
        %dma_start3A_999 = tpu.memref_squeeze %dma_start3A_998 : memref<1x128xi32, #tpu.memory_space<vmem>> -> memref<128xi32, #tpu.memory_space<vmem>>
        %dma_start3A_1000 = arith.constant 0 : i32
        %dma_start3A_1001 = arith.constant 0 : i32
        %dma_start3A_1002 = tpu.memref_slice %arg3[%dma_start3A_1000, %dma_start3A_1001] : memref<100000x16xf32, #tpu.memory_space<hbm>> -> memref<100000x16xf32, #tpu.memory_space<hbm>>
        tpu.enqueue_indirect_dma source(%dma_start3A_1002 : memref<100000x16xf32, #tpu.memory_space<hbm>>) target(%dma_start3A_996 : memref<128x16xf32, #tpu.memory_space<vmem>>) offsets(%dma_start3A_999 : memref<128xi32, #tpu.memory_space<vmem>>) semaphore(%arg15 : memref<!tpu.dma_semaphore, #tpu.memory_space<semaphore_mem>>)
        %dma_start3A_1003 = arith.constant 1 : i32
        %dma_start3A_1004 = arith.constant 9 : i32
        %dma_start3A_1005 = arith.constant 0 : i32
        %dma_start3A_1006 = arith.constant 0 : i32
        %dma_start3A_1007 = tpu.memref_slice %arg13[%dma_start3A_1003, %dma_start3A_1005, %dma_start3A_1006] : memref<8x128x16xf32, #tpu.memory_space<vmem>> -> memref<1x128x16xf32, #tpu.memory_space<vmem>>
        %dma_start3A_1008 = tpu.memref_squeeze %dma_start3A_1007 : memref<1x128x16xf32, #tpu.memory_space<vmem>> -> memref<128x16xf32, #tpu.memory_space<vmem>>
        %dma_start3A_1009 = arith.constant 0 : i32
        %dma_start3A_1010 = tpu.memref_slice %arg12[%dma_start3A_1004, %dma_start3A_1009] : memref<16x128xi32, #tpu.memory_space<vmem>> -> memref<1x128xi32, #tpu.memory_space<vmem>>
        %dma_start3A_1011 = tpu.memref_squeeze %dma_start3A_1010 : memref<1x128xi32, #tpu.memory_space<vmem>> -> memref<128xi32, #tpu.memory_space<vmem>>
        %dma_start3A_1012 = arith.constant 0 : i32
        %dma_start3A_1013 = arith.constant 0 : i32
        %dma_start3A_1014 = tpu.memref_slice %arg14[%dma_start3A_1012, %dma_start3A_1013] : memref<100096x16xf32, #tpu.memory_space<vmem_shared>> -> memref<100096x16xf32, #tpu.memory_space<vmem_shared>>
        tpu.enqueue_indirect_dma source(%dma_start3A_1008 : memref<128x16xf32, #tpu.memory_space<vmem>>) target(%dma_start3A_1014 : memref<100096x16xf32, #tpu.memory_space<vmem_shared>>) offsets(%dma_start3A_1011 : memref<128xi32, #tpu.memory_space<vmem>>) semaphore(%arg16 : memref<!tpu.dma_semaphore, #tpu.memory_space<semaphore_mem>>) {add = true}
        %dma_wait3A_1015 = arith.constant 2 : i32
        %dma_wait3A_1016 = arith.constant 2 : i32
        %dma_wait3A_1017 = arith.constant 0 : i32
        %dma_wait3A_1018 = arith.constant 0 : i32
        %dma_wait3A_1019 = tpu.memref_slice %arg13[%dma_wait3A_1016, %dma_wait3A_1017, %dma_wait3A_1018] : memref<8x128x16xf32, #tpu.memory_space<vmem>> -> memref<1x128x16xf32, #tpu.memory_space<vmem>>
        %dma_wait3A_1020 = tpu.memref_squeeze %dma_wait3A_1019 : memref<1x128x16xf32, #tpu.memory_space<vmem>> -> memref<128x16xf32, #tpu.memory_space<vmem>>
        %dma_wait3A_1021 = arith.constant 0 : i32
        %dma_wait3A_1022 = tpu.memref_slice %arg12[%dma_wait3A_1015, %dma_wait3A_1021] : memref<16x128xi32, #tpu.memory_space<vmem>> -> memref<1x128xi32, #tpu.memory_space<vmem>>
        %dma_wait3A_1023 = tpu.memref_squeeze %dma_wait3A_1022 : memref<1x128xi32, #tpu.memory_space<vmem>> -> memref<128xi32, #tpu.memory_space<vmem>>
        %dma_wait3A_1024 = arith.constant 0 : i32
        %dma_wait3A_1025 = arith.constant 0 : i32
        %dma_wait3A_1026 = tpu.memref_slice %arg3[%dma_wait3A_1024, %dma_wait3A_1025] : memref<100000x16xf32, #tpu.memory_space<hbm>> -> memref<100000x16xf32, #tpu.memory_space<hbm>>
        tpu.wait_indirect_dma semaphore(%arg15 : memref<!tpu.dma_semaphore, #tpu.memory_space<semaphore_mem>>) src(%dma_wait3A_1026 : memref<100000x16xf32, #tpu.memory_space<hbm>>) dst(%dma_wait3A_1020 : memref<128x16xf32, #tpu.memory_space<vmem>>)
        %dma_start3A_1027 = arith.constant 2 : i32
        %dma_start3A_1028 = arith.constant 10 : i32
        %dma_start3A_1029 = arith.constant 0 : i32
        %dma_start3A_1030 = arith.constant 0 : i32
        %dma_start3A_1031 = tpu.memref_slice %arg13[%dma_start3A_1027, %dma_start3A_1029, %dma_start3A_1030] : memref<8x128x16xf32, #tpu.memory_space<vmem>> -> memref<1x128x16xf32, #tpu.memory_space<vmem>>
        %dma_start3A_1032 = tpu.memref_squeeze %dma_start3A_1031 : memref<1x128x16xf32, #tpu.memory_space<vmem>> -> memref<128x16xf32, #tpu.memory_space<vmem>>
        %dma_start3A_1033 = arith.constant 0 : i32
        %dma_start3A_1034 = tpu.memref_slice %arg12[%dma_start3A_1028, %dma_start3A_1033] : memref<16x128xi32, #tpu.memory_space<vmem>> -> memref<1x128xi32, #tpu.memory_space<vmem>>
        %dma_start3A_1035 = tpu.memref_squeeze %dma_start3A_1034 : memref<1x128xi32, #tpu.memory_space<vmem>> -> memref<128xi32, #tpu.memory_space<vmem>>
        %dma_start3A_1036 = arith.constant 0 : i32
        %dma_start3A_1037 = arith.constant 0 : i32
        %dma_start3A_1038 = tpu.memref_slice %arg14[%dma_start3A_1036, %dma_start3A_1037] : memref<100096x16xf32, #tpu.memory_space<vmem_shared>> -> memref<100096x16xf32, #tpu.memory_space<vmem_shared>>
        tpu.enqueue_indirect_dma source(%dma_start3A_1032 : memref<128x16xf32, #tpu.memory_space<vmem>>) target(%dma_start3A_1038 : memref<100096x16xf32, #tpu.memory_space<vmem_shared>>) offsets(%dma_start3A_1035 : memref<128xi32, #tpu.memory_space<vmem>>) semaphore(%arg16 : memref<!tpu.dma_semaphore, #tpu.memory_space<semaphore_mem>>) {add = true}
        %dma_wait3A_1039 = arith.constant 3 : i32
        %dma_wait3A_1040 = arith.constant 3 : i32
        %dma_wait3A_1041 = arith.constant 0 : i32
        %dma_wait3A_1042 = arith.constant 0 : i32
        %dma_wait3A_1043 = tpu.memref_slice %arg13[%dma_wait3A_1040, %dma_wait3A_1041, %dma_wait3A_1042] : memref<8x128x16xf32, #tpu.memory_space<vmem>> -> memref<1x128x16xf32, #tpu.memory_space<vmem>>
        %dma_wait3A_1044 = tpu.memref_squeeze %dma_wait3A_1043 : memref<1x128x16xf32, #tpu.memory_space<vmem>> -> memref<128x16xf32, #tpu.memory_space<vmem>>
        %dma_wait3A_1045 = arith.constant 0 : i32
        %dma_wait3A_1046 = tpu.memref_slice %arg12[%dma_wait3A_1039, %dma_wait3A_1045] : memref<16x128xi32, #tpu.memory_space<vmem>> -> memref<1x128xi32, #tpu.memory_space<vmem>>
        %dma_wait3A_1047 = tpu.memref_squeeze %dma_wait3A_1046 : memref<1x128xi32, #tpu.memory_space<vmem>> -> memref<128xi32, #tpu.memory_space<vmem>>
        %dma_wait3A_1048 = arith.constant 0 : i32
        %dma_wait3A_1049 = arith.constant 0 : i32
        %dma_wait3A_1050 = tpu.memref_slice %arg3[%dma_wait3A_1048, %dma_wait3A_1049] : memref<100000x16xf32, #tpu.memory_space<hbm>> -> memref<100000x16xf32, #tpu.memory_space<hbm>>
        tpu.wait_indirect_dma semaphore(%arg15 : memref<!tpu.dma_semaphore, #tpu.memory_space<semaphore_mem>>) src(%dma_wait3A_1050 : memref<100000x16xf32, #tpu.memory_space<hbm>>) dst(%dma_wait3A_1044 : memref<128x16xf32, #tpu.memory_space<vmem>>)
        %dma_start3A_1051 = arith.constant 3 : i32
        %dma_start3A_1052 = arith.constant 11 : i32
        %dma_start3A_1053 = arith.constant 0 : i32
        %dma_start3A_1054 = arith.constant 0 : i32
        %dma_start3A_1055 = tpu.memref_slice %arg13[%dma_start3A_1051, %dma_start3A_1053, %dma_start3A_1054] : memref<8x128x16xf32, #tpu.memory_space<vmem>> -> memref<1x128x16xf32, #tpu.memory_space<vmem>>
        %dma_start3A_1056 = tpu.memref_squeeze %dma_start3A_1055 : memref<1x128x16xf32, #tpu.memory_space<vmem>> -> memref<128x16xf32, #tpu.memory_space<vmem>>
        %dma_start3A_1057 = arith.constant 0 : i32
        %dma_start3A_1058 = tpu.memref_slice %arg12[%dma_start3A_1052, %dma_start3A_1057] : memref<16x128xi32, #tpu.memory_space<vmem>> -> memref<1x128xi32, #tpu.memory_space<vmem>>
        %dma_start3A_1059 = tpu.memref_squeeze %dma_start3A_1058 : memref<1x128xi32, #tpu.memory_space<vmem>> -> memref<128xi32, #tpu.memory_space<vmem>>
        %dma_start3A_1060 = arith.constant 0 : i32
        %dma_start3A_1061 = arith.constant 0 : i32
        %dma_start3A_1062 = tpu.memref_slice %arg14[%dma_start3A_1060, %dma_start3A_1061] : memref<100096x16xf32, #tpu.memory_space<vmem_shared>> -> memref<100096x16xf32, #tpu.memory_space<vmem_shared>>
        tpu.enqueue_indirect_dma source(%dma_start3A_1056 : memref<128x16xf32, #tpu.memory_space<vmem>>) target(%dma_start3A_1062 : memref<100096x16xf32, #tpu.memory_space<vmem_shared>>) offsets(%dma_start3A_1059 : memref<128xi32, #tpu.memory_space<vmem>>) semaphore(%arg16 : memref<!tpu.dma_semaphore, #tpu.memory_space<semaphore_mem>>) {add = true}
        %dma_wait3A_1063 = arith.constant 4 : i32
        %dma_wait3A_1064 = arith.constant 4 : i32
        %dma_wait3A_1065 = arith.constant 0 : i32
        %dma_wait3A_1066 = arith.constant 0 : i32
        %dma_wait3A_1067 = tpu.memref_slice %arg13[%dma_wait3A_1064, %dma_wait3A_1065, %dma_wait3A_1066] : memref<8x128x16xf32, #tpu.memory_space<vmem>> -> memref<1x128x16xf32, #tpu.memory_space<vmem>>
        %dma_wait3A_1068 = tpu.memref_squeeze %dma_wait3A_1067 : memref<1x128x16xf32, #tpu.memory_space<vmem>> -> memref<128x16xf32, #tpu.memory_space<vmem>>
        %dma_wait3A_1069 = arith.constant 0 : i32
        %dma_wait3A_1070 = tpu.memref_slice %arg12[%dma_wait3A_1063, %dma_wait3A_1069] : memref<16x128xi32, #tpu.memory_space<vmem>> -> memref<1x128xi32, #tpu.memory_space<vmem>>
        %dma_wait3A_1071 = tpu.memref_squeeze %dma_wait3A_1070 : memref<1x128xi32, #tpu.memory_space<vmem>> -> memref<128xi32, #tpu.memory_space<vmem>>
        %dma_wait3A_1072 = arith.constant 0 : i32
        %dma_wait3A_1073 = arith.constant 0 : i32
        %dma_wait3A_1074 = tpu.memref_slice %arg3[%dma_wait3A_1072, %dma_wait3A_1073] : memref<100000x16xf32, #tpu.memory_space<hbm>> -> memref<100000x16xf32, #tpu.memory_space<hbm>>
        tpu.wait_indirect_dma semaphore(%arg15 : memref<!tpu.dma_semaphore, #tpu.memory_space<semaphore_mem>>) src(%dma_wait3A_1074 : memref<100000x16xf32, #tpu.memory_space<hbm>>) dst(%dma_wait3A_1068 : memref<128x16xf32, #tpu.memory_space<vmem>>)
        %dma_start3A_1075 = arith.constant 4 : i32
        %dma_start3A_1076 = arith.constant 12 : i32
        %dma_start3A_1077 = arith.constant 0 : i32
        %dma_start3A_1078 = arith.constant 0 : i32
        %dma_start3A_1079 = tpu.memref_slice %arg13[%dma_start3A_1075, %dma_start3A_1077, %dma_start3A_1078] : memref<8x128x16xf32, #tpu.memory_space<vmem>> -> memref<1x128x16xf32, #tpu.memory_space<vmem>>
        %dma_start3A_1080 = tpu.memref_squeeze %dma_start3A_1079 : memref<1x128x16xf32, #tpu.memory_space<vmem>> -> memref<128x16xf32, #tpu.memory_space<vmem>>
        %dma_start3A_1081 = arith.constant 0 : i32
        %dma_start3A_1082 = tpu.memref_slice %arg12[%dma_start3A_1076, %dma_start3A_1081] : memref<16x128xi32, #tpu.memory_space<vmem>> -> memref<1x128xi32, #tpu.memory_space<vmem>>
        %dma_start3A_1083 = tpu.memref_squeeze %dma_start3A_1082 : memref<1x128xi32, #tpu.memory_space<vmem>> -> memref<128xi32, #tpu.memory_space<vmem>>
        %dma_start3A_1084 = arith.constant 0 : i32
        %dma_start3A_1085 = arith.constant 0 : i32
        %dma_start3A_1086 = tpu.memref_slice %arg14[%dma_start3A_1084, %dma_start3A_1085] : memref<100096x16xf32, #tpu.memory_space<vmem_shared>> -> memref<100096x16xf32, #tpu.memory_space<vmem_shared>>
        tpu.enqueue_indirect_dma source(%dma_start3A_1080 : memref<128x16xf32, #tpu.memory_space<vmem>>) target(%dma_start3A_1086 : memref<100096x16xf32, #tpu.memory_space<vmem_shared>>) offsets(%dma_start3A_1083 : memref<128xi32, #tpu.memory_space<vmem>>) semaphore(%arg16 : memref<!tpu.dma_semaphore, #tpu.memory_space<semaphore_mem>>) {add = true}
        %dma_wait3A_1087 = arith.constant 5 : i32
        %dma_wait3A_1088 = arith.constant 5 : i32
        %dma_wait3A_1089 = arith.constant 0 : i32
        %dma_wait3A_1090 = arith.constant 0 : i32
        %dma_wait3A_1091 = tpu.memref_slice %arg13[%dma_wait3A_1088, %dma_wait3A_1089, %dma_wait3A_1090] : memref<8x128x16xf32, #tpu.memory_space<vmem>> -> memref<1x128x16xf32, #tpu.memory_space<vmem>>
        %dma_wait3A_1092 = tpu.memref_squeeze %dma_wait3A_1091 : memref<1x128x16xf32, #tpu.memory_space<vmem>> -> memref<128x16xf32, #tpu.memory_space<vmem>>
        %dma_wait3A_1093 = arith.constant 0 : i32
        %dma_wait3A_1094 = tpu.memref_slice %arg12[%dma_wait3A_1087, %dma_wait3A_1093] : memref<16x128xi32, #tpu.memory_space<vmem>> -> memref<1x128xi32, #tpu.memory_space<vmem>>
        %dma_wait3A_1095 = tpu.memref_squeeze %dma_wait3A_1094 : memref<1x128xi32, #tpu.memory_space<vmem>> -> memref<128xi32, #tpu.memory_space<vmem>>
        %dma_wait3A_1096 = arith.constant 0 : i32
        %dma_wait3A_1097 = arith.constant 0 : i32
        %dma_wait3A_1098 = tpu.memref_slice %arg3[%dma_wait3A_1096, %dma_wait3A_1097] : memref<100000x16xf32, #tpu.memory_space<hbm>> -> memref<100000x16xf32, #tpu.memory_space<hbm>>
        tpu.wait_indirect_dma semaphore(%arg15 : memref<!tpu.dma_semaphore, #tpu.memory_space<semaphore_mem>>) src(%dma_wait3A_1098 : memref<100000x16xf32, #tpu.memory_space<hbm>>) dst(%dma_wait3A_1092 : memref<128x16xf32, #tpu.memory_space<vmem>>)
        %dma_start3A_1099 = arith.constant 5 : i32
        %dma_start3A_1100 = arith.constant 13 : i32
        %dma_start3A_1101 = arith.constant 0 : i32
        %dma_start3A_1102 = arith.constant 0 : i32
        %dma_start3A_1103 = tpu.memref_slice %arg13[%dma_start3A_1099, %dma_start3A_1101, %dma_start3A_1102] : memref<8x128x16xf32, #tpu.memory_space<vmem>> -> memref<1x128x16xf32, #tpu.memory_space<vmem>>
        %dma_start3A_1104 = tpu.memref_squeeze %dma_start3A_1103 : memref<1x128x16xf32, #tpu.memory_space<vmem>> -> memref<128x16xf32, #tpu.memory_space<vmem>>
        %dma_start3A_1105 = arith.constant 0 : i32
        %dma_start3A_1106 = tpu.memref_slice %arg12[%dma_start3A_1100, %dma_start3A_1105] : memref<16x128xi32, #tpu.memory_space<vmem>> -> memref<1x128xi32, #tpu.memory_space<vmem>>
        %dma_start3A_1107 = tpu.memref_squeeze %dma_start3A_1106 : memref<1x128xi32, #tpu.memory_space<vmem>> -> memref<128xi32, #tpu.memory_space<vmem>>
        %dma_start3A_1108 = arith.constant 0 : i32
        %dma_start3A_1109 = arith.constant 0 : i32
        %dma_start3A_1110 = tpu.memref_slice %arg14[%dma_start3A_1108, %dma_start3A_1109] : memref<100096x16xf32, #tpu.memory_space<vmem_shared>> -> memref<100096x16xf32, #tpu.memory_space<vmem_shared>>
        tpu.enqueue_indirect_dma source(%dma_start3A_1104 : memref<128x16xf32, #tpu.memory_space<vmem>>) target(%dma_start3A_1110 : memref<100096x16xf32, #tpu.memory_space<vmem_shared>>) offsets(%dma_start3A_1107 : memref<128xi32, #tpu.memory_space<vmem>>) semaphore(%arg16 : memref<!tpu.dma_semaphore, #tpu.memory_space<semaphore_mem>>) {add = true}
        %dma_wait3A_1111 = arith.constant 6 : i32
        %dma_wait3A_1112 = arith.constant 6 : i32
        %dma_wait3A_1113 = arith.constant 0 : i32
        %dma_wait3A_1114 = arith.constant 0 : i32
        %dma_wait3A_1115 = tpu.memref_slice %arg13[%dma_wait3A_1112, %dma_wait3A_1113, %dma_wait3A_1114] : memref<8x128x16xf32, #tpu.memory_space<vmem>> -> memref<1x128x16xf32, #tpu.memory_space<vmem>>
        %dma_wait3A_1116 = tpu.memref_squeeze %dma_wait3A_1115 : memref<1x128x16xf32, #tpu.memory_space<vmem>> -> memref<128x16xf32, #tpu.memory_space<vmem>>
        %dma_wait3A_1117 = arith.constant 0 : i32
        %dma_wait3A_1118 = tpu.memref_slice %arg12[%dma_wait3A_1111, %dma_wait3A_1117] : memref<16x128xi32, #tpu.memory_space<vmem>> -> memref<1x128xi32, #tpu.memory_space<vmem>>
        %dma_wait3A_1119 = tpu.memref_squeeze %dma_wait3A_1118 : memref<1x128xi32, #tpu.memory_space<vmem>> -> memref<128xi32, #tpu.memory_space<vmem>>
        %dma_wait3A_1120 = arith.constant 0 : i32
        %dma_wait3A_1121 = arith.constant 0 : i32
        %dma_wait3A_1122 = tpu.memref_slice %arg3[%dma_wait3A_1120, %dma_wait3A_1121] : memref<100000x16xf32, #tpu.memory_space<hbm>> -> memref<100000x16xf32, #tpu.memory_space<hbm>>
        tpu.wait_indirect_dma semaphore(%arg15 : memref<!tpu.dma_semaphore, #tpu.memory_space<semaphore_mem>>) src(%dma_wait3A_1122 : memref<100000x16xf32, #tpu.memory_space<hbm>>) dst(%dma_wait3A_1116 : memref<128x16xf32, #tpu.memory_space<vmem>>)
        %dma_start3A_1123 = arith.constant 6 : i32
        %dma_start3A_1124 = arith.constant 14 : i32
        %dma_start3A_1125 = arith.constant 0 : i32
        %dma_start3A_1126 = arith.constant 0 : i32
        %dma_start3A_1127 = tpu.memref_slice %arg13[%dma_start3A_1123, %dma_start3A_1125, %dma_start3A_1126] : memref<8x128x16xf32, #tpu.memory_space<vmem>> -> memref<1x128x16xf32, #tpu.memory_space<vmem>>
        %dma_start3A_1128 = tpu.memref_squeeze %dma_start3A_1127 : memref<1x128x16xf32, #tpu.memory_space<vmem>> -> memref<128x16xf32, #tpu.memory_space<vmem>>
        %dma_start3A_1129 = arith.constant 0 : i32
        %dma_start3A_1130 = tpu.memref_slice %arg12[%dma_start3A_1124, %dma_start3A_1129] : memref<16x128xi32, #tpu.memory_space<vmem>> -> memref<1x128xi32, #tpu.memory_space<vmem>>
        %dma_start3A_1131 = tpu.memref_squeeze %dma_start3A_1130 : memref<1x128xi32, #tpu.memory_space<vmem>> -> memref<128xi32, #tpu.memory_space<vmem>>
        %dma_start3A_1132 = arith.constant 0 : i32
        %dma_start3A_1133 = arith.constant 0 : i32
        %dma_start3A_1134 = tpu.memref_slice %arg14[%dma_start3A_1132, %dma_start3A_1133] : memref<100096x16xf32, #tpu.memory_space<vmem_shared>> -> memref<100096x16xf32, #tpu.memory_space<vmem_shared>>
        tpu.enqueue_indirect_dma source(%dma_start3A_1128 : memref<128x16xf32, #tpu.memory_space<vmem>>) target(%dma_start3A_1134 : memref<100096x16xf32, #tpu.memory_space<vmem_shared>>) offsets(%dma_start3A_1131 : memref<128xi32, #tpu.memory_space<vmem>>) semaphore(%arg16 : memref<!tpu.dma_semaphore, #tpu.memory_space<semaphore_mem>>) {add = true}
        %dma_wait3A_1135 = arith.constant 7 : i32
        %dma_wait3A_1136 = arith.constant 7 : i32
        %dma_wait3A_1137 = arith.constant 0 : i32
        %dma_wait3A_1138 = arith.constant 0 : i32
        %dma_wait3A_1139 = tpu.memref_slice %arg13[%dma_wait3A_1136, %dma_wait3A_1137, %dma_wait3A_1138] : memref<8x128x16xf32, #tpu.memory_space<vmem>> -> memref<1x128x16xf32, #tpu.memory_space<vmem>>
        %dma_wait3A_1140 = tpu.memref_squeeze %dma_wait3A_1139 : memref<1x128x16xf32, #tpu.memory_space<vmem>> -> memref<128x16xf32, #tpu.memory_space<vmem>>
        %dma_wait3A_1141 = arith.constant 0 : i32
        %dma_wait3A_1142 = tpu.memref_slice %arg12[%dma_wait3A_1135, %dma_wait3A_1141] : memref<16x128xi32, #tpu.memory_space<vmem>> -> memref<1x128xi32, #tpu.memory_space<vmem>>
        %dma_wait3A_1143 = tpu.memref_squeeze %dma_wait3A_1142 : memref<1x128xi32, #tpu.memory_space<vmem>> -> memref<128xi32, #tpu.memory_space<vmem>>
        %dma_wait3A_1144 = arith.constant 0 : i32
        %dma_wait3A_1145 = arith.constant 0 : i32
        %dma_wait3A_1146 = tpu.memref_slice %arg3[%dma_wait3A_1144, %dma_wait3A_1145] : memref<100000x16xf32, #tpu.memory_space<hbm>> -> memref<100000x16xf32, #tpu.memory_space<hbm>>
        tpu.wait_indirect_dma semaphore(%arg15 : memref<!tpu.dma_semaphore, #tpu.memory_space<semaphore_mem>>) src(%dma_wait3A_1146 : memref<100000x16xf32, #tpu.memory_space<hbm>>) dst(%dma_wait3A_1140 : memref<128x16xf32, #tpu.memory_space<vmem>>)
        %dma_start3A_1147 = arith.constant 7 : i32
        %dma_start3A_1148 = arith.constant 15 : i32
        %dma_start3A_1149 = arith.constant 0 : i32
        %dma_start3A_1150 = arith.constant 0 : i32
        %dma_start3A_1151 = tpu.memref_slice %arg13[%dma_start3A_1147, %dma_start3A_1149, %dma_start3A_1150] : memref<8x128x16xf32, #tpu.memory_space<vmem>> -> memref<1x128x16xf32, #tpu.memory_space<vmem>>
        %dma_start3A_1152 = tpu.memref_squeeze %dma_start3A_1151 : memref<1x128x16xf32, #tpu.memory_space<vmem>> -> memref<128x16xf32, #tpu.memory_space<vmem>>
        %dma_start3A_1153 = arith.constant 0 : i32
        %dma_start3A_1154 = tpu.memref_slice %arg12[%dma_start3A_1148, %dma_start3A_1153] : memref<16x128xi32, #tpu.memory_space<vmem>> -> memref<1x128xi32, #tpu.memory_space<vmem>>
        %dma_start3A_1155 = tpu.memref_squeeze %dma_start3A_1154 : memref<1x128xi32, #tpu.memory_space<vmem>> -> memref<128xi32, #tpu.memory_space<vmem>>
        %dma_start3A_1156 = arith.constant 0 : i32
        %dma_start3A_1157 = arith.constant 0 : i32
        %dma_start3A_1158 = tpu.memref_slice %arg14[%dma_start3A_1156, %dma_start3A_1157] : memref<100096x16xf32, #tpu.memory_space<vmem_shared>> -> memref<100096x16xf32, #tpu.memory_space<vmem_shared>>
        tpu.enqueue_indirect_dma source(%dma_start3A_1152 : memref<128x16xf32, #tpu.memory_space<vmem>>) target(%dma_start3A_1158 : memref<100096x16xf32, #tpu.memory_space<vmem_shared>>) offsets(%dma_start3A_1155 : memref<128xi32, #tpu.memory_space<vmem>>) semaphore(%arg16 : memref<!tpu.dma_semaphore, #tpu.memory_space<semaphore_mem>>) {add = true}
        %dma_wait3A_1159 = arith.constant 0 : i32
        %dma_wait3A_1160 = arith.constant 8 : i32
        %dma_wait3A_1161 = arith.constant 0 : i32
        %dma_wait3A_1162 = arith.constant 0 : i32
        %dma_wait3A_1163 = tpu.memref_slice %arg13[%dma_wait3A_1159, %dma_wait3A_1161, %dma_wait3A_1162] : memref<8x128x16xf32, #tpu.memory_space<vmem>> -> memref<1x128x16xf32, #tpu.memory_space<vmem>>
        %dma_wait3A_1164 = tpu.memref_squeeze %dma_wait3A_1163 : memref<1x128x16xf32, #tpu.memory_space<vmem>> -> memref<128x16xf32, #tpu.memory_space<vmem>>
        %dma_wait3A_1165 = arith.constant 0 : i32
        %dma_wait3A_1166 = tpu.memref_slice %arg12[%dma_wait3A_1160, %dma_wait3A_1165] : memref<16x128xi32, #tpu.memory_space<vmem>> -> memref<1x128xi32, #tpu.memory_space<vmem>>
        %dma_wait3A_1167 = tpu.memref_squeeze %dma_wait3A_1166 : memref<1x128xi32, #tpu.memory_space<vmem>> -> memref<128xi32, #tpu.memory_space<vmem>>
        %dma_wait3A_1168 = arith.constant 0 : i32
        %dma_wait3A_1169 = arith.constant 0 : i32
        %dma_wait3A_1170 = tpu.memref_slice %arg14[%dma_wait3A_1168, %dma_wait3A_1169] : memref<100096x16xf32, #tpu.memory_space<vmem_shared>> -> memref<100096x16xf32, #tpu.memory_space<vmem_shared>>
        tpu.wait_indirect_dma semaphore(%arg16 : memref<!tpu.dma_semaphore, #tpu.memory_space<semaphore_mem>>) src(%dma_wait3A_1164 : memref<128x16xf32, #tpu.memory_space<vmem>>) dst(%dma_wait3A_1170 : memref<100096x16xf32, #tpu.memory_space<vmem_shared>>)
        %dma_wait3A_1171 = arith.constant 1 : i32
        %dma_wait3A_1172 = arith.constant 9 : i32
        %dma_wait3A_1173 = arith.constant 0 : i32
        %dma_wait3A_1174 = arith.constant 0 : i32
        %dma_wait3A_1175 = tpu.memref_slice %arg13[%dma_wait3A_1171, %dma_wait3A_1173, %dma_wait3A_1174] : memref<8x128x16xf32, #tpu.memory_space<vmem>> -> memref<1x128x16xf32, #tpu.memory_space<vmem>>
        %dma_wait3A_1176 = tpu.memref_squeeze %dma_wait3A_1175 : memref<1x128x16xf32, #tpu.memory_space<vmem>> -> memref<128x16xf32, #tpu.memory_space<vmem>>
        %dma_wait3A_1177 = arith.constant 0 : i32
        %dma_wait3A_1178 = tpu.memref_slice %arg12[%dma_wait3A_1172, %dma_wait3A_1177] : memref<16x128xi32, #tpu.memory_space<vmem>> -> memref<1x128xi32, #tpu.memory_space<vmem>>
        %dma_wait3A_1179 = tpu.memref_squeeze %dma_wait3A_1178 : memref<1x128xi32, #tpu.memory_space<vmem>> -> memref<128xi32, #tpu.memory_space<vmem>>
        %dma_wait3A_1180 = arith.constant 0 : i32
        %dma_wait3A_1181 = arith.constant 0 : i32
        %dma_wait3A_1182 = tpu.memref_slice %arg14[%dma_wait3A_1180, %dma_wait3A_1181] : memref<100096x16xf32, #tpu.memory_space<vmem_shared>> -> memref<100096x16xf32, #tpu.memory_space<vmem_shared>>
        tpu.wait_indirect_dma semaphore(%arg16 : memref<!tpu.dma_semaphore, #tpu.memory_space<semaphore_mem>>) src(%dma_wait3A_1176 : memref<128x16xf32, #tpu.memory_space<vmem>>) dst(%dma_wait3A_1182 : memref<100096x16xf32, #tpu.memory_space<vmem_shared>>)
        %dma_wait3A_1183 = arith.constant 2 : i32
        %dma_wait3A_1184 = arith.constant 10 : i32
        %dma_wait3A_1185 = arith.constant 0 : i32
        %dma_wait3A_1186 = arith.constant 0 : i32
        %dma_wait3A_1187 = tpu.memref_slice %arg13[%dma_wait3A_1183, %dma_wait3A_1185, %dma_wait3A_1186] : memref<8x128x16xf32, #tpu.memory_space<vmem>> -> memref<1x128x16xf32, #tpu.memory_space<vmem>>
        %dma_wait3A_1188 = tpu.memref_squeeze %dma_wait3A_1187 : memref<1x128x16xf32, #tpu.memory_space<vmem>> -> memref<128x16xf32, #tpu.memory_space<vmem>>
        %dma_wait3A_1189 = arith.constant 0 : i32
        %dma_wait3A_1190 = tpu.memref_slice %arg12[%dma_wait3A_1184, %dma_wait3A_1189] : memref<16x128xi32, #tpu.memory_space<vmem>> -> memref<1x128xi32, #tpu.memory_space<vmem>>
        %dma_wait3A_1191 = tpu.memref_squeeze %dma_wait3A_1190 : memref<1x128xi32, #tpu.memory_space<vmem>> -> memref<128xi32, #tpu.memory_space<vmem>>
        %dma_wait3A_1192 = arith.constant 0 : i32
        %dma_wait3A_1193 = arith.constant 0 : i32
        %dma_wait3A_1194 = tpu.memref_slice %arg14[%dma_wait3A_1192, %dma_wait3A_1193] : memref<100096x16xf32, #tpu.memory_space<vmem_shared>> -> memref<100096x16xf32, #tpu.memory_space<vmem_shared>>
        tpu.wait_indirect_dma semaphore(%arg16 : memref<!tpu.dma_semaphore, #tpu.memory_space<semaphore_mem>>) src(%dma_wait3A_1188 : memref<128x16xf32, #tpu.memory_space<vmem>>) dst(%dma_wait3A_1194 : memref<100096x16xf32, #tpu.memory_space<vmem_shared>>)
        %dma_wait3A_1195 = arith.constant 3 : i32
        %dma_wait3A_1196 = arith.constant 11 : i32
        %dma_wait3A_1197 = arith.constant 0 : i32
        %dma_wait3A_1198 = arith.constant 0 : i32
        %dma_wait3A_1199 = tpu.memref_slice %arg13[%dma_wait3A_1195, %dma_wait3A_1197, %dma_wait3A_1198] : memref<8x128x16xf32, #tpu.memory_space<vmem>> -> memref<1x128x16xf32, #tpu.memory_space<vmem>>
        %dma_wait3A_1200 = tpu.memref_squeeze %dma_wait3A_1199 : memref<1x128x16xf32, #tpu.memory_space<vmem>> -> memref<128x16xf32, #tpu.memory_space<vmem>>
        %dma_wait3A_1201 = arith.constant 0 : i32
        %dma_wait3A_1202 = tpu.memref_slice %arg12[%dma_wait3A_1196, %dma_wait3A_1201] : memref<16x128xi32, #tpu.memory_space<vmem>> -> memref<1x128xi32, #tpu.memory_space<vmem>>
        %dma_wait3A_1203 = tpu.memref_squeeze %dma_wait3A_1202 : memref<1x128xi32, #tpu.memory_space<vmem>> -> memref<128xi32, #tpu.memory_space<vmem>>
        %dma_wait3A_1204 = arith.constant 0 : i32
        %dma_wait3A_1205 = arith.constant 0 : i32
        %dma_wait3A_1206 = tpu.memref_slice %arg14[%dma_wait3A_1204, %dma_wait3A_1205] : memref<100096x16xf32, #tpu.memory_space<vmem_shared>> -> memref<100096x16xf32, #tpu.memory_space<vmem_shared>>
        tpu.wait_indirect_dma semaphore(%arg16 : memref<!tpu.dma_semaphore, #tpu.memory_space<semaphore_mem>>) src(%dma_wait3A_1200 : memref<128x16xf32, #tpu.memory_space<vmem>>) dst(%dma_wait3A_1206 : memref<100096x16xf32, #tpu.memory_space<vmem_shared>>)
        %dma_wait3A_1207 = arith.constant 4 : i32
        %dma_wait3A_1208 = arith.constant 12 : i32
        %dma_wait3A_1209 = arith.constant 0 : i32
        %dma_wait3A_1210 = arith.constant 0 : i32
        %dma_wait3A_1211 = tpu.memref_slice %arg13[%dma_wait3A_1207, %dma_wait3A_1209, %dma_wait3A_1210] : memref<8x128x16xf32, #tpu.memory_space<vmem>> -> memref<1x128x16xf32, #tpu.memory_space<vmem>>
        %dma_wait3A_1212 = tpu.memref_squeeze %dma_wait3A_1211 : memref<1x128x16xf32, #tpu.memory_space<vmem>> -> memref<128x16xf32, #tpu.memory_space<vmem>>
        %dma_wait3A_1213 = arith.constant 0 : i32
        %dma_wait3A_1214 = tpu.memref_slice %arg12[%dma_wait3A_1208, %dma_wait3A_1213] : memref<16x128xi32, #tpu.memory_space<vmem>> -> memref<1x128xi32, #tpu.memory_space<vmem>>
        %dma_wait3A_1215 = tpu.memref_squeeze %dma_wait3A_1214 : memref<1x128xi32, #tpu.memory_space<vmem>> -> memref<128xi32, #tpu.memory_space<vmem>>
        %dma_wait3A_1216 = arith.constant 0 : i32
        %dma_wait3A_1217 = arith.constant 0 : i32
        %dma_wait3A_1218 = tpu.memref_slice %arg14[%dma_wait3A_1216, %dma_wait3A_1217] : memref<100096x16xf32, #tpu.memory_space<vmem_shared>> -> memref<100096x16xf32, #tpu.memory_space<vmem_shared>>
        tpu.wait_indirect_dma semaphore(%arg16 : memref<!tpu.dma_semaphore, #tpu.memory_space<semaphore_mem>>) src(%dma_wait3A_1212 : memref<128x16xf32, #tpu.memory_space<vmem>>) dst(%dma_wait3A_1218 : memref<100096x16xf32, #tpu.memory_space<vmem_shared>>)
        %dma_wait3A_1219 = arith.constant 5 : i32
        %dma_wait3A_1220 = arith.constant 13 : i32
        %dma_wait3A_1221 = arith.constant 0 : i32
        %dma_wait3A_1222 = arith.constant 0 : i32
        %dma_wait3A_1223 = tpu.memref_slice %arg13[%dma_wait3A_1219, %dma_wait3A_1221, %dma_wait3A_1222] : memref<8x128x16xf32, #tpu.memory_space<vmem>> -> memref<1x128x16xf32, #tpu.memory_space<vmem>>
        %dma_wait3A_1224 = tpu.memref_squeeze %dma_wait3A_1223 : memref<1x128x16xf32, #tpu.memory_space<vmem>> -> memref<128x16xf32, #tpu.memory_space<vmem>>
        %dma_wait3A_1225 = arith.constant 0 : i32
        %dma_wait3A_1226 = tpu.memref_slice %arg12[%dma_wait3A_1220, %dma_wait3A_1225] : memref<16x128xi32, #tpu.memory_space<vmem>> -> memref<1x128xi32, #tpu.memory_space<vmem>>
        %dma_wait3A_1227 = tpu.memref_squeeze %dma_wait3A_1226 : memref<1x128xi32, #tpu.memory_space<vmem>> -> memref<128xi32, #tpu.memory_space<vmem>>
        %dma_wait3A_1228 = arith.constant 0 : i32
        %dma_wait3A_1229 = arith.constant 0 : i32
        %dma_wait3A_1230 = tpu.memref_slice %arg14[%dma_wait3A_1228, %dma_wait3A_1229] : memref<100096x16xf32, #tpu.memory_space<vmem_shared>> -> memref<100096x16xf32, #tpu.memory_space<vmem_shared>>
        tpu.wait_indirect_dma semaphore(%arg16 : memref<!tpu.dma_semaphore, #tpu.memory_space<semaphore_mem>>) src(%dma_wait3A_1224 : memref<128x16xf32, #tpu.memory_space<vmem>>) dst(%dma_wait3A_1230 : memref<100096x16xf32, #tpu.memory_space<vmem_shared>>)
        %dma_wait3A_1231 = arith.constant 6 : i32
        %dma_wait3A_1232 = arith.constant 14 : i32
        %dma_wait3A_1233 = arith.constant 0 : i32
        %dma_wait3A_1234 = arith.constant 0 : i32
        %dma_wait3A_1235 = tpu.memref_slice %arg13[%dma_wait3A_1231, %dma_wait3A_1233, %dma_wait3A_1234] : memref<8x128x16xf32, #tpu.memory_space<vmem>> -> memref<1x128x16xf32, #tpu.memory_space<vmem>>
        %dma_wait3A_1236 = tpu.memref_squeeze %dma_wait3A_1235 : memref<1x128x16xf32, #tpu.memory_space<vmem>> -> memref<128x16xf32, #tpu.memory_space<vmem>>
        %dma_wait3A_1237 = arith.constant 0 : i32
        %dma_wait3A_1238 = tpu.memref_slice %arg12[%dma_wait3A_1232, %dma_wait3A_1237] : memref<16x128xi32, #tpu.memory_space<vmem>> -> memref<1x128xi32, #tpu.memory_space<vmem>>
        %dma_wait3A_1239 = tpu.memref_squeeze %dma_wait3A_1238 : memref<1x128xi32, #tpu.memory_space<vmem>> -> memref<128xi32, #tpu.memory_space<vmem>>
        %dma_wait3A_1240 = arith.constant 0 : i32
        %dma_wait3A_1241 = arith.constant 0 : i32
        %dma_wait3A_1242 = tpu.memref_slice %arg14[%dma_wait3A_1240, %dma_wait3A_1241] : memref<100096x16xf32, #tpu.memory_space<vmem_shared>> -> memref<100096x16xf32, #tpu.memory_space<vmem_shared>>
        tpu.wait_indirect_dma semaphore(%arg16 : memref<!tpu.dma_semaphore, #tpu.memory_space<semaphore_mem>>) src(%dma_wait3A_1236 : memref<128x16xf32, #tpu.memory_space<vmem>>) dst(%dma_wait3A_1242 : memref<100096x16xf32, #tpu.memory_space<vmem_shared>>)
        %dma_wait3A_1243 = arith.constant 7 : i32
        %dma_wait3A_1244 = arith.constant 15 : i32
        %dma_wait3A_1245 = arith.constant 0 : i32
        %dma_wait3A_1246 = arith.constant 0 : i32
        %dma_wait3A_1247 = tpu.memref_slice %arg13[%dma_wait3A_1243, %dma_wait3A_1245, %dma_wait3A_1246] : memref<8x128x16xf32, #tpu.memory_space<vmem>> -> memref<1x128x16xf32, #tpu.memory_space<vmem>>
        %dma_wait3A_1248 = tpu.memref_squeeze %dma_wait3A_1247 : memref<1x128x16xf32, #tpu.memory_space<vmem>> -> memref<128x16xf32, #tpu.memory_space<vmem>>
        %dma_wait3A_1249 = arith.constant 0 : i32
        %dma_wait3A_1250 = tpu.memref_slice %arg12[%dma_wait3A_1244, %dma_wait3A_1249] : memref<16x128xi32, #tpu.memory_space<vmem>> -> memref<1x128xi32, #tpu.memory_space<vmem>>
        %dma_wait3A_1251 = tpu.memref_squeeze %dma_wait3A_1250 : memref<1x128xi32, #tpu.memory_space<vmem>> -> memref<128xi32, #tpu.memory_space<vmem>>
        %dma_wait3A_1252 = arith.constant 0 : i32
        %dma_wait3A_1253 = arith.constant 0 : i32
        %dma_wait3A_1254 = tpu.memref_slice %arg14[%dma_wait3A_1252, %dma_wait3A_1253] : memref<100096x16xf32, #tpu.memory_space<vmem_shared>> -> memref<100096x16xf32, #tpu.memory_space<vmem_shared>>
        tpu.wait_indirect_dma semaphore(%arg16 : memref<!tpu.dma_semaphore, #tpu.memory_space<semaphore_mem>>) src(%dma_wait3A_1248 : memref<128x16xf32, #tpu.memory_space<vmem>>) dst(%dma_wait3A_1254 : memref<100096x16xf32, #tpu.memory_space<vmem_shared>>)
      }
      %scan3A_454 = arith.constant 49 : i32
    } else {
    }
    %barrier3A_10 = arith.constant 0 : index
    tpu.barrier barrier_id(%barrier3A_10)
    %eq3A_11 = arith.constant 0 : i32
    %eq3A_12 = arith.cmpi eq, %arg0, %eq3A_11 : i32
    %convert_element_type3A_13 = arith.extui %eq3A_12 : i1 to i32
    %cond3A_14 = arith.constant 0 : i32
    %cond3A_15 = arith.cmpi ne, %convert_element_type3A_13, %cond3A_14 : i32
    scf.if %cond3A_15 {
      %mul3A_441 = arith.constant 6256 : i32
      %mul3A_442 = arith.muli %arg1, %mul3A_441 : i32
      %mul3A_443 = arith.constant 6256 : i32
      %mul3A_444 = arith.muli %arg1, %mul3A_443 : i32
      "tpu.region"() ({
        %run_scoped3A = tpu.sem_alloc : memref<!tpu.dma_semaphore, #tpu.memory_space<semaphore_mem>>
        %dma_start3A_445 = arith.constant 0 : i32
        %dma_start3A_446 = tpu.memref_slice %arg7[%mul3A_444, %dma_start3A_445] : memref<100096x16xf32, #tpu.memory_space<hbm>> -> memref<6256x16xf32, #tpu.memory_space<hbm>>
        %dma_start3A_447 = arith.constant 0 : i32
        %dma_start3A_448 = tpu.memref_slice %arg14[%mul3A_442, %dma_start3A_447] : memref<100096x16xf32, #tpu.memory_space<vmem_shared>> -> memref<6256x16xf32, #tpu.memory_space<vmem_shared>>
        tpu.enqueue_dma source(%dma_start3A_448 : memref<6256x16xf32, #tpu.memory_space<vmem_shared>>) target(%dma_start3A_446 : memref<6256x16xf32, #tpu.memory_space<hbm>>) target_semaphore(%run_scoped3A : memref<!tpu.dma_semaphore, #tpu.memory_space<semaphore_mem>>)
        %dma_wait3A_449 = arith.constant 0 : i32
        %dma_wait3A_450 = tpu.memref_slice %arg7[%mul3A_444, %dma_wait3A_449] : memref<100096x16xf32, #tpu.memory_space<hbm>> -> memref<6256x16xf32, #tpu.memory_space<hbm>>
        %dma_wait3A_451 = arith.constant 0 : i32
        %dma_wait3A_452 = tpu.memref_slice %arg14[%mul3A_442, %dma_wait3A_451] : memref<100096x16xf32, #tpu.memory_space<vmem_shared>> -> memref<6256x16xf32, #tpu.memory_space<vmem_shared>>
        tpu.wait_dma2 semaphore(%run_scoped3A : memref<!tpu.dma_semaphore, #tpu.memory_space<semaphore_mem>>) src(%dma_wait3A_452 : memref<6256x16xf32, #tpu.memory_space<vmem_shared>>) dst(%dma_wait3A_450 : memref<6256x16xf32, #tpu.memory_space<hbm>>)
        tpu.yield
      }) : () -> ()
    } else {
    }
    %eq3A_16 = arith.constant 1 : i32
    %eq3A_17 = arith.cmpi eq, %arg0, %eq3A_16 : i32
    %convert_element_type3A_18 = arith.extui %eq3A_17 : i1 to i32
    %cond3A_19 = arith.constant 0 : i32
    %cond3A_20 = arith.cmpi ne, %convert_element_type3A_18, %cond3A_19 : i32
    scf.if %cond3A_20 {
      %mul3A_441 = arith.constant 6256 : i32
      %mul3A_442 = arith.muli %arg1, %mul3A_441 : i32
      %mul3A_443 = arith.constant 6256 : i32
      %mul3A_444 = arith.muli %arg1, %mul3A_443 : i32
      "tpu.region"() ({
        %run_scoped3A = tpu.sem_alloc : memref<!tpu.dma_semaphore, #tpu.memory_space<semaphore_mem>>
        %dma_start3A_445 = arith.constant 0 : i32
        %dma_start3A_446 = tpu.memref_slice %arg8[%mul3A_444, %dma_start3A_445] : memref<100096x16xf32, #tpu.memory_space<hbm>> -> memref<6256x16xf32, #tpu.memory_space<hbm>>
        %dma_start3A_447 = arith.constant 0 : i32
        %dma_start3A_448 = tpu.memref_slice %arg14[%mul3A_442, %dma_start3A_447] : memref<100096x16xf32, #tpu.memory_space<vmem_shared>> -> memref<6256x16xf32, #tpu.memory_space<vmem_shared>>
        tpu.enqueue_dma source(%dma_start3A_448 : memref<6256x16xf32, #tpu.memory_space<vmem_shared>>) target(%dma_start3A_446 : memref<6256x16xf32, #tpu.memory_space<hbm>>) target_semaphore(%run_scoped3A : memref<!tpu.dma_semaphore, #tpu.memory_space<semaphore_mem>>)
        %dma_wait3A_449 = arith.constant 0 : i32
        %dma_wait3A_450 = tpu.memref_slice %arg8[%mul3A_444, %dma_wait3A_449] : memref<100096x16xf32, #tpu.memory_space<hbm>> -> memref<6256x16xf32, #tpu.memory_space<hbm>>
        %dma_wait3A_451 = arith.constant 0 : i32
        %dma_wait3A_452 = tpu.memref_slice %arg14[%mul3A_442, %dma_wait3A_451] : memref<100096x16xf32, #tpu.memory_space<vmem_shared>> -> memref<6256x16xf32, #tpu.memory_space<vmem_shared>>
        tpu.wait_dma2 semaphore(%run_scoped3A : memref<!tpu.dma_semaphore, #tpu.memory_space<semaphore_mem>>) src(%dma_wait3A_452 : memref<6256x16xf32, #tpu.memory_space<vmem_shared>>) dst(%dma_wait3A_450 : memref<6256x16xf32, #tpu.memory_space<hbm>>)
        tpu.yield
      }) : () -> ()
    } else {
    }
    %barrier3A_21 = arith.constant 0 : index
    tpu.barrier barrier_id(%barrier3A_21)
    %mul3A_22 = arith.constant 6256 : i32
    %mul3A_23 = arith.muli %arg1, %mul3A_22 : i32
    %mul3A_24 = arith.constant 6256 : i32
    %mul3A_25 = arith.muli %arg1, %mul3A_24 : i32
    "tpu.region"() ({
      %run_scoped3A = tpu.sem_alloc : memref<!tpu.dma_semaphore, #tpu.memory_space<semaphore_mem>>
      %dma_start3A_441 = arith.constant 0 : i32
      %dma_start3A_442 = tpu.memref_slice %arg14[%mul3A_25, %dma_start3A_441] : memref<100096x16xf32, #tpu.memory_space<vmem_shared>> -> memref<6256x16xf32, #tpu.memory_space<vmem_shared>>
      %dma_start3A_443 = arith.constant 0 : i32
      %dma_start3A_444 = tpu.memref_slice %arg6[%mul3A_23, %dma_start3A_443] : memref<100096x16xf32, #tpu.memory_space<hbm>> -> memref<6256x16xf32, #tpu.memory_space<hbm>>
      tpu.enqueue_dma source(%dma_start3A_444 : memref<6256x16xf32, #tpu.memory_space<hbm>>) target(%dma_start3A_442 : memref<6256x16xf32, #tpu.memory_space<vmem_shared>>) target_semaphore(%run_scoped3A : memref<!tpu.dma_semaphore, #tpu.memory_space<semaphore_mem>>)
      %dma_wait3A_445 = arith.constant 0 : i32
      %dma_wait3A_446 = tpu.memref_slice %arg14[%mul3A_25, %dma_wait3A_445] : memref<100096x16xf32, #tpu.memory_space<vmem_shared>> -> memref<6256x16xf32, #tpu.memory_space<vmem_shared>>
      %dma_wait3A_447 = arith.constant 0 : i32
      %dma_wait3A_448 = tpu.memref_slice %arg6[%mul3A_23, %dma_wait3A_447] : memref<100096x16xf32, #tpu.memory_space<hbm>> -> memref<6256x16xf32, #tpu.memory_space<hbm>>
      tpu.wait_dma2 semaphore(%run_scoped3A : memref<!tpu.dma_semaphore, #tpu.memory_space<semaphore_mem>>) src(%dma_wait3A_448 : memref<6256x16xf32, #tpu.memory_space<hbm>>) dst(%dma_wait3A_446 : memref<6256x16xf32, #tpu.memory_space<vmem_shared>>)
      tpu.yield
    }) : () -> ()
    %barrier3A_26 = arith.constant 0 : index
    tpu.barrier barrier_id(%barrier3A_26)
    %mul3A_27 = arith.constant 784 : i32
    %mul3A_28 = arith.muli %arg0, %mul3A_27 : i32
    %mul3A_29 = arith.constant 49 : i32
    %mul3A_30 = arith.muli %arg1, %mul3A_29 : i32
    %add3A = arith.addi %mul3A_28, %mul3A_30 : i32
    %mul3A_31 = arith.constant 16 : i32
    %mul3A_32 = arith.muli %add3A, %mul3A_31 : i32
    %dma_start3A = arith.constant 0 : i32
    %dma_start3A_33 = tpu.memref_slice %arg5[%mul3A_32, %dma_start3A] : memref<25088x128xi32, #tpu.memory_space<hbm>> -> memref<16x128xi32, #tpu.memory_space<hbm>>
    %dma_start3A_34 = arith.constant 0 : i32
    %dma_start3A_35 = tpu.memref_slice %arg5[%mul3A_32, %dma_start3A_34] : memref<25088x128xi32, #tpu.memory_space<hbm>> -> memref<16x128xi32, #tpu.memory_space<hbm>>
    tpu.enqueue_dma source(%dma_start3A_35 : memref<16x128xi32, #tpu.memory_space<hbm>>) target(%arg11 : memref<16x128xi32, #tpu.memory_space<vmem>>) target_semaphore(%arg17 : memref<!tpu.dma_semaphore, #tpu.memory_space<semaphore_mem>>)
    %scan3A = arith.constant 0 : i32
    %scan3A_36 = arith.constant 0 : i32
    %scan3A_37 = arith.constant 24 : i32
    %scan3A_38 = arith.addi %scan3A_36, %scan3A_37 : i32
    %scan3A_39 = arith.constant 1 : i32
    scf.for %scan3A_441 = %scan3A_36 to %scan3A_38 step %scan3A_39  : i32 {
      %mul3A_442 = arith.constant 2 : i32
      %mul3A_443 = arith.muli %mul3A_442, %scan3A_441 : i32
      %dma_wait3A_444 = arith.constant 0 : i32
      %dma_wait3A_445 = arith.constant 0 : i32
      %dma_wait3A_446 = tpu.memref_slice %arg5[%dma_wait3A_444, %dma_wait3A_445] : memref<25088x128xi32, #tpu.memory_space<hbm>> -> memref<16x128xi32, #tpu.memory_space<hbm>>
      %dma_wait3A_447 = arith.constant 0 : i32
      %dma_wait3A_448 = arith.constant 0 : i32
      %dma_wait3A_449 = tpu.memref_slice %arg5[%dma_wait3A_447, %dma_wait3A_448] : memref<25088x128xi32, #tpu.memory_space<hbm>> -> memref<16x128xi32, #tpu.memory_space<hbm>>
      tpu.wait_dma2 semaphore(%arg17 : memref<!tpu.dma_semaphore, #tpu.memory_space<semaphore_mem>>) src(%dma_wait3A_449 : memref<16x128xi32, #tpu.memory_space<hbm>>) dst(%arg11 : memref<16x128xi32, #tpu.memory_space<vmem>>)
      %add3A_450 = arith.constant 1 : i32
      %add3A_451 = arith.addi %mul3A_443, %add3A_450 : i32
      %lt3A = arith.constant 49 : i32
      %lt3A_452 = arith.cmpi slt, %add3A_451, %lt3A : i32
      %convert_element_type3A_453 = arith.extui %lt3A_452 : i1 to i32
      %cond3A_454 = arith.constant 0 : i32
      %cond3A_455 = arith.cmpi ne, %convert_element_type3A_453, %cond3A_454 : i32
      scf.if %cond3A_455 {
        %add3A_1241 = arith.addi %add3A, %mul3A_443 : i32
        %add3A_1242 = arith.constant 1 : i32
        %add3A_1243 = arith.addi %add3A_1241, %add3A_1242 : i32
        %mul3A_1244 = arith.constant 16 : i32
        %mul3A_1245 = arith.muli %add3A_1243, %mul3A_1244 : i32
        %dma_start3A_1246 = arith.constant 0 : i32
        %dma_start3A_1247 = tpu.memref_slice %arg5[%mul3A_1245, %dma_start3A_1246] : memref<25088x128xi32, #tpu.memory_space<hbm>> -> memref<16x128xi32, #tpu.memory_space<hbm>>
        %dma_start3A_1248 = arith.constant 0 : i32
        %dma_start3A_1249 = tpu.memref_slice %arg5[%mul3A_1245, %dma_start3A_1248] : memref<25088x128xi32, #tpu.memory_space<hbm>> -> memref<16x128xi32, #tpu.memory_space<hbm>>
        tpu.enqueue_dma source(%dma_start3A_1249 : memref<16x128xi32, #tpu.memory_space<hbm>>) target(%arg12 : memref<16x128xi32, #tpu.memory_space<vmem>>) target_semaphore(%arg17 : memref<!tpu.dma_semaphore, #tpu.memory_space<semaphore_mem>>)
      } else {
      }
      %dma_start3A_456 = arith.constant 0 : i32
      %dma_start3A_457 = arith.constant 0 : i32
      %dma_start3A_458 = arith.constant 0 : i32
      %dma_start3A_459 = arith.constant 0 : i32
      %dma_start3A_460 = tpu.memref_slice %arg13[%dma_start3A_457, %dma_start3A_458, %dma_start3A_459] : memref<8x128x16xf32, #tpu.memory_space<vmem>> -> memref<1x128x16xf32, #tpu.memory_space<vmem>>
      %dma_start3A_461 = tpu.memref_squeeze %dma_start3A_460 : memref<1x128x16xf32, #tpu.memory_space<vmem>> -> memref<128x16xf32, #tpu.memory_space<vmem>>
      %dma_start3A_462 = arith.constant 0 : i32
      %dma_start3A_463 = tpu.memref_slice %arg11[%dma_start3A_456, %dma_start3A_462] : memref<16x128xi32, #tpu.memory_space<vmem>> -> memref<1x128xi32, #tpu.memory_space<vmem>>
      %dma_start3A_464 = tpu.memref_squeeze %dma_start3A_463 : memref<1x128xi32, #tpu.memory_space<vmem>> -> memref<128xi32, #tpu.memory_space<vmem>>
      %dma_start3A_465 = arith.constant 0 : i32
      %dma_start3A_466 = arith.constant 0 : i32
      %dma_start3A_467 = tpu.memref_slice %arg4[%dma_start3A_465, %dma_start3A_466] : memref<100000x16xf32, #tpu.memory_space<hbm>> -> memref<100000x16xf32, #tpu.memory_space<hbm>>
      tpu.enqueue_indirect_dma source(%dma_start3A_467 : memref<100000x16xf32, #tpu.memory_space<hbm>>) target(%dma_start3A_461 : memref<128x16xf32, #tpu.memory_space<vmem>>) offsets(%dma_start3A_464 : memref<128xi32, #tpu.memory_space<vmem>>) semaphore(%arg15 : memref<!tpu.dma_semaphore, #tpu.memory_space<semaphore_mem>>)
      %dma_start3A_468 = arith.constant 1 : i32
      %dma_start3A_469 = arith.constant 1 : i32
      %dma_start3A_470 = arith.constant 0 : i32
      %dma_start3A_471 = arith.constant 0 : i32
      %dma_start3A_472 = tpu.memref_slice %arg13[%dma_start3A_469, %dma_start3A_470, %dma_start3A_471] : memref<8x128x16xf32, #tpu.memory_space<vmem>> -> memref<1x128x16xf32, #tpu.memory_space<vmem>>
      %dma_start3A_473 = tpu.memref_squeeze %dma_start3A_472 : memref<1x128x16xf32, #tpu.memory_space<vmem>> -> memref<128x16xf32, #tpu.memory_space<vmem>>
      %dma_start3A_474 = arith.constant 0 : i32
      %dma_start3A_475 = tpu.memref_slice %arg11[%dma_start3A_468, %dma_start3A_474] : memref<16x128xi32, #tpu.memory_space<vmem>> -> memref<1x128xi32, #tpu.memory_space<vmem>>
      %dma_start3A_476 = tpu.memref_squeeze %dma_start3A_475 : memref<1x128xi32, #tpu.memory_space<vmem>> -> memref<128xi32, #tpu.memory_space<vmem>>
      %dma_start3A_477 = arith.constant 0 : i32
      %dma_start3A_478 = arith.constant 0 : i32
      %dma_start3A_479 = tpu.memref_slice %arg4[%dma_start3A_477, %dma_start3A_478] : memref<100000x16xf32, #tpu.memory_space<hbm>> -> memref<100000x16xf32, #tpu.memory_space<hbm>>
      tpu.enqueue_indirect_dma source(%dma_start3A_479 : memref<100000x16xf32, #tpu.memory_space<hbm>>) target(%dma_start3A_473 : memref<128x16xf32, #tpu.memory_space<vmem>>) offsets(%dma_start3A_476 : memref<128xi32, #tpu.memory_space<vmem>>) semaphore(%arg15 : memref<!tpu.dma_semaphore, #tpu.memory_space<semaphore_mem>>)
      %dma_start3A_480 = arith.constant 2 : i32
      %dma_start3A_481 = arith.constant 2 : i32
      %dma_start3A_482 = arith.constant 0 : i32
      %dma_start3A_483 = arith.constant 0 : i32
      %dma_start3A_484 = tpu.memref_slice %arg13[%dma_start3A_481, %dma_start3A_482, %dma_start3A_483] : memref<8x128x16xf32, #tpu.memory_space<vmem>> -> memref<1x128x16xf32, #tpu.memory_space<vmem>>
      %dma_start3A_485 = tpu.memref_squeeze %dma_start3A_484 : memref<1x128x16xf32, #tpu.memory_space<vmem>> -> memref<128x16xf32, #tpu.memory_space<vmem>>
      %dma_start3A_486 = arith.constant 0 : i32
      %dma_start3A_487 = tpu.memref_slice %arg11[%dma_start3A_480, %dma_start3A_486] : memref<16x128xi32, #tpu.memory_space<vmem>> -> memref<1x128xi32, #tpu.memory_space<vmem>>
      %dma_start3A_488 = tpu.memref_squeeze %dma_start3A_487 : memref<1x128xi32, #tpu.memory_space<vmem>> -> memref<128xi32, #tpu.memory_space<vmem>>
      %dma_start3A_489 = arith.constant 0 : i32
      %dma_start3A_490 = arith.constant 0 : i32
      %dma_start3A_491 = tpu.memref_slice %arg4[%dma_start3A_489, %dma_start3A_490] : memref<100000x16xf32, #tpu.memory_space<hbm>> -> memref<100000x16xf32, #tpu.memory_space<hbm>>
      tpu.enqueue_indirect_dma source(%dma_start3A_491 : memref<100000x16xf32, #tpu.memory_space<hbm>>) target(%dma_start3A_485 : memref<128x16xf32, #tpu.memory_space<vmem>>) offsets(%dma_start3A_488 : memref<128xi32, #tpu.memory_space<vmem>>) semaphore(%arg15 : memref<!tpu.dma_semaphore, #tpu.memory_space<semaphore_mem>>)
      %dma_start3A_492 = arith.constant 3 : i32
      %dma_start3A_493 = arith.constant 3 : i32
      %dma_start3A_494 = arith.constant 0 : i32
      %dma_start3A_495 = arith.constant 0 : i32
      %dma_start3A_496 = tpu.memref_slice %arg13[%dma_start3A_493, %dma_start3A_494, %dma_start3A_495] : memref<8x128x16xf32, #tpu.memory_space<vmem>> -> memref<1x128x16xf32, #tpu.memory_space<vmem>>
      %dma_start3A_497 = tpu.memref_squeeze %dma_start3A_496 : memref<1x128x16xf32, #tpu.memory_space<vmem>> -> memref<128x16xf32, #tpu.memory_space<vmem>>
      %dma_start3A_498 = arith.constant 0 : i32
      %dma_start3A_499 = tpu.memref_slice %arg11[%dma_start3A_492, %dma_start3A_498] : memref<16x128xi32, #tpu.memory_space<vmem>> -> memref<1x128xi32, #tpu.memory_space<vmem>>
      %dma_start3A_500 = tpu.memref_squeeze %dma_start3A_499 : memref<1x128xi32, #tpu.memory_space<vmem>> -> memref<128xi32, #tpu.memory_space<vmem>>
      %dma_start3A_501 = arith.constant 0 : i32
      %dma_start3A_502 = arith.constant 0 : i32
      %dma_start3A_503 = tpu.memref_slice %arg4[%dma_start3A_501, %dma_start3A_502] : memref<100000x16xf32, #tpu.memory_space<hbm>> -> memref<100000x16xf32, #tpu.memory_space<hbm>>
      tpu.enqueue_indirect_dma source(%dma_start3A_503 : memref<100000x16xf32, #tpu.memory_space<hbm>>) target(%dma_start3A_497 : memref<128x16xf32, #tpu.memory_space<vmem>>) offsets(%dma_start3A_500 : memref<128xi32, #tpu.memory_space<vmem>>) semaphore(%arg15 : memref<!tpu.dma_semaphore, #tpu.memory_space<semaphore_mem>>)
      %dma_start3A_504 = arith.constant 4 : i32
      %dma_start3A_505 = arith.constant 4 : i32
      %dma_start3A_506 = arith.constant 0 : i32
      %dma_start3A_507 = arith.constant 0 : i32
      %dma_start3A_508 = tpu.memref_slice %arg13[%dma_start3A_505, %dma_start3A_506, %dma_start3A_507] : memref<8x128x16xf32, #tpu.memory_space<vmem>> -> memref<1x128x16xf32, #tpu.memory_space<vmem>>
      %dma_start3A_509 = tpu.memref_squeeze %dma_start3A_508 : memref<1x128x16xf32, #tpu.memory_space<vmem>> -> memref<128x16xf32, #tpu.memory_space<vmem>>
      %dma_start3A_510 = arith.constant 0 : i32
      %dma_start3A_511 = tpu.memref_slice %arg11[%dma_start3A_504, %dma_start3A_510] : memref<16x128xi32, #tpu.memory_space<vmem>> -> memref<1x128xi32, #tpu.memory_space<vmem>>
      %dma_start3A_512 = tpu.memref_squeeze %dma_start3A_511 : memref<1x128xi32, #tpu.memory_space<vmem>> -> memref<128xi32, #tpu.memory_space<vmem>>
      %dma_start3A_513 = arith.constant 0 : i32
      %dma_start3A_514 = arith.constant 0 : i32
      %dma_start3A_515 = tpu.memref_slice %arg4[%dma_start3A_513, %dma_start3A_514] : memref<100000x16xf32, #tpu.memory_space<hbm>> -> memref<100000x16xf32, #tpu.memory_space<hbm>>
      tpu.enqueue_indirect_dma source(%dma_start3A_515 : memref<100000x16xf32, #tpu.memory_space<hbm>>) target(%dma_start3A_509 : memref<128x16xf32, #tpu.memory_space<vmem>>) offsets(%dma_start3A_512 : memref<128xi32, #tpu.memory_space<vmem>>) semaphore(%arg15 : memref<!tpu.dma_semaphore, #tpu.memory_space<semaphore_mem>>)
      %dma_start3A_516 = arith.constant 5 : i32
      %dma_start3A_517 = arith.constant 5 : i32
      %dma_start3A_518 = arith.constant 0 : i32
      %dma_start3A_519 = arith.constant 0 : i32
      %dma_start3A_520 = tpu.memref_slice %arg13[%dma_start3A_517, %dma_start3A_518, %dma_start3A_519] : memref<8x128x16xf32, #tpu.memory_space<vmem>> -> memref<1x128x16xf32, #tpu.memory_space<vmem>>
      %dma_start3A_521 = tpu.memref_squeeze %dma_start3A_520 : memref<1x128x16xf32, #tpu.memory_space<vmem>> -> memref<128x16xf32, #tpu.memory_space<vmem>>
      %dma_start3A_522 = arith.constant 0 : i32
      %dma_start3A_523 = tpu.memref_slice %arg11[%dma_start3A_516, %dma_start3A_522] : memref<16x128xi32, #tpu.memory_space<vmem>> -> memref<1x128xi32, #tpu.memory_space<vmem>>
      %dma_start3A_524 = tpu.memref_squeeze %dma_start3A_523 : memref<1x128xi32, #tpu.memory_space<vmem>> -> memref<128xi32, #tpu.memory_space<vmem>>
      %dma_start3A_525 = arith.constant 0 : i32
      %dma_start3A_526 = arith.constant 0 : i32
      %dma_start3A_527 = tpu.memref_slice %arg4[%dma_start3A_525, %dma_start3A_526] : memref<100000x16xf32, #tpu.memory_space<hbm>> -> memref<100000x16xf32, #tpu.memory_space<hbm>>
      tpu.enqueue_indirect_dma source(%dma_start3A_527 : memref<100000x16xf32, #tpu.memory_space<hbm>>) target(%dma_start3A_521 : memref<128x16xf32, #tpu.memory_space<vmem>>) offsets(%dma_start3A_524 : memref<128xi32, #tpu.memory_space<vmem>>) semaphore(%arg15 : memref<!tpu.dma_semaphore, #tpu.memory_space<semaphore_mem>>)
      %dma_wait3A_528 = arith.constant 0 : i32
      %dma_wait3A_529 = arith.constant 0 : i32
      %dma_wait3A_530 = arith.constant 0 : i32
      %dma_wait3A_531 = arith.constant 0 : i32
      %dma_wait3A_532 = tpu.memref_slice %arg13[%dma_wait3A_529, %dma_wait3A_530, %dma_wait3A_531] : memref<8x128x16xf32, #tpu.memory_space<vmem>> -> memref<1x128x16xf32, #tpu.memory_space<vmem>>
      %dma_wait3A_533 = tpu.memref_squeeze %dma_wait3A_532 : memref<1x128x16xf32, #tpu.memory_space<vmem>> -> memref<128x16xf32, #tpu.memory_space<vmem>>
      %dma_wait3A_534 = arith.constant 0 : i32
      %dma_wait3A_535 = tpu.memref_slice %arg11[%dma_wait3A_528, %dma_wait3A_534] : memref<16x128xi32, #tpu.memory_space<vmem>> -> memref<1x128xi32, #tpu.memory_space<vmem>>
      %dma_wait3A_536 = tpu.memref_squeeze %dma_wait3A_535 : memref<1x128xi32, #tpu.memory_space<vmem>> -> memref<128xi32, #tpu.memory_space<vmem>>
      %dma_wait3A_537 = arith.constant 0 : i32
      %dma_wait3A_538 = arith.constant 0 : i32
      %dma_wait3A_539 = tpu.memref_slice %arg4[%dma_wait3A_537, %dma_wait3A_538] : memref<100000x16xf32, #tpu.memory_space<hbm>> -> memref<100000x16xf32, #tpu.memory_space<hbm>>
      tpu.wait_indirect_dma semaphore(%arg15 : memref<!tpu.dma_semaphore, #tpu.memory_space<semaphore_mem>>) src(%dma_wait3A_539 : memref<100000x16xf32, #tpu.memory_space<hbm>>) dst(%dma_wait3A_533 : memref<128x16xf32, #tpu.memory_space<vmem>>)
      %dma_start3A_540 = arith.constant 6 : i32
      %dma_start3A_541 = arith.constant 6 : i32
      %dma_start3A_542 = arith.constant 0 : i32
      %dma_start3A_543 = arith.constant 0 : i32
      %dma_start3A_544 = tpu.memref_slice %arg13[%dma_start3A_541, %dma_start3A_542, %dma_start3A_543] : memref<8x128x16xf32, #tpu.memory_space<vmem>> -> memref<1x128x16xf32, #tpu.memory_space<vmem>>
      %dma_start3A_545 = tpu.memref_squeeze %dma_start3A_544 : memref<1x128x16xf32, #tpu.memory_space<vmem>> -> memref<128x16xf32, #tpu.memory_space<vmem>>
      %dma_start3A_546 = arith.constant 0 : i32
      %dma_start3A_547 = tpu.memref_slice %arg11[%dma_start3A_540, %dma_start3A_546] : memref<16x128xi32, #tpu.memory_space<vmem>> -> memref<1x128xi32, #tpu.memory_space<vmem>>
      %dma_start3A_548 = tpu.memref_squeeze %dma_start3A_547 : memref<1x128xi32, #tpu.memory_space<vmem>> -> memref<128xi32, #tpu.memory_space<vmem>>
      %dma_start3A_549 = arith.constant 0 : i32
      %dma_start3A_550 = arith.constant 0 : i32
      %dma_start3A_551 = tpu.memref_slice %arg4[%dma_start3A_549, %dma_start3A_550] : memref<100000x16xf32, #tpu.memory_space<hbm>> -> memref<100000x16xf32, #tpu.memory_space<hbm>>
      tpu.enqueue_indirect_dma source(%dma_start3A_551 : memref<100000x16xf32, #tpu.memory_space<hbm>>) target(%dma_start3A_545 : memref<128x16xf32, #tpu.memory_space<vmem>>) offsets(%dma_start3A_548 : memref<128xi32, #tpu.memory_space<vmem>>) semaphore(%arg15 : memref<!tpu.dma_semaphore, #tpu.memory_space<semaphore_mem>>)
      %dma_start3A_552 = arith.constant 0 : i32
      %dma_start3A_553 = arith.constant 8 : i32
      %dma_start3A_554 = arith.constant 0 : i32
      %dma_start3A_555 = arith.constant 0 : i32
      %dma_start3A_556 = tpu.memref_slice %arg13[%dma_start3A_552, %dma_start3A_554, %dma_start3A_555] : memref<8x128x16xf32, #tpu.memory_space<vmem>> -> memref<1x128x16xf32, #tpu.memory_space<vmem>>
      %dma_start3A_557 = tpu.memref_squeeze %dma_start3A_556 : memref<1x128x16xf32, #tpu.memory_space<vmem>> -> memref<128x16xf32, #tpu.memory_space<vmem>>
      %dma_start3A_558 = arith.constant 0 : i32
      %dma_start3A_559 = tpu.memref_slice %arg11[%dma_start3A_553, %dma_start3A_558] : memref<16x128xi32, #tpu.memory_space<vmem>> -> memref<1x128xi32, #tpu.memory_space<vmem>>
      %dma_start3A_560 = tpu.memref_squeeze %dma_start3A_559 : memref<1x128xi32, #tpu.memory_space<vmem>> -> memref<128xi32, #tpu.memory_space<vmem>>
      %dma_start3A_561 = arith.constant 0 : i32
      %dma_start3A_562 = arith.constant 0 : i32
      %dma_start3A_563 = tpu.memref_slice %arg14[%dma_start3A_561, %dma_start3A_562] : memref<100096x16xf32, #tpu.memory_space<vmem_shared>> -> memref<100096x16xf32, #tpu.memory_space<vmem_shared>>
      tpu.enqueue_indirect_dma source(%dma_start3A_557 : memref<128x16xf32, #tpu.memory_space<vmem>>) target(%dma_start3A_563 : memref<100096x16xf32, #tpu.memory_space<vmem_shared>>) offsets(%dma_start3A_560 : memref<128xi32, #tpu.memory_space<vmem>>) semaphore(%arg16 : memref<!tpu.dma_semaphore, #tpu.memory_space<semaphore_mem>>) {add = true}
      %dma_wait3A_564 = arith.constant 1 : i32
      %dma_wait3A_565 = arith.constant 1 : i32
      %dma_wait3A_566 = arith.constant 0 : i32
      %dma_wait3A_567 = arith.constant 0 : i32
      %dma_wait3A_568 = tpu.memref_slice %arg13[%dma_wait3A_565, %dma_wait3A_566, %dma_wait3A_567] : memref<8x128x16xf32, #tpu.memory_space<vmem>> -> memref<1x128x16xf32, #tpu.memory_space<vmem>>
      %dma_wait3A_569 = tpu.memref_squeeze %dma_wait3A_568 : memref<1x128x16xf32, #tpu.memory_space<vmem>> -> memref<128x16xf32, #tpu.memory_space<vmem>>
      %dma_wait3A_570 = arith.constant 0 : i32
      %dma_wait3A_571 = tpu.memref_slice %arg11[%dma_wait3A_564, %dma_wait3A_570] : memref<16x128xi32, #tpu.memory_space<vmem>> -> memref<1x128xi32, #tpu.memory_space<vmem>>
      %dma_wait3A_572 = tpu.memref_squeeze %dma_wait3A_571 : memref<1x128xi32, #tpu.memory_space<vmem>> -> memref<128xi32, #tpu.memory_space<vmem>>
      %dma_wait3A_573 = arith.constant 0 : i32
      %dma_wait3A_574 = arith.constant 0 : i32
      %dma_wait3A_575 = tpu.memref_slice %arg4[%dma_wait3A_573, %dma_wait3A_574] : memref<100000x16xf32, #tpu.memory_space<hbm>> -> memref<100000x16xf32, #tpu.memory_space<hbm>>
      tpu.wait_indirect_dma semaphore(%arg15 : memref<!tpu.dma_semaphore, #tpu.memory_space<semaphore_mem>>) src(%dma_wait3A_575 : memref<100000x16xf32, #tpu.memory_space<hbm>>) dst(%dma_wait3A_569 : memref<128x16xf32, #tpu.memory_space<vmem>>)
      %dma_start3A_576 = arith.constant 7 : i32
      %dma_start3A_577 = arith.constant 7 : i32
      %dma_start3A_578 = arith.constant 0 : i32
      %dma_start3A_579 = arith.constant 0 : i32
      %dma_start3A_580 = tpu.memref_slice %arg13[%dma_start3A_577, %dma_start3A_578, %dma_start3A_579] : memref<8x128x16xf32, #tpu.memory_space<vmem>> -> memref<1x128x16xf32, #tpu.memory_space<vmem>>
      %dma_start3A_581 = tpu.memref_squeeze %dma_start3A_580 : memref<1x128x16xf32, #tpu.memory_space<vmem>> -> memref<128x16xf32, #tpu.memory_space<vmem>>
      %dma_start3A_582 = arith.constant 0 : i32
      %dma_start3A_583 = tpu.memref_slice %arg11[%dma_start3A_576, %dma_start3A_582] : memref<16x128xi32, #tpu.memory_space<vmem>> -> memref<1x128xi32, #tpu.memory_space<vmem>>
      %dma_start3A_584 = tpu.memref_squeeze %dma_start3A_583 : memref<1x128xi32, #tpu.memory_space<vmem>> -> memref<128xi32, #tpu.memory_space<vmem>>
      %dma_start3A_585 = arith.constant 0 : i32
      %dma_start3A_586 = arith.constant 0 : i32
      %dma_start3A_587 = tpu.memref_slice %arg4[%dma_start3A_585, %dma_start3A_586] : memref<100000x16xf32, #tpu.memory_space<hbm>> -> memref<100000x16xf32, #tpu.memory_space<hbm>>
      tpu.enqueue_indirect_dma source(%dma_start3A_587 : memref<100000x16xf32, #tpu.memory_space<hbm>>) target(%dma_start3A_581 : memref<128x16xf32, #tpu.memory_space<vmem>>) offsets(%dma_start3A_584 : memref<128xi32, #tpu.memory_space<vmem>>) semaphore(%arg15 : memref<!tpu.dma_semaphore, #tpu.memory_space<semaphore_mem>>)
      %dma_start3A_588 = arith.constant 1 : i32
      %dma_start3A_589 = arith.constant 9 : i32
      %dma_start3A_590 = arith.constant 0 : i32
      %dma_start3A_591 = arith.constant 0 : i32
      %dma_start3A_592 = tpu.memref_slice %arg13[%dma_start3A_588, %dma_start3A_590, %dma_start3A_591] : memref<8x128x16xf32, #tpu.memory_space<vmem>> -> memref<1x128x16xf32, #tpu.memory_space<vmem>>
      %dma_start3A_593 = tpu.memref_squeeze %dma_start3A_592 : memref<1x128x16xf32, #tpu.memory_space<vmem>> -> memref<128x16xf32, #tpu.memory_space<vmem>>
      %dma_start3A_594 = arith.constant 0 : i32
      %dma_start3A_595 = tpu.memref_slice %arg11[%dma_start3A_589, %dma_start3A_594] : memref<16x128xi32, #tpu.memory_space<vmem>> -> memref<1x128xi32, #tpu.memory_space<vmem>>
      %dma_start3A_596 = tpu.memref_squeeze %dma_start3A_595 : memref<1x128xi32, #tpu.memory_space<vmem>> -> memref<128xi32, #tpu.memory_space<vmem>>
      %dma_start3A_597 = arith.constant 0 : i32
      %dma_start3A_598 = arith.constant 0 : i32
      %dma_start3A_599 = tpu.memref_slice %arg14[%dma_start3A_597, %dma_start3A_598] : memref<100096x16xf32, #tpu.memory_space<vmem_shared>> -> memref<100096x16xf32, #tpu.memory_space<vmem_shared>>
      tpu.enqueue_indirect_dma source(%dma_start3A_593 : memref<128x16xf32, #tpu.memory_space<vmem>>) target(%dma_start3A_599 : memref<100096x16xf32, #tpu.memory_space<vmem_shared>>) offsets(%dma_start3A_596 : memref<128xi32, #tpu.memory_space<vmem>>) semaphore(%arg16 : memref<!tpu.dma_semaphore, #tpu.memory_space<semaphore_mem>>) {add = true}
      %dma_wait3A_600 = arith.constant 2 : i32
      %dma_wait3A_601 = arith.constant 2 : i32
      %dma_wait3A_602 = arith.constant 0 : i32
      %dma_wait3A_603 = arith.constant 0 : i32
      %dma_wait3A_604 = tpu.memref_slice %arg13[%dma_wait3A_601, %dma_wait3A_602, %dma_wait3A_603] : memref<8x128x16xf32, #tpu.memory_space<vmem>> -> memref<1x128x16xf32, #tpu.memory_space<vmem>>
      %dma_wait3A_605 = tpu.memref_squeeze %dma_wait3A_604 : memref<1x128x16xf32, #tpu.memory_space<vmem>> -> memref<128x16xf32, #tpu.memory_space<vmem>>
      %dma_wait3A_606 = arith.constant 0 : i32
      %dma_wait3A_607 = tpu.memref_slice %arg11[%dma_wait3A_600, %dma_wait3A_606] : memref<16x128xi32, #tpu.memory_space<vmem>> -> memref<1x128xi32, #tpu.memory_space<vmem>>
      %dma_wait3A_608 = tpu.memref_squeeze %dma_wait3A_607 : memref<1x128xi32, #tpu.memory_space<vmem>> -> memref<128xi32, #tpu.memory_space<vmem>>
      %dma_wait3A_609 = arith.constant 0 : i32
      %dma_wait3A_610 = arith.constant 0 : i32
      %dma_wait3A_611 = tpu.memref_slice %arg4[%dma_wait3A_609, %dma_wait3A_610] : memref<100000x16xf32, #tpu.memory_space<hbm>> -> memref<100000x16xf32, #tpu.memory_space<hbm>>
      tpu.wait_indirect_dma semaphore(%arg15 : memref<!tpu.dma_semaphore, #tpu.memory_space<semaphore_mem>>) src(%dma_wait3A_611 : memref<100000x16xf32, #tpu.memory_space<hbm>>) dst(%dma_wait3A_605 : memref<128x16xf32, #tpu.memory_space<vmem>>)
      %dma_start3A_612 = arith.constant 2 : i32
      %dma_start3A_613 = arith.constant 10 : i32
      %dma_start3A_614 = arith.constant 0 : i32
      %dma_start3A_615 = arith.constant 0 : i32
      %dma_start3A_616 = tpu.memref_slice %arg13[%dma_start3A_612, %dma_start3A_614, %dma_start3A_615] : memref<8x128x16xf32, #tpu.memory_space<vmem>> -> memref<1x128x16xf32, #tpu.memory_space<vmem>>
      %dma_start3A_617 = tpu.memref_squeeze %dma_start3A_616 : memref<1x128x16xf32, #tpu.memory_space<vmem>> -> memref<128x16xf32, #tpu.memory_space<vmem>>
      %dma_start3A_618 = arith.constant 0 : i32
      %dma_start3A_619 = tpu.memref_slice %arg11[%dma_start3A_613, %dma_start3A_618] : memref<16x128xi32, #tpu.memory_space<vmem>> -> memref<1x128xi32, #tpu.memory_space<vmem>>
      %dma_start3A_620 = tpu.memref_squeeze %dma_start3A_619 : memref<1x128xi32, #tpu.memory_space<vmem>> -> memref<128xi32, #tpu.memory_space<vmem>>
      %dma_start3A_621 = arith.constant 0 : i32
      %dma_start3A_622 = arith.constant 0 : i32
      %dma_start3A_623 = tpu.memref_slice %arg14[%dma_start3A_621, %dma_start3A_622] : memref<100096x16xf32, #tpu.memory_space<vmem_shared>> -> memref<100096x16xf32, #tpu.memory_space<vmem_shared>>
      tpu.enqueue_indirect_dma source(%dma_start3A_617 : memref<128x16xf32, #tpu.memory_space<vmem>>) target(%dma_start3A_623 : memref<100096x16xf32, #tpu.memory_space<vmem_shared>>) offsets(%dma_start3A_620 : memref<128xi32, #tpu.memory_space<vmem>>) semaphore(%arg16 : memref<!tpu.dma_semaphore, #tpu.memory_space<semaphore_mem>>) {add = true}
      %dma_wait3A_624 = arith.constant 3 : i32
      %dma_wait3A_625 = arith.constant 3 : i32
      %dma_wait3A_626 = arith.constant 0 : i32
      %dma_wait3A_627 = arith.constant 0 : i32
      %dma_wait3A_628 = tpu.memref_slice %arg13[%dma_wait3A_625, %dma_wait3A_626, %dma_wait3A_627] : memref<8x128x16xf32, #tpu.memory_space<vmem>> -> memref<1x128x16xf32, #tpu.memory_space<vmem>>
      %dma_wait3A_629 = tpu.memref_squeeze %dma_wait3A_628 : memref<1x128x16xf32, #tpu.memory_space<vmem>> -> memref<128x16xf32, #tpu.memory_space<vmem>>
      %dma_wait3A_630 = arith.constant 0 : i32
      %dma_wait3A_631 = tpu.memref_slice %arg11[%dma_wait3A_624, %dma_wait3A_630] : memref<16x128xi32, #tpu.memory_space<vmem>> -> memref<1x128xi32, #tpu.memory_space<vmem>>
      %dma_wait3A_632 = tpu.memref_squeeze %dma_wait3A_631 : memref<1x128xi32, #tpu.memory_space<vmem>> -> memref<128xi32, #tpu.memory_space<vmem>>
      %dma_wait3A_633 = arith.constant 0 : i32
      %dma_wait3A_634 = arith.constant 0 : i32
      %dma_wait3A_635 = tpu.memref_slice %arg4[%dma_wait3A_633, %dma_wait3A_634] : memref<100000x16xf32, #tpu.memory_space<hbm>> -> memref<100000x16xf32, #tpu.memory_space<hbm>>
      tpu.wait_indirect_dma semaphore(%arg15 : memref<!tpu.dma_semaphore, #tpu.memory_space<semaphore_mem>>) src(%dma_wait3A_635 : memref<100000x16xf32, #tpu.memory_space<hbm>>) dst(%dma_wait3A_629 : memref<128x16xf32, #tpu.memory_space<vmem>>)
      %dma_start3A_636 = arith.constant 3 : i32
      %dma_start3A_637 = arith.constant 11 : i32
      %dma_start3A_638 = arith.constant 0 : i32
      %dma_start3A_639 = arith.constant 0 : i32
      %dma_start3A_640 = tpu.memref_slice %arg13[%dma_start3A_636, %dma_start3A_638, %dma_start3A_639] : memref<8x128x16xf32, #tpu.memory_space<vmem>> -> memref<1x128x16xf32, #tpu.memory_space<vmem>>
      %dma_start3A_641 = tpu.memref_squeeze %dma_start3A_640 : memref<1x128x16xf32, #tpu.memory_space<vmem>> -> memref<128x16xf32, #tpu.memory_space<vmem>>
      %dma_start3A_642 = arith.constant 0 : i32
      %dma_start3A_643 = tpu.memref_slice %arg11[%dma_start3A_637, %dma_start3A_642] : memref<16x128xi32, #tpu.memory_space<vmem>> -> memref<1x128xi32, #tpu.memory_space<vmem>>
      %dma_start3A_644 = tpu.memref_squeeze %dma_start3A_643 : memref<1x128xi32, #tpu.memory_space<vmem>> -> memref<128xi32, #tpu.memory_space<vmem>>
      %dma_start3A_645 = arith.constant 0 : i32
      %dma_start3A_646 = arith.constant 0 : i32
      %dma_start3A_647 = tpu.memref_slice %arg14[%dma_start3A_645, %dma_start3A_646] : memref<100096x16xf32, #tpu.memory_space<vmem_shared>> -> memref<100096x16xf32, #tpu.memory_space<vmem_shared>>
      tpu.enqueue_indirect_dma source(%dma_start3A_641 : memref<128x16xf32, #tpu.memory_space<vmem>>) target(%dma_start3A_647 : memref<100096x16xf32, #tpu.memory_space<vmem_shared>>) offsets(%dma_start3A_644 : memref<128xi32, #tpu.memory_space<vmem>>) semaphore(%arg16 : memref<!tpu.dma_semaphore, #tpu.memory_space<semaphore_mem>>) {add = true}
      %dma_wait3A_648 = arith.constant 4 : i32
      %dma_wait3A_649 = arith.constant 4 : i32
      %dma_wait3A_650 = arith.constant 0 : i32
      %dma_wait3A_651 = arith.constant 0 : i32
      %dma_wait3A_652 = tpu.memref_slice %arg13[%dma_wait3A_649, %dma_wait3A_650, %dma_wait3A_651] : memref<8x128x16xf32, #tpu.memory_space<vmem>> -> memref<1x128x16xf32, #tpu.memory_space<vmem>>
      %dma_wait3A_653 = tpu.memref_squeeze %dma_wait3A_652 : memref<1x128x16xf32, #tpu.memory_space<vmem>> -> memref<128x16xf32, #tpu.memory_space<vmem>>
      %dma_wait3A_654 = arith.constant 0 : i32
      %dma_wait3A_655 = tpu.memref_slice %arg11[%dma_wait3A_648, %dma_wait3A_654] : memref<16x128xi32, #tpu.memory_space<vmem>> -> memref<1x128xi32, #tpu.memory_space<vmem>>
      %dma_wait3A_656 = tpu.memref_squeeze %dma_wait3A_655 : memref<1x128xi32, #tpu.memory_space<vmem>> -> memref<128xi32, #tpu.memory_space<vmem>>
      %dma_wait3A_657 = arith.constant 0 : i32
      %dma_wait3A_658 = arith.constant 0 : i32
      %dma_wait3A_659 = tpu.memref_slice %arg4[%dma_wait3A_657, %dma_wait3A_658] : memref<100000x16xf32, #tpu.memory_space<hbm>> -> memref<100000x16xf32, #tpu.memory_space<hbm>>
      tpu.wait_indirect_dma semaphore(%arg15 : memref<!tpu.dma_semaphore, #tpu.memory_space<semaphore_mem>>) src(%dma_wait3A_659 : memref<100000x16xf32, #tpu.memory_space<hbm>>) dst(%dma_wait3A_653 : memref<128x16xf32, #tpu.memory_space<vmem>>)
      %dma_start3A_660 = arith.constant 4 : i32
      %dma_start3A_661 = arith.constant 12 : i32
      %dma_start3A_662 = arith.constant 0 : i32
      %dma_start3A_663 = arith.constant 0 : i32
      %dma_start3A_664 = tpu.memref_slice %arg13[%dma_start3A_660, %dma_start3A_662, %dma_start3A_663] : memref<8x128x16xf32, #tpu.memory_space<vmem>> -> memref<1x128x16xf32, #tpu.memory_space<vmem>>
      %dma_start3A_665 = tpu.memref_squeeze %dma_start3A_664 : memref<1x128x16xf32, #tpu.memory_space<vmem>> -> memref<128x16xf32, #tpu.memory_space<vmem>>
      %dma_start3A_666 = arith.constant 0 : i32
      %dma_start3A_667 = tpu.memref_slice %arg11[%dma_start3A_661, %dma_start3A_666] : memref<16x128xi32, #tpu.memory_space<vmem>> -> memref<1x128xi32, #tpu.memory_space<vmem>>
      %dma_start3A_668 = tpu.memref_squeeze %dma_start3A_667 : memref<1x128xi32, #tpu.memory_space<vmem>> -> memref<128xi32, #tpu.memory_space<vmem>>
      %dma_start3A_669 = arith.constant 0 : i32
      %dma_start3A_670 = arith.constant 0 : i32
      %dma_start3A_671 = tpu.memref_slice %arg14[%dma_start3A_669, %dma_start3A_670] : memref<100096x16xf32, #tpu.memory_space<vmem_shared>> -> memref<100096x16xf32, #tpu.memory_space<vmem_shared>>
      tpu.enqueue_indirect_dma source(%dma_start3A_665 : memref<128x16xf32, #tpu.memory_space<vmem>>) target(%dma_start3A_671 : memref<100096x16xf32, #tpu.memory_space<vmem_shared>>) offsets(%dma_start3A_668 : memref<128xi32, #tpu.memory_space<vmem>>) semaphore(%arg16 : memref<!tpu.dma_semaphore, #tpu.memory_space<semaphore_mem>>) {add = true}
      %dma_wait3A_672 = arith.constant 5 : i32
      %dma_wait3A_673 = arith.constant 5 : i32
      %dma_wait3A_674 = arith.constant 0 : i32
      %dma_wait3A_675 = arith.constant 0 : i32
      %dma_wait3A_676 = tpu.memref_slice %arg13[%dma_wait3A_673, %dma_wait3A_674, %dma_wait3A_675] : memref<8x128x16xf32, #tpu.memory_space<vmem>> -> memref<1x128x16xf32, #tpu.memory_space<vmem>>
      %dma_wait3A_677 = tpu.memref_squeeze %dma_wait3A_676 : memref<1x128x16xf32, #tpu.memory_space<vmem>> -> memref<128x16xf32, #tpu.memory_space<vmem>>
      %dma_wait3A_678 = arith.constant 0 : i32
      %dma_wait3A_679 = tpu.memref_slice %arg11[%dma_wait3A_672, %dma_wait3A_678] : memref<16x128xi32, #tpu.memory_space<vmem>> -> memref<1x128xi32, #tpu.memory_space<vmem>>
      %dma_wait3A_680 = tpu.memref_squeeze %dma_wait3A_679 : memref<1x128xi32, #tpu.memory_space<vmem>> -> memref<128xi32, #tpu.memory_space<vmem>>
      %dma_wait3A_681 = arith.constant 0 : i32
      %dma_wait3A_682 = arith.constant 0 : i32
      %dma_wait3A_683 = tpu.memref_slice %arg4[%dma_wait3A_681, %dma_wait3A_682] : memref<100000x16xf32, #tpu.memory_space<hbm>> -> memref<100000x16xf32, #tpu.memory_space<hbm>>
      tpu.wait_indirect_dma semaphore(%arg15 : memref<!tpu.dma_semaphore, #tpu.memory_space<semaphore_mem>>) src(%dma_wait3A_683 : memref<100000x16xf32, #tpu.memory_space<hbm>>) dst(%dma_wait3A_677 : memref<128x16xf32, #tpu.memory_space<vmem>>)
      %dma_start3A_684 = arith.constant 5 : i32
      %dma_start3A_685 = arith.constant 13 : i32
      %dma_start3A_686 = arith.constant 0 : i32
      %dma_start3A_687 = arith.constant 0 : i32
      %dma_start3A_688 = tpu.memref_slice %arg13[%dma_start3A_684, %dma_start3A_686, %dma_start3A_687] : memref<8x128x16xf32, #tpu.memory_space<vmem>> -> memref<1x128x16xf32, #tpu.memory_space<vmem>>
      %dma_start3A_689 = tpu.memref_squeeze %dma_start3A_688 : memref<1x128x16xf32, #tpu.memory_space<vmem>> -> memref<128x16xf32, #tpu.memory_space<vmem>>
      %dma_start3A_690 = arith.constant 0 : i32
      %dma_start3A_691 = tpu.memref_slice %arg11[%dma_start3A_685, %dma_start3A_690] : memref<16x128xi32, #tpu.memory_space<vmem>> -> memref<1x128xi32, #tpu.memory_space<vmem>>
      %dma_start3A_692 = tpu.memref_squeeze %dma_start3A_691 : memref<1x128xi32, #tpu.memory_space<vmem>> -> memref<128xi32, #tpu.memory_space<vmem>>
      %dma_start3A_693 = arith.constant 0 : i32
      %dma_start3A_694 = arith.constant 0 : i32
      %dma_start3A_695 = tpu.memref_slice %arg14[%dma_start3A_693, %dma_start3A_694] : memref<100096x16xf32, #tpu.memory_space<vmem_shared>> -> memref<100096x16xf32, #tpu.memory_space<vmem_shared>>
      tpu.enqueue_indirect_dma source(%dma_start3A_689 : memref<128x16xf32, #tpu.memory_space<vmem>>) target(%dma_start3A_695 : memref<100096x16xf32, #tpu.memory_space<vmem_shared>>) offsets(%dma_start3A_692 : memref<128xi32, #tpu.memory_space<vmem>>) semaphore(%arg16 : memref<!tpu.dma_semaphore, #tpu.memory_space<semaphore_mem>>) {add = true}
      %dma_wait3A_696 = arith.constant 6 : i32
      %dma_wait3A_697 = arith.constant 6 : i32
      %dma_wait3A_698 = arith.constant 0 : i32
      %dma_wait3A_699 = arith.constant 0 : i32
      %dma_wait3A_700 = tpu.memref_slice %arg13[%dma_wait3A_697, %dma_wait3A_698, %dma_wait3A_699] : memref<8x128x16xf32, #tpu.memory_space<vmem>> -> memref<1x128x16xf32, #tpu.memory_space<vmem>>
      %dma_wait3A_701 = tpu.memref_squeeze %dma_wait3A_700 : memref<1x128x16xf32, #tpu.memory_space<vmem>> -> memref<128x16xf32, #tpu.memory_space<vmem>>
      %dma_wait3A_702 = arith.constant 0 : i32
      %dma_wait3A_703 = tpu.memref_slice %arg11[%dma_wait3A_696, %dma_wait3A_702] : memref<16x128xi32, #tpu.memory_space<vmem>> -> memref<1x128xi32, #tpu.memory_space<vmem>>
      %dma_wait3A_704 = tpu.memref_squeeze %dma_wait3A_703 : memref<1x128xi32, #tpu.memory_space<vmem>> -> memref<128xi32, #tpu.memory_space<vmem>>
      %dma_wait3A_705 = arith.constant 0 : i32
      %dma_wait3A_706 = arith.constant 0 : i32
      %dma_wait3A_707 = tpu.memref_slice %arg4[%dma_wait3A_705, %dma_wait3A_706] : memref<100000x16xf32, #tpu.memory_space<hbm>> -> memref<100000x16xf32, #tpu.memory_space<hbm>>
      tpu.wait_indirect_dma semaphore(%arg15 : memref<!tpu.dma_semaphore, #tpu.memory_space<semaphore_mem>>) src(%dma_wait3A_707 : memref<100000x16xf32, #tpu.memory_space<hbm>>) dst(%dma_wait3A_701 : memref<128x16xf32, #tpu.memory_space<vmem>>)
      %dma_start3A_708 = arith.constant 6 : i32
      %dma_start3A_709 = arith.constant 14 : i32
      %dma_start3A_710 = arith.constant 0 : i32
      %dma_start3A_711 = arith.constant 0 : i32
      %dma_start3A_712 = tpu.memref_slice %arg13[%dma_start3A_708, %dma_start3A_710, %dma_start3A_711] : memref<8x128x16xf32, #tpu.memory_space<vmem>> -> memref<1x128x16xf32, #tpu.memory_space<vmem>>
      %dma_start3A_713 = tpu.memref_squeeze %dma_start3A_712 : memref<1x128x16xf32, #tpu.memory_space<vmem>> -> memref<128x16xf32, #tpu.memory_space<vmem>>
      %dma_start3A_714 = arith.constant 0 : i32
      %dma_start3A_715 = tpu.memref_slice %arg11[%dma_start3A_709, %dma_start3A_714] : memref<16x128xi32, #tpu.memory_space<vmem>> -> memref<1x128xi32, #tpu.memory_space<vmem>>
      %dma_start3A_716 = tpu.memref_squeeze %dma_start3A_715 : memref<1x128xi32, #tpu.memory_space<vmem>> -> memref<128xi32, #tpu.memory_space<vmem>>
      %dma_start3A_717 = arith.constant 0 : i32
      %dma_start3A_718 = arith.constant 0 : i32
      %dma_start3A_719 = tpu.memref_slice %arg14[%dma_start3A_717, %dma_start3A_718] : memref<100096x16xf32, #tpu.memory_space<vmem_shared>> -> memref<100096x16xf32, #tpu.memory_space<vmem_shared>>
      tpu.enqueue_indirect_dma source(%dma_start3A_713 : memref<128x16xf32, #tpu.memory_space<vmem>>) target(%dma_start3A_719 : memref<100096x16xf32, #tpu.memory_space<vmem_shared>>) offsets(%dma_start3A_716 : memref<128xi32, #tpu.memory_space<vmem>>) semaphore(%arg16 : memref<!tpu.dma_semaphore, #tpu.memory_space<semaphore_mem>>) {add = true}
      %dma_wait3A_720 = arith.constant 7 : i32
      %dma_wait3A_721 = arith.constant 7 : i32
      %dma_wait3A_722 = arith.constant 0 : i32
      %dma_wait3A_723 = arith.constant 0 : i32
      %dma_wait3A_724 = tpu.memref_slice %arg13[%dma_wait3A_721, %dma_wait3A_722, %dma_wait3A_723] : memref<8x128x16xf32, #tpu.memory_space<vmem>> -> memref<1x128x16xf32, #tpu.memory_space<vmem>>
      %dma_wait3A_725 = tpu.memref_squeeze %dma_wait3A_724 : memref<1x128x16xf32, #tpu.memory_space<vmem>> -> memref<128x16xf32, #tpu.memory_space<vmem>>
      %dma_wait3A_726 = arith.constant 0 : i32
      %dma_wait3A_727 = tpu.memref_slice %arg11[%dma_wait3A_720, %dma_wait3A_726] : memref<16x128xi32, #tpu.memory_space<vmem>> -> memref<1x128xi32, #tpu.memory_space<vmem>>
      %dma_wait3A_728 = tpu.memref_squeeze %dma_wait3A_727 : memref<1x128xi32, #tpu.memory_space<vmem>> -> memref<128xi32, #tpu.memory_space<vmem>>
      %dma_wait3A_729 = arith.constant 0 : i32
      %dma_wait3A_730 = arith.constant 0 : i32
      %dma_wait3A_731 = tpu.memref_slice %arg4[%dma_wait3A_729, %dma_wait3A_730] : memref<100000x16xf32, #tpu.memory_space<hbm>> -> memref<100000x16xf32, #tpu.memory_space<hbm>>
      tpu.wait_indirect_dma semaphore(%arg15 : memref<!tpu.dma_semaphore, #tpu.memory_space<semaphore_mem>>) src(%dma_wait3A_731 : memref<100000x16xf32, #tpu.memory_space<hbm>>) dst(%dma_wait3A_725 : memref<128x16xf32, #tpu.memory_space<vmem>>)
      %dma_start3A_732 = arith.constant 7 : i32
      %dma_start3A_733 = arith.constant 15 : i32
      %dma_start3A_734 = arith.constant 0 : i32
      %dma_start3A_735 = arith.constant 0 : i32
      %dma_start3A_736 = tpu.memref_slice %arg13[%dma_start3A_732, %dma_start3A_734, %dma_start3A_735] : memref<8x128x16xf32, #tpu.memory_space<vmem>> -> memref<1x128x16xf32, #tpu.memory_space<vmem>>
      %dma_start3A_737 = tpu.memref_squeeze %dma_start3A_736 : memref<1x128x16xf32, #tpu.memory_space<vmem>> -> memref<128x16xf32, #tpu.memory_space<vmem>>
      %dma_start3A_738 = arith.constant 0 : i32
      %dma_start3A_739 = tpu.memref_slice %arg11[%dma_start3A_733, %dma_start3A_738] : memref<16x128xi32, #tpu.memory_space<vmem>> -> memref<1x128xi32, #tpu.memory_space<vmem>>
      %dma_start3A_740 = tpu.memref_squeeze %dma_start3A_739 : memref<1x128xi32, #tpu.memory_space<vmem>> -> memref<128xi32, #tpu.memory_space<vmem>>
      %dma_start3A_741 = arith.constant 0 : i32
      %dma_start3A_742 = arith.constant 0 : i32
      %dma_start3A_743 = tpu.memref_slice %arg14[%dma_start3A_741, %dma_start3A_742] : memref<100096x16xf32, #tpu.memory_space<vmem_shared>> -> memref<100096x16xf32, #tpu.memory_space<vmem_shared>>
      tpu.enqueue_indirect_dma source(%dma_start3A_737 : memref<128x16xf32, #tpu.memory_space<vmem>>) target(%dma_start3A_743 : memref<100096x16xf32, #tpu.memory_space<vmem_shared>>) offsets(%dma_start3A_740 : memref<128xi32, #tpu.memory_space<vmem>>) semaphore(%arg16 : memref<!tpu.dma_semaphore, #tpu.memory_space<semaphore_mem>>) {add = true}
      %dma_wait3A_744 = arith.constant 0 : i32
      %dma_wait3A_745 = arith.constant 8 : i32
      %dma_wait3A_746 = arith.constant 0 : i32
      %dma_wait3A_747 = arith.constant 0 : i32
      %dma_wait3A_748 = tpu.memref_slice %arg13[%dma_wait3A_744, %dma_wait3A_746, %dma_wait3A_747] : memref<8x128x16xf32, #tpu.memory_space<vmem>> -> memref<1x128x16xf32, #tpu.memory_space<vmem>>
      %dma_wait3A_749 = tpu.memref_squeeze %dma_wait3A_748 : memref<1x128x16xf32, #tpu.memory_space<vmem>> -> memref<128x16xf32, #tpu.memory_space<vmem>>
      %dma_wait3A_750 = arith.constant 0 : i32
      %dma_wait3A_751 = tpu.memref_slice %arg11[%dma_wait3A_745, %dma_wait3A_750] : memref<16x128xi32, #tpu.memory_space<vmem>> -> memref<1x128xi32, #tpu.memory_space<vmem>>
      %dma_wait3A_752 = tpu.memref_squeeze %dma_wait3A_751 : memref<1x128xi32, #tpu.memory_space<vmem>> -> memref<128xi32, #tpu.memory_space<vmem>>
      %dma_wait3A_753 = arith.constant 0 : i32
      %dma_wait3A_754 = arith.constant 0 : i32
      %dma_wait3A_755 = tpu.memref_slice %arg14[%dma_wait3A_753, %dma_wait3A_754] : memref<100096x16xf32, #tpu.memory_space<vmem_shared>> -> memref<100096x16xf32, #tpu.memory_space<vmem_shared>>
      tpu.wait_indirect_dma semaphore(%arg16 : memref<!tpu.dma_semaphore, #tpu.memory_space<semaphore_mem>>) src(%dma_wait3A_749 : memref<128x16xf32, #tpu.memory_space<vmem>>) dst(%dma_wait3A_755 : memref<100096x16xf32, #tpu.memory_space<vmem_shared>>)
      %dma_wait3A_756 = arith.constant 1 : i32
      %dma_wait3A_757 = arith.constant 9 : i32
      %dma_wait3A_758 = arith.constant 0 : i32
      %dma_wait3A_759 = arith.constant 0 : i32
      %dma_wait3A_760 = tpu.memref_slice %arg13[%dma_wait3A_756, %dma_wait3A_758, %dma_wait3A_759] : memref<8x128x16xf32, #tpu.memory_space<vmem>> -> memref<1x128x16xf32, #tpu.memory_space<vmem>>
      %dma_wait3A_761 = tpu.memref_squeeze %dma_wait3A_760 : memref<1x128x16xf32, #tpu.memory_space<vmem>> -> memref<128x16xf32, #tpu.memory_space<vmem>>
      %dma_wait3A_762 = arith.constant 0 : i32
      %dma_wait3A_763 = tpu.memref_slice %arg11[%dma_wait3A_757, %dma_wait3A_762] : memref<16x128xi32, #tpu.memory_space<vmem>> -> memref<1x128xi32, #tpu.memory_space<vmem>>
      %dma_wait3A_764 = tpu.memref_squeeze %dma_wait3A_763 : memref<1x128xi32, #tpu.memory_space<vmem>> -> memref<128xi32, #tpu.memory_space<vmem>>
      %dma_wait3A_765 = arith.constant 0 : i32
      %dma_wait3A_766 = arith.constant 0 : i32
      %dma_wait3A_767 = tpu.memref_slice %arg14[%dma_wait3A_765, %dma_wait3A_766] : memref<100096x16xf32, #tpu.memory_space<vmem_shared>> -> memref<100096x16xf32, #tpu.memory_space<vmem_shared>>
      tpu.wait_indirect_dma semaphore(%arg16 : memref<!tpu.dma_semaphore, #tpu.memory_space<semaphore_mem>>) src(%dma_wait3A_761 : memref<128x16xf32, #tpu.memory_space<vmem>>) dst(%dma_wait3A_767 : memref<100096x16xf32, #tpu.memory_space<vmem_shared>>)
      %dma_wait3A_768 = arith.constant 2 : i32
      %dma_wait3A_769 = arith.constant 10 : i32
      %dma_wait3A_770 = arith.constant 0 : i32
      %dma_wait3A_771 = arith.constant 0 : i32
      %dma_wait3A_772 = tpu.memref_slice %arg13[%dma_wait3A_768, %dma_wait3A_770, %dma_wait3A_771] : memref<8x128x16xf32, #tpu.memory_space<vmem>> -> memref<1x128x16xf32, #tpu.memory_space<vmem>>
      %dma_wait3A_773 = tpu.memref_squeeze %dma_wait3A_772 : memref<1x128x16xf32, #tpu.memory_space<vmem>> -> memref<128x16xf32, #tpu.memory_space<vmem>>
      %dma_wait3A_774 = arith.constant 0 : i32
      %dma_wait3A_775 = tpu.memref_slice %arg11[%dma_wait3A_769, %dma_wait3A_774] : memref<16x128xi32, #tpu.memory_space<vmem>> -> memref<1x128xi32, #tpu.memory_space<vmem>>
      %dma_wait3A_776 = tpu.memref_squeeze %dma_wait3A_775 : memref<1x128xi32, #tpu.memory_space<vmem>> -> memref<128xi32, #tpu.memory_space<vmem>>
      %dma_wait3A_777 = arith.constant 0 : i32
      %dma_wait3A_778 = arith.constant 0 : i32
      %dma_wait3A_779 = tpu.memref_slice %arg14[%dma_wait3A_777, %dma_wait3A_778] : memref<100096x16xf32, #tpu.memory_space<vmem_shared>> -> memref<100096x16xf32, #tpu.memory_space<vmem_shared>>
      tpu.wait_indirect_dma semaphore(%arg16 : memref<!tpu.dma_semaphore, #tpu.memory_space<semaphore_mem>>) src(%dma_wait3A_773 : memref<128x16xf32, #tpu.memory_space<vmem>>) dst(%dma_wait3A_779 : memref<100096x16xf32, #tpu.memory_space<vmem_shared>>)
      %dma_wait3A_780 = arith.constant 3 : i32
      %dma_wait3A_781 = arith.constant 11 : i32
      %dma_wait3A_782 = arith.constant 0 : i32
      %dma_wait3A_783 = arith.constant 0 : i32
      %dma_wait3A_784 = tpu.memref_slice %arg13[%dma_wait3A_780, %dma_wait3A_782, %dma_wait3A_783] : memref<8x128x16xf32, #tpu.memory_space<vmem>> -> memref<1x128x16xf32, #tpu.memory_space<vmem>>
      %dma_wait3A_785 = tpu.memref_squeeze %dma_wait3A_784 : memref<1x128x16xf32, #tpu.memory_space<vmem>> -> memref<128x16xf32, #tpu.memory_space<vmem>>
      %dma_wait3A_786 = arith.constant 0 : i32
      %dma_wait3A_787 = tpu.memref_slice %arg11[%dma_wait3A_781, %dma_wait3A_786] : memref<16x128xi32, #tpu.memory_space<vmem>> -> memref<1x128xi32, #tpu.memory_space<vmem>>
      %dma_wait3A_788 = tpu.memref_squeeze %dma_wait3A_787 : memref<1x128xi32, #tpu.memory_space<vmem>> -> memref<128xi32, #tpu.memory_space<vmem>>
      %dma_wait3A_789 = arith.constant 0 : i32
      %dma_wait3A_790 = arith.constant 0 : i32
      %dma_wait3A_791 = tpu.memref_slice %arg14[%dma_wait3A_789, %dma_wait3A_790] : memref<100096x16xf32, #tpu.memory_space<vmem_shared>> -> memref<100096x16xf32, #tpu.memory_space<vmem_shared>>
      tpu.wait_indirect_dma semaphore(%arg16 : memref<!tpu.dma_semaphore, #tpu.memory_space<semaphore_mem>>) src(%dma_wait3A_785 : memref<128x16xf32, #tpu.memory_space<vmem>>) dst(%dma_wait3A_791 : memref<100096x16xf32, #tpu.memory_space<vmem_shared>>)
      %dma_wait3A_792 = arith.constant 4 : i32
      %dma_wait3A_793 = arith.constant 12 : i32
      %dma_wait3A_794 = arith.constant 0 : i32
      %dma_wait3A_795 = arith.constant 0 : i32
      %dma_wait3A_796 = tpu.memref_slice %arg13[%dma_wait3A_792, %dma_wait3A_794, %dma_wait3A_795] : memref<8x128x16xf32, #tpu.memory_space<vmem>> -> memref<1x128x16xf32, #tpu.memory_space<vmem>>
      %dma_wait3A_797 = tpu.memref_squeeze %dma_wait3A_796 : memref<1x128x16xf32, #tpu.memory_space<vmem>> -> memref<128x16xf32, #tpu.memory_space<vmem>>
      %dma_wait3A_798 = arith.constant 0 : i32
      %dma_wait3A_799 = tpu.memref_slice %arg11[%dma_wait3A_793, %dma_wait3A_798] : memref<16x128xi32, #tpu.memory_space<vmem>> -> memref<1x128xi32, #tpu.memory_space<vmem>>
      %dma_wait3A_800 = tpu.memref_squeeze %dma_wait3A_799 : memref<1x128xi32, #tpu.memory_space<vmem>> -> memref<128xi32, #tpu.memory_space<vmem>>
      %dma_wait3A_801 = arith.constant 0 : i32
      %dma_wait3A_802 = arith.constant 0 : i32
      %dma_wait3A_803 = tpu.memref_slice %arg14[%dma_wait3A_801, %dma_wait3A_802] : memref<100096x16xf32, #tpu.memory_space<vmem_shared>> -> memref<100096x16xf32, #tpu.memory_space<vmem_shared>>
      tpu.wait_indirect_dma semaphore(%arg16 : memref<!tpu.dma_semaphore, #tpu.memory_space<semaphore_mem>>) src(%dma_wait3A_797 : memref<128x16xf32, #tpu.memory_space<vmem>>) dst(%dma_wait3A_803 : memref<100096x16xf32, #tpu.memory_space<vmem_shared>>)
      %dma_wait3A_804 = arith.constant 5 : i32
      %dma_wait3A_805 = arith.constant 13 : i32
      %dma_wait3A_806 = arith.constant 0 : i32
      %dma_wait3A_807 = arith.constant 0 : i32
      %dma_wait3A_808 = tpu.memref_slice %arg13[%dma_wait3A_804, %dma_wait3A_806, %dma_wait3A_807] : memref<8x128x16xf32, #tpu.memory_space<vmem>> -> memref<1x128x16xf32, #tpu.memory_space<vmem>>
      %dma_wait3A_809 = tpu.memref_squeeze %dma_wait3A_808 : memref<1x128x16xf32, #tpu.memory_space<vmem>> -> memref<128x16xf32, #tpu.memory_space<vmem>>
      %dma_wait3A_810 = arith.constant 0 : i32
      %dma_wait3A_811 = tpu.memref_slice %arg11[%dma_wait3A_805, %dma_wait3A_810] : memref<16x128xi32, #tpu.memory_space<vmem>> -> memref<1x128xi32, #tpu.memory_space<vmem>>
      %dma_wait3A_812 = tpu.memref_squeeze %dma_wait3A_811 : memref<1x128xi32, #tpu.memory_space<vmem>> -> memref<128xi32, #tpu.memory_space<vmem>>
      %dma_wait3A_813 = arith.constant 0 : i32
      %dma_wait3A_814 = arith.constant 0 : i32
      %dma_wait3A_815 = tpu.memref_slice %arg14[%dma_wait3A_813, %dma_wait3A_814] : memref<100096x16xf32, #tpu.memory_space<vmem_shared>> -> memref<100096x16xf32, #tpu.memory_space<vmem_shared>>
      tpu.wait_indirect_dma semaphore(%arg16 : memref<!tpu.dma_semaphore, #tpu.memory_space<semaphore_mem>>) src(%dma_wait3A_809 : memref<128x16xf32, #tpu.memory_space<vmem>>) dst(%dma_wait3A_815 : memref<100096x16xf32, #tpu.memory_space<vmem_shared>>)
      %dma_wait3A_816 = arith.constant 6 : i32
      %dma_wait3A_817 = arith.constant 14 : i32
      %dma_wait3A_818 = arith.constant 0 : i32
      %dma_wait3A_819 = arith.constant 0 : i32
      %dma_wait3A_820 = tpu.memref_slice %arg13[%dma_wait3A_816, %dma_wait3A_818, %dma_wait3A_819] : memref<8x128x16xf32, #tpu.memory_space<vmem>> -> memref<1x128x16xf32, #tpu.memory_space<vmem>>
      %dma_wait3A_821 = tpu.memref_squeeze %dma_wait3A_820 : memref<1x128x16xf32, #tpu.memory_space<vmem>> -> memref<128x16xf32, #tpu.memory_space<vmem>>
      %dma_wait3A_822 = arith.constant 0 : i32
      %dma_wait3A_823 = tpu.memref_slice %arg11[%dma_wait3A_817, %dma_wait3A_822] : memref<16x128xi32, #tpu.memory_space<vmem>> -> memref<1x128xi32, #tpu.memory_space<vmem>>
      %dma_wait3A_824 = tpu.memref_squeeze %dma_wait3A_823 : memref<1x128xi32, #tpu.memory_space<vmem>> -> memref<128xi32, #tpu.memory_space<vmem>>
      %dma_wait3A_825 = arith.constant 0 : i32
      %dma_wait3A_826 = arith.constant 0 : i32
      %dma_wait3A_827 = tpu.memref_slice %arg14[%dma_wait3A_825, %dma_wait3A_826] : memref<100096x16xf32, #tpu.memory_space<vmem_shared>> -> memref<100096x16xf32, #tpu.memory_space<vmem_shared>>
      tpu.wait_indirect_dma semaphore(%arg16 : memref<!tpu.dma_semaphore, #tpu.memory_space<semaphore_mem>>) src(%dma_wait3A_821 : memref<128x16xf32, #tpu.memory_space<vmem>>) dst(%dma_wait3A_827 : memref<100096x16xf32, #tpu.memory_space<vmem_shared>>)
      %dma_wait3A_828 = arith.constant 7 : i32
      %dma_wait3A_829 = arith.constant 15 : i32
      %dma_wait3A_830 = arith.constant 0 : i32
      %dma_wait3A_831 = arith.constant 0 : i32
      %dma_wait3A_832 = tpu.memref_slice %arg13[%dma_wait3A_828, %dma_wait3A_830, %dma_wait3A_831] : memref<8x128x16xf32, #tpu.memory_space<vmem>> -> memref<1x128x16xf32, #tpu.memory_space<vmem>>
      %dma_wait3A_833 = tpu.memref_squeeze %dma_wait3A_832 : memref<1x128x16xf32, #tpu.memory_space<vmem>> -> memref<128x16xf32, #tpu.memory_space<vmem>>
      %dma_wait3A_834 = arith.constant 0 : i32
      %dma_wait3A_835 = tpu.memref_slice %arg11[%dma_wait3A_829, %dma_wait3A_834] : memref<16x128xi32, #tpu.memory_space<vmem>> -> memref<1x128xi32, #tpu.memory_space<vmem>>
      %dma_wait3A_836 = tpu.memref_squeeze %dma_wait3A_835 : memref<1x128xi32, #tpu.memory_space<vmem>> -> memref<128xi32, #tpu.memory_space<vmem>>
      %dma_wait3A_837 = arith.constant 0 : i32
      %dma_wait3A_838 = arith.constant 0 : i32
      %dma_wait3A_839 = tpu.memref_slice %arg14[%dma_wait3A_837, %dma_wait3A_838] : memref<100096x16xf32, #tpu.memory_space<vmem_shared>> -> memref<100096x16xf32, #tpu.memory_space<vmem_shared>>
      tpu.wait_indirect_dma semaphore(%arg16 : memref<!tpu.dma_semaphore, #tpu.memory_space<semaphore_mem>>) src(%dma_wait3A_833 : memref<128x16xf32, #tpu.memory_space<vmem>>) dst(%dma_wait3A_839 : memref<100096x16xf32, #tpu.memory_space<vmem_shared>>)
      %mul3A_840 = arith.constant 2 : i32
      %mul3A_841 = arith.muli %mul3A_840, %scan3A_441 : i32
      %add3A_842 = arith.constant 1 : i32
      %add3A_843 = arith.addi %mul3A_841, %add3A_842 : i32
      %dma_wait3A_844 = arith.constant 0 : i32
      %dma_wait3A_845 = arith.constant 0 : i32
      %dma_wait3A_846 = tpu.memref_slice %arg5[%dma_wait3A_844, %dma_wait3A_845] : memref<25088x128xi32, #tpu.memory_space<hbm>> -> memref<16x128xi32, #tpu.memory_space<hbm>>
      %dma_wait3A_847 = arith.constant 0 : i32
      %dma_wait3A_848 = arith.constant 0 : i32
      %dma_wait3A_849 = tpu.memref_slice %arg5[%dma_wait3A_847, %dma_wait3A_848] : memref<25088x128xi32, #tpu.memory_space<hbm>> -> memref<16x128xi32, #tpu.memory_space<hbm>>
      tpu.wait_dma2 semaphore(%arg17 : memref<!tpu.dma_semaphore, #tpu.memory_space<semaphore_mem>>) src(%dma_wait3A_849 : memref<16x128xi32, #tpu.memory_space<hbm>>) dst(%arg12 : memref<16x128xi32, #tpu.memory_space<vmem>>)
      %add3A_850 = arith.constant 1 : i32
      %add3A_851 = arith.addi %add3A_843, %add3A_850 : i32
      %lt3A_852 = arith.constant 49 : i32
      %lt3A_853 = arith.cmpi slt, %add3A_851, %lt3A_852 : i32
      %convert_element_type3A_854 = arith.extui %lt3A_853 : i1 to i32
      %cond3A_855 = arith.constant 0 : i32
      %cond3A_856 = arith.cmpi ne, %convert_element_type3A_854, %cond3A_855 : i32
      scf.if %cond3A_856 {
        %add3A_1241 = arith.addi %add3A, %add3A_843 : i32
        %add3A_1242 = arith.constant 1 : i32
        %add3A_1243 = arith.addi %add3A_1241, %add3A_1242 : i32
        %mul3A_1244 = arith.constant 16 : i32
        %mul3A_1245 = arith.muli %add3A_1243, %mul3A_1244 : i32
        %dma_start3A_1246 = arith.constant 0 : i32
        %dma_start3A_1247 = tpu.memref_slice %arg5[%mul3A_1245, %dma_start3A_1246] : memref<25088x128xi32, #tpu.memory_space<hbm>> -> memref<16x128xi32, #tpu.memory_space<hbm>>
        %dma_start3A_1248 = arith.constant 0 : i32
        %dma_start3A_1249 = tpu.memref_slice %arg5[%mul3A_1245, %dma_start3A_1248] : memref<25088x128xi32, #tpu.memory_space<hbm>> -> memref<16x128xi32, #tpu.memory_space<hbm>>
        tpu.enqueue_dma source(%dma_start3A_1249 : memref<16x128xi32, #tpu.memory_space<hbm>>) target(%arg11 : memref<16x128xi32, #tpu.memory_space<vmem>>) target_semaphore(%arg17 : memref<!tpu.dma_semaphore, #tpu.memory_space<semaphore_mem>>)
      } else {
      }
      %dma_start3A_857 = arith.constant 0 : i32
      %dma_start3A_858 = arith.constant 0 : i32
      %dma_start3A_859 = arith.constant 0 : i32
      %dma_start3A_860 = arith.constant 0 : i32
      %dma_start3A_861 = tpu.memref_slice %arg13[%dma_start3A_858, %dma_start3A_859, %dma_start3A_860] : memref<8x128x16xf32, #tpu.memory_space<vmem>> -> memref<1x128x16xf32, #tpu.memory_space<vmem>>
      %dma_start3A_862 = tpu.memref_squeeze %dma_start3A_861 : memref<1x128x16xf32, #tpu.memory_space<vmem>> -> memref<128x16xf32, #tpu.memory_space<vmem>>
      %dma_start3A_863 = arith.constant 0 : i32
      %dma_start3A_864 = tpu.memref_slice %arg12[%dma_start3A_857, %dma_start3A_863] : memref<16x128xi32, #tpu.memory_space<vmem>> -> memref<1x128xi32, #tpu.memory_space<vmem>>
      %dma_start3A_865 = tpu.memref_squeeze %dma_start3A_864 : memref<1x128xi32, #tpu.memory_space<vmem>> -> memref<128xi32, #tpu.memory_space<vmem>>
      %dma_start3A_866 = arith.constant 0 : i32
      %dma_start3A_867 = arith.constant 0 : i32
      %dma_start3A_868 = tpu.memref_slice %arg4[%dma_start3A_866, %dma_start3A_867] : memref<100000x16xf32, #tpu.memory_space<hbm>> -> memref<100000x16xf32, #tpu.memory_space<hbm>>
      tpu.enqueue_indirect_dma source(%dma_start3A_868 : memref<100000x16xf32, #tpu.memory_space<hbm>>) target(%dma_start3A_862 : memref<128x16xf32, #tpu.memory_space<vmem>>) offsets(%dma_start3A_865 : memref<128xi32, #tpu.memory_space<vmem>>) semaphore(%arg15 : memref<!tpu.dma_semaphore, #tpu.memory_space<semaphore_mem>>)
      %dma_start3A_869 = arith.constant 1 : i32
      %dma_start3A_870 = arith.constant 1 : i32
      %dma_start3A_871 = arith.constant 0 : i32
      %dma_start3A_872 = arith.constant 0 : i32
      %dma_start3A_873 = tpu.memref_slice %arg13[%dma_start3A_870, %dma_start3A_871, %dma_start3A_872] : memref<8x128x16xf32, #tpu.memory_space<vmem>> -> memref<1x128x16xf32, #tpu.memory_space<vmem>>
      %dma_start3A_874 = tpu.memref_squeeze %dma_start3A_873 : memref<1x128x16xf32, #tpu.memory_space<vmem>> -> memref<128x16xf32, #tpu.memory_space<vmem>>
      %dma_start3A_875 = arith.constant 0 : i32
      %dma_start3A_876 = tpu.memref_slice %arg12[%dma_start3A_869, %dma_start3A_875] : memref<16x128xi32, #tpu.memory_space<vmem>> -> memref<1x128xi32, #tpu.memory_space<vmem>>
      %dma_start3A_877 = tpu.memref_squeeze %dma_start3A_876 : memref<1x128xi32, #tpu.memory_space<vmem>> -> memref<128xi32, #tpu.memory_space<vmem>>
      %dma_start3A_878 = arith.constant 0 : i32
      %dma_start3A_879 = arith.constant 0 : i32
      %dma_start3A_880 = tpu.memref_slice %arg4[%dma_start3A_878, %dma_start3A_879] : memref<100000x16xf32, #tpu.memory_space<hbm>> -> memref<100000x16xf32, #tpu.memory_space<hbm>>
      tpu.enqueue_indirect_dma source(%dma_start3A_880 : memref<100000x16xf32, #tpu.memory_space<hbm>>) target(%dma_start3A_874 : memref<128x16xf32, #tpu.memory_space<vmem>>) offsets(%dma_start3A_877 : memref<128xi32, #tpu.memory_space<vmem>>) semaphore(%arg15 : memref<!tpu.dma_semaphore, #tpu.memory_space<semaphore_mem>>)
      %dma_start3A_881 = arith.constant 2 : i32
      %dma_start3A_882 = arith.constant 2 : i32
      %dma_start3A_883 = arith.constant 0 : i32
      %dma_start3A_884 = arith.constant 0 : i32
      %dma_start3A_885 = tpu.memref_slice %arg13[%dma_start3A_882, %dma_start3A_883, %dma_start3A_884] : memref<8x128x16xf32, #tpu.memory_space<vmem>> -> memref<1x128x16xf32, #tpu.memory_space<vmem>>
      %dma_start3A_886 = tpu.memref_squeeze %dma_start3A_885 : memref<1x128x16xf32, #tpu.memory_space<vmem>> -> memref<128x16xf32, #tpu.memory_space<vmem>>
      %dma_start3A_887 = arith.constant 0 : i32
      %dma_start3A_888 = tpu.memref_slice %arg12[%dma_start3A_881, %dma_start3A_887] : memref<16x128xi32, #tpu.memory_space<vmem>> -> memref<1x128xi32, #tpu.memory_space<vmem>>
      %dma_start3A_889 = tpu.memref_squeeze %dma_start3A_888 : memref<1x128xi32, #tpu.memory_space<vmem>> -> memref<128xi32, #tpu.memory_space<vmem>>
      %dma_start3A_890 = arith.constant 0 : i32
      %dma_start3A_891 = arith.constant 0 : i32
      %dma_start3A_892 = tpu.memref_slice %arg4[%dma_start3A_890, %dma_start3A_891] : memref<100000x16xf32, #tpu.memory_space<hbm>> -> memref<100000x16xf32, #tpu.memory_space<hbm>>
      tpu.enqueue_indirect_dma source(%dma_start3A_892 : memref<100000x16xf32, #tpu.memory_space<hbm>>) target(%dma_start3A_886 : memref<128x16xf32, #tpu.memory_space<vmem>>) offsets(%dma_start3A_889 : memref<128xi32, #tpu.memory_space<vmem>>) semaphore(%arg15 : memref<!tpu.dma_semaphore, #tpu.memory_space<semaphore_mem>>)
      %dma_start3A_893 = arith.constant 3 : i32
      %dma_start3A_894 = arith.constant 3 : i32
      %dma_start3A_895 = arith.constant 0 : i32
      %dma_start3A_896 = arith.constant 0 : i32
      %dma_start3A_897 = tpu.memref_slice %arg13[%dma_start3A_894, %dma_start3A_895, %dma_start3A_896] : memref<8x128x16xf32, #tpu.memory_space<vmem>> -> memref<1x128x16xf32, #tpu.memory_space<vmem>>
      %dma_start3A_898 = tpu.memref_squeeze %dma_start3A_897 : memref<1x128x16xf32, #tpu.memory_space<vmem>> -> memref<128x16xf32, #tpu.memory_space<vmem>>
      %dma_start3A_899 = arith.constant 0 : i32
      %dma_start3A_900 = tpu.memref_slice %arg12[%dma_start3A_893, %dma_start3A_899] : memref<16x128xi32, #tpu.memory_space<vmem>> -> memref<1x128xi32, #tpu.memory_space<vmem>>
      %dma_start3A_901 = tpu.memref_squeeze %dma_start3A_900 : memref<1x128xi32, #tpu.memory_space<vmem>> -> memref<128xi32, #tpu.memory_space<vmem>>
      %dma_start3A_902 = arith.constant 0 : i32
      %dma_start3A_903 = arith.constant 0 : i32
      %dma_start3A_904 = tpu.memref_slice %arg4[%dma_start3A_902, %dma_start3A_903] : memref<100000x16xf32, #tpu.memory_space<hbm>> -> memref<100000x16xf32, #tpu.memory_space<hbm>>
      tpu.enqueue_indirect_dma source(%dma_start3A_904 : memref<100000x16xf32, #tpu.memory_space<hbm>>) target(%dma_start3A_898 : memref<128x16xf32, #tpu.memory_space<vmem>>) offsets(%dma_start3A_901 : memref<128xi32, #tpu.memory_space<vmem>>) semaphore(%arg15 : memref<!tpu.dma_semaphore, #tpu.memory_space<semaphore_mem>>)
      %dma_start3A_905 = arith.constant 4 : i32
      %dma_start3A_906 = arith.constant 4 : i32
      %dma_start3A_907 = arith.constant 0 : i32
      %dma_start3A_908 = arith.constant 0 : i32
      %dma_start3A_909 = tpu.memref_slice %arg13[%dma_start3A_906, %dma_start3A_907, %dma_start3A_908] : memref<8x128x16xf32, #tpu.memory_space<vmem>> -> memref<1x128x16xf32, #tpu.memory_space<vmem>>
      %dma_start3A_910 = tpu.memref_squeeze %dma_start3A_909 : memref<1x128x16xf32, #tpu.memory_space<vmem>> -> memref<128x16xf32, #tpu.memory_space<vmem>>
      %dma_start3A_911 = arith.constant 0 : i32
      %dma_start3A_912 = tpu.memref_slice %arg12[%dma_start3A_905, %dma_start3A_911] : memref<16x128xi32, #tpu.memory_space<vmem>> -> memref<1x128xi32, #tpu.memory_space<vmem>>
      %dma_start3A_913 = tpu.memref_squeeze %dma_start3A_912 : memref<1x128xi32, #tpu.memory_space<vmem>> -> memref<128xi32, #tpu.memory_space<vmem>>
      %dma_start3A_914 = arith.constant 0 : i32
      %dma_start3A_915 = arith.constant 0 : i32
      %dma_start3A_916 = tpu.memref_slice %arg4[%dma_start3A_914, %dma_start3A_915] : memref<100000x16xf32, #tpu.memory_space<hbm>> -> memref<100000x16xf32, #tpu.memory_space<hbm>>
      tpu.enqueue_indirect_dma source(%dma_start3A_916 : memref<100000x16xf32, #tpu.memory_space<hbm>>) target(%dma_start3A_910 : memref<128x16xf32, #tpu.memory_space<vmem>>) offsets(%dma_start3A_913 : memref<128xi32, #tpu.memory_space<vmem>>) semaphore(%arg15 : memref<!tpu.dma_semaphore, #tpu.memory_space<semaphore_mem>>)
      %dma_start3A_917 = arith.constant 5 : i32
      %dma_start3A_918 = arith.constant 5 : i32
      %dma_start3A_919 = arith.constant 0 : i32
      %dma_start3A_920 = arith.constant 0 : i32
      %dma_start3A_921 = tpu.memref_slice %arg13[%dma_start3A_918, %dma_start3A_919, %dma_start3A_920] : memref<8x128x16xf32, #tpu.memory_space<vmem>> -> memref<1x128x16xf32, #tpu.memory_space<vmem>>
      %dma_start3A_922 = tpu.memref_squeeze %dma_start3A_921 : memref<1x128x16xf32, #tpu.memory_space<vmem>> -> memref<128x16xf32, #tpu.memory_space<vmem>>
      %dma_start3A_923 = arith.constant 0 : i32
      %dma_start3A_924 = tpu.memref_slice %arg12[%dma_start3A_917, %dma_start3A_923] : memref<16x128xi32, #tpu.memory_space<vmem>> -> memref<1x128xi32, #tpu.memory_space<vmem>>
      %dma_start3A_925 = tpu.memref_squeeze %dma_start3A_924 : memref<1x128xi32, #tpu.memory_space<vmem>> -> memref<128xi32, #tpu.memory_space<vmem>>
      %dma_start3A_926 = arith.constant 0 : i32
      %dma_start3A_927 = arith.constant 0 : i32
      %dma_start3A_928 = tpu.memref_slice %arg4[%dma_start3A_926, %dma_start3A_927] : memref<100000x16xf32, #tpu.memory_space<hbm>> -> memref<100000x16xf32, #tpu.memory_space<hbm>>
      tpu.enqueue_indirect_dma source(%dma_start3A_928 : memref<100000x16xf32, #tpu.memory_space<hbm>>) target(%dma_start3A_922 : memref<128x16xf32, #tpu.memory_space<vmem>>) offsets(%dma_start3A_925 : memref<128xi32, #tpu.memory_space<vmem>>) semaphore(%arg15 : memref<!tpu.dma_semaphore, #tpu.memory_space<semaphore_mem>>)
      %dma_wait3A_929 = arith.constant 0 : i32
      %dma_wait3A_930 = arith.constant 0 : i32
      %dma_wait3A_931 = arith.constant 0 : i32
      %dma_wait3A_932 = arith.constant 0 : i32
      %dma_wait3A_933 = tpu.memref_slice %arg13[%dma_wait3A_930, %dma_wait3A_931, %dma_wait3A_932] : memref<8x128x16xf32, #tpu.memory_space<vmem>> -> memref<1x128x16xf32, #tpu.memory_space<vmem>>
      %dma_wait3A_934 = tpu.memref_squeeze %dma_wait3A_933 : memref<1x128x16xf32, #tpu.memory_space<vmem>> -> memref<128x16xf32, #tpu.memory_space<vmem>>
      %dma_wait3A_935 = arith.constant 0 : i32
      %dma_wait3A_936 = tpu.memref_slice %arg12[%dma_wait3A_929, %dma_wait3A_935] : memref<16x128xi32, #tpu.memory_space<vmem>> -> memref<1x128xi32, #tpu.memory_space<vmem>>
      %dma_wait3A_937 = tpu.memref_squeeze %dma_wait3A_936 : memref<1x128xi32, #tpu.memory_space<vmem>> -> memref<128xi32, #tpu.memory_space<vmem>>
      %dma_wait3A_938 = arith.constant 0 : i32
      %dma_wait3A_939 = arith.constant 0 : i32
      %dma_wait3A_940 = tpu.memref_slice %arg4[%dma_wait3A_938, %dma_wait3A_939] : memref<100000x16xf32, #tpu.memory_space<hbm>> -> memref<100000x16xf32, #tpu.memory_space<hbm>>
      tpu.wait_indirect_dma semaphore(%arg15 : memref<!tpu.dma_semaphore, #tpu.memory_space<semaphore_mem>>) src(%dma_wait3A_940 : memref<100000x16xf32, #tpu.memory_space<hbm>>) dst(%dma_wait3A_934 : memref<128x16xf32, #tpu.memory_space<vmem>>)
      %dma_start3A_941 = arith.constant 6 : i32
      %dma_start3A_942 = arith.constant 6 : i32
      %dma_start3A_943 = arith.constant 0 : i32
      %dma_start3A_944 = arith.constant 0 : i32
      %dma_start3A_945 = tpu.memref_slice %arg13[%dma_start3A_942, %dma_start3A_943, %dma_start3A_944] : memref<8x128x16xf32, #tpu.memory_space<vmem>> -> memref<1x128x16xf32, #tpu.memory_space<vmem>>
      %dma_start3A_946 = tpu.memref_squeeze %dma_start3A_945 : memref<1x128x16xf32, #tpu.memory_space<vmem>> -> memref<128x16xf32, #tpu.memory_space<vmem>>
      %dma_start3A_947 = arith.constant 0 : i32
      %dma_start3A_948 = tpu.memref_slice %arg12[%dma_start3A_941, %dma_start3A_947] : memref<16x128xi32, #tpu.memory_space<vmem>> -> memref<1x128xi32, #tpu.memory_space<vmem>>
      %dma_start3A_949 = tpu.memref_squeeze %dma_start3A_948 : memref<1x128xi32, #tpu.memory_space<vmem>> -> memref<128xi32, #tpu.memory_space<vmem>>
      %dma_start3A_950 = arith.constant 0 : i32
      %dma_start3A_951 = arith.constant 0 : i32
      %dma_start3A_952 = tpu.memref_slice %arg4[%dma_start3A_950, %dma_start3A_951] : memref<100000x16xf32, #tpu.memory_space<hbm>> -> memref<100000x16xf32, #tpu.memory_space<hbm>>
      tpu.enqueue_indirect_dma source(%dma_start3A_952 : memref<100000x16xf32, #tpu.memory_space<hbm>>) target(%dma_start3A_946 : memref<128x16xf32, #tpu.memory_space<vmem>>) offsets(%dma_start3A_949 : memref<128xi32, #tpu.memory_space<vmem>>) semaphore(%arg15 : memref<!tpu.dma_semaphore, #tpu.memory_space<semaphore_mem>>)
      %dma_start3A_953 = arith.constant 0 : i32
      %dma_start3A_954 = arith.constant 8 : i32
      %dma_start3A_955 = arith.constant 0 : i32
      %dma_start3A_956 = arith.constant 0 : i32
      %dma_start3A_957 = tpu.memref_slice %arg13[%dma_start3A_953, %dma_start3A_955, %dma_start3A_956] : memref<8x128x16xf32, #tpu.memory_space<vmem>> -> memref<1x128x16xf32, #tpu.memory_space<vmem>>
      %dma_start3A_958 = tpu.memref_squeeze %dma_start3A_957 : memref<1x128x16xf32, #tpu.memory_space<vmem>> -> memref<128x16xf32, #tpu.memory_space<vmem>>
      %dma_start3A_959 = arith.constant 0 : i32
      %dma_start3A_960 = tpu.memref_slice %arg12[%dma_start3A_954, %dma_start3A_959] : memref<16x128xi32, #tpu.memory_space<vmem>> -> memref<1x128xi32, #tpu.memory_space<vmem>>
      %dma_start3A_961 = tpu.memref_squeeze %dma_start3A_960 : memref<1x128xi32, #tpu.memory_space<vmem>> -> memref<128xi32, #tpu.memory_space<vmem>>
      %dma_start3A_962 = arith.constant 0 : i32
      %dma_start3A_963 = arith.constant 0 : i32
      %dma_start3A_964 = tpu.memref_slice %arg14[%dma_start3A_962, %dma_start3A_963] : memref<100096x16xf32, #tpu.memory_space<vmem_shared>> -> memref<100096x16xf32, #tpu.memory_space<vmem_shared>>
      tpu.enqueue_indirect_dma source(%dma_start3A_958 : memref<128x16xf32, #tpu.memory_space<vmem>>) target(%dma_start3A_964 : memref<100096x16xf32, #tpu.memory_space<vmem_shared>>) offsets(%dma_start3A_961 : memref<128xi32, #tpu.memory_space<vmem>>) semaphore(%arg16 : memref<!tpu.dma_semaphore, #tpu.memory_space<semaphore_mem>>) {add = true}
      %dma_wait3A_965 = arith.constant 1 : i32
      %dma_wait3A_966 = arith.constant 1 : i32
      %dma_wait3A_967 = arith.constant 0 : i32
      %dma_wait3A_968 = arith.constant 0 : i32
      %dma_wait3A_969 = tpu.memref_slice %arg13[%dma_wait3A_966, %dma_wait3A_967, %dma_wait3A_968] : memref<8x128x16xf32, #tpu.memory_space<vmem>> -> memref<1x128x16xf32, #tpu.memory_space<vmem>>
      %dma_wait3A_970 = tpu.memref_squeeze %dma_wait3A_969 : memref<1x128x16xf32, #tpu.memory_space<vmem>> -> memref<128x16xf32, #tpu.memory_space<vmem>>
      %dma_wait3A_971 = arith.constant 0 : i32
      %dma_wait3A_972 = tpu.memref_slice %arg12[%dma_wait3A_965, %dma_wait3A_971] : memref<16x128xi32, #tpu.memory_space<vmem>> -> memref<1x128xi32, #tpu.memory_space<vmem>>
      %dma_wait3A_973 = tpu.memref_squeeze %dma_wait3A_972 : memref<1x128xi32, #tpu.memory_space<vmem>> -> memref<128xi32, #tpu.memory_space<vmem>>
      %dma_wait3A_974 = arith.constant 0 : i32
      %dma_wait3A_975 = arith.constant 0 : i32
      %dma_wait3A_976 = tpu.memref_slice %arg4[%dma_wait3A_974, %dma_wait3A_975] : memref<100000x16xf32, #tpu.memory_space<hbm>> -> memref<100000x16xf32, #tpu.memory_space<hbm>>
      tpu.wait_indirect_dma semaphore(%arg15 : memref<!tpu.dma_semaphore, #tpu.memory_space<semaphore_mem>>) src(%dma_wait3A_976 : memref<100000x16xf32, #tpu.memory_space<hbm>>) dst(%dma_wait3A_970 : memref<128x16xf32, #tpu.memory_space<vmem>>)
      %dma_start3A_977 = arith.constant 7 : i32
      %dma_start3A_978 = arith.constant 7 : i32
      %dma_start3A_979 = arith.constant 0 : i32
      %dma_start3A_980 = arith.constant 0 : i32
      %dma_start3A_981 = tpu.memref_slice %arg13[%dma_start3A_978, %dma_start3A_979, %dma_start3A_980] : memref<8x128x16xf32, #tpu.memory_space<vmem>> -> memref<1x128x16xf32, #tpu.memory_space<vmem>>
      %dma_start3A_982 = tpu.memref_squeeze %dma_start3A_981 : memref<1x128x16xf32, #tpu.memory_space<vmem>> -> memref<128x16xf32, #tpu.memory_space<vmem>>
      %dma_start3A_983 = arith.constant 0 : i32
      %dma_start3A_984 = tpu.memref_slice %arg12[%dma_start3A_977, %dma_start3A_983] : memref<16x128xi32, #tpu.memory_space<vmem>> -> memref<1x128xi32, #tpu.memory_space<vmem>>
      %dma_start3A_985 = tpu.memref_squeeze %dma_start3A_984 : memref<1x128xi32, #tpu.memory_space<vmem>> -> memref<128xi32, #tpu.memory_space<vmem>>
      %dma_start3A_986 = arith.constant 0 : i32
      %dma_start3A_987 = arith.constant 0 : i32
      %dma_start3A_988 = tpu.memref_slice %arg4[%dma_start3A_986, %dma_start3A_987] : memref<100000x16xf32, #tpu.memory_space<hbm>> -> memref<100000x16xf32, #tpu.memory_space<hbm>>
      tpu.enqueue_indirect_dma source(%dma_start3A_988 : memref<100000x16xf32, #tpu.memory_space<hbm>>) target(%dma_start3A_982 : memref<128x16xf32, #tpu.memory_space<vmem>>) offsets(%dma_start3A_985 : memref<128xi32, #tpu.memory_space<vmem>>) semaphore(%arg15 : memref<!tpu.dma_semaphore, #tpu.memory_space<semaphore_mem>>)
      %dma_start3A_989 = arith.constant 1 : i32
      %dma_start3A_990 = arith.constant 9 : i32
      %dma_start3A_991 = arith.constant 0 : i32
      %dma_start3A_992 = arith.constant 0 : i32
      %dma_start3A_993 = tpu.memref_slice %arg13[%dma_start3A_989, %dma_start3A_991, %dma_start3A_992] : memref<8x128x16xf32, #tpu.memory_space<vmem>> -> memref<1x128x16xf32, #tpu.memory_space<vmem>>
      %dma_start3A_994 = tpu.memref_squeeze %dma_start3A_993 : memref<1x128x16xf32, #tpu.memory_space<vmem>> -> memref<128x16xf32, #tpu.memory_space<vmem>>
      %dma_start3A_995 = arith.constant 0 : i32
      %dma_start3A_996 = tpu.memref_slice %arg12[%dma_start3A_990, %dma_start3A_995] : memref<16x128xi32, #tpu.memory_space<vmem>> -> memref<1x128xi32, #tpu.memory_space<vmem>>
      %dma_start3A_997 = tpu.memref_squeeze %dma_start3A_996 : memref<1x128xi32, #tpu.memory_space<vmem>> -> memref<128xi32, #tpu.memory_space<vmem>>
      %dma_start3A_998 = arith.constant 0 : i32
      %dma_start3A_999 = arith.constant 0 : i32
      %dma_start3A_1000 = tpu.memref_slice %arg14[%dma_start3A_998, %dma_start3A_999] : memref<100096x16xf32, #tpu.memory_space<vmem_shared>> -> memref<100096x16xf32, #tpu.memory_space<vmem_shared>>
      tpu.enqueue_indirect_dma source(%dma_start3A_994 : memref<128x16xf32, #tpu.memory_space<vmem>>) target(%dma_start3A_1000 : memref<100096x16xf32, #tpu.memory_space<vmem_shared>>) offsets(%dma_start3A_997 : memref<128xi32, #tpu.memory_space<vmem>>) semaphore(%arg16 : memref<!tpu.dma_semaphore, #tpu.memory_space<semaphore_mem>>) {add = true}
      %dma_wait3A_1001 = arith.constant 2 : i32
      %dma_wait3A_1002 = arith.constant 2 : i32
      %dma_wait3A_1003 = arith.constant 0 : i32
      %dma_wait3A_1004 = arith.constant 0 : i32
      %dma_wait3A_1005 = tpu.memref_slice %arg13[%dma_wait3A_1002, %dma_wait3A_1003, %dma_wait3A_1004] : memref<8x128x16xf32, #tpu.memory_space<vmem>> -> memref<1x128x16xf32, #tpu.memory_space<vmem>>
      %dma_wait3A_1006 = tpu.memref_squeeze %dma_wait3A_1005 : memref<1x128x16xf32, #tpu.memory_space<vmem>> -> memref<128x16xf32, #tpu.memory_space<vmem>>
      %dma_wait3A_1007 = arith.constant 0 : i32
      %dma_wait3A_1008 = tpu.memref_slice %arg12[%dma_wait3A_1001, %dma_wait3A_1007] : memref<16x128xi32, #tpu.memory_space<vmem>> -> memref<1x128xi32, #tpu.memory_space<vmem>>
      %dma_wait3A_1009 = tpu.memref_squeeze %dma_wait3A_1008 : memref<1x128xi32, #tpu.memory_space<vmem>> -> memref<128xi32, #tpu.memory_space<vmem>>
      %dma_wait3A_1010 = arith.constant 0 : i32
      %dma_wait3A_1011 = arith.constant 0 : i32
      %dma_wait3A_1012 = tpu.memref_slice %arg4[%dma_wait3A_1010, %dma_wait3A_1011] : memref<100000x16xf32, #tpu.memory_space<hbm>> -> memref<100000x16xf32, #tpu.memory_space<hbm>>
      tpu.wait_indirect_dma semaphore(%arg15 : memref<!tpu.dma_semaphore, #tpu.memory_space<semaphore_mem>>) src(%dma_wait3A_1012 : memref<100000x16xf32, #tpu.memory_space<hbm>>) dst(%dma_wait3A_1006 : memref<128x16xf32, #tpu.memory_space<vmem>>)
      %dma_start3A_1013 = arith.constant 2 : i32
      %dma_start3A_1014 = arith.constant 10 : i32
      %dma_start3A_1015 = arith.constant 0 : i32
      %dma_start3A_1016 = arith.constant 0 : i32
      %dma_start3A_1017 = tpu.memref_slice %arg13[%dma_start3A_1013, %dma_start3A_1015, %dma_start3A_1016] : memref<8x128x16xf32, #tpu.memory_space<vmem>> -> memref<1x128x16xf32, #tpu.memory_space<vmem>>
      %dma_start3A_1018 = tpu.memref_squeeze %dma_start3A_1017 : memref<1x128x16xf32, #tpu.memory_space<vmem>> -> memref<128x16xf32, #tpu.memory_space<vmem>>
      %dma_start3A_1019 = arith.constant 0 : i32
      %dma_start3A_1020 = tpu.memref_slice %arg12[%dma_start3A_1014, %dma_start3A_1019] : memref<16x128xi32, #tpu.memory_space<vmem>> -> memref<1x128xi32, #tpu.memory_space<vmem>>
      %dma_start3A_1021 = tpu.memref_squeeze %dma_start3A_1020 : memref<1x128xi32, #tpu.memory_space<vmem>> -> memref<128xi32, #tpu.memory_space<vmem>>
      %dma_start3A_1022 = arith.constant 0 : i32
      %dma_start3A_1023 = arith.constant 0 : i32
      %dma_start3A_1024 = tpu.memref_slice %arg14[%dma_start3A_1022, %dma_start3A_1023] : memref<100096x16xf32, #tpu.memory_space<vmem_shared>> -> memref<100096x16xf32, #tpu.memory_space<vmem_shared>>
      tpu.enqueue_indirect_dma source(%dma_start3A_1018 : memref<128x16xf32, #tpu.memory_space<vmem>>) target(%dma_start3A_1024 : memref<100096x16xf32, #tpu.memory_space<vmem_shared>>) offsets(%dma_start3A_1021 : memref<128xi32, #tpu.memory_space<vmem>>) semaphore(%arg16 : memref<!tpu.dma_semaphore, #tpu.memory_space<semaphore_mem>>) {add = true}
      %dma_wait3A_1025 = arith.constant 3 : i32
      %dma_wait3A_1026 = arith.constant 3 : i32
      %dma_wait3A_1027 = arith.constant 0 : i32
      %dma_wait3A_1028 = arith.constant 0 : i32
      %dma_wait3A_1029 = tpu.memref_slice %arg13[%dma_wait3A_1026, %dma_wait3A_1027, %dma_wait3A_1028] : memref<8x128x16xf32, #tpu.memory_space<vmem>> -> memref<1x128x16xf32, #tpu.memory_space<vmem>>
      %dma_wait3A_1030 = tpu.memref_squeeze %dma_wait3A_1029 : memref<1x128x16xf32, #tpu.memory_space<vmem>> -> memref<128x16xf32, #tpu.memory_space<vmem>>
      %dma_wait3A_1031 = arith.constant 0 : i32
      %dma_wait3A_1032 = tpu.memref_slice %arg12[%dma_wait3A_1025, %dma_wait3A_1031] : memref<16x128xi32, #tpu.memory_space<vmem>> -> memref<1x128xi32, #tpu.memory_space<vmem>>
      %dma_wait3A_1033 = tpu.memref_squeeze %dma_wait3A_1032 : memref<1x128xi32, #tpu.memory_space<vmem>> -> memref<128xi32, #tpu.memory_space<vmem>>
      %dma_wait3A_1034 = arith.constant 0 : i32
      %dma_wait3A_1035 = arith.constant 0 : i32
      %dma_wait3A_1036 = tpu.memref_slice %arg4[%dma_wait3A_1034, %dma_wait3A_1035] : memref<100000x16xf32, #tpu.memory_space<hbm>> -> memref<100000x16xf32, #tpu.memory_space<hbm>>
      tpu.wait_indirect_dma semaphore(%arg15 : memref<!tpu.dma_semaphore, #tpu.memory_space<semaphore_mem>>) src(%dma_wait3A_1036 : memref<100000x16xf32, #tpu.memory_space<hbm>>) dst(%dma_wait3A_1030 : memref<128x16xf32, #tpu.memory_space<vmem>>)
      %dma_start3A_1037 = arith.constant 3 : i32
      %dma_start3A_1038 = arith.constant 11 : i32
      %dma_start3A_1039 = arith.constant 0 : i32
      %dma_start3A_1040 = arith.constant 0 : i32
      %dma_start3A_1041 = tpu.memref_slice %arg13[%dma_start3A_1037, %dma_start3A_1039, %dma_start3A_1040] : memref<8x128x16xf32, #tpu.memory_space<vmem>> -> memref<1x128x16xf32, #tpu.memory_space<vmem>>
      %dma_start3A_1042 = tpu.memref_squeeze %dma_start3A_1041 : memref<1x128x16xf32, #tpu.memory_space<vmem>> -> memref<128x16xf32, #tpu.memory_space<vmem>>
      %dma_start3A_1043 = arith.constant 0 : i32
      %dma_start3A_1044 = tpu.memref_slice %arg12[%dma_start3A_1038, %dma_start3A_1043] : memref<16x128xi32, #tpu.memory_space<vmem>> -> memref<1x128xi32, #tpu.memory_space<vmem>>
      %dma_start3A_1045 = tpu.memref_squeeze %dma_start3A_1044 : memref<1x128xi32, #tpu.memory_space<vmem>> -> memref<128xi32, #tpu.memory_space<vmem>>
      %dma_start3A_1046 = arith.constant 0 : i32
      %dma_start3A_1047 = arith.constant 0 : i32
      %dma_start3A_1048 = tpu.memref_slice %arg14[%dma_start3A_1046, %dma_start3A_1047] : memref<100096x16xf32, #tpu.memory_space<vmem_shared>> -> memref<100096x16xf32, #tpu.memory_space<vmem_shared>>
      tpu.enqueue_indirect_dma source(%dma_start3A_1042 : memref<128x16xf32, #tpu.memory_space<vmem>>) target(%dma_start3A_1048 : memref<100096x16xf32, #tpu.memory_space<vmem_shared>>) offsets(%dma_start3A_1045 : memref<128xi32, #tpu.memory_space<vmem>>) semaphore(%arg16 : memref<!tpu.dma_semaphore, #tpu.memory_space<semaphore_mem>>) {add = true}
      %dma_wait3A_1049 = arith.constant 4 : i32
      %dma_wait3A_1050 = arith.constant 4 : i32
      %dma_wait3A_1051 = arith.constant 0 : i32
      %dma_wait3A_1052 = arith.constant 0 : i32
      %dma_wait3A_1053 = tpu.memref_slice %arg13[%dma_wait3A_1050, %dma_wait3A_1051, %dma_wait3A_1052] : memref<8x128x16xf32, #tpu.memory_space<vmem>> -> memref<1x128x16xf32, #tpu.memory_space<vmem>>
      %dma_wait3A_1054 = tpu.memref_squeeze %dma_wait3A_1053 : memref<1x128x16xf32, #tpu.memory_space<vmem>> -> memref<128x16xf32, #tpu.memory_space<vmem>>
      %dma_wait3A_1055 = arith.constant 0 : i32
      %dma_wait3A_1056 = tpu.memref_slice %arg12[%dma_wait3A_1049, %dma_wait3A_1055] : memref<16x128xi32, #tpu.memory_space<vmem>> -> memref<1x128xi32, #tpu.memory_space<vmem>>
      %dma_wait3A_1057 = tpu.memref_squeeze %dma_wait3A_1056 : memref<1x128xi32, #tpu.memory_space<vmem>> -> memref<128xi32, #tpu.memory_space<vmem>>
      %dma_wait3A_1058 = arith.constant 0 : i32
      %dma_wait3A_1059 = arith.constant 0 : i32
      %dma_wait3A_1060 = tpu.memref_slice %arg4[%dma_wait3A_1058, %dma_wait3A_1059] : memref<100000x16xf32, #tpu.memory_space<hbm>> -> memref<100000x16xf32, #tpu.memory_space<hbm>>
      tpu.wait_indirect_dma semaphore(%arg15 : memref<!tpu.dma_semaphore, #tpu.memory_space<semaphore_mem>>) src(%dma_wait3A_1060 : memref<100000x16xf32, #tpu.memory_space<hbm>>) dst(%dma_wait3A_1054 : memref<128x16xf32, #tpu.memory_space<vmem>>)
      %dma_start3A_1061 = arith.constant 4 : i32
      %dma_start3A_1062 = arith.constant 12 : i32
      %dma_start3A_1063 = arith.constant 0 : i32
      %dma_start3A_1064 = arith.constant 0 : i32
      %dma_start3A_1065 = tpu.memref_slice %arg13[%dma_start3A_1061, %dma_start3A_1063, %dma_start3A_1064] : memref<8x128x16xf32, #tpu.memory_space<vmem>> -> memref<1x128x16xf32, #tpu.memory_space<vmem>>
      %dma_start3A_1066 = tpu.memref_squeeze %dma_start3A_1065 : memref<1x128x16xf32, #tpu.memory_space<vmem>> -> memref<128x16xf32, #tpu.memory_space<vmem>>
      %dma_start3A_1067 = arith.constant 0 : i32
      %dma_start3A_1068 = tpu.memref_slice %arg12[%dma_start3A_1062, %dma_start3A_1067] : memref<16x128xi32, #tpu.memory_space<vmem>> -> memref<1x128xi32, #tpu.memory_space<vmem>>
      %dma_start3A_1069 = tpu.memref_squeeze %dma_start3A_1068 : memref<1x128xi32, #tpu.memory_space<vmem>> -> memref<128xi32, #tpu.memory_space<vmem>>
      %dma_start3A_1070 = arith.constant 0 : i32
      %dma_start3A_1071 = arith.constant 0 : i32
      %dma_start3A_1072 = tpu.memref_slice %arg14[%dma_start3A_1070, %dma_start3A_1071] : memref<100096x16xf32, #tpu.memory_space<vmem_shared>> -> memref<100096x16xf32, #tpu.memory_space<vmem_shared>>
      tpu.enqueue_indirect_dma source(%dma_start3A_1066 : memref<128x16xf32, #tpu.memory_space<vmem>>) target(%dma_start3A_1072 : memref<100096x16xf32, #tpu.memory_space<vmem_shared>>) offsets(%dma_start3A_1069 : memref<128xi32, #tpu.memory_space<vmem>>) semaphore(%arg16 : memref<!tpu.dma_semaphore, #tpu.memory_space<semaphore_mem>>) {add = true}
      %dma_wait3A_1073 = arith.constant 5 : i32
      %dma_wait3A_1074 = arith.constant 5 : i32
      %dma_wait3A_1075 = arith.constant 0 : i32
      %dma_wait3A_1076 = arith.constant 0 : i32
      %dma_wait3A_1077 = tpu.memref_slice %arg13[%dma_wait3A_1074, %dma_wait3A_1075, %dma_wait3A_1076] : memref<8x128x16xf32, #tpu.memory_space<vmem>> -> memref<1x128x16xf32, #tpu.memory_space<vmem>>
      %dma_wait3A_1078 = tpu.memref_squeeze %dma_wait3A_1077 : memref<1x128x16xf32, #tpu.memory_space<vmem>> -> memref<128x16xf32, #tpu.memory_space<vmem>>
      %dma_wait3A_1079 = arith.constant 0 : i32
      %dma_wait3A_1080 = tpu.memref_slice %arg12[%dma_wait3A_1073, %dma_wait3A_1079] : memref<16x128xi32, #tpu.memory_space<vmem>> -> memref<1x128xi32, #tpu.memory_space<vmem>>
      %dma_wait3A_1081 = tpu.memref_squeeze %dma_wait3A_1080 : memref<1x128xi32, #tpu.memory_space<vmem>> -> memref<128xi32, #tpu.memory_space<vmem>>
      %dma_wait3A_1082 = arith.constant 0 : i32
      %dma_wait3A_1083 = arith.constant 0 : i32
      %dma_wait3A_1084 = tpu.memref_slice %arg4[%dma_wait3A_1082, %dma_wait3A_1083] : memref<100000x16xf32, #tpu.memory_space<hbm>> -> memref<100000x16xf32, #tpu.memory_space<hbm>>
      tpu.wait_indirect_dma semaphore(%arg15 : memref<!tpu.dma_semaphore, #tpu.memory_space<semaphore_mem>>) src(%dma_wait3A_1084 : memref<100000x16xf32, #tpu.memory_space<hbm>>) dst(%dma_wait3A_1078 : memref<128x16xf32, #tpu.memory_space<vmem>>)
      %dma_start3A_1085 = arith.constant 5 : i32
      %dma_start3A_1086 = arith.constant 13 : i32
      %dma_start3A_1087 = arith.constant 0 : i32
      %dma_start3A_1088 = arith.constant 0 : i32
      %dma_start3A_1089 = tpu.memref_slice %arg13[%dma_start3A_1085, %dma_start3A_1087, %dma_start3A_1088] : memref<8x128x16xf32, #tpu.memory_space<vmem>> -> memref<1x128x16xf32, #tpu.memory_space<vmem>>
      %dma_start3A_1090 = tpu.memref_squeeze %dma_start3A_1089 : memref<1x128x16xf32, #tpu.memory_space<vmem>> -> memref<128x16xf32, #tpu.memory_space<vmem>>
      %dma_start3A_1091 = arith.constant 0 : i32
      %dma_start3A_1092 = tpu.memref_slice %arg12[%dma_start3A_1086, %dma_start3A_1091] : memref<16x128xi32, #tpu.memory_space<vmem>> -> memref<1x128xi32, #tpu.memory_space<vmem>>
      %dma_start3A_1093 = tpu.memref_squeeze %dma_start3A_1092 : memref<1x128xi32, #tpu.memory_space<vmem>> -> memref<128xi32, #tpu.memory_space<vmem>>
      %dma_start3A_1094 = arith.constant 0 : i32
      %dma_start3A_1095 = arith.constant 0 : i32
      %dma_start3A_1096 = tpu.memref_slice %arg14[%dma_start3A_1094, %dma_start3A_1095] : memref<100096x16xf32, #tpu.memory_space<vmem_shared>> -> memref<100096x16xf32, #tpu.memory_space<vmem_shared>>
      tpu.enqueue_indirect_dma source(%dma_start3A_1090 : memref<128x16xf32, #tpu.memory_space<vmem>>) target(%dma_start3A_1096 : memref<100096x16xf32, #tpu.memory_space<vmem_shared>>) offsets(%dma_start3A_1093 : memref<128xi32, #tpu.memory_space<vmem>>) semaphore(%arg16 : memref<!tpu.dma_semaphore, #tpu.memory_space<semaphore_mem>>) {add = true}
      %dma_wait3A_1097 = arith.constant 6 : i32
      %dma_wait3A_1098 = arith.constant 6 : i32
      %dma_wait3A_1099 = arith.constant 0 : i32
      %dma_wait3A_1100 = arith.constant 0 : i32
      %dma_wait3A_1101 = tpu.memref_slice %arg13[%dma_wait3A_1098, %dma_wait3A_1099, %dma_wait3A_1100] : memref<8x128x16xf32, #tpu.memory_space<vmem>> -> memref<1x128x16xf32, #tpu.memory_space<vmem>>
      %dma_wait3A_1102 = tpu.memref_squeeze %dma_wait3A_1101 : memref<1x128x16xf32, #tpu.memory_space<vmem>> -> memref<128x16xf32, #tpu.memory_space<vmem>>
      %dma_wait3A_1103 = arith.constant 0 : i32
      %dma_wait3A_1104 = tpu.memref_slice %arg12[%dma_wait3A_1097, %dma_wait3A_1103] : memref<16x128xi32, #tpu.memory_space<vmem>> -> memref<1x128xi32, #tpu.memory_space<vmem>>
      %dma_wait3A_1105 = tpu.memref_squeeze %dma_wait3A_1104 : memref<1x128xi32, #tpu.memory_space<vmem>> -> memref<128xi32, #tpu.memory_space<vmem>>
      %dma_wait3A_1106 = arith.constant 0 : i32
      %dma_wait3A_1107 = arith.constant 0 : i32
      %dma_wait3A_1108 = tpu.memref_slice %arg4[%dma_wait3A_1106, %dma_wait3A_1107] : memref<100000x16xf32, #tpu.memory_space<hbm>> -> memref<100000x16xf32, #tpu.memory_space<hbm>>
      tpu.wait_indirect_dma semaphore(%arg15 : memref<!tpu.dma_semaphore, #tpu.memory_space<semaphore_mem>>) src(%dma_wait3A_1108 : memref<100000x16xf32, #tpu.memory_space<hbm>>) dst(%dma_wait3A_1102 : memref<128x16xf32, #tpu.memory_space<vmem>>)
      %dma_start3A_1109 = arith.constant 6 : i32
      %dma_start3A_1110 = arith.constant 14 : i32
      %dma_start3A_1111 = arith.constant 0 : i32
      %dma_start3A_1112 = arith.constant 0 : i32
      %dma_start3A_1113 = tpu.memref_slice %arg13[%dma_start3A_1109, %dma_start3A_1111, %dma_start3A_1112] : memref<8x128x16xf32, #tpu.memory_space<vmem>> -> memref<1x128x16xf32, #tpu.memory_space<vmem>>
      %dma_start3A_1114 = tpu.memref_squeeze %dma_start3A_1113 : memref<1x128x16xf32, #tpu.memory_space<vmem>> -> memref<128x16xf32, #tpu.memory_space<vmem>>
      %dma_start3A_1115 = arith.constant 0 : i32
      %dma_start3A_1116 = tpu.memref_slice %arg12[%dma_start3A_1110, %dma_start3A_1115] : memref<16x128xi32, #tpu.memory_space<vmem>> -> memref<1x128xi32, #tpu.memory_space<vmem>>
      %dma_start3A_1117 = tpu.memref_squeeze %dma_start3A_1116 : memref<1x128xi32, #tpu.memory_space<vmem>> -> memref<128xi32, #tpu.memory_space<vmem>>
      %dma_start3A_1118 = arith.constant 0 : i32
      %dma_start3A_1119 = arith.constant 0 : i32
      %dma_start3A_1120 = tpu.memref_slice %arg14[%dma_start3A_1118, %dma_start3A_1119] : memref<100096x16xf32, #tpu.memory_space<vmem_shared>> -> memref<100096x16xf32, #tpu.memory_space<vmem_shared>>
      tpu.enqueue_indirect_dma source(%dma_start3A_1114 : memref<128x16xf32, #tpu.memory_space<vmem>>) target(%dma_start3A_1120 : memref<100096x16xf32, #tpu.memory_space<vmem_shared>>) offsets(%dma_start3A_1117 : memref<128xi32, #tpu.memory_space<vmem>>) semaphore(%arg16 : memref<!tpu.dma_semaphore, #tpu.memory_space<semaphore_mem>>) {add = true}
      %dma_wait3A_1121 = arith.constant 7 : i32
      %dma_wait3A_1122 = arith.constant 7 : i32
      %dma_wait3A_1123 = arith.constant 0 : i32
      %dma_wait3A_1124 = arith.constant 0 : i32
      %dma_wait3A_1125 = tpu.memref_slice %arg13[%dma_wait3A_1122, %dma_wait3A_1123, %dma_wait3A_1124] : memref<8x128x16xf32, #tpu.memory_space<vmem>> -> memref<1x128x16xf32, #tpu.memory_space<vmem>>
      %dma_wait3A_1126 = tpu.memref_squeeze %dma_wait3A_1125 : memref<1x128x16xf32, #tpu.memory_space<vmem>> -> memref<128x16xf32, #tpu.memory_space<vmem>>
      %dma_wait3A_1127 = arith.constant 0 : i32
      %dma_wait3A_1128 = tpu.memref_slice %arg12[%dma_wait3A_1121, %dma_wait3A_1127] : memref<16x128xi32, #tpu.memory_space<vmem>> -> memref<1x128xi32, #tpu.memory_space<vmem>>
      %dma_wait3A_1129 = tpu.memref_squeeze %dma_wait3A_1128 : memref<1x128xi32, #tpu.memory_space<vmem>> -> memref<128xi32, #tpu.memory_space<vmem>>
      %dma_wait3A_1130 = arith.constant 0 : i32
      %dma_wait3A_1131 = arith.constant 0 : i32
      %dma_wait3A_1132 = tpu.memref_slice %arg4[%dma_wait3A_1130, %dma_wait3A_1131] : memref<100000x16xf32, #tpu.memory_space<hbm>> -> memref<100000x16xf32, #tpu.memory_space<hbm>>
      tpu.wait_indirect_dma semaphore(%arg15 : memref<!tpu.dma_semaphore, #tpu.memory_space<semaphore_mem>>) src(%dma_wait3A_1132 : memref<100000x16xf32, #tpu.memory_space<hbm>>) dst(%dma_wait3A_1126 : memref<128x16xf32, #tpu.memory_space<vmem>>)
      %dma_start3A_1133 = arith.constant 7 : i32
      %dma_start3A_1134 = arith.constant 15 : i32
      %dma_start3A_1135 = arith.constant 0 : i32
      %dma_start3A_1136 = arith.constant 0 : i32
      %dma_start3A_1137 = tpu.memref_slice %arg13[%dma_start3A_1133, %dma_start3A_1135, %dma_start3A_1136] : memref<8x128x16xf32, #tpu.memory_space<vmem>> -> memref<1x128x16xf32, #tpu.memory_space<vmem>>
      %dma_start3A_1138 = tpu.memref_squeeze %dma_start3A_1137 : memref<1x128x16xf32, #tpu.memory_space<vmem>> -> memref<128x16xf32, #tpu.memory_space<vmem>>
      %dma_start3A_1139 = arith.constant 0 : i32
      %dma_start3A_1140 = tpu.memref_slice %arg12[%dma_start3A_1134, %dma_start3A_1139] : memref<16x128xi32, #tpu.memory_space<vmem>> -> memref<1x128xi32, #tpu.memory_space<vmem>>
      %dma_start3A_1141 = tpu.memref_squeeze %dma_start3A_1140 : memref<1x128xi32, #tpu.memory_space<vmem>> -> memref<128xi32, #tpu.memory_space<vmem>>
      %dma_start3A_1142 = arith.constant 0 : i32
      %dma_start3A_1143 = arith.constant 0 : i32
      %dma_start3A_1144 = tpu.memref_slice %arg14[%dma_start3A_1142, %dma_start3A_1143] : memref<100096x16xf32, #tpu.memory_space<vmem_shared>> -> memref<100096x16xf32, #tpu.memory_space<vmem_shared>>
      tpu.enqueue_indirect_dma source(%dma_start3A_1138 : memref<128x16xf32, #tpu.memory_space<vmem>>) target(%dma_start3A_1144 : memref<100096x16xf32, #tpu.memory_space<vmem_shared>>) offsets(%dma_start3A_1141 : memref<128xi32, #tpu.memory_space<vmem>>) semaphore(%arg16 : memref<!tpu.dma_semaphore, #tpu.memory_space<semaphore_mem>>) {add = true}
      %dma_wait3A_1145 = arith.constant 0 : i32
      %dma_wait3A_1146 = arith.constant 8 : i32
      %dma_wait3A_1147 = arith.constant 0 : i32
      %dma_wait3A_1148 = arith.constant 0 : i32
      %dma_wait3A_1149 = tpu.memref_slice %arg13[%dma_wait3A_1145, %dma_wait3A_1147, %dma_wait3A_1148] : memref<8x128x16xf32, #tpu.memory_space<vmem>> -> memref<1x128x16xf32, #tpu.memory_space<vmem>>
      %dma_wait3A_1150 = tpu.memref_squeeze %dma_wait3A_1149 : memref<1x128x16xf32, #tpu.memory_space<vmem>> -> memref<128x16xf32, #tpu.memory_space<vmem>>
      %dma_wait3A_1151 = arith.constant 0 : i32
      %dma_wait3A_1152 = tpu.memref_slice %arg12[%dma_wait3A_1146, %dma_wait3A_1151] : memref<16x128xi32, #tpu.memory_space<vmem>> -> memref<1x128xi32, #tpu.memory_space<vmem>>
      %dma_wait3A_1153 = tpu.memref_squeeze %dma_wait3A_1152 : memref<1x128xi32, #tpu.memory_space<vmem>> -> memref<128xi32, #tpu.memory_space<vmem>>
      %dma_wait3A_1154 = arith.constant 0 : i32
      %dma_wait3A_1155 = arith.constant 0 : i32
      %dma_wait3A_1156 = tpu.memref_slice %arg14[%dma_wait3A_1154, %dma_wait3A_1155] : memref<100096x16xf32, #tpu.memory_space<vmem_shared>> -> memref<100096x16xf32, #tpu.memory_space<vmem_shared>>
      tpu.wait_indirect_dma semaphore(%arg16 : memref<!tpu.dma_semaphore, #tpu.memory_space<semaphore_mem>>) src(%dma_wait3A_1150 : memref<128x16xf32, #tpu.memory_space<vmem>>) dst(%dma_wait3A_1156 : memref<100096x16xf32, #tpu.memory_space<vmem_shared>>)
      %dma_wait3A_1157 = arith.constant 1 : i32
      %dma_wait3A_1158 = arith.constant 9 : i32
      %dma_wait3A_1159 = arith.constant 0 : i32
      %dma_wait3A_1160 = arith.constant 0 : i32
      %dma_wait3A_1161 = tpu.memref_slice %arg13[%dma_wait3A_1157, %dma_wait3A_1159, %dma_wait3A_1160] : memref<8x128x16xf32, #tpu.memory_space<vmem>> -> memref<1x128x16xf32, #tpu.memory_space<vmem>>
      %dma_wait3A_1162 = tpu.memref_squeeze %dma_wait3A_1161 : memref<1x128x16xf32, #tpu.memory_space<vmem>> -> memref<128x16xf32, #tpu.memory_space<vmem>>
      %dma_wait3A_1163 = arith.constant 0 : i32
      %dma_wait3A_1164 = tpu.memref_slice %arg12[%dma_wait3A_1158, %dma_wait3A_1163] : memref<16x128xi32, #tpu.memory_space<vmem>> -> memref<1x128xi32, #tpu.memory_space<vmem>>
      %dma_wait3A_1165 = tpu.memref_squeeze %dma_wait3A_1164 : memref<1x128xi32, #tpu.memory_space<vmem>> -> memref<128xi32, #tpu.memory_space<vmem>>
      %dma_wait3A_1166 = arith.constant 0 : i32
      %dma_wait3A_1167 = arith.constant 0 : i32
      %dma_wait3A_1168 = tpu.memref_slice %arg14[%dma_wait3A_1166, %dma_wait3A_1167] : memref<100096x16xf32, #tpu.memory_space<vmem_shared>> -> memref<100096x16xf32, #tpu.memory_space<vmem_shared>>
      tpu.wait_indirect_dma semaphore(%arg16 : memref<!tpu.dma_semaphore, #tpu.memory_space<semaphore_mem>>) src(%dma_wait3A_1162 : memref<128x16xf32, #tpu.memory_space<vmem>>) dst(%dma_wait3A_1168 : memref<100096x16xf32, #tpu.memory_space<vmem_shared>>)
      %dma_wait3A_1169 = arith.constant 2 : i32
      %dma_wait3A_1170 = arith.constant 10 : i32
      %dma_wait3A_1171 = arith.constant 0 : i32
      %dma_wait3A_1172 = arith.constant 0 : i32
      %dma_wait3A_1173 = tpu.memref_slice %arg13[%dma_wait3A_1169, %dma_wait3A_1171, %dma_wait3A_1172] : memref<8x128x16xf32, #tpu.memory_space<vmem>> -> memref<1x128x16xf32, #tpu.memory_space<vmem>>
      %dma_wait3A_1174 = tpu.memref_squeeze %dma_wait3A_1173 : memref<1x128x16xf32, #tpu.memory_space<vmem>> -> memref<128x16xf32, #tpu.memory_space<vmem>>
      %dma_wait3A_1175 = arith.constant 0 : i32
      %dma_wait3A_1176 = tpu.memref_slice %arg12[%dma_wait3A_1170, %dma_wait3A_1175] : memref<16x128xi32, #tpu.memory_space<vmem>> -> memref<1x128xi32, #tpu.memory_space<vmem>>
      %dma_wait3A_1177 = tpu.memref_squeeze %dma_wait3A_1176 : memref<1x128xi32, #tpu.memory_space<vmem>> -> memref<128xi32, #tpu.memory_space<vmem>>
      %dma_wait3A_1178 = arith.constant 0 : i32
      %dma_wait3A_1179 = arith.constant 0 : i32
      %dma_wait3A_1180 = tpu.memref_slice %arg14[%dma_wait3A_1178, %dma_wait3A_1179] : memref<100096x16xf32, #tpu.memory_space<vmem_shared>> -> memref<100096x16xf32, #tpu.memory_space<vmem_shared>>
      tpu.wait_indirect_dma semaphore(%arg16 : memref<!tpu.dma_semaphore, #tpu.memory_space<semaphore_mem>>) src(%dma_wait3A_1174 : memref<128x16xf32, #tpu.memory_space<vmem>>) dst(%dma_wait3A_1180 : memref<100096x16xf32, #tpu.memory_space<vmem_shared>>)
      %dma_wait3A_1181 = arith.constant 3 : i32
      %dma_wait3A_1182 = arith.constant 11 : i32
      %dma_wait3A_1183 = arith.constant 0 : i32
      %dma_wait3A_1184 = arith.constant 0 : i32
      %dma_wait3A_1185 = tpu.memref_slice %arg13[%dma_wait3A_1181, %dma_wait3A_1183, %dma_wait3A_1184] : memref<8x128x16xf32, #tpu.memory_space<vmem>> -> memref<1x128x16xf32, #tpu.memory_space<vmem>>
      %dma_wait3A_1186 = tpu.memref_squeeze %dma_wait3A_1185 : memref<1x128x16xf32, #tpu.memory_space<vmem>> -> memref<128x16xf32, #tpu.memory_space<vmem>>
      %dma_wait3A_1187 = arith.constant 0 : i32
      %dma_wait3A_1188 = tpu.memref_slice %arg12[%dma_wait3A_1182, %dma_wait3A_1187] : memref<16x128xi32, #tpu.memory_space<vmem>> -> memref<1x128xi32, #tpu.memory_space<vmem>>
      %dma_wait3A_1189 = tpu.memref_squeeze %dma_wait3A_1188 : memref<1x128xi32, #tpu.memory_space<vmem>> -> memref<128xi32, #tpu.memory_space<vmem>>
      %dma_wait3A_1190 = arith.constant 0 : i32
      %dma_wait3A_1191 = arith.constant 0 : i32
      %dma_wait3A_1192 = tpu.memref_slice %arg14[%dma_wait3A_1190, %dma_wait3A_1191] : memref<100096x16xf32, #tpu.memory_space<vmem_shared>> -> memref<100096x16xf32, #tpu.memory_space<vmem_shared>>
      tpu.wait_indirect_dma semaphore(%arg16 : memref<!tpu.dma_semaphore, #tpu.memory_space<semaphore_mem>>) src(%dma_wait3A_1186 : memref<128x16xf32, #tpu.memory_space<vmem>>) dst(%dma_wait3A_1192 : memref<100096x16xf32, #tpu.memory_space<vmem_shared>>)
      %dma_wait3A_1193 = arith.constant 4 : i32
      %dma_wait3A_1194 = arith.constant 12 : i32
      %dma_wait3A_1195 = arith.constant 0 : i32
      %dma_wait3A_1196 = arith.constant 0 : i32
      %dma_wait3A_1197 = tpu.memref_slice %arg13[%dma_wait3A_1193, %dma_wait3A_1195, %dma_wait3A_1196] : memref<8x128x16xf32, #tpu.memory_space<vmem>> -> memref<1x128x16xf32, #tpu.memory_space<vmem>>
      %dma_wait3A_1198 = tpu.memref_squeeze %dma_wait3A_1197 : memref<1x128x16xf32, #tpu.memory_space<vmem>> -> memref<128x16xf32, #tpu.memory_space<vmem>>
      %dma_wait3A_1199 = arith.constant 0 : i32
      %dma_wait3A_1200 = tpu.memref_slice %arg12[%dma_wait3A_1194, %dma_wait3A_1199] : memref<16x128xi32, #tpu.memory_space<vmem>> -> memref<1x128xi32, #tpu.memory_space<vmem>>
      %dma_wait3A_1201 = tpu.memref_squeeze %dma_wait3A_1200 : memref<1x128xi32, #tpu.memory_space<vmem>> -> memref<128xi32, #tpu.memory_space<vmem>>
      %dma_wait3A_1202 = arith.constant 0 : i32
      %dma_wait3A_1203 = arith.constant 0 : i32
      %dma_wait3A_1204 = tpu.memref_slice %arg14[%dma_wait3A_1202, %dma_wait3A_1203] : memref<100096x16xf32, #tpu.memory_space<vmem_shared>> -> memref<100096x16xf32, #tpu.memory_space<vmem_shared>>
      tpu.wait_indirect_dma semaphore(%arg16 : memref<!tpu.dma_semaphore, #tpu.memory_space<semaphore_mem>>) src(%dma_wait3A_1198 : memref<128x16xf32, #tpu.memory_space<vmem>>) dst(%dma_wait3A_1204 : memref<100096x16xf32, #tpu.memory_space<vmem_shared>>)
      %dma_wait3A_1205 = arith.constant 5 : i32
      %dma_wait3A_1206 = arith.constant 13 : i32
      %dma_wait3A_1207 = arith.constant 0 : i32
      %dma_wait3A_1208 = arith.constant 0 : i32
      %dma_wait3A_1209 = tpu.memref_slice %arg13[%dma_wait3A_1205, %dma_wait3A_1207, %dma_wait3A_1208] : memref<8x128x16xf32, #tpu.memory_space<vmem>> -> memref<1x128x16xf32, #tpu.memory_space<vmem>>
      %dma_wait3A_1210 = tpu.memref_squeeze %dma_wait3A_1209 : memref<1x128x16xf32, #tpu.memory_space<vmem>> -> memref<128x16xf32, #tpu.memory_space<vmem>>
      %dma_wait3A_1211 = arith.constant 0 : i32
      %dma_wait3A_1212 = tpu.memref_slice %arg12[%dma_wait3A_1206, %dma_wait3A_1211] : memref<16x128xi32, #tpu.memory_space<vmem>> -> memref<1x128xi32, #tpu.memory_space<vmem>>
      %dma_wait3A_1213 = tpu.memref_squeeze %dma_wait3A_1212 : memref<1x128xi32, #tpu.memory_space<vmem>> -> memref<128xi32, #tpu.memory_space<vmem>>
      %dma_wait3A_1214 = arith.constant 0 : i32
      %dma_wait3A_1215 = arith.constant 0 : i32
      %dma_wait3A_1216 = tpu.memref_slice %arg14[%dma_wait3A_1214, %dma_wait3A_1215] : memref<100096x16xf32, #tpu.memory_space<vmem_shared>> -> memref<100096x16xf32, #tpu.memory_space<vmem_shared>>
      tpu.wait_indirect_dma semaphore(%arg16 : memref<!tpu.dma_semaphore, #tpu.memory_space<semaphore_mem>>) src(%dma_wait3A_1210 : memref<128x16xf32, #tpu.memory_space<vmem>>) dst(%dma_wait3A_1216 : memref<100096x16xf32, #tpu.memory_space<vmem_shared>>)
      %dma_wait3A_1217 = arith.constant 6 : i32
      %dma_wait3A_1218 = arith.constant 14 : i32
      %dma_wait3A_1219 = arith.constant 0 : i32
      %dma_wait3A_1220 = arith.constant 0 : i32
      %dma_wait3A_1221 = tpu.memref_slice %arg13[%dma_wait3A_1217, %dma_wait3A_1219, %dma_wait3A_1220] : memref<8x128x16xf32, #tpu.memory_space<vmem>> -> memref<1x128x16xf32, #tpu.memory_space<vmem>>
      %dma_wait3A_1222 = tpu.memref_squeeze %dma_wait3A_1221 : memref<1x128x16xf32, #tpu.memory_space<vmem>> -> memref<128x16xf32, #tpu.memory_space<vmem>>
      %dma_wait3A_1223 = arith.constant 0 : i32
      %dma_wait3A_1224 = tpu.memref_slice %arg12[%dma_wait3A_1218, %dma_wait3A_1223] : memref<16x128xi32, #tpu.memory_space<vmem>> -> memref<1x128xi32, #tpu.memory_space<vmem>>
      %dma_wait3A_1225 = tpu.memref_squeeze %dma_wait3A_1224 : memref<1x128xi32, #tpu.memory_space<vmem>> -> memref<128xi32, #tpu.memory_space<vmem>>
      %dma_wait3A_1226 = arith.constant 0 : i32
      %dma_wait3A_1227 = arith.constant 0 : i32
      %dma_wait3A_1228 = tpu.memref_slice %arg14[%dma_wait3A_1226, %dma_wait3A_1227] : memref<100096x16xf32, #tpu.memory_space<vmem_shared>> -> memref<100096x16xf32, #tpu.memory_space<vmem_shared>>
      tpu.wait_indirect_dma semaphore(%arg16 : memref<!tpu.dma_semaphore, #tpu.memory_space<semaphore_mem>>) src(%dma_wait3A_1222 : memref<128x16xf32, #tpu.memory_space<vmem>>) dst(%dma_wait3A_1228 : memref<100096x16xf32, #tpu.memory_space<vmem_shared>>)
      %dma_wait3A_1229 = arith.constant 7 : i32
      %dma_wait3A_1230 = arith.constant 15 : i32
      %dma_wait3A_1231 = arith.constant 0 : i32
      %dma_wait3A_1232 = arith.constant 0 : i32
      %dma_wait3A_1233 = tpu.memref_slice %arg13[%dma_wait3A_1229, %dma_wait3A_1231, %dma_wait3A_1232] : memref<8x128x16xf32, #tpu.memory_space<vmem>> -> memref<1x128x16xf32, #tpu.memory_space<vmem>>
      %dma_wait3A_1234 = tpu.memref_squeeze %dma_wait3A_1233 : memref<1x128x16xf32, #tpu.memory_space<vmem>> -> memref<128x16xf32, #tpu.memory_space<vmem>>
      %dma_wait3A_1235 = arith.constant 0 : i32
      %dma_wait3A_1236 = tpu.memref_slice %arg12[%dma_wait3A_1230, %dma_wait3A_1235] : memref<16x128xi32, #tpu.memory_space<vmem>> -> memref<1x128xi32, #tpu.memory_space<vmem>>
      %dma_wait3A_1237 = tpu.memref_squeeze %dma_wait3A_1236 : memref<1x128xi32, #tpu.memory_space<vmem>> -> memref<128xi32, #tpu.memory_space<vmem>>
      %dma_wait3A_1238 = arith.constant 0 : i32
      %dma_wait3A_1239 = arith.constant 0 : i32
      %dma_wait3A_1240 = tpu.memref_slice %arg14[%dma_wait3A_1238, %dma_wait3A_1239] : memref<100096x16xf32, #tpu.memory_space<vmem_shared>> -> memref<100096x16xf32, #tpu.memory_space<vmem_shared>>
      tpu.wait_indirect_dma semaphore(%arg16 : memref<!tpu.dma_semaphore, #tpu.memory_space<semaphore_mem>>) src(%dma_wait3A_1234 : memref<128x16xf32, #tpu.memory_space<vmem>>) dst(%dma_wait3A_1240 : memref<100096x16xf32, #tpu.memory_space<vmem_shared>>)
    }
    %scan3A_40 = arith.constant 24 : i32
    %dma_wait3A = arith.constant 0 : i32
    %dma_wait3A_41 = arith.constant 0 : i32
    %dma_wait3A_42 = tpu.memref_slice %arg5[%dma_wait3A, %dma_wait3A_41] : memref<25088x128xi32, #tpu.memory_space<hbm>> -> memref<16x128xi32, #tpu.memory_space<hbm>>
    %dma_wait3A_43 = arith.constant 0 : i32
    %dma_wait3A_44 = arith.constant 0 : i32
    %dma_wait3A_45 = tpu.memref_slice %arg5[%dma_wait3A_43, %dma_wait3A_44] : memref<25088x128xi32, #tpu.memory_space<hbm>> -> memref<16x128xi32, #tpu.memory_space<hbm>>
    tpu.wait_dma2 semaphore(%arg17 : memref<!tpu.dma_semaphore, #tpu.memory_space<semaphore_mem>>) src(%dma_wait3A_45 : memref<16x128xi32, #tpu.memory_space<hbm>>) dst(%arg11 : memref<16x128xi32, #tpu.memory_space<vmem>>)
    %dma_start3A_46 = arith.constant 0 : i32
    %dma_start3A_47 = arith.constant 0 : i32
    %dma_start3A_48 = arith.constant 0 : i32
    %dma_start3A_49 = arith.constant 0 : i32
    %dma_start3A_50 = tpu.memref_slice %arg13[%dma_start3A_47, %dma_start3A_48, %dma_start3A_49] : memref<8x128x16xf32, #tpu.memory_space<vmem>> -> memref<1x128x16xf32, #tpu.memory_space<vmem>>
    %dma_start3A_51 = tpu.memref_squeeze %dma_start3A_50 : memref<1x128x16xf32, #tpu.memory_space<vmem>> -> memref<128x16xf32, #tpu.memory_space<vmem>>
    %dma_start3A_52 = arith.constant 0 : i32
    %dma_start3A_53 = tpu.memref_slice %arg11[%dma_start3A_46, %dma_start3A_52] : memref<16x128xi32, #tpu.memory_space<vmem>> -> memref<1x128xi32, #tpu.memory_space<vmem>>
    %dma_start3A_54 = tpu.memref_squeeze %dma_start3A_53 : memref<1x128xi32, #tpu.memory_space<vmem>> -> memref<128xi32, #tpu.memory_space<vmem>>
    %dma_start3A_55 = arith.constant 0 : i32
    %dma_start3A_56 = arith.constant 0 : i32
    %dma_start3A_57 = tpu.memref_slice %arg4[%dma_start3A_55, %dma_start3A_56] : memref<100000x16xf32, #tpu.memory_space<hbm>> -> memref<100000x16xf32, #tpu.memory_space<hbm>>
    tpu.enqueue_indirect_dma source(%dma_start3A_57 : memref<100000x16xf32, #tpu.memory_space<hbm>>) target(%dma_start3A_51 : memref<128x16xf32, #tpu.memory_space<vmem>>) offsets(%dma_start3A_54 : memref<128xi32, #tpu.memory_space<vmem>>) semaphore(%arg15 : memref<!tpu.dma_semaphore, #tpu.memory_space<semaphore_mem>>)
    %dma_start3A_58 = arith.constant 1 : i32
    %dma_start3A_59 = arith.constant 1 : i32
    %dma_start3A_60 = arith.constant 0 : i32
    %dma_start3A_61 = arith.constant 0 : i32
    %dma_start3A_62 = tpu.memref_slice %arg13[%dma_start3A_59, %dma_start3A_60, %dma_start3A_61] : memref<8x128x16xf32, #tpu.memory_space<vmem>> -> memref<1x128x16xf32, #tpu.memory_space<vmem>>
    %dma_start3A_63 = tpu.memref_squeeze %dma_start3A_62 : memref<1x128x16xf32, #tpu.memory_space<vmem>> -> memref<128x16xf32, #tpu.memory_space<vmem>>
    %dma_start3A_64 = arith.constant 0 : i32
    %dma_start3A_65 = tpu.memref_slice %arg11[%dma_start3A_58, %dma_start3A_64] : memref<16x128xi32, #tpu.memory_space<vmem>> -> memref<1x128xi32, #tpu.memory_space<vmem>>
    %dma_start3A_66 = tpu.memref_squeeze %dma_start3A_65 : memref<1x128xi32, #tpu.memory_space<vmem>> -> memref<128xi32, #tpu.memory_space<vmem>>
    %dma_start3A_67 = arith.constant 0 : i32
    %dma_start3A_68 = arith.constant 0 : i32
    %dma_start3A_69 = tpu.memref_slice %arg4[%dma_start3A_67, %dma_start3A_68] : memref<100000x16xf32, #tpu.memory_space<hbm>> -> memref<100000x16xf32, #tpu.memory_space<hbm>>
    tpu.enqueue_indirect_dma source(%dma_start3A_69 : memref<100000x16xf32, #tpu.memory_space<hbm>>) target(%dma_start3A_63 : memref<128x16xf32, #tpu.memory_space<vmem>>) offsets(%dma_start3A_66 : memref<128xi32, #tpu.memory_space<vmem>>) semaphore(%arg15 : memref<!tpu.dma_semaphore, #tpu.memory_space<semaphore_mem>>)
    %dma_start3A_70 = arith.constant 2 : i32
    %dma_start3A_71 = arith.constant 2 : i32
    %dma_start3A_72 = arith.constant 0 : i32
    %dma_start3A_73 = arith.constant 0 : i32
    %dma_start3A_74 = tpu.memref_slice %arg13[%dma_start3A_71, %dma_start3A_72, %dma_start3A_73] : memref<8x128x16xf32, #tpu.memory_space<vmem>> -> memref<1x128x16xf32, #tpu.memory_space<vmem>>
    %dma_start3A_75 = tpu.memref_squeeze %dma_start3A_74 : memref<1x128x16xf32, #tpu.memory_space<vmem>> -> memref<128x16xf32, #tpu.memory_space<vmem>>
    %dma_start3A_76 = arith.constant 0 : i32
    %dma_start3A_77 = tpu.memref_slice %arg11[%dma_start3A_70, %dma_start3A_76] : memref<16x128xi32, #tpu.memory_space<vmem>> -> memref<1x128xi32, #tpu.memory_space<vmem>>
    %dma_start3A_78 = tpu.memref_squeeze %dma_start3A_77 : memref<1x128xi32, #tpu.memory_space<vmem>> -> memref<128xi32, #tpu.memory_space<vmem>>
    %dma_start3A_79 = arith.constant 0 : i32
    %dma_start3A_80 = arith.constant 0 : i32
    %dma_start3A_81 = tpu.memref_slice %arg4[%dma_start3A_79, %dma_start3A_80] : memref<100000x16xf32, #tpu.memory_space<hbm>> -> memref<100000x16xf32, #tpu.memory_space<hbm>>
    tpu.enqueue_indirect_dma source(%dma_start3A_81 : memref<100000x16xf32, #tpu.memory_space<hbm>>) target(%dma_start3A_75 : memref<128x16xf32, #tpu.memory_space<vmem>>) offsets(%dma_start3A_78 : memref<128xi32, #tpu.memory_space<vmem>>) semaphore(%arg15 : memref<!tpu.dma_semaphore, #tpu.memory_space<semaphore_mem>>)
    %dma_start3A_82 = arith.constant 3 : i32
    %dma_start3A_83 = arith.constant 3 : i32
    %dma_start3A_84 = arith.constant 0 : i32
    %dma_start3A_85 = arith.constant 0 : i32
    %dma_start3A_86 = tpu.memref_slice %arg13[%dma_start3A_83, %dma_start3A_84, %dma_start3A_85] : memref<8x128x16xf32, #tpu.memory_space<vmem>> -> memref<1x128x16xf32, #tpu.memory_space<vmem>>
    %dma_start3A_87 = tpu.memref_squeeze %dma_start3A_86 : memref<1x128x16xf32, #tpu.memory_space<vmem>> -> memref<128x16xf32, #tpu.memory_space<vmem>>
    %dma_start3A_88 = arith.constant 0 : i32
    %dma_start3A_89 = tpu.memref_slice %arg11[%dma_start3A_82, %dma_start3A_88] : memref<16x128xi32, #tpu.memory_space<vmem>> -> memref<1x128xi32, #tpu.memory_space<vmem>>
    %dma_start3A_90 = tpu.memref_squeeze %dma_start3A_89 : memref<1x128xi32, #tpu.memory_space<vmem>> -> memref<128xi32, #tpu.memory_space<vmem>>
    %dma_start3A_91 = arith.constant 0 : i32
    %dma_start3A_92 = arith.constant 0 : i32
    %dma_start3A_93 = tpu.memref_slice %arg4[%dma_start3A_91, %dma_start3A_92] : memref<100000x16xf32, #tpu.memory_space<hbm>> -> memref<100000x16xf32, #tpu.memory_space<hbm>>
    tpu.enqueue_indirect_dma source(%dma_start3A_93 : memref<100000x16xf32, #tpu.memory_space<hbm>>) target(%dma_start3A_87 : memref<128x16xf32, #tpu.memory_space<vmem>>) offsets(%dma_start3A_90 : memref<128xi32, #tpu.memory_space<vmem>>) semaphore(%arg15 : memref<!tpu.dma_semaphore, #tpu.memory_space<semaphore_mem>>)
    %dma_start3A_94 = arith.constant 4 : i32
    %dma_start3A_95 = arith.constant 4 : i32
    %dma_start3A_96 = arith.constant 0 : i32
    %dma_start3A_97 = arith.constant 0 : i32
    %dma_start3A_98 = tpu.memref_slice %arg13[%dma_start3A_95, %dma_start3A_96, %dma_start3A_97] : memref<8x128x16xf32, #tpu.memory_space<vmem>> -> memref<1x128x16xf32, #tpu.memory_space<vmem>>
    %dma_start3A_99 = tpu.memref_squeeze %dma_start3A_98 : memref<1x128x16xf32, #tpu.memory_space<vmem>> -> memref<128x16xf32, #tpu.memory_space<vmem>>
    %dma_start3A_100 = arith.constant 0 : i32
    %dma_start3A_101 = tpu.memref_slice %arg11[%dma_start3A_94, %dma_start3A_100] : memref<16x128xi32, #tpu.memory_space<vmem>> -> memref<1x128xi32, #tpu.memory_space<vmem>>
    %dma_start3A_102 = tpu.memref_squeeze %dma_start3A_101 : memref<1x128xi32, #tpu.memory_space<vmem>> -> memref<128xi32, #tpu.memory_space<vmem>>
    %dma_start3A_103 = arith.constant 0 : i32
    %dma_start3A_104 = arith.constant 0 : i32
    %dma_start3A_105 = tpu.memref_slice %arg4[%dma_start3A_103, %dma_start3A_104] : memref<100000x16xf32, #tpu.memory_space<hbm>> -> memref<100000x16xf32, #tpu.memory_space<hbm>>
    tpu.enqueue_indirect_dma source(%dma_start3A_105 : memref<100000x16xf32, #tpu.memory_space<hbm>>) target(%dma_start3A_99 : memref<128x16xf32, #tpu.memory_space<vmem>>) offsets(%dma_start3A_102 : memref<128xi32, #tpu.memory_space<vmem>>) semaphore(%arg15 : memref<!tpu.dma_semaphore, #tpu.memory_space<semaphore_mem>>)
    %dma_start3A_106 = arith.constant 5 : i32
    %dma_start3A_107 = arith.constant 5 : i32
    %dma_start3A_108 = arith.constant 0 : i32
    %dma_start3A_109 = arith.constant 0 : i32
    %dma_start3A_110 = tpu.memref_slice %arg13[%dma_start3A_107, %dma_start3A_108, %dma_start3A_109] : memref<8x128x16xf32, #tpu.memory_space<vmem>> -> memref<1x128x16xf32, #tpu.memory_space<vmem>>
    %dma_start3A_111 = tpu.memref_squeeze %dma_start3A_110 : memref<1x128x16xf32, #tpu.memory_space<vmem>> -> memref<128x16xf32, #tpu.memory_space<vmem>>
    %dma_start3A_112 = arith.constant 0 : i32
    %dma_start3A_113 = tpu.memref_slice %arg11[%dma_start3A_106, %dma_start3A_112] : memref<16x128xi32, #tpu.memory_space<vmem>> -> memref<1x128xi32, #tpu.memory_space<vmem>>
    %dma_start3A_114 = tpu.memref_squeeze %dma_start3A_113 : memref<1x128xi32, #tpu.memory_space<vmem>> -> memref<128xi32, #tpu.memory_space<vmem>>
    %dma_start3A_115 = arith.constant 0 : i32
    %dma_start3A_116 = arith.constant 0 : i32
    %dma_start3A_117 = tpu.memref_slice %arg4[%dma_start3A_115, %dma_start3A_116] : memref<100000x16xf32, #tpu.memory_space<hbm>> -> memref<100000x16xf32, #tpu.memory_space<hbm>>
    tpu.enqueue_indirect_dma source(%dma_start3A_117 : memref<100000x16xf32, #tpu.memory_space<hbm>>) target(%dma_start3A_111 : memref<128x16xf32, #tpu.memory_space<vmem>>) offsets(%dma_start3A_114 : memref<128xi32, #tpu.memory_space<vmem>>) semaphore(%arg15 : memref<!tpu.dma_semaphore, #tpu.memory_space<semaphore_mem>>)
    %dma_wait3A_118 = arith.constant 0 : i32
    %dma_wait3A_119 = arith.constant 0 : i32
    %dma_wait3A_120 = arith.constant 0 : i32
    %dma_wait3A_121 = arith.constant 0 : i32
    %dma_wait3A_122 = tpu.memref_slice %arg13[%dma_wait3A_119, %dma_wait3A_120, %dma_wait3A_121] : memref<8x128x16xf32, #tpu.memory_space<vmem>> -> memref<1x128x16xf32, #tpu.memory_space<vmem>>
    %dma_wait3A_123 = tpu.memref_squeeze %dma_wait3A_122 : memref<1x128x16xf32, #tpu.memory_space<vmem>> -> memref<128x16xf32, #tpu.memory_space<vmem>>
    %dma_wait3A_124 = arith.constant 0 : i32
    %dma_wait3A_125 = tpu.memref_slice %arg11[%dma_wait3A_118, %dma_wait3A_124] : memref<16x128xi32, #tpu.memory_space<vmem>> -> memref<1x128xi32, #tpu.memory_space<vmem>>
    %dma_wait3A_126 = tpu.memref_squeeze %dma_wait3A_125 : memref<1x128xi32, #tpu.memory_space<vmem>> -> memref<128xi32, #tpu.memory_space<vmem>>
    %dma_wait3A_127 = arith.constant 0 : i32
    %dma_wait3A_128 = arith.constant 0 : i32
    %dma_wait3A_129 = tpu.memref_slice %arg4[%dma_wait3A_127, %dma_wait3A_128] : memref<100000x16xf32, #tpu.memory_space<hbm>> -> memref<100000x16xf32, #tpu.memory_space<hbm>>
    tpu.wait_indirect_dma semaphore(%arg15 : memref<!tpu.dma_semaphore, #tpu.memory_space<semaphore_mem>>) src(%dma_wait3A_129 : memref<100000x16xf32, #tpu.memory_space<hbm>>) dst(%dma_wait3A_123 : memref<128x16xf32, #tpu.memory_space<vmem>>)
    %dma_start3A_130 = arith.constant 6 : i32
    %dma_start3A_131 = arith.constant 6 : i32
    %dma_start3A_132 = arith.constant 0 : i32
    %dma_start3A_133 = arith.constant 0 : i32
    %dma_start3A_134 = tpu.memref_slice %arg13[%dma_start3A_131, %dma_start3A_132, %dma_start3A_133] : memref<8x128x16xf32, #tpu.memory_space<vmem>> -> memref<1x128x16xf32, #tpu.memory_space<vmem>>
    %dma_start3A_135 = tpu.memref_squeeze %dma_start3A_134 : memref<1x128x16xf32, #tpu.memory_space<vmem>> -> memref<128x16xf32, #tpu.memory_space<vmem>>
    %dma_start3A_136 = arith.constant 0 : i32
    %dma_start3A_137 = tpu.memref_slice %arg11[%dma_start3A_130, %dma_start3A_136] : memref<16x128xi32, #tpu.memory_space<vmem>> -> memref<1x128xi32, #tpu.memory_space<vmem>>
    %dma_start3A_138 = tpu.memref_squeeze %dma_start3A_137 : memref<1x128xi32, #tpu.memory_space<vmem>> -> memref<128xi32, #tpu.memory_space<vmem>>
    %dma_start3A_139 = arith.constant 0 : i32
    %dma_start3A_140 = arith.constant 0 : i32
    %dma_start3A_141 = tpu.memref_slice %arg4[%dma_start3A_139, %dma_start3A_140] : memref<100000x16xf32, #tpu.memory_space<hbm>> -> memref<100000x16xf32, #tpu.memory_space<hbm>>
    tpu.enqueue_indirect_dma source(%dma_start3A_141 : memref<100000x16xf32, #tpu.memory_space<hbm>>) target(%dma_start3A_135 : memref<128x16xf32, #tpu.memory_space<vmem>>) offsets(%dma_start3A_138 : memref<128xi32, #tpu.memory_space<vmem>>) semaphore(%arg15 : memref<!tpu.dma_semaphore, #tpu.memory_space<semaphore_mem>>)
    %dma_start3A_142 = arith.constant 0 : i32
    %dma_start3A_143 = arith.constant 8 : i32
    %dma_start3A_144 = arith.constant 0 : i32
    %dma_start3A_145 = arith.constant 0 : i32
    %dma_start3A_146 = tpu.memref_slice %arg13[%dma_start3A_142, %dma_start3A_144, %dma_start3A_145] : memref<8x128x16xf32, #tpu.memory_space<vmem>> -> memref<1x128x16xf32, #tpu.memory_space<vmem>>
    %dma_start3A_147 = tpu.memref_squeeze %dma_start3A_146 : memref<1x128x16xf32, #tpu.memory_space<vmem>> -> memref<128x16xf32, #tpu.memory_space<vmem>>
    %dma_start3A_148 = arith.constant 0 : i32
    %dma_start3A_149 = tpu.memref_slice %arg11[%dma_start3A_143, %dma_start3A_148] : memref<16x128xi32, #tpu.memory_space<vmem>> -> memref<1x128xi32, #tpu.memory_space<vmem>>
    %dma_start3A_150 = tpu.memref_squeeze %dma_start3A_149 : memref<1x128xi32, #tpu.memory_space<vmem>> -> memref<128xi32, #tpu.memory_space<vmem>>
    %dma_start3A_151 = arith.constant 0 : i32
    %dma_start3A_152 = arith.constant 0 : i32
    %dma_start3A_153 = tpu.memref_slice %arg14[%dma_start3A_151, %dma_start3A_152] : memref<100096x16xf32, #tpu.memory_space<vmem_shared>> -> memref<100096x16xf32, #tpu.memory_space<vmem_shared>>
    tpu.enqueue_indirect_dma source(%dma_start3A_147 : memref<128x16xf32, #tpu.memory_space<vmem>>) target(%dma_start3A_153 : memref<100096x16xf32, #tpu.memory_space<vmem_shared>>) offsets(%dma_start3A_150 : memref<128xi32, #tpu.memory_space<vmem>>) semaphore(%arg16 : memref<!tpu.dma_semaphore, #tpu.memory_space<semaphore_mem>>) {add = true}
    %dma_wait3A_154 = arith.constant 1 : i32
    %dma_wait3A_155 = arith.constant 1 : i32
    %dma_wait3A_156 = arith.constant 0 : i32
    %dma_wait3A_157 = arith.constant 0 : i32
    %dma_wait3A_158 = tpu.memref_slice %arg13[%dma_wait3A_155, %dma_wait3A_156, %dma_wait3A_157] : memref<8x128x16xf32, #tpu.memory_space<vmem>> -> memref<1x128x16xf32, #tpu.memory_space<vmem>>
    %dma_wait3A_159 = tpu.memref_squeeze %dma_wait3A_158 : memref<1x128x16xf32, #tpu.memory_space<vmem>> -> memref<128x16xf32, #tpu.memory_space<vmem>>
    %dma_wait3A_160 = arith.constant 0 : i32
    %dma_wait3A_161 = tpu.memref_slice %arg11[%dma_wait3A_154, %dma_wait3A_160] : memref<16x128xi32, #tpu.memory_space<vmem>> -> memref<1x128xi32, #tpu.memory_space<vmem>>
    %dma_wait3A_162 = tpu.memref_squeeze %dma_wait3A_161 : memref<1x128xi32, #tpu.memory_space<vmem>> -> memref<128xi32, #tpu.memory_space<vmem>>
    %dma_wait3A_163 = arith.constant 0 : i32
    %dma_wait3A_164 = arith.constant 0 : i32
    %dma_wait3A_165 = tpu.memref_slice %arg4[%dma_wait3A_163, %dma_wait3A_164] : memref<100000x16xf32, #tpu.memory_space<hbm>> -> memref<100000x16xf32, #tpu.memory_space<hbm>>
    tpu.wait_indirect_dma semaphore(%arg15 : memref<!tpu.dma_semaphore, #tpu.memory_space<semaphore_mem>>) src(%dma_wait3A_165 : memref<100000x16xf32, #tpu.memory_space<hbm>>) dst(%dma_wait3A_159 : memref<128x16xf32, #tpu.memory_space<vmem>>)
    %dma_start3A_166 = arith.constant 7 : i32
    %dma_start3A_167 = arith.constant 7 : i32
    %dma_start3A_168 = arith.constant 0 : i32
    %dma_start3A_169 = arith.constant 0 : i32
    %dma_start3A_170 = tpu.memref_slice %arg13[%dma_start3A_167, %dma_start3A_168, %dma_start3A_169] : memref<8x128x16xf32, #tpu.memory_space<vmem>> -> memref<1x128x16xf32, #tpu.memory_space<vmem>>
    %dma_start3A_171 = tpu.memref_squeeze %dma_start3A_170 : memref<1x128x16xf32, #tpu.memory_space<vmem>> -> memref<128x16xf32, #tpu.memory_space<vmem>>
    %dma_start3A_172 = arith.constant 0 : i32
    %dma_start3A_173 = tpu.memref_slice %arg11[%dma_start3A_166, %dma_start3A_172] : memref<16x128xi32, #tpu.memory_space<vmem>> -> memref<1x128xi32, #tpu.memory_space<vmem>>
    %dma_start3A_174 = tpu.memref_squeeze %dma_start3A_173 : memref<1x128xi32, #tpu.memory_space<vmem>> -> memref<128xi32, #tpu.memory_space<vmem>>
    %dma_start3A_175 = arith.constant 0 : i32
    %dma_start3A_176 = arith.constant 0 : i32
    %dma_start3A_177 = tpu.memref_slice %arg4[%dma_start3A_175, %dma_start3A_176] : memref<100000x16xf32, #tpu.memory_space<hbm>> -> memref<100000x16xf32, #tpu.memory_space<hbm>>
    tpu.enqueue_indirect_dma source(%dma_start3A_177 : memref<100000x16xf32, #tpu.memory_space<hbm>>) target(%dma_start3A_171 : memref<128x16xf32, #tpu.memory_space<vmem>>) offsets(%dma_start3A_174 : memref<128xi32, #tpu.memory_space<vmem>>) semaphore(%arg15 : memref<!tpu.dma_semaphore, #tpu.memory_space<semaphore_mem>>)
    %dma_start3A_178 = arith.constant 1 : i32
    %dma_start3A_179 = arith.constant 9 : i32
    %dma_start3A_180 = arith.constant 0 : i32
    %dma_start3A_181 = arith.constant 0 : i32
    %dma_start3A_182 = tpu.memref_slice %arg13[%dma_start3A_178, %dma_start3A_180, %dma_start3A_181] : memref<8x128x16xf32, #tpu.memory_space<vmem>> -> memref<1x128x16xf32, #tpu.memory_space<vmem>>
    %dma_start3A_183 = tpu.memref_squeeze %dma_start3A_182 : memref<1x128x16xf32, #tpu.memory_space<vmem>> -> memref<128x16xf32, #tpu.memory_space<vmem>>
    %dma_start3A_184 = arith.constant 0 : i32
    %dma_start3A_185 = tpu.memref_slice %arg11[%dma_start3A_179, %dma_start3A_184] : memref<16x128xi32, #tpu.memory_space<vmem>> -> memref<1x128xi32, #tpu.memory_space<vmem>>
    %dma_start3A_186 = tpu.memref_squeeze %dma_start3A_185 : memref<1x128xi32, #tpu.memory_space<vmem>> -> memref<128xi32, #tpu.memory_space<vmem>>
    %dma_start3A_187 = arith.constant 0 : i32
    %dma_start3A_188 = arith.constant 0 : i32
    %dma_start3A_189 = tpu.memref_slice %arg14[%dma_start3A_187, %dma_start3A_188] : memref<100096x16xf32, #tpu.memory_space<vmem_shared>> -> memref<100096x16xf32, #tpu.memory_space<vmem_shared>>
    tpu.enqueue_indirect_dma source(%dma_start3A_183 : memref<128x16xf32, #tpu.memory_space<vmem>>) target(%dma_start3A_189 : memref<100096x16xf32, #tpu.memory_space<vmem_shared>>) offsets(%dma_start3A_186 : memref<128xi32, #tpu.memory_space<vmem>>) semaphore(%arg16 : memref<!tpu.dma_semaphore, #tpu.memory_space<semaphore_mem>>) {add = true}
    %dma_wait3A_190 = arith.constant 2 : i32
    %dma_wait3A_191 = arith.constant 2 : i32
    %dma_wait3A_192 = arith.constant 0 : i32
    %dma_wait3A_193 = arith.constant 0 : i32
    %dma_wait3A_194 = tpu.memref_slice %arg13[%dma_wait3A_191, %dma_wait3A_192, %dma_wait3A_193] : memref<8x128x16xf32, #tpu.memory_space<vmem>> -> memref<1x128x16xf32, #tpu.memory_space<vmem>>
    %dma_wait3A_195 = tpu.memref_squeeze %dma_wait3A_194 : memref<1x128x16xf32, #tpu.memory_space<vmem>> -> memref<128x16xf32, #tpu.memory_space<vmem>>
    %dma_wait3A_196 = arith.constant 0 : i32
    %dma_wait3A_197 = tpu.memref_slice %arg11[%dma_wait3A_190, %dma_wait3A_196] : memref<16x128xi32, #tpu.memory_space<vmem>> -> memref<1x128xi32, #tpu.memory_space<vmem>>
    %dma_wait3A_198 = tpu.memref_squeeze %dma_wait3A_197 : memref<1x128xi32, #tpu.memory_space<vmem>> -> memref<128xi32, #tpu.memory_space<vmem>>
    %dma_wait3A_199 = arith.constant 0 : i32
    %dma_wait3A_200 = arith.constant 0 : i32
    %dma_wait3A_201 = tpu.memref_slice %arg4[%dma_wait3A_199, %dma_wait3A_200] : memref<100000x16xf32, #tpu.memory_space<hbm>> -> memref<100000x16xf32, #tpu.memory_space<hbm>>
    tpu.wait_indirect_dma semaphore(%arg15 : memref<!tpu.dma_semaphore, #tpu.memory_space<semaphore_mem>>) src(%dma_wait3A_201 : memref<100000x16xf32, #tpu.memory_space<hbm>>) dst(%dma_wait3A_195 : memref<128x16xf32, #tpu.memory_space<vmem>>)
    %dma_start3A_202 = arith.constant 2 : i32
    %dma_start3A_203 = arith.constant 10 : i32
    %dma_start3A_204 = arith.constant 0 : i32
    %dma_start3A_205 = arith.constant 0 : i32
    %dma_start3A_206 = tpu.memref_slice %arg13[%dma_start3A_202, %dma_start3A_204, %dma_start3A_205] : memref<8x128x16xf32, #tpu.memory_space<vmem>> -> memref<1x128x16xf32, #tpu.memory_space<vmem>>
    %dma_start3A_207 = tpu.memref_squeeze %dma_start3A_206 : memref<1x128x16xf32, #tpu.memory_space<vmem>> -> memref<128x16xf32, #tpu.memory_space<vmem>>
    %dma_start3A_208 = arith.constant 0 : i32
    %dma_start3A_209 = tpu.memref_slice %arg11[%dma_start3A_203, %dma_start3A_208] : memref<16x128xi32, #tpu.memory_space<vmem>> -> memref<1x128xi32, #tpu.memory_space<vmem>>
    %dma_start3A_210 = tpu.memref_squeeze %dma_start3A_209 : memref<1x128xi32, #tpu.memory_space<vmem>> -> memref<128xi32, #tpu.memory_space<vmem>>
    %dma_start3A_211 = arith.constant 0 : i32
    %dma_start3A_212 = arith.constant 0 : i32
    %dma_start3A_213 = tpu.memref_slice %arg14[%dma_start3A_211, %dma_start3A_212] : memref<100096x16xf32, #tpu.memory_space<vmem_shared>> -> memref<100096x16xf32, #tpu.memory_space<vmem_shared>>
    tpu.enqueue_indirect_dma source(%dma_start3A_207 : memref<128x16xf32, #tpu.memory_space<vmem>>) target(%dma_start3A_213 : memref<100096x16xf32, #tpu.memory_space<vmem_shared>>) offsets(%dma_start3A_210 : memref<128xi32, #tpu.memory_space<vmem>>) semaphore(%arg16 : memref<!tpu.dma_semaphore, #tpu.memory_space<semaphore_mem>>) {add = true}
    %dma_wait3A_214 = arith.constant 3 : i32
    %dma_wait3A_215 = arith.constant 3 : i32
    %dma_wait3A_216 = arith.constant 0 : i32
    %dma_wait3A_217 = arith.constant 0 : i32
    %dma_wait3A_218 = tpu.memref_slice %arg13[%dma_wait3A_215, %dma_wait3A_216, %dma_wait3A_217] : memref<8x128x16xf32, #tpu.memory_space<vmem>> -> memref<1x128x16xf32, #tpu.memory_space<vmem>>
    %dma_wait3A_219 = tpu.memref_squeeze %dma_wait3A_218 : memref<1x128x16xf32, #tpu.memory_space<vmem>> -> memref<128x16xf32, #tpu.memory_space<vmem>>
    %dma_wait3A_220 = arith.constant 0 : i32
    %dma_wait3A_221 = tpu.memref_slice %arg11[%dma_wait3A_214, %dma_wait3A_220] : memref<16x128xi32, #tpu.memory_space<vmem>> -> memref<1x128xi32, #tpu.memory_space<vmem>>
    %dma_wait3A_222 = tpu.memref_squeeze %dma_wait3A_221 : memref<1x128xi32, #tpu.memory_space<vmem>> -> memref<128xi32, #tpu.memory_space<vmem>>
    %dma_wait3A_223 = arith.constant 0 : i32
    %dma_wait3A_224 = arith.constant 0 : i32
    %dma_wait3A_225 = tpu.memref_slice %arg4[%dma_wait3A_223, %dma_wait3A_224] : memref<100000x16xf32, #tpu.memory_space<hbm>> -> memref<100000x16xf32, #tpu.memory_space<hbm>>
    tpu.wait_indirect_dma semaphore(%arg15 : memref<!tpu.dma_semaphore, #tpu.memory_space<semaphore_mem>>) src(%dma_wait3A_225 : memref<100000x16xf32, #tpu.memory_space<hbm>>) dst(%dma_wait3A_219 : memref<128x16xf32, #tpu.memory_space<vmem>>)
    %dma_start3A_226 = arith.constant 3 : i32
    %dma_start3A_227 = arith.constant 11 : i32
    %dma_start3A_228 = arith.constant 0 : i32
    %dma_start3A_229 = arith.constant 0 : i32
    %dma_start3A_230 = tpu.memref_slice %arg13[%dma_start3A_226, %dma_start3A_228, %dma_start3A_229] : memref<8x128x16xf32, #tpu.memory_space<vmem>> -> memref<1x128x16xf32, #tpu.memory_space<vmem>>
    %dma_start3A_231 = tpu.memref_squeeze %dma_start3A_230 : memref<1x128x16xf32, #tpu.memory_space<vmem>> -> memref<128x16xf32, #tpu.memory_space<vmem>>
    %dma_start3A_232 = arith.constant 0 : i32
    %dma_start3A_233 = tpu.memref_slice %arg11[%dma_start3A_227, %dma_start3A_232] : memref<16x128xi32, #tpu.memory_space<vmem>> -> memref<1x128xi32, #tpu.memory_space<vmem>>
    %dma_start3A_234 = tpu.memref_squeeze %dma_start3A_233 : memref<1x128xi32, #tpu.memory_space<vmem>> -> memref<128xi32, #tpu.memory_space<vmem>>
    %dma_start3A_235 = arith.constant 0 : i32
    %dma_start3A_236 = arith.constant 0 : i32
    %dma_start3A_237 = tpu.memref_slice %arg14[%dma_start3A_235, %dma_start3A_236] : memref<100096x16xf32, #tpu.memory_space<vmem_shared>> -> memref<100096x16xf32, #tpu.memory_space<vmem_shared>>
    tpu.enqueue_indirect_dma source(%dma_start3A_231 : memref<128x16xf32, #tpu.memory_space<vmem>>) target(%dma_start3A_237 : memref<100096x16xf32, #tpu.memory_space<vmem_shared>>) offsets(%dma_start3A_234 : memref<128xi32, #tpu.memory_space<vmem>>) semaphore(%arg16 : memref<!tpu.dma_semaphore, #tpu.memory_space<semaphore_mem>>) {add = true}
    %dma_wait3A_238 = arith.constant 4 : i32
    %dma_wait3A_239 = arith.constant 4 : i32
    %dma_wait3A_240 = arith.constant 0 : i32
    %dma_wait3A_241 = arith.constant 0 : i32
    %dma_wait3A_242 = tpu.memref_slice %arg13[%dma_wait3A_239, %dma_wait3A_240, %dma_wait3A_241] : memref<8x128x16xf32, #tpu.memory_space<vmem>> -> memref<1x128x16xf32, #tpu.memory_space<vmem>>
    %dma_wait3A_243 = tpu.memref_squeeze %dma_wait3A_242 : memref<1x128x16xf32, #tpu.memory_space<vmem>> -> memref<128x16xf32, #tpu.memory_space<vmem>>
    %dma_wait3A_244 = arith.constant 0 : i32
    %dma_wait3A_245 = tpu.memref_slice %arg11[%dma_wait3A_238, %dma_wait3A_244] : memref<16x128xi32, #tpu.memory_space<vmem>> -> memref<1x128xi32, #tpu.memory_space<vmem>>
    %dma_wait3A_246 = tpu.memref_squeeze %dma_wait3A_245 : memref<1x128xi32, #tpu.memory_space<vmem>> -> memref<128xi32, #tpu.memory_space<vmem>>
    %dma_wait3A_247 = arith.constant 0 : i32
    %dma_wait3A_248 = arith.constant 0 : i32
    %dma_wait3A_249 = tpu.memref_slice %arg4[%dma_wait3A_247, %dma_wait3A_248] : memref<100000x16xf32, #tpu.memory_space<hbm>> -> memref<100000x16xf32, #tpu.memory_space<hbm>>
    tpu.wait_indirect_dma semaphore(%arg15 : memref<!tpu.dma_semaphore, #tpu.memory_space<semaphore_mem>>) src(%dma_wait3A_249 : memref<100000x16xf32, #tpu.memory_space<hbm>>) dst(%dma_wait3A_243 : memref<128x16xf32, #tpu.memory_space<vmem>>)
    %dma_start3A_250 = arith.constant 4 : i32
    %dma_start3A_251 = arith.constant 12 : i32
    %dma_start3A_252 = arith.constant 0 : i32
    %dma_start3A_253 = arith.constant 0 : i32
    %dma_start3A_254 = tpu.memref_slice %arg13[%dma_start3A_250, %dma_start3A_252, %dma_start3A_253] : memref<8x128x16xf32, #tpu.memory_space<vmem>> -> memref<1x128x16xf32, #tpu.memory_space<vmem>>
    %dma_start3A_255 = tpu.memref_squeeze %dma_start3A_254 : memref<1x128x16xf32, #tpu.memory_space<vmem>> -> memref<128x16xf32, #tpu.memory_space<vmem>>
    %dma_start3A_256 = arith.constant 0 : i32
    %dma_start3A_257 = tpu.memref_slice %arg11[%dma_start3A_251, %dma_start3A_256] : memref<16x128xi32, #tpu.memory_space<vmem>> -> memref<1x128xi32, #tpu.memory_space<vmem>>
    %dma_start3A_258 = tpu.memref_squeeze %dma_start3A_257 : memref<1x128xi32, #tpu.memory_space<vmem>> -> memref<128xi32, #tpu.memory_space<vmem>>
    %dma_start3A_259 = arith.constant 0 : i32
    %dma_start3A_260 = arith.constant 0 : i32
    %dma_start3A_261 = tpu.memref_slice %arg14[%dma_start3A_259, %dma_start3A_260] : memref<100096x16xf32, #tpu.memory_space<vmem_shared>> -> memref<100096x16xf32, #tpu.memory_space<vmem_shared>>
    tpu.enqueue_indirect_dma source(%dma_start3A_255 : memref<128x16xf32, #tpu.memory_space<vmem>>) target(%dma_start3A_261 : memref<100096x16xf32, #tpu.memory_space<vmem_shared>>) offsets(%dma_start3A_258 : memref<128xi32, #tpu.memory_space<vmem>>) semaphore(%arg16 : memref<!tpu.dma_semaphore, #tpu.memory_space<semaphore_mem>>) {add = true}
    %dma_wait3A_262 = arith.constant 5 : i32
    %dma_wait3A_263 = arith.constant 5 : i32
    %dma_wait3A_264 = arith.constant 0 : i32
    %dma_wait3A_265 = arith.constant 0 : i32
    %dma_wait3A_266 = tpu.memref_slice %arg13[%dma_wait3A_263, %dma_wait3A_264, %dma_wait3A_265] : memref<8x128x16xf32, #tpu.memory_space<vmem>> -> memref<1x128x16xf32, #tpu.memory_space<vmem>>
    %dma_wait3A_267 = tpu.memref_squeeze %dma_wait3A_266 : memref<1x128x16xf32, #tpu.memory_space<vmem>> -> memref<128x16xf32, #tpu.memory_space<vmem>>
    %dma_wait3A_268 = arith.constant 0 : i32
    %dma_wait3A_269 = tpu.memref_slice %arg11[%dma_wait3A_262, %dma_wait3A_268] : memref<16x128xi32, #tpu.memory_space<vmem>> -> memref<1x128xi32, #tpu.memory_space<vmem>>
    %dma_wait3A_270 = tpu.memref_squeeze %dma_wait3A_269 : memref<1x128xi32, #tpu.memory_space<vmem>> -> memref<128xi32, #tpu.memory_space<vmem>>
    %dma_wait3A_271 = arith.constant 0 : i32
    %dma_wait3A_272 = arith.constant 0 : i32
    %dma_wait3A_273 = tpu.memref_slice %arg4[%dma_wait3A_271, %dma_wait3A_272] : memref<100000x16xf32, #tpu.memory_space<hbm>> -> memref<100000x16xf32, #tpu.memory_space<hbm>>
    tpu.wait_indirect_dma semaphore(%arg15 : memref<!tpu.dma_semaphore, #tpu.memory_space<semaphore_mem>>) src(%dma_wait3A_273 : memref<100000x16xf32, #tpu.memory_space<hbm>>) dst(%dma_wait3A_267 : memref<128x16xf32, #tpu.memory_space<vmem>>)
    %dma_start3A_274 = arith.constant 5 : i32
    %dma_start3A_275 = arith.constant 13 : i32
    %dma_start3A_276 = arith.constant 0 : i32
    %dma_start3A_277 = arith.constant 0 : i32
    %dma_start3A_278 = tpu.memref_slice %arg13[%dma_start3A_274, %dma_start3A_276, %dma_start3A_277] : memref<8x128x16xf32, #tpu.memory_space<vmem>> -> memref<1x128x16xf32, #tpu.memory_space<vmem>>
    %dma_start3A_279 = tpu.memref_squeeze %dma_start3A_278 : memref<1x128x16xf32, #tpu.memory_space<vmem>> -> memref<128x16xf32, #tpu.memory_space<vmem>>
    %dma_start3A_280 = arith.constant 0 : i32
    %dma_start3A_281 = tpu.memref_slice %arg11[%dma_start3A_275, %dma_start3A_280] : memref<16x128xi32, #tpu.memory_space<vmem>> -> memref<1x128xi32, #tpu.memory_space<vmem>>
    %dma_start3A_282 = tpu.memref_squeeze %dma_start3A_281 : memref<1x128xi32, #tpu.memory_space<vmem>> -> memref<128xi32, #tpu.memory_space<vmem>>
    %dma_start3A_283 = arith.constant 0 : i32
    %dma_start3A_284 = arith.constant 0 : i32
    %dma_start3A_285 = tpu.memref_slice %arg14[%dma_start3A_283, %dma_start3A_284] : memref<100096x16xf32, #tpu.memory_space<vmem_shared>> -> memref<100096x16xf32, #tpu.memory_space<vmem_shared>>
    tpu.enqueue_indirect_dma source(%dma_start3A_279 : memref<128x16xf32, #tpu.memory_space<vmem>>) target(%dma_start3A_285 : memref<100096x16xf32, #tpu.memory_space<vmem_shared>>) offsets(%dma_start3A_282 : memref<128xi32, #tpu.memory_space<vmem>>) semaphore(%arg16 : memref<!tpu.dma_semaphore, #tpu.memory_space<semaphore_mem>>) {add = true}
    %dma_wait3A_286 = arith.constant 6 : i32
    %dma_wait3A_287 = arith.constant 6 : i32
    %dma_wait3A_288 = arith.constant 0 : i32
    %dma_wait3A_289 = arith.constant 0 : i32
    %dma_wait3A_290 = tpu.memref_slice %arg13[%dma_wait3A_287, %dma_wait3A_288, %dma_wait3A_289] : memref<8x128x16xf32, #tpu.memory_space<vmem>> -> memref<1x128x16xf32, #tpu.memory_space<vmem>>
    %dma_wait3A_291 = tpu.memref_squeeze %dma_wait3A_290 : memref<1x128x16xf32, #tpu.memory_space<vmem>> -> memref<128x16xf32, #tpu.memory_space<vmem>>
    %dma_wait3A_292 = arith.constant 0 : i32
    %dma_wait3A_293 = tpu.memref_slice %arg11[%dma_wait3A_286, %dma_wait3A_292] : memref<16x128xi32, #tpu.memory_space<vmem>> -> memref<1x128xi32, #tpu.memory_space<vmem>>
    %dma_wait3A_294 = tpu.memref_squeeze %dma_wait3A_293 : memref<1x128xi32, #tpu.memory_space<vmem>> -> memref<128xi32, #tpu.memory_space<vmem>>
    %dma_wait3A_295 = arith.constant 0 : i32
    %dma_wait3A_296 = arith.constant 0 : i32
    %dma_wait3A_297 = tpu.memref_slice %arg4[%dma_wait3A_295, %dma_wait3A_296] : memref<100000x16xf32, #tpu.memory_space<hbm>> -> memref<100000x16xf32, #tpu.memory_space<hbm>>
    tpu.wait_indirect_dma semaphore(%arg15 : memref<!tpu.dma_semaphore, #tpu.memory_space<semaphore_mem>>) src(%dma_wait3A_297 : memref<100000x16xf32, #tpu.memory_space<hbm>>) dst(%dma_wait3A_291 : memref<128x16xf32, #tpu.memory_space<vmem>>)
    %dma_start3A_298 = arith.constant 6 : i32
    %dma_start3A_299 = arith.constant 14 : i32
    %dma_start3A_300 = arith.constant 0 : i32
    %dma_start3A_301 = arith.constant 0 : i32
    %dma_start3A_302 = tpu.memref_slice %arg13[%dma_start3A_298, %dma_start3A_300, %dma_start3A_301] : memref<8x128x16xf32, #tpu.memory_space<vmem>> -> memref<1x128x16xf32, #tpu.memory_space<vmem>>
    %dma_start3A_303 = tpu.memref_squeeze %dma_start3A_302 : memref<1x128x16xf32, #tpu.memory_space<vmem>> -> memref<128x16xf32, #tpu.memory_space<vmem>>
    %dma_start3A_304 = arith.constant 0 : i32
    %dma_start3A_305 = tpu.memref_slice %arg11[%dma_start3A_299, %dma_start3A_304] : memref<16x128xi32, #tpu.memory_space<vmem>> -> memref<1x128xi32, #tpu.memory_space<vmem>>
    %dma_start3A_306 = tpu.memref_squeeze %dma_start3A_305 : memref<1x128xi32, #tpu.memory_space<vmem>> -> memref<128xi32, #tpu.memory_space<vmem>>
    %dma_start3A_307 = arith.constant 0 : i32
    %dma_start3A_308 = arith.constant 0 : i32
    %dma_start3A_309 = tpu.memref_slice %arg14[%dma_start3A_307, %dma_start3A_308] : memref<100096x16xf32, #tpu.memory_space<vmem_shared>> -> memref<100096x16xf32, #tpu.memory_space<vmem_shared>>
    tpu.enqueue_indirect_dma source(%dma_start3A_303 : memref<128x16xf32, #tpu.memory_space<vmem>>) target(%dma_start3A_309 : memref<100096x16xf32, #tpu.memory_space<vmem_shared>>) offsets(%dma_start3A_306 : memref<128xi32, #tpu.memory_space<vmem>>) semaphore(%arg16 : memref<!tpu.dma_semaphore, #tpu.memory_space<semaphore_mem>>) {add = true}
    %dma_wait3A_310 = arith.constant 7 : i32
    %dma_wait3A_311 = arith.constant 7 : i32
    %dma_wait3A_312 = arith.constant 0 : i32
    %dma_wait3A_313 = arith.constant 0 : i32
    %dma_wait3A_314 = tpu.memref_slice %arg13[%dma_wait3A_311, %dma_wait3A_312, %dma_wait3A_313] : memref<8x128x16xf32, #tpu.memory_space<vmem>> -> memref<1x128x16xf32, #tpu.memory_space<vmem>>
    %dma_wait3A_315 = tpu.memref_squeeze %dma_wait3A_314 : memref<1x128x16xf32, #tpu.memory_space<vmem>> -> memref<128x16xf32, #tpu.memory_space<vmem>>
    %dma_wait3A_316 = arith.constant 0 : i32
    %dma_wait3A_317 = tpu.memref_slice %arg11[%dma_wait3A_310, %dma_wait3A_316] : memref<16x128xi32, #tpu.memory_space<vmem>> -> memref<1x128xi32, #tpu.memory_space<vmem>>
    %dma_wait3A_318 = tpu.memref_squeeze %dma_wait3A_317 : memref<1x128xi32, #tpu.memory_space<vmem>> -> memref<128xi32, #tpu.memory_space<vmem>>
    %dma_wait3A_319 = arith.constant 0 : i32
    %dma_wait3A_320 = arith.constant 0 : i32
    %dma_wait3A_321 = tpu.memref_slice %arg4[%dma_wait3A_319, %dma_wait3A_320] : memref<100000x16xf32, #tpu.memory_space<hbm>> -> memref<100000x16xf32, #tpu.memory_space<hbm>>
    tpu.wait_indirect_dma semaphore(%arg15 : memref<!tpu.dma_semaphore, #tpu.memory_space<semaphore_mem>>) src(%dma_wait3A_321 : memref<100000x16xf32, #tpu.memory_space<hbm>>) dst(%dma_wait3A_315 : memref<128x16xf32, #tpu.memory_space<vmem>>)
    %dma_start3A_322 = arith.constant 7 : i32
    %dma_start3A_323 = arith.constant 15 : i32
    %dma_start3A_324 = arith.constant 0 : i32
    %dma_start3A_325 = arith.constant 0 : i32
    %dma_start3A_326 = tpu.memref_slice %arg13[%dma_start3A_322, %dma_start3A_324, %dma_start3A_325] : memref<8x128x16xf32, #tpu.memory_space<vmem>> -> memref<1x128x16xf32, #tpu.memory_space<vmem>>
    %dma_start3A_327 = tpu.memref_squeeze %dma_start3A_326 : memref<1x128x16xf32, #tpu.memory_space<vmem>> -> memref<128x16xf32, #tpu.memory_space<vmem>>
    %dma_start3A_328 = arith.constant 0 : i32
    %dma_start3A_329 = tpu.memref_slice %arg11[%dma_start3A_323, %dma_start3A_328] : memref<16x128xi32, #tpu.memory_space<vmem>> -> memref<1x128xi32, #tpu.memory_space<vmem>>
    %dma_start3A_330 = tpu.memref_squeeze %dma_start3A_329 : memref<1x128xi32, #tpu.memory_space<vmem>> -> memref<128xi32, #tpu.memory_space<vmem>>
    %dma_start3A_331 = arith.constant 0 : i32
    %dma_start3A_332 = arith.constant 0 : i32
    %dma_start3A_333 = tpu.memref_slice %arg14[%dma_start3A_331, %dma_start3A_332] : memref<100096x16xf32, #tpu.memory_space<vmem_shared>> -> memref<100096x16xf32, #tpu.memory_space<vmem_shared>>
    tpu.enqueue_indirect_dma source(%dma_start3A_327 : memref<128x16xf32, #tpu.memory_space<vmem>>) target(%dma_start3A_333 : memref<100096x16xf32, #tpu.memory_space<vmem_shared>>) offsets(%dma_start3A_330 : memref<128xi32, #tpu.memory_space<vmem>>) semaphore(%arg16 : memref<!tpu.dma_semaphore, #tpu.memory_space<semaphore_mem>>) {add = true}
    %dma_wait3A_334 = arith.constant 0 : i32
    %dma_wait3A_335 = arith.constant 8 : i32
    %dma_wait3A_336 = arith.constant 0 : i32
    %dma_wait3A_337 = arith.constant 0 : i32
    %dma_wait3A_338 = tpu.memref_slice %arg13[%dma_wait3A_334, %dma_wait3A_336, %dma_wait3A_337] : memref<8x128x16xf32, #tpu.memory_space<vmem>> -> memref<1x128x16xf32, #tpu.memory_space<vmem>>
    %dma_wait3A_339 = tpu.memref_squeeze %dma_wait3A_338 : memref<1x128x16xf32, #tpu.memory_space<vmem>> -> memref<128x16xf32, #tpu.memory_space<vmem>>
    %dma_wait3A_340 = arith.constant 0 : i32
    %dma_wait3A_341 = tpu.memref_slice %arg11[%dma_wait3A_335, %dma_wait3A_340] : memref<16x128xi32, #tpu.memory_space<vmem>> -> memref<1x128xi32, #tpu.memory_space<vmem>>
    %dma_wait3A_342 = tpu.memref_squeeze %dma_wait3A_341 : memref<1x128xi32, #tpu.memory_space<vmem>> -> memref<128xi32, #tpu.memory_space<vmem>>
    %dma_wait3A_343 = arith.constant 0 : i32
    %dma_wait3A_344 = arith.constant 0 : i32
    %dma_wait3A_345 = tpu.memref_slice %arg14[%dma_wait3A_343, %dma_wait3A_344] : memref<100096x16xf32, #tpu.memory_space<vmem_shared>> -> memref<100096x16xf32, #tpu.memory_space<vmem_shared>>
    tpu.wait_indirect_dma semaphore(%arg16 : memref<!tpu.dma_semaphore, #tpu.memory_space<semaphore_mem>>) src(%dma_wait3A_339 : memref<128x16xf32, #tpu.memory_space<vmem>>) dst(%dma_wait3A_345 : memref<100096x16xf32, #tpu.memory_space<vmem_shared>>)
    %dma_wait3A_346 = arith.constant 1 : i32
    %dma_wait3A_347 = arith.constant 9 : i32
    %dma_wait3A_348 = arith.constant 0 : i32
    %dma_wait3A_349 = arith.constant 0 : i32
    %dma_wait3A_350 = tpu.memref_slice %arg13[%dma_wait3A_346, %dma_wait3A_348, %dma_wait3A_349] : memref<8x128x16xf32, #tpu.memory_space<vmem>> -> memref<1x128x16xf32, #tpu.memory_space<vmem>>
    %dma_wait3A_351 = tpu.memref_squeeze %dma_wait3A_350 : memref<1x128x16xf32, #tpu.memory_space<vmem>> -> memref<128x16xf32, #tpu.memory_space<vmem>>
    %dma_wait3A_352 = arith.constant 0 : i32
    %dma_wait3A_353 = tpu.memref_slice %arg11[%dma_wait3A_347, %dma_wait3A_352] : memref<16x128xi32, #tpu.memory_space<vmem>> -> memref<1x128xi32, #tpu.memory_space<vmem>>
    %dma_wait3A_354 = tpu.memref_squeeze %dma_wait3A_353 : memref<1x128xi32, #tpu.memory_space<vmem>> -> memref<128xi32, #tpu.memory_space<vmem>>
    %dma_wait3A_355 = arith.constant 0 : i32
    %dma_wait3A_356 = arith.constant 0 : i32
    %dma_wait3A_357 = tpu.memref_slice %arg14[%dma_wait3A_355, %dma_wait3A_356] : memref<100096x16xf32, #tpu.memory_space<vmem_shared>> -> memref<100096x16xf32, #tpu.memory_space<vmem_shared>>
    tpu.wait_indirect_dma semaphore(%arg16 : memref<!tpu.dma_semaphore, #tpu.memory_space<semaphore_mem>>) src(%dma_wait3A_351 : memref<128x16xf32, #tpu.memory_space<vmem>>) dst(%dma_wait3A_357 : memref<100096x16xf32, #tpu.memory_space<vmem_shared>>)
    %dma_wait3A_358 = arith.constant 2 : i32
    %dma_wait3A_359 = arith.constant 10 : i32
    %dma_wait3A_360 = arith.constant 0 : i32
    %dma_wait3A_361 = arith.constant 0 : i32
    %dma_wait3A_362 = tpu.memref_slice %arg13[%dma_wait3A_358, %dma_wait3A_360, %dma_wait3A_361] : memref<8x128x16xf32, #tpu.memory_space<vmem>> -> memref<1x128x16xf32, #tpu.memory_space<vmem>>
    %dma_wait3A_363 = tpu.memref_squeeze %dma_wait3A_362 : memref<1x128x16xf32, #tpu.memory_space<vmem>> -> memref<128x16xf32, #tpu.memory_space<vmem>>
    %dma_wait3A_364 = arith.constant 0 : i32
    %dma_wait3A_365 = tpu.memref_slice %arg11[%dma_wait3A_359, %dma_wait3A_364] : memref<16x128xi32, #tpu.memory_space<vmem>> -> memref<1x128xi32, #tpu.memory_space<vmem>>
    %dma_wait3A_366 = tpu.memref_squeeze %dma_wait3A_365 : memref<1x128xi32, #tpu.memory_space<vmem>> -> memref<128xi32, #tpu.memory_space<vmem>>
    %dma_wait3A_367 = arith.constant 0 : i32
    %dma_wait3A_368 = arith.constant 0 : i32
    %dma_wait3A_369 = tpu.memref_slice %arg14[%dma_wait3A_367, %dma_wait3A_368] : memref<100096x16xf32, #tpu.memory_space<vmem_shared>> -> memref<100096x16xf32, #tpu.memory_space<vmem_shared>>
    tpu.wait_indirect_dma semaphore(%arg16 : memref<!tpu.dma_semaphore, #tpu.memory_space<semaphore_mem>>) src(%dma_wait3A_363 : memref<128x16xf32, #tpu.memory_space<vmem>>) dst(%dma_wait3A_369 : memref<100096x16xf32, #tpu.memory_space<vmem_shared>>)
    %dma_wait3A_370 = arith.constant 3 : i32
    %dma_wait3A_371 = arith.constant 11 : i32
    %dma_wait3A_372 = arith.constant 0 : i32
    %dma_wait3A_373 = arith.constant 0 : i32
    %dma_wait3A_374 = tpu.memref_slice %arg13[%dma_wait3A_370, %dma_wait3A_372, %dma_wait3A_373] : memref<8x128x16xf32, #tpu.memory_space<vmem>> -> memref<1x128x16xf32, #tpu.memory_space<vmem>>
    %dma_wait3A_375 = tpu.memref_squeeze %dma_wait3A_374 : memref<1x128x16xf32, #tpu.memory_space<vmem>> -> memref<128x16xf32, #tpu.memory_space<vmem>>
    %dma_wait3A_376 = arith.constant 0 : i32
    %dma_wait3A_377 = tpu.memref_slice %arg11[%dma_wait3A_371, %dma_wait3A_376] : memref<16x128xi32, #tpu.memory_space<vmem>> -> memref<1x128xi32, #tpu.memory_space<vmem>>
    %dma_wait3A_378 = tpu.memref_squeeze %dma_wait3A_377 : memref<1x128xi32, #tpu.memory_space<vmem>> -> memref<128xi32, #tpu.memory_space<vmem>>
    %dma_wait3A_379 = arith.constant 0 : i32
    %dma_wait3A_380 = arith.constant 0 : i32
    %dma_wait3A_381 = tpu.memref_slice %arg14[%dma_wait3A_379, %dma_wait3A_380] : memref<100096x16xf32, #tpu.memory_space<vmem_shared>> -> memref<100096x16xf32, #tpu.memory_space<vmem_shared>>
    tpu.wait_indirect_dma semaphore(%arg16 : memref<!tpu.dma_semaphore, #tpu.memory_space<semaphore_mem>>) src(%dma_wait3A_375 : memref<128x16xf32, #tpu.memory_space<vmem>>) dst(%dma_wait3A_381 : memref<100096x16xf32, #tpu.memory_space<vmem_shared>>)
    %dma_wait3A_382 = arith.constant 4 : i32
    %dma_wait3A_383 = arith.constant 12 : i32
    %dma_wait3A_384 = arith.constant 0 : i32
    %dma_wait3A_385 = arith.constant 0 : i32
    %dma_wait3A_386 = tpu.memref_slice %arg13[%dma_wait3A_382, %dma_wait3A_384, %dma_wait3A_385] : memref<8x128x16xf32, #tpu.memory_space<vmem>> -> memref<1x128x16xf32, #tpu.memory_space<vmem>>
    %dma_wait3A_387 = tpu.memref_squeeze %dma_wait3A_386 : memref<1x128x16xf32, #tpu.memory_space<vmem>> -> memref<128x16xf32, #tpu.memory_space<vmem>>
    %dma_wait3A_388 = arith.constant 0 : i32
    %dma_wait3A_389 = tpu.memref_slice %arg11[%dma_wait3A_383, %dma_wait3A_388] : memref<16x128xi32, #tpu.memory_space<vmem>> -> memref<1x128xi32, #tpu.memory_space<vmem>>
    %dma_wait3A_390 = tpu.memref_squeeze %dma_wait3A_389 : memref<1x128xi32, #tpu.memory_space<vmem>> -> memref<128xi32, #tpu.memory_space<vmem>>
    %dma_wait3A_391 = arith.constant 0 : i32
    %dma_wait3A_392 = arith.constant 0 : i32
    %dma_wait3A_393 = tpu.memref_slice %arg14[%dma_wait3A_391, %dma_wait3A_392] : memref<100096x16xf32, #tpu.memory_space<vmem_shared>> -> memref<100096x16xf32, #tpu.memory_space<vmem_shared>>
    tpu.wait_indirect_dma semaphore(%arg16 : memref<!tpu.dma_semaphore, #tpu.memory_space<semaphore_mem>>) src(%dma_wait3A_387 : memref<128x16xf32, #tpu.memory_space<vmem>>) dst(%dma_wait3A_393 : memref<100096x16xf32, #tpu.memory_space<vmem_shared>>)
    %dma_wait3A_394 = arith.constant 5 : i32
    %dma_wait3A_395 = arith.constant 13 : i32
    %dma_wait3A_396 = arith.constant 0 : i32
    %dma_wait3A_397 = arith.constant 0 : i32
    %dma_wait3A_398 = tpu.memref_slice %arg13[%dma_wait3A_394, %dma_wait3A_396, %dma_wait3A_397] : memref<8x128x16xf32, #tpu.memory_space<vmem>> -> memref<1x128x16xf32, #tpu.memory_space<vmem>>
    %dma_wait3A_399 = tpu.memref_squeeze %dma_wait3A_398 : memref<1x128x16xf32, #tpu.memory_space<vmem>> -> memref<128x16xf32, #tpu.memory_space<vmem>>
    %dma_wait3A_400 = arith.constant 0 : i32
    %dma_wait3A_401 = tpu.memref_slice %arg11[%dma_wait3A_395, %dma_wait3A_400] : memref<16x128xi32, #tpu.memory_space<vmem>> -> memref<1x128xi32, #tpu.memory_space<vmem>>
    %dma_wait3A_402 = tpu.memref_squeeze %dma_wait3A_401 : memref<1x128xi32, #tpu.memory_space<vmem>> -> memref<128xi32, #tpu.memory_space<vmem>>
    %dma_wait3A_403 = arith.constant 0 : i32
    %dma_wait3A_404 = arith.constant 0 : i32
    %dma_wait3A_405 = tpu.memref_slice %arg14[%dma_wait3A_403, %dma_wait3A_404] : memref<100096x16xf32, #tpu.memory_space<vmem_shared>> -> memref<100096x16xf32, #tpu.memory_space<vmem_shared>>
    tpu.wait_indirect_dma semaphore(%arg16 : memref<!tpu.dma_semaphore, #tpu.memory_space<semaphore_mem>>) src(%dma_wait3A_399 : memref<128x16xf32, #tpu.memory_space<vmem>>) dst(%dma_wait3A_405 : memref<100096x16xf32, #tpu.memory_space<vmem_shared>>)
    %dma_wait3A_406 = arith.constant 6 : i32
    %dma_wait3A_407 = arith.constant 14 : i32
    %dma_wait3A_408 = arith.constant 0 : i32
    %dma_wait3A_409 = arith.constant 0 : i32
    %dma_wait3A_410 = tpu.memref_slice %arg13[%dma_wait3A_406, %dma_wait3A_408, %dma_wait3A_409] : memref<8x128x16xf32, #tpu.memory_space<vmem>> -> memref<1x128x16xf32, #tpu.memory_space<vmem>>
    %dma_wait3A_411 = tpu.memref_squeeze %dma_wait3A_410 : memref<1x128x16xf32, #tpu.memory_space<vmem>> -> memref<128x16xf32, #tpu.memory_space<vmem>>
    %dma_wait3A_412 = arith.constant 0 : i32
    %dma_wait3A_413 = tpu.memref_slice %arg11[%dma_wait3A_407, %dma_wait3A_412] : memref<16x128xi32, #tpu.memory_space<vmem>> -> memref<1x128xi32, #tpu.memory_space<vmem>>
    %dma_wait3A_414 = tpu.memref_squeeze %dma_wait3A_413 : memref<1x128xi32, #tpu.memory_space<vmem>> -> memref<128xi32, #tpu.memory_space<vmem>>
    %dma_wait3A_415 = arith.constant 0 : i32
    %dma_wait3A_416 = arith.constant 0 : i32
    %dma_wait3A_417 = tpu.memref_slice %arg14[%dma_wait3A_415, %dma_wait3A_416] : memref<100096x16xf32, #tpu.memory_space<vmem_shared>> -> memref<100096x16xf32, #tpu.memory_space<vmem_shared>>
    tpu.wait_indirect_dma semaphore(%arg16 : memref<!tpu.dma_semaphore, #tpu.memory_space<semaphore_mem>>) src(%dma_wait3A_411 : memref<128x16xf32, #tpu.memory_space<vmem>>) dst(%dma_wait3A_417 : memref<100096x16xf32, #tpu.memory_space<vmem_shared>>)
    %dma_wait3A_418 = arith.constant 7 : i32
    %dma_wait3A_419 = arith.constant 15 : i32
    %dma_wait3A_420 = arith.constant 0 : i32
    %dma_wait3A_421 = arith.constant 0 : i32
    %dma_wait3A_422 = tpu.memref_slice %arg13[%dma_wait3A_418, %dma_wait3A_420, %dma_wait3A_421] : memref<8x128x16xf32, #tpu.memory_space<vmem>> -> memref<1x128x16xf32, #tpu.memory_space<vmem>>
    %dma_wait3A_423 = tpu.memref_squeeze %dma_wait3A_422 : memref<1x128x16xf32, #tpu.memory_space<vmem>> -> memref<128x16xf32, #tpu.memory_space<vmem>>
    %dma_wait3A_424 = arith.constant 0 : i32
    %dma_wait3A_425 = tpu.memref_slice %arg11[%dma_wait3A_419, %dma_wait3A_424] : memref<16x128xi32, #tpu.memory_space<vmem>> -> memref<1x128xi32, #tpu.memory_space<vmem>>
    %dma_wait3A_426 = tpu.memref_squeeze %dma_wait3A_425 : memref<1x128xi32, #tpu.memory_space<vmem>> -> memref<128xi32, #tpu.memory_space<vmem>>
    %dma_wait3A_427 = arith.constant 0 : i32
    %dma_wait3A_428 = arith.constant 0 : i32
    %dma_wait3A_429 = tpu.memref_slice %arg14[%dma_wait3A_427, %dma_wait3A_428] : memref<100096x16xf32, #tpu.memory_space<vmem_shared>> -> memref<100096x16xf32, #tpu.memory_space<vmem_shared>>
    tpu.wait_indirect_dma semaphore(%arg16 : memref<!tpu.dma_semaphore, #tpu.memory_space<semaphore_mem>>) src(%dma_wait3A_423 : memref<128x16xf32, #tpu.memory_space<vmem>>) dst(%dma_wait3A_429 : memref<100096x16xf32, #tpu.memory_space<vmem_shared>>)
    %barrier3A_430 = arith.constant 0 : index
    tpu.barrier barrier_id(%barrier3A_430)
    %eq3A_431 = arith.constant 0 : i32
    %eq3A_432 = arith.cmpi eq, %arg0, %eq3A_431 : i32
    %convert_element_type3A_433 = arith.extui %eq3A_432 : i1 to i32
    %cond3A_434 = arith.constant 0 : i32
    %cond3A_435 = arith.cmpi ne, %convert_element_type3A_433, %cond3A_434 : i32
    scf.if %cond3A_435 {
      %mul3A_441 = arith.constant 6256 : i32
      %mul3A_442 = arith.muli %arg1, %mul3A_441 : i32
      %mul3A_443 = arith.constant 6256 : i32
      %mul3A_444 = arith.muli %arg1, %mul3A_443 : i32
      "tpu.region"() ({
        %run_scoped3A = tpu.sem_alloc : memref<!tpu.dma_semaphore, #tpu.memory_space<semaphore_mem>>
        %dma_start3A_445 = arith.constant 0 : i32
        %dma_start3A_446 = tpu.memref_slice %arg9[%mul3A_444, %dma_start3A_445] : memref<100096x16xf32, #tpu.memory_space<hbm>> -> memref<6256x16xf32, #tpu.memory_space<hbm>>
        %dma_start3A_447 = arith.constant 0 : i32
        %dma_start3A_448 = tpu.memref_slice %arg14[%mul3A_442, %dma_start3A_447] : memref<100096x16xf32, #tpu.memory_space<vmem_shared>> -> memref<6256x16xf32, #tpu.memory_space<vmem_shared>>
        tpu.enqueue_dma source(%dma_start3A_448 : memref<6256x16xf32, #tpu.memory_space<vmem_shared>>) target(%dma_start3A_446 : memref<6256x16xf32, #tpu.memory_space<hbm>>) target_semaphore(%run_scoped3A : memref<!tpu.dma_semaphore, #tpu.memory_space<semaphore_mem>>)
        %dma_wait3A_449 = arith.constant 0 : i32
        %dma_wait3A_450 = tpu.memref_slice %arg9[%mul3A_444, %dma_wait3A_449] : memref<100096x16xf32, #tpu.memory_space<hbm>> -> memref<6256x16xf32, #tpu.memory_space<hbm>>
        %dma_wait3A_451 = arith.constant 0 : i32
        %dma_wait3A_452 = tpu.memref_slice %arg14[%mul3A_442, %dma_wait3A_451] : memref<100096x16xf32, #tpu.memory_space<vmem_shared>> -> memref<6256x16xf32, #tpu.memory_space<vmem_shared>>
        tpu.wait_dma2 semaphore(%run_scoped3A : memref<!tpu.dma_semaphore, #tpu.memory_space<semaphore_mem>>) src(%dma_wait3A_452 : memref<6256x16xf32, #tpu.memory_space<vmem_shared>>) dst(%dma_wait3A_450 : memref<6256x16xf32, #tpu.memory_space<hbm>>)
        tpu.yield
      }) : () -> ()
    } else {
    }
    %eq3A_436 = arith.constant 1 : i32
    %eq3A_437 = arith.cmpi eq, %arg0, %eq3A_436 : i32
    %convert_element_type3A_438 = arith.extui %eq3A_437 : i1 to i32
    %cond3A_439 = arith.constant 0 : i32
    %cond3A_440 = arith.cmpi ne, %convert_element_type3A_438, %cond3A_439 : i32
    scf.if %cond3A_440 {
      %mul3A_441 = arith.constant 6256 : i32
      %mul3A_442 = arith.muli %arg1, %mul3A_441 : i32
      %mul3A_443 = arith.constant 6256 : i32
      %mul3A_444 = arith.muli %arg1, %mul3A_443 : i32
      "tpu.region"() ({
        %run_scoped3A = tpu.sem_alloc : memref<!tpu.dma_semaphore, #tpu.memory_space<semaphore_mem>>
        %dma_start3A_445 = arith.constant 0 : i32
        %dma_start3A_446 = tpu.memref_slice %arg10[%mul3A_444, %dma_start3A_445] : memref<100096x16xf32, #tpu.memory_space<hbm>> -> memref<6256x16xf32, #tpu.memory_space<hbm>>
        %dma_start3A_447 = arith.constant 0 : i32
        %dma_start3A_448 = tpu.memref_slice %arg14[%mul3A_442, %dma_start3A_447] : memref<100096x16xf32, #tpu.memory_space<vmem_shared>> -> memref<6256x16xf32, #tpu.memory_space<vmem_shared>>
        tpu.enqueue_dma source(%dma_start3A_448 : memref<6256x16xf32, #tpu.memory_space<vmem_shared>>) target(%dma_start3A_446 : memref<6256x16xf32, #tpu.memory_space<hbm>>) target_semaphore(%run_scoped3A : memref<!tpu.dma_semaphore, #tpu.memory_space<semaphore_mem>>)
        %dma_wait3A_449 = arith.constant 0 : i32
        %dma_wait3A_450 = tpu.memref_slice %arg10[%mul3A_444, %dma_wait3A_449] : memref<100096x16xf32, #tpu.memory_space<hbm>> -> memref<6256x16xf32, #tpu.memory_space<hbm>>
        %dma_wait3A_451 = arith.constant 0 : i32
        %dma_wait3A_452 = tpu.memref_slice %arg14[%mul3A_442, %dma_wait3A_451] : memref<100096x16xf32, #tpu.memory_space<vmem_shared>> -> memref<6256x16xf32, #tpu.memory_space<vmem_shared>>
        tpu.wait_dma2 semaphore(%run_scoped3A : memref<!tpu.dma_semaphore, #tpu.memory_space<semaphore_mem>>) src(%dma_wait3A_452 : memref<6256x16xf32, #tpu.memory_space<vmem_shared>>) dst(%dma_wait3A_450 : memref<6256x16xf32, #tpu.memory_space<hbm>>)
        tpu.yield
      }) : () -> ()
    } else {
    }
    return
  }
}

module attributes {stable_mosaic.version = 14 : i64} {
  func.func @_dense_body(%arg0: i32, %arg1: memref<2000x4xf32, #tpu.memory_space<vmem>>, %arg2: memref<2000x32xf32, #tpu.memory_space<vmem>>, %arg3: memref<2000x32xf32, #tpu.memory_space<vmem>>, %arg4: memref<2000x16xf32, #tpu.memory_space<vmem>>, %arg5: memref<2000x16xf32, #tpu.memory_space<vmem>>, %arg6: memref<2000x16xf32, #tpu.memory_space<vmem>>, %arg7: memref<2000x16xf32, #tpu.memory_space<vmem>>, %arg8: memref<100x256xf32, #tpu.memory_space<vmem>>, %arg9: memref<1x128xf32, #tpu.memory_space<vmem>>, %arg10: memref<32x1xf32, #tpu.memory_space<vmem>>, %arg11: memref<1x1xf32, #tpu.memory_space<vmem>>, %arg12: memref<2000x1xf32, #tpu.memory_space<vmem>>, %arg13: memref<2000x32xf32, #tpu.memory_space<vmem>>, %arg14: memref<2000x32xf32, #tpu.memory_space<vmem>>) attributes {dimension_semantics = [#tpu.dimension_semantics<arbitrary>], iteration_bounds = array<i64: 50>, scalar_prefetch = 0 : i64, scratch_operands = 0 : i64, tpu.core_type = #tpu.core_type<tc>, window_params = [{transform_indices = @transform_0, window_bounds = array<i64: 2000, 4>}, {transform_indices = @transform_1, window_bounds = array<i64: 2000, 32>}, {transform_indices = @transform_2, window_bounds = array<i64: 2000, 32>}, {transform_indices = @transform_3, window_bounds = array<i64: 2000, 16>}, {transform_indices = @transform_4, window_bounds = array<i64: 2000, 16>}, {transform_indices = @transform_5, window_bounds = array<i64: 2000, 16>}, {transform_indices = @transform_6, window_bounds = array<i64: 2000, 16>}, {pipeline_mode = #tpu.pipeline_mode<synchronous>, transform_indices = @transform_7, window_bounds = array<i64: 100, 256>}, {pipeline_mode = #tpu.pipeline_mode<synchronous>, transform_indices = @transform_8, window_bounds = array<i64: 1, 128>}, {pipeline_mode = #tpu.pipeline_mode<synchronous>, transform_indices = @transform_9, window_bounds = array<i64: 32, 1>}, {pipeline_mode = #tpu.pipeline_mode<synchronous>, transform_indices = @transform_10, window_bounds = array<i64: 1, 1>}, {transform_indices = @transform_11, window_bounds = array<i64: 2000, 1>}, {transform_indices = @transform_12, window_bounds = array<i64: 2000, 32>}, {transform_indices = @transform_13, window_bounds = array<i64: 2000, 32>}]} {
    %get3A = arith.constant 0 : index
    %get3A_0 = arith.constant 0 : index
    %get3A_1 = vector.load %arg6[%get3A, %get3A_0] : memref<2000x16xf32, #tpu.memory_space<vmem>>, vector<2000x16xf32>
    %get3A_2 = arith.constant 0 : index
    %get3A_3 = arith.constant 0 : index
    %get3A_4 = vector.load %arg7[%get3A_2, %get3A_3] : memref<2000x16xf32, #tpu.memory_space<vmem>>, vector<2000x16xf32>
    %get3A_5 = arith.constant 0 : index
    %get3A_6 = arith.constant 0 : index
    %get3A_7 = vector.load %arg1[%get3A_5, %get3A_6] : memref<2000x4xf32, #tpu.memory_space<vmem>>, vector<2000x4xf32>
    %get3A_8 = arith.constant 0 : index
    %get3A_9 = arith.constant 0 : index
    %get3A_10 = vector.load %arg2[%get3A_8, %get3A_9] : memref<2000x32xf32, #tpu.memory_space<vmem>>, vector<2000x32xf32>
    %get3A_11 = arith.constant 0 : index
    %get3A_12 = arith.constant 0 : index
    %get3A_13 = vector.load %arg4[%get3A_11, %get3A_12] : memref<2000x16xf32, #tpu.memory_space<vmem>>, vector<2000x16xf32>
    %get3A_14 = arith.constant 0 : index
    %get3A_15 = arith.constant 0 : index
    %get3A_16 = vector.load %arg5[%get3A_14, %get3A_15] : memref<2000x16xf32, #tpu.memory_space<vmem>>, vector<2000x16xf32>
    %concatenate3A = tpu.concatenate %get3A_7, %get3A_10, %get3A_13, %get3A_16, %get3A_1, %get3A_4 in 1 : vector<2000x4xf32>, vector<2000x32xf32>, vector<2000x16xf32>, vector<2000x16xf32>, vector<2000x16xf32>, vector<2000x16xf32> -> vector<2000x100xf32>
    %get3A_17 = arith.constant 0 : index
    %get3A_18 = arith.constant 0 : index
    %get3A_19 = vector.load %arg8[%get3A_17, %get3A_18] : memref<100x256xf32, #tpu.memory_space<vmem>>, vector<100x256xf32>
    %dot_general3A = arith.constant dense<0.000000e+00> : vector<2000x256xf32>
    %dot_general3A_20 = tpu.matmul %concatenate3A, %get3A_19, %dot_general3A {dimension_numbers = #tpu.dot_dimension_numbers<[1], [0], [0], [1], [0, 0, 1, 1], [], []>, precision = #tpu.contract_precision<fp32>, transpose_lhs_hint = false} : vector<2000x100xf32>, vector<100x256xf32>, vector<2000x256xf32> -> vector<2000x256xf32>
    %slice3A = vector.extract_strided_slice %get3A_1 {offsets = [0, 4], sizes = [2000, 1], strides = [1, 1]} : vector<2000x16xf32> to vector<2000x1xf32>
    %slice3A_21 = vector.extract_strided_slice %get3A_4 {offsets = [0, 4], sizes = [2000, 1], strides = [1, 1]} : vector<2000x16xf32> to vector<2000x1xf32>
    %add3A = arith.addf %slice3A, %slice3A_21 : vector<2000x1xf32>
    %max3A = arith.constant 1.000000e+00 : f32
    %max3A_22 = vector.broadcast %max3A : f32 to vector<2000x1xf32>
    %max3A_23 = arith.maximumf %add3A, %max3A_22 : vector<2000x1xf32>
    %div3A = arith.constant 1.000000e+00 : f32
    %div3A_24 = vector.broadcast %div3A : f32 to vector<2000x1xf32>
    %div3A_25 = arith.divf %div3A_24, %max3A_23 : vector<2000x1xf32>
    %slice3A_26 = vector.extract_strided_slice %dot_general3A_20 {offsets = [0, 0], sizes = [2000, 128], strides = [1, 1]} : vector<2000x256xf32> to vector<2000x128xf32>
    %slice3A_27 = vector.extract_strided_slice %dot_general3A_20 {offsets = [0, 128], sizes = [2000, 128], strides = [1, 1]} : vector<2000x256xf32> to vector<2000x128xf32>
    %mul3A = vector.broadcast %div3A_25 : vector<2000x1xf32> to vector<2000x128xf32>
    %mul3A_28 = arith.mulf %mul3A, %slice3A_27 : vector<2000x128xf32>
    %add3A_29 = arith.addf %slice3A_26, %mul3A_28 : vector<2000x128xf32>
    %get3A_30 = arith.constant 0 : index
    %get3A_31 = arith.constant 0 : index
    %get3A_32 = vector.load %arg9[%get3A_30, %get3A_31] : memref<1x128xf32, #tpu.memory_space<vmem>>, vector<1x128xf32>
    %add3A_33 = vector.broadcast %get3A_32 : vector<1x128xf32> to vector<2000x128xf32>
    %add3A_34 = arith.addf %add3A_29, %add3A_33 : vector<2000x128xf32>
    %slice3A_35 = vector.extract_strided_slice %add3A_34 {offsets = [0, 0], sizes = [2000, 32], strides = [1, 1]} : vector<2000x128xf32> to vector<2000x32xf32>
    %logistic3A = arith.negf %slice3A_35 : vector<2000x32xf32>
    %logistic3A_36 = math.exp %logistic3A : vector<2000x32xf32>
    %logistic3A_37 = arith.constant 1.000000e+00 : f32
    %logistic3A_38 = vector.broadcast %logistic3A_37 : f32 to vector<2000x32xf32>
    %logistic3A_39 = arith.addf %logistic3A_38, %logistic3A_36 : vector<2000x32xf32>
    %logistic3A_40 = arith.divf %logistic3A_38, %logistic3A_39 : vector<2000x32xf32>
    %slice3A_41 = vector.extract_strided_slice %add3A_34 {offsets = [0, 32], sizes = [2000, 32], strides = [1, 1]} : vector<2000x128xf32> to vector<2000x32xf32>
    %logistic3A_42 = arith.negf %slice3A_41 : vector<2000x32xf32>
    %logistic3A_43 = math.exp %logistic3A_42 : vector<2000x32xf32>
    %logistic3A_44 = arith.constant 1.000000e+00 : f32
    %logistic3A_45 = vector.broadcast %logistic3A_44 : f32 to vector<2000x32xf32>
    %logistic3A_46 = arith.addf %logistic3A_45, %logistic3A_43 : vector<2000x32xf32>
    %logistic3A_47 = arith.divf %logistic3A_45, %logistic3A_46 : vector<2000x32xf32>
    %slice3A_48 = vector.extract_strided_slice %add3A_34 {offsets = [0, 64], sizes = [2000, 32], strides = [1, 1]} : vector<2000x128xf32> to vector<2000x32xf32>
    %tanh3A = math.tanh %slice3A_48 : vector<2000x32xf32>
    %slice3A_49 = vector.extract_strided_slice %add3A_34 {offsets = [0, 96], sizes = [2000, 32], strides = [1, 1]} : vector<2000x128xf32> to vector<2000x32xf32>
    %logistic3A_50 = arith.negf %slice3A_49 : vector<2000x32xf32>
    %logistic3A_51 = math.exp %logistic3A_50 : vector<2000x32xf32>
    %logistic3A_52 = arith.constant 1.000000e+00 : f32
    %logistic3A_53 = vector.broadcast %logistic3A_52 : f32 to vector<2000x32xf32>
    %logistic3A_54 = arith.addf %logistic3A_53, %logistic3A_51 : vector<2000x32xf32>
    %logistic3A_55 = arith.divf %logistic3A_53, %logistic3A_54 : vector<2000x32xf32>
    %get3A_56 = arith.constant 0 : index
    %get3A_57 = arith.constant 0 : index
    %get3A_58 = vector.load %arg3[%get3A_56, %get3A_57] : memref<2000x32xf32, #tpu.memory_space<vmem>>, vector<2000x32xf32>
    %mul3A_59 = arith.mulf %logistic3A_47, %get3A_58 : vector<2000x32xf32>
    %mul3A_60 = arith.mulf %logistic3A_40, %tanh3A : vector<2000x32xf32>
    %add3A_61 = arith.addf %mul3A_59, %mul3A_60 : vector<2000x32xf32>
    %tanh3A_62 = math.tanh %add3A_61 : vector<2000x32xf32>
    %mul3A_63 = arith.mulf %logistic3A_55, %tanh3A_62 : vector<2000x32xf32>
    %max3A_64 = arith.constant 0.000000e+00 : f32
    %max3A_65 = vector.broadcast %max3A_64 : f32 to vector<2000x32xf32>
    %max3A_66 = arith.maximumf %mul3A_63, %max3A_65 : vector<2000x32xf32>
    %get3A_67 = arith.constant 0 : index
    %get3A_68 = arith.constant 0 : index
    %get3A_69 = vector.load %arg10[%get3A_67, %get3A_68] : memref<32x1xf32, #tpu.memory_space<vmem>>, vector<32x1xf32>
    %dot_general3A_70 = arith.constant dense<0.000000e+00> : vector<2000x1xf32>
    %dot_general3A_71 = tpu.matmul %max3A_66, %get3A_69, %dot_general3A_70 {dimension_numbers = #tpu.dot_dimension_numbers<[1], [0], [0], [1], [0, 0, 1, 1], [], []>, precision = #tpu.contract_precision<fp32>, transpose_lhs_hint = false} : vector<2000x32xf32>, vector<32x1xf32>, vector<2000x1xf32> -> vector<2000x1xf32>
    %get3A_72 = arith.constant 0 : index
    %get3A_73 = arith.constant 0 : index
    %get3A_74 = vector.load %arg11[%get3A_72, %get3A_73] : memref<1x1xf32, #tpu.memory_space<vmem>>, vector<1x1xf32>
    %add3A_75 = vector.broadcast %get3A_74 : vector<1x1xf32> to vector<2000x1xf32>
    %add3A_76 = arith.addf %dot_general3A_71, %add3A_75 : vector<2000x1xf32>
    %swap3A = arith.constant 0 : index
    %swap3A_77 = arith.constant 0 : index
    %swap3A_78 = vector.load %arg12[%swap3A, %swap3A_77] : memref<2000x1xf32, #tpu.memory_space<vmem>>, vector<2000x1xf32>
    tpu.vector_store %arg12[%swap3A, %swap3A_77], %add3A_76 {strides = array<i32>} : memref<2000x1xf32, #tpu.memory_space<vmem>>, vector<2000x1xf32>,
    %swap3A_79 = arith.constant 0 : index
    %swap3A_80 = arith.constant 0 : index
    %swap3A_81 = vector.load %arg13[%swap3A_79, %swap3A_80] : memref<2000x32xf32, #tpu.memory_space<vmem>>, vector<2000x32xf32>
    tpu.vector_store %arg13[%swap3A_79, %swap3A_80], %mul3A_63 {strides = array<i32>} : memref<2000x32xf32, #tpu.memory_space<vmem>>, vector<2000x32xf32>,
    %swap3A_82 = arith.constant 0 : index
    %swap3A_83 = arith.constant 0 : index
    %swap3A_84 = vector.load %arg14[%swap3A_82, %swap3A_83] : memref<2000x32xf32, #tpu.memory_space<vmem>>, vector<2000x32xf32>
    tpu.vector_store %arg14[%swap3A_82, %swap3A_83], %add3A_61 {strides = array<i32>} : memref<2000x32xf32, #tpu.memory_space<vmem>>, vector<2000x32xf32>,
    return
  }
  func.func @transform_0(%arg0: i32) -> (i32, i32) {
    %c0_i32 = arith.constant 0 : i32
    %c0_i32_0 = arith.constant 0 : i32
    return %arg0, %c0_i32 : i32, i32
  }
  func.func @transform_1(%arg0: i32) -> (i32, i32) {
    %c0_i32 = arith.constant 0 : i32
    %c0_i32_0 = arith.constant 0 : i32
    return %arg0, %c0_i32 : i32, i32
  }
  func.func @transform_2(%arg0: i32) -> (i32, i32) {
    %c0_i32 = arith.constant 0 : i32
    %c0_i32_0 = arith.constant 0 : i32
    return %arg0, %c0_i32 : i32, i32
  }
  func.func @transform_3(%arg0: i32) -> (i32, i32) {
    %c0_i32 = arith.constant 0 : i32
    %c0_i32_0 = arith.constant 0 : i32
    return %arg0, %c0_i32 : i32, i32
  }
  func.func @transform_4(%arg0: i32) -> (i32, i32) {
    %c0_i32 = arith.constant 0 : i32
    %c0_i32_0 = arith.constant 0 : i32
    return %arg0, %c0_i32 : i32, i32
  }
  func.func @transform_5(%arg0: i32) -> (i32, i32) {
    %c0_i32 = arith.constant 0 : i32
    %c0_i32_0 = arith.constant 0 : i32
    return %arg0, %c0_i32 : i32, i32
  }
  func.func @transform_6(%arg0: i32) -> (i32, i32) {
    %c0_i32 = arith.constant 0 : i32
    %c0_i32_0 = arith.constant 0 : i32
    return %arg0, %c0_i32 : i32, i32
  }
  func.func @transform_7(%arg0: i32) -> (i32, i32) {
    %c0_i32 = arith.constant 0 : i32
    %c0_i32_0 = arith.constant 0 : i32
    %c0_i32_1 = arith.constant 0 : i32
    return %c0_i32, %c0_i32_0 : i32, i32
  }
  func.func @transform_8(%arg0: i32) -> (i32, i32) {
    %c0_i32 = arith.constant 0 : i32
    %c0_i32_0 = arith.constant 0 : i32
    %c0_i32_1 = arith.constant 0 : i32
    return %c0_i32, %c0_i32_0 : i32, i32
  }
  func.func @transform_9(%arg0: i32) -> (i32, i32) {
    %c0_i32 = arith.constant 0 : i32
    %c0_i32_0 = arith.constant 0 : i32
    %c0_i32_1 = arith.constant 0 : i32
    return %c0_i32, %c0_i32_0 : i32, i32
  }
  func.func @transform_10(%arg0: i32) -> (i32, i32) {
    %c0_i32 = arith.constant 0 : i32
    %c0_i32_0 = arith.constant 0 : i32
    %c0_i32_1 = arith.constant 0 : i32
    return %c0_i32, %c0_i32_0 : i32, i32
  }
  func.func @transform_11(%arg0: i32) -> (i32, i32) {
    %c0_i32 = arith.constant 0 : i32
    %c0_i32_0 = arith.constant 0 : i32
    return %arg0, %c0_i32 : i32, i32
  }
  func.func @transform_12(%arg0: i32) -> (i32, i32) {
    %c0_i32 = arith.constant 0 : i32
    %c0_i32_0 = arith.constant 0 : i32
    return %arg0, %c0_i32 : i32, i32
  }
  func.func @transform_13(%arg0: i32) -> (i32, i32) {
    %c0_i32 = arith.constant 0 : i32
    %c0_i32_0 = arith.constant 0 : i32
    return %arg0, %c0_i32 : i32, i32
  }
}

</mosaic_0001>

<sc_bundles>
// kernel: kernel.4.cloned.1.call-start
scs
__scs_entry_jumppad:
0x0: {  	(pc) =	sbr.rel $0x88, $3  }
0x1: {  	(tag) =	ssettag $0x0;
	lr =	simm.s32 $0x1  }
0x2: {  	[smem:$0x3F7B] =	sst lr;
	_ =	strace $0xD0000000  }
0x3: {  	_ = 	snop  }
0x4: {  	_ = 	snop  }
0x5: {  	_ = 	snop  }
0x6: {  	_ = 	snop  }
0x7: {  	_ = 	snop  }
__scs_overlays_trampoline_lowered:
0x8: {  	[smem:$0x3F8A] =	sst s0  }
0x9: {  	[smem:$0x3F8B] =	sst s1  }
0xa: {  	[smem:$0x3F8C] =	sst s2  }
0xb: {  	[smem:$0x3F8D] =	sst s3  }
0xc: {  	[smem:$0x3F8E] =	sst s4  }
0xd: {  	[smem:$0x3F8F] =	sst s5  }
0xe: {  	[smem:$0x3F90] =	sst s6  }
0xf: {  	[smem:$0x3F91] =	sst s7  }
0x10: {  	[smem:$0x3F92] =	sst s8  }
0x11: {  	[smem:$0x3F93] =	sst s9;
	s0 =	simm.s32 @!p0 $0x0  }
0x12: {  	s1 =	sld [smem:$0x3F79];
	s0 =	simm.s32 @p0 $0x1  }
0x13: {  	[smem:$0x3F94] =	sst s0;
	s0 =	simm.s32 @!p1 $0x0  }
0x14: {  	s2 =	sld [smem:$0x3F78];
	s0 =	simm.s32 @p1 $0x1  }
0x15: {  	[smem:$0x3F95] =	sst s0;
	s0 =	simm.s32 @!p2 $0x0  }
0x16: {  	s3 =	sld [smem:$0x3FDB];
	s0 =	simm.s32 @p2 $0x1  }
0x17: {  	s4 =	simm.s32 $0x1BF5;
	[smem:$0x3F97] =	sst s0  }
0x18: {  	s0 =	sld [smem:$0x3F7A];
	_ =	swait.ge [sflag:s4], $0x0  }
0x19: {  	s7 =	sld [smem:$0x3F7B]  }
0x1a: {  	s8 =	sadd.s32 $0xFFFFE003, lr  }
0x1b: {  	s9 =	sadd.s32 $0xFFFFFEF7, lr;
	s5 =	simm.s32 $0xFFFFFFFF;
	p2 =	slt.u32 s8, $0xFFFFF086  }
0x1c: {  	p1 =	slt.u32 s9, $0xF7A;
	s5 =	simm.s32 @!p2 $0x0  }
0x1d: {  	s5 =	simm.s32 @p1 $0x1;
	p0 =	seq.s32 s7, s2  }
0x1e: {  	s7 =	smul.u32 @!p0 $0xF7A, s2;
	p2 =	seq.s32 @!p0 s5, $0x0  }
0x1f: {  	s9 =	smul.u32 $0xF7A, s1;
	s8 =	simm.s32 @!p0 $0x1BF5;
	p2 =	por !p2, p0  }
0x20: {  	[sflag:s8] =	ssyncset.s32 @!p0 $0xFFFFF086;
	s6 =	sadd.s32 @!p0 s3, s7;
	s7 =	simm.s32 @!p0 $0x108  }
0x21: {  	s3 =	sadd.s32 s3, s9;
	s6 =	sadd.s32 @!p0 $0x88, s6;
	s7 =	simm.s32 @p2 $0x1082  }
0x22: {  	[simem:s7], [sflag:s8] =	dma.local @!p0 [hbm:s6], $0xF7A  }
0x23: {  	s9 =	sor.u32 $0xD0000000, s2;
	s6 =	simm.s32 $0x108;
	_ =	swait.ge @!p0 [sflag:s8], $0x0  }
0x24: {  	s3 =	sadd.s32 $0x88, s3;
	s6 =	simm.s32 @!p1 $0x1082;
	[sflag:s4] =	ssyncset.s32 $0xFFFFF086  }
0x25: {  	[simem:s6], [sflag:s4] =	dma.local [hbm:s3], $0xF7A  }
0x26: {  	[smem:$0x3F7B] =	sst s1;
	(tag) =	ssettag s2;
	_ =	strace s9  }
0x27: {  	s1 =	sld [smem:$0x3F8B]  }
0x28: {  	s2 =	sld [smem:$0x3F8C]  }
0x29: {  	s4 =	sld [smem:$0x3F8E]  }
0x2a: {  	p0 =	seq.s32 s5, $0x0;
	s5 =	sld [smem:$0x3F8F]  }
0x2b: {  	s6 =	sld [smem:$0x3F90]  }
0x2c: {  	s7 =	sld [smem:$0x3F91]  }
0x2d: {  	s3 =	simm.s32 $0x108;
	s8 =	sld [smem:$0x3F92]  }
0x2e: {  	s3 =	simm.s32 @!p0 $0x1082;
	s9 =	sld [smem:$0x3F93]  }
0x2f: {  	lr =	sadd.s32 s0, s3;
	s0 =	sld [smem:$0x3F8A]  }
0x30: {  	s3 =	sld [smem:$0x3F8D]  }
0x31: {  	[smem:$0x3F96] =	sst s10  }
0x32: {  	s10 =	sld [smem:$0x3F94];
	_ =	sdelay $0x3  }
0x33: {  	p0 =	seq.s32 s10, $0x1;
	s10 =	sld [smem:$0x3F96];
	_ =	sdelay $0x3  }
0x34: {  	[smem:$0x3F96] =	sst s10  }
0x35: {  	s10 =	sld [smem:$0x3F95];
	_ =	sdelay $0x3  }
0x36: {  	p1 =	seq.s32 s10, $0x1;
	s10 =	sld [smem:$0x3F96];
	_ =	sdelay $0x3  }
0x37: {  	[smem:$0x3F96] =	sst s10  }
0x38: {  	s10 =	sld [smem:$0x3F97]  }
0x39: {  	_ = 	snop;
	(pc) =	sbr.ind lr, $3  }
0x3a: {  	_ = 	snop  }
0x3b: {  	_ = 	snop  }
0x3c: {  	p2 =	seq.s32 s10, $0x1;
	s10 =	sld [smem:$0x3F96]  }
0x3d: {  	_ =	shalt  }
0x3e: {  	_ =	shalt  }
0x3f: {  	_ =	shalt  }
0x40: {  	_ =	shalt  }
0x41: {  	_ =	shalt  }
0x42: {  	_ =	shalt  }
0x43: {  	_ =	shalt  }
0x44: {  	_ =	shalt  }
0x45: {  	_ =	shalt  }
0x46: {  	_ =	shalt  }
0x47: {  	_ =	shalt  }
0x48: {  	_ =	shalt  }
0x49: {  	_ =	shalt  }
0x4a: {  	_ =	shalt  }
0x4b: {  	_ =	shalt  }
0x4c: {  	_ =	shalt  }
0x4d: {  	_ =	shalt  }
0x4e: {  	_ =	shalt  }
0x4f: {  	_ =	shalt  }
0x50: {  	_ =	shalt  }
0x51: {  	_ =	shalt  }
0x52: {  	_ =	shalt  }
0x53: {  	_ =	shalt  }
0x54: {  	_ =	shalt  }
0x55: {  	_ =	shalt  }
0x56: {  	_ =	shalt  }
0x57: {  	_ =	shalt  }
0x58: {  	_ =	shalt  }
0x59: {  	_ =	shalt  }
0x5a: {  	_ =	shalt  }
0x5b: {  	_ =	shalt  }
0x5c: {  	_ =	shalt  }
0x5d: {  	_ =	shalt  }
0x5e: {  	_ =	shalt  }
0x5f: {  	_ =	shalt  }
0x60: {  	_ =	shalt  }
0x61: {  	_ =	shalt  }
0x62: {  	_ =	shalt  }
0x63: {  	_ =	shalt  }
0x64: {  	_ =	shalt  }
0x65: {  	_ =	shalt  }
0x66: {  	_ =	shalt  }
0x67: {  	_ =	shalt  }
0x68: {  	_ =	shalt  }
0x69: {  	_ =	shalt  }
0x6a: {  	_ =	shalt  }
0x6b: {  	_ =	shalt  }
0x6c: {  	_ =	shalt  }
0x6d: {  	_ =	shalt  }
0x6e: {  	_ =	shalt  }
0x6f: {  	_ =	shalt  }
0x70: {  	_ =	shalt  }
0x71: {  	_ =	shalt  }
0x72: {  	_ =	shalt  }
0x73: {  	_ =	shalt  }
0x74: {  	_ =	shalt  }
0x75: {  	_ =	shalt  }
0x76: {  	_ =	shalt  }
0x77: {  	_ =	shalt  }
0x78: {  	_ =	shalt  }
0x79: {  	_ =	shalt  }
0x7a: {  	_ =	shalt  }
0x7b: {  	_ =	shalt  }
0x7c: {  	_ =	shalt  }
0x7d: {  	_ =	shalt  }
0x7e: {  	_ =	shalt  }
0x7f: {  	_ =	shalt  }
0x80: {  	_ =	shalt  }
0x81: {  	_ =	shalt  }
0x82: {  	_ =	shalt  }
0x83: {  	_ =	shalt  }
0x84: {  	_ =	shalt  }
0x85: {  	_ =	shalt  }
0x86: {  	_ =	shalt  }
0x87: {  	_ =	shalt  }
.Lfunc_end0:
.L_simem_size_0:
called_computation_lowered:
.L_overlay_start_0:
0x88: {  	s2 =	sld [smem:$0x3FD9]  }
0x89: {  	s3 =	sld [smem:$0x3FFE];
	_ =	sdelay $0x1  }
0x8a: {  	s1 =	srdreg.scid  }
0x8b: {  	s0 =	sand.u32 $0x1, s1  }
0x8c: {  	s14 =	sshll.u32 s0, $0xA;
	s2 =	sadd.s32 s3, s2  }
0x8d: {  	s2 =	sadd.s32 s2, s14  }
0x8e: {  	[smem:$0x3FA2] =	sst s2  }
0x8f: {  	_ = 	snop  }
0x90: {  	s2 =	sld [smem:$0x3FD0];
	_ =	sdelay $0x2  }
0x91: {  	s15 =	simm.s32 $0xA;
	s4 =	simm.s32 $0x10  }
0x92: {  	[smem:s4], [sflag:s15] =	dma.local [hbm:s2], $0x1  }
0x93: {  	_ =	swait.eq [sflag:s15], $0x1  }
0x94: {  	[sflag:s15] =	ssyncset.done $0x0  }
0x95: {  	s16 =	sld [smem:$0x11];
	[sflag:s15] =	ssyncadd.s32 $0xFFFFFFFF  }
0x96: {  	s17 =	sld [smem:$0x12];
	(tm) =	ssettm $0x1  }
0x97: {  	s18 =	sld [smem:$0x3FFB];
	_ =	sdelay $0x3  }
0x98: {  	_ =	strace s18  }
0x99: {  	s4 =	sld [smem:$0x3FFC];
	_ =	sdelay $0x3  }
0x9a: {  	_ =	strace s4  }
0x9b: {  	s4 =	sld [smem:$0x3FFD];
	_ =	sdelay $0x3  }
0x9c: {  	_ =	strace s4  }
0x9d: {  	_ =	strace $0x8FFFFFFF  }
0x9e: {  	s19 =	sld [smem:$0x3FDB];
	_ =	sdelay $0x1  }
0x9f: {  	s5 =	simm.s32 $_scs_section_size  }
0xa0: {  	s6 =	simm.s32 $_size__tile_overlayer_lowered;
	s7 =	simm.s32 $_tile_overlayer_lowered  }
0xa1: {  	s22 =	simm.s32 $0x1BFF;
	s21 =	sshll.u32 s7, $0x1;
	s4 =	sadd.s32 s5, s19  }
0xa2: {  	s8 =	simm.s32 $0x0;
	s20 =	sshll.u32 s6, $0x1;
	s6 =	sadd.s32 s21, s4  }
0xa3: {  	[timem:s8], [sflag:s22] =	dma.local [hbm:s6], s20  }
0xa4: {  	_ =	swait.ge [sflag:s22], s20  }
0xa5: {  	s5 =	ssub.s32 $0x0, s20;
	[sflag:s22] =	ssyncset.done $0x0  }
0xa6: {  	[sflag:s22] =	ssyncadd.s32 s5;
	_ =	sdelay $0x1  }
0xa7: {  	s23 =	simm.s32 $0x1B8B  }
0xa8: {  	_ =	swait.ge [sflag:s23], $0x1  }
0xa9: {  	[sflag:s23] =	ssyncset.done $0x0  }
0xaa: {  	s25 =	simm.s32 $0x1B8E;
	s24 =	sld [smem:$0x3FFE];
	[sflag:s23] =	ssyncadd.s32 $0xFFFFFFFF  }
0xab: {  	s26 =	simm.s32 $execute0_lowered;
	[smem:$0x3FD2] =	sst s25  }
0xac: {  	s6 =	sshll.u32 s26, $0x1;
	_ =	strace $0x80000046;
	[dreg:$0x1] =	wrdreg $0xFFFFFFFF  }
0xad: {  	s28 =	simm.s32 $_size_execute0_lowered;
	s4 =	sadd.s32 s4, s6;
	[dreg:$0x0] =	wrdreg $0x0  }
0xae: {  	s6 =	sshll.u32 s28, $0x1;
	[dreg:$0x2] =	wrdreg s4  }
0xaf: {  	[dreg:$0x3] =	wrdreg s6  }
0xb0: {  	[dreg:$0x4] =	wrdreg $0xC0  }
0xb1: {  	_ =	task [dreg:s8], $0x5FFFF  }
0xb2: {  	[dreg:$0x1] =	wrdreg $0xFFFFFFFF  }
0xb3: {  	[dreg:$0x0] =	wrdreg $0x60  }
0xb4: {  	[dreg:$0x2] =	wrdreg s24  }
0xb5: {  	[dreg:$0x3] =	wrdreg s17  }
0xb6: {  	[dreg:$0x4] =	wrdreg s16  }
0xb7: {  	[dreg:$0x5] =	wrdreg $0x50000  }
0xb8: {  	[dreg:$0x6] =	wrdreg $0x9  }
0xb9: {  	_ =	task.clear_ibuf [dreg:s8], $0x7FFFF;
	_ =	strace $0x90000046  }
0xba: {  	s29 =	simm.s32 $0x9;
	_ =	strace $0x80000048  }
0xbb: {  	_ =	swait.ge [sflag:s29], $0x1  }
0xbc: {  	[sflag:s29] =	ssyncadd.s32 $0xFFFFFFFF  }
0xbd: {  	_ =	strace $0x90000048  }
0xbe: {  	_ =	sfence  }
0xbf: {  	s30 =	sld [smem:$0x0];
	_ =	sdelay $0x2  }
0xc0: {  	s31 =	sshll.u32 s1, $0xD;
	s1 =	sshrl.u32 s1, $0x2  }
0xc1: {  	s3 =	sand.u32 $0x4000, s31;
	s1 =	sadd.s32 s1, s30  }
0xc2: {  	s0 =	sor.u32 s3, s0;
	s1 =	sshll.u32 s1, $0x11  }
0xc3: {  	s0 =	sor.u32 s1, s0  }
0xc4: {  	s0 =	sadd.s32 $0x8F2B, s0  }
0xc5: {  	[sflag:s0] =	ssyncadd.remote.s32 $0x1  }
0xc6: {  	_ =	sfence.sel $0xFFFF  }
0xc7: {  	[dreg:$0x0] =	wrdreg $0xFFFFFFFF;
	(pc) =	sbr.abs _section_cstart, $3  }
0xc8: {  	[dreg:$0x1] =	wrdreg $0xFFFFFFFF  }
0xc9: {  	_ =	task.clear_ibuf [dreg:s8], $0x2FFFF;
	_ =	strace $0x9FFFFFFF  }
0xca: {  	(tm) =	ssettm $0x7FFFFFFF  }
0xcb: {  	_ =	shalt  }
tec
execute0_lowered:
.L_overlay_start_1:
0x0: {  	(tag) =	ssettag $0x1  }
0x1: {  	s0 =	rddreg [dreg:$0x0]  }
0x2: {  	s1 =	rddreg [dreg:$0x1]  }
0x3: {  	s2 =	rddreg [dreg:$0x3];
	s3 =	simm.s32 $0x0  }
0x4: {  	s4 =	srdreg.scid;
	s15 =	stileid.u32;
	s18 =	simm.s32 $0x3  }
0x5: {  	s19 =	simm.s32 $0x800;
	s29 =	simm.s32 $0x3000;
	s31 =	simm.s32 $0x3800  }
0x6: {  	s20 =	simm.s32 $0x80;
	s5 =	sadd.s32 $0x1BD200, s0;
	s6 =	sadd.s32 $0x4CA600, s0  }
0x7: {  	[smem:$0x7FF] =	sst s3;
	s7 =	sadd.s32 $0x18C400, s0;
	s10 =	smul.u32 $0x18700, s15  }
0x8: {  	s4 =	sand.u32 $0x1, s4;
	s8 =	sadd.s32 $0x1EE000, s0;
	s12 =	smul.u32 $0x6200, s15  }
0x9: {  	s11 =	sadd.s32 $0x250000, s0;
	s23 =	sshll.u32 s15, $0x6;
	s14 =	smul.u32 $0x31, s15  }
0xa: {  	s26 =	smul.u32 $0x3100, s15;
	_ =	strace $0x80000047;
	s9 =	ssub.s32 $0x2, s4  }
0xb: {  	[dreg:$0x6] =	wrdreg s11;
	s13 =	smul.u32 $0x310, s4;
	s17 =	sor.u32 $0x1C04, s23  }
0xc: {  	p0 =	seq.s32 s4, $0x0;
	s25 =	smul.u32 $0x31000, s4;
	s21 =	sshrl.u32 s9, $0x1  }
0xd: {  	s22 =	sadd.s32 s10, s2;
	s16 =	sshrl.u32 s10, $0x3;
	s12 =	sadd.s32 s8, s12  }
0xe: {  	s9 =	ssub.s32 s9, s21;
	s1 =	sadd.s32 s1, s16;
	s24 =	sadd.s32 s14, s13  }
0xf: {  	s13 =	simm.s32 $0x280E00;
	s28 =	sadd.s32 s25, s8;
	[dreg:$0x7] =	wrdreg s16  }
0x10: {  	s15 =	sshrl.u32 s22, $0x3;
	s21 =	simm.s32 $0x1000;
	s22 =	simm.s32 $0x1800  }
0x11: {  	s14 =	simm.s32 $0x4800;
	s25 =	simm.s32 $0x2;
	[dreg:$0xf] =	wrdreg s12  }
0x12: {  	[dreg:$0x8] =	wrdreg s1;
	s1 =	sshll.u32 s24, $0x8;
	s13 =	simm.s32 @!p0 $0x2B1C00  }
0x13: {  	s30 =	smax.u32 s9, $0x1;
	p0 =	sne.s32 s4, $0x0;
	[dreg:$0xd] =	wrdreg s15  }
0x14: {  	s24 =	simm.s32 $0x2000;
	s1 =	sadd.s32 s8, s1;
	[dreg:$0xb] =	wrdreg s30  }
0x15: {  	s0 =	sadd.s32 s13, s0;
	s13 =	smov.u32 s17;
	[dreg:$0xa] =	wrdreg s1  }
0x16: {  	s4 =	simm.s32 $0x0;
	s0 =	sadd.s32 s0, s16;
	[dreg:$0x9] =	wrdreg s13  }
0x17: {  	s1 =	sadd.s32 s26, s28;
	s26 =	simm.s32 $0x2800;
	[dreg:$0xc] =	wrdreg s0  }
0x18: {  	[dreg:$0x5] =	wrdreg s1;
	s0 =	simm.s32 $0x1;
	s1 =	simm.s32 $0x4000  }
.LBB2_1:
0x19: {  	[dreg:$0xe] =	wrdreg s4  }
0x1a: {  	s30 =	simm.s32 $0x4;
	s8 =	rddreg [dreg:$0x8]  }
0x1b: {  	[spmem:s15], [sflag:s13] =	dma.local [hbm:s8], $0x30E0  }
.Ltmp0:
0x1c: {  	_ =	swait.ge [sflag:s30], $0x30E0;
	(pc) =	sbr.rel @p0 .LBB2_5-.Ltmp0, $4  }
0x1d: {  	[sflag:s30] =	ssyncset.done $0x0  }
0x1e: {  	[sflag:s30] =	ssyncadd.s32 $0xFFFFCF20  }
0x1f: {  	[bflag:$0x0] =	sbarrier.arrive $0xFFFF  }
0x20: {  	[tilespmem:s3], [sflag:$0x3] =	stream.linear.gather [hbm4b:s12+s3], $0x800, $0x38;
	[tilespmem:$0x1D700] =	vst v63  }
0x21: {  	_ =	swait.ge [sflag:s18], $0x800  }
0x22: {  	s8 =	sadd.s32 $0xFFFF9E00, s12;
	[sflag:s18] =	ssyncset.done $0x0  }
0x23: {  	s8 =	sadd.s32 $0x6300, s8;
	[sflag:s18] =	ssyncadd.s32 $0xFFFFF800  }
0x24: {  	[tilespmem:s19], [sflag:$0x3] =	stream.linear.gather [hbm4b:s8+s3], $0x800, $0x38;
	[tilespmem:$0x1D700] =	vst v63  }
0x25: {  	_ = 	snop  }
0x26: {  	[tilespmem:s21], [sflag:$0x1] =	stream.indirect.gather [hbm4b:s5+s20], $0x10, s3, s20, $0xb8;
	[tilespmem:$0x1D700] =	vst v63  }
0x27: {  	_ = 	snop  }
0x28: {  	[tilespmem:s22], [sflag:$0x1] =	stream.indirect.gather [hbm4b:s5+s20], $0x10, s20, s20, $0xb8;
	[tilespmem:$0x1D700] =	vst v63  }
0x29: {  	s4 =	simm.s32 $0x100  }
0x2a: {  	[tilespmem:s24], [sflag:$0x1] =	stream.indirect.gather [hbm4b:s5+s20], $0x10, s4, s20, $0xb8;
	[tilespmem:$0x1D700] =	vst v63  }
0x2b: {  	s9 =	simm.s32 $0x180  }
0x2c: {  	[tilespmem:s26], [sflag:$0x1] =	stream.indirect.gather [hbm4b:s5+s20], $0x10, s9, s20, $0xb8;
	[tilespmem:$0x1D700] =	vst v63  }
0x2d: {  	s10 =	simm.s32 $0x200  }
0x2e: {  	[tilespmem:s29], [sflag:$0x1] =	stream.indirect.gather [hbm4b:s5+s20], $0x10, s10, s20, $0xb8;
	[tilespmem:$0x1D700] =	vst v63  }
0x2f: {  	s11 =	simm.s32 $0x280  }
0x30: {  	[tilespmem:s31], [sflag:$0x1] =	stream.indirect.gather [hbm4b:s5+s20], $0x10, s11, s20, $0xb8;
	[tilespmem:$0x1D700] =	vst v63  }
0x31: {  	_ =	swait.ge [sflag:s0], $0x800  }
0x32: {  	[sflag:s0] =	ssyncset.done $0x0  }
0x33: {  	s13 =	simm.s32 $0x300;
	[sflag:s0] =	ssyncadd.s32 $0xFFFFF800  }
0x34: {  	[tilespmem:s1], [sflag:$0x1] =	stream.indirect.gather [hbm4b:s5+s20], $0x10, s13, s20, $0xb8;
	[tilespmem:$0x1D700] =	vst v63  }
0x35: {  	s17 =	simm.s32 $0x400  }
0x36: {  	[spmem:s2] =	stream.indirect.scatter.add.f32 [tilespmem:s21], [sflag:$0x2], $0x10, s17, s20, $0xb8;
	[tilespmem:$0x1D700] =	vst v63  }
0x37: {  	_ =	swait.ge [sflag:s0], $0x800  }
0x38: {  	[sflag:s0] =	ssyncset.done $0x0  }
0x39: {  	s23 =	simm.s32 $0x380;
	[sflag:s0] =	ssyncadd.s32 $0xFFFFF800  }
0x3a: {  	[tilespmem:s14], [sflag:$0x1] =	stream.indirect.gather [hbm4b:s5+s20], $0x10, s23, s20, $0xb8;
	[tilespmem:$0x1D700] =	vst v63  }
0x3b: {  	s28 =	simm.s32 $0x480  }
0x3c: {  	[spmem:s2] =	stream.indirect.scatter.add.f32 [tilespmem:s22], [sflag:$0x2], $0x10, s28, s20, $0xb8;
	[tilespmem:$0x1D700] =	vst v63  }
0x3d: {  	_ =	swait.ge [sflag:s0], $0x800  }
0x3e: {  	[sflag:s0] =	ssyncset.done $0x0  }
0x3f: {  	s30 =	simm.s32 $0x500;
	[sflag:s0] =	ssyncadd.s32 $0xFFFFF800  }
0x40: {  	[spmem:s2] =	stream.indirect.scatter.add.f32 [tilespmem:s24], [sflag:$0x2], $0x10, s30, s20, $0xb8;
	[tilespmem:$0x1D700] =	vst v63  }
0x41: {  	_ =	swait.ge [sflag:s0], $0x800  }
0x42: {  	[sflag:s0] =	ssyncset.done $0x0  }
0x43: {  	s4 =	simm.s32 $0x580;
	[sflag:s0] =	ssyncadd.s32 $0xFFFFF800  }
0x44: {  	[spmem:s2] =	stream.indirect.scatter.add.f32 [tilespmem:s26], [sflag:$0x2], $0x10, s4, s20, $0xb8;
	[tilespmem:$0x1D700] =	vst v63  }
0x45: {  	_ =	swait.ge [sflag:s0], $0x800  }
0x46: {  	[sflag:s0] =	ssyncset.done $0x0  }
0x47: {  	s9 =	simm.s32 $0x600;
	[sflag:s0] =	ssyncadd.s32 $0xFFFFF800  }
0x48: {  	[spmem:s2] =	stream.indirect.scatter.add.f32 [tilespmem:s29], [sflag:$0x2], $0x10, s9, s20, $0xb8;
	[tilespmem:$0x1D700] =	vst v63  }
0x49: {  	_ =	swait.ge [sflag:s0], $0x800  }
0x4a: {  	[sflag:s0] =	ssyncset.done $0x0  }
0x4b: {  	s10 =	simm.s32 $0x680;
	[sflag:s0] =	ssyncadd.s32 $0xFFFFF800  }
0x4c: {  	[spmem:s2] =	stream.indirect.scatter.add.f32 [tilespmem:s31], [sflag:$0x2], $0x10, s10, s20, $0xb8;
	[tilespmem:$0x1D700] =	vst v63  }
0x4d: {  	_ =	swait.ge [sflag:s0], $0x800  }
0x4e: {  	[sflag:s0] =	ssyncset.done $0x0  }
0x4f: {  	s11 =	simm.s32 $0x700;
	[sflag:s0] =	ssyncadd.s32 $0xFFFFF800  }
0x50: {  	[spmem:s2] =	stream.indirect.scatter.add.f32 [tilespmem:s1], [sflag:$0x2], $0x10, s11, s20, $0xb8;
	[tilespmem:$0x1D700] =	vst v63  }
0x51: {  	_ =	swait.ge [sflag:s0], $0x800  }
0x52: {  	[sflag:s0] =	ssyncset.done $0x0  }
0x53: {  	s16 =	simm.s32 $0x780;
	[sflag:s0] =	ssyncadd.s32 $0xFFFFF800  }
0x54: {  	[spmem:s2] =	stream.indirect.scatter.add.f32 [tilespmem:s14], [sflag:$0x2], $0x10, s16, s20, $0xb8;
	[tilespmem:$0x1D700] =	vst v63  }
0x55: {  	_ =	swait.ge [sflag:s25], $0x800  }
0x56: {  	[sflag:s25] =	ssyncset.done $0x0  }
0x57: {  	[sflag:s25] =	ssyncadd.s32 $0xFFFFF800  }
0x58: {  	_ =	swait.ge [sflag:s25], $0x800  }
0x59: {  	[sflag:s25] =	ssyncset.done $0x0  }
0x5a: {  	[sflag:s25] =	ssyncadd.s32 $0xFFFFF800  }
0x5b: {  	_ =	swait.ge [sflag:s25], $0x800  }
0x5c: {  	[sflag:s25] =	ssyncset.done $0x0  }
0x5d: {  	[sflag:s25] =	ssyncadd.s32 $0xFFFFF800  }
0x5e: {  	_ =	swait.ge [sflag:s25], $0x800  }
0x5f: {  	[sflag:s25] =	ssyncset.done $0x0  }
0x60: {  	[sflag:s25] =	ssyncadd.s32 $0xFFFFF800  }
0x61: {  	_ =	swait.ge [sflag:s25], $0x800  }
0x62: {  	[sflag:s25] =	ssyncset.done $0x0  }
0x63: {  	[sflag:s25] =	ssyncadd.s32 $0xFFFFF800  }
0x64: {  	_ =	swait.ge [sflag:s25], $0x800  }
0x65: {  	[sflag:s25] =	ssyncset.done $0x0  }
0x66: {  	[sflag:s25] =	ssyncadd.s32 $0xFFFFF800  }
0x67: {  	_ =	swait.ge [sflag:s25], $0x800  }
0x68: {  	[sflag:s25] =	ssyncset.done $0x0  }
0x69: {  	[sflag:s25] =	ssyncadd.s32 $0xFFFFF800  }
0x6a: {  	_ =	swait.ge [sflag:s25], $0x800  }
0x6b: {  	[sflag:s25] =	ssyncset.done $0x0  }
0x6c: {  	[sflag:s25] =	ssyncadd.s32 $0xFFFFF800  }
0x6d: {  	p1 =	por $0x0, $0x0;
	_ =	swait.ge [sflag:s18], $0x800  }
0x6e: {  	s8 =	sadd.s32 @!p1 $0xFFFF9E00, s12;
	[sflag:s18] =	ssyncset.done $0x0  }
0x6f: {  	s8 =	sadd.s32 @!p1 $0x6400, s8;
	s13 =	simm.s32 @!p1 $0x0;
	[sflag:s18] =	ssyncadd.s32 $0xFFFFF800  }
0x70: {  	[tilespmem:s13], [sflag:$0x3] =	stream.linear.gather @!p1 [hbm4b:s8+s13], $0x800, $0x38;
	[tilespmem:$0x1D700] =	vst v63  }
0x71: {  	_ = 	snop  }
0x72: {  	[tilespmem:s21], [sflag:$0x1] =	stream.indirect.gather [hbm4b:s5+s20], $0x10, s19, s20, $0xb8;
	[tilespmem:$0x1D700] =	vst v63  }
0x73: {  	s15 =	simm.s32 $0x880  }
0x74: {  	[tilespmem:s22], [sflag:$0x1] =	stream.indirect.gather [hbm4b:s5+s20], $0x10, s15, s20, $0xb8;
	[tilespmem:$0x1D700] =	vst v63  }
0x75: {  	s13 =	simm.s32 $0x900  }
0x76: {  	[tilespmem:s24], [sflag:$0x1] =	stream.indirect.gather [hbm4b:s5+s20], $0x10, s13, s20, $0xb8;
	[tilespmem:$0x1D700] =	vst v63  }
0x77: {  	s15 =	simm.s32 $0x980  }
0x78: {  	[tilespmem:s26], [sflag:$0x1] =	stream.indirect.gather [hbm4b:s5+s20], $0x10, s15, s20, $0xb8;
	[tilespmem:$0x1D700] =	vst v63  }
0x79: {  	s13 =	simm.s32 $0xA00  }
0x7a: {  	[tilespmem:s29], [sflag:$0x1] =	stream.indirect.gather [hbm4b:s5+s20], $0x10, s13, s20, $0xb8;
	[tilespmem:$0x1D700] =	vst v63  }
0x7b: {  	s15 =	simm.s32 $0xA80  }
0x7c: {  	[tilespmem:s31], [sflag:$0x1] =	stream.indirect.gather [hbm4b:s5+s20], $0x10, s15, s20, $0xb8;
	[tilespmem:$0x1D700] =	vst v63  }
0x7d: {  	_ =	swait.ge [sflag:s0], $0x800  }
0x7e: {  	[sflag:s0] =	ssyncset.done $0x0  }
0x7f: {  	s13 =	simm.s32 $0xB00;
	[sflag:s0] =	ssyncadd.s32 $0xFFFFF800  }
0x80: {  	[tilespmem:s1], [sflag:$0x1] =	stream.indirect.gather [hbm4b:s5+s20], $0x10, s13, s20, $0xb8;
	[tilespmem:$0x1D700] =	vst v63  }
0x81: {  	s15 =	simm.s32 $0xC00  }
0x82: {  	[spmem:s2] =	stream.indirect.scatter.add.f32 [tilespmem:s21], [sflag:$0x2], $0x10, s15, s20, $0xb8;
	[tilespmem:$0x1D700] =	vst v63  }
0x83: {  	_ =	swait.ge [sflag:s0], $0x800  }
0x84: {  	[sflag:s0] =	ssyncset.done $0x0  }
0x85: {  	s13 =	simm.s32 $0xB80;
	[sflag:s0] =	ssyncadd.s32 $0xFFFFF800  }
0x86: {  	[tilespmem:s14], [sflag:$0x1] =	stream.indirect.gather [hbm4b:s5+s20], $0x10, s13, s20, $0xb8;
	[tilespmem:$0x1D700] =	vst v63  }
0x87: {  	s15 =	simm.s32 $0xC80  }
0x88: {  	[spmem:s2] =	stream.indirect.scatter.add.f32 [tilespmem:s22], [sflag:$0x2], $0x10, s15, s20, $0xb8;
	[tilespmem:$0x1D700] =	vst v63  }
0x89: {  	_ =	swait.ge [sflag:s0], $0x800  }
0x8a: {  	[sflag:s0] =	ssyncset.done $0x0  }
0x8b: {  	s13 =	simm.s32 $0xD00;
	[sflag:s0] =	ssyncadd.s32 $0xFFFFF800  }
0x8c: {  	[spmem:s2] =	stream.indirect.scatter.add.f32 [tilespmem:s24], [sflag:$0x2], $0x10, s13, s20, $0xb8;
	[tilespmem:$0x1D700] =	vst v63  }
0x8d: {  	_ =	swait.ge [sflag:s0], $0x800  }
0x8e: {  	[sflag:s0] =	ssyncset.done $0x0  }
0x8f: {  	s15 =	simm.s32 $0xD80;
	[sflag:s0] =	ssyncadd.s32 $0xFFFFF800  }
0x90: {  	[spmem:s2] =	stream.indirect.scatter.add.f32 [tilespmem:s26], [sflag:$0x2], $0x10, s15, s20, $0xb8;
	[tilespmem:$0x1D700] =	vst v63  }
0x91: {  	_ =	swait.ge [sflag:s0], $0x800  }
0x92: {  	[sflag:s0] =	ssyncset.done $0x0  }
0x93: {  	s13 =	simm.s32 $0xE00;
	[sflag:s0] =	ssyncadd.s32 $0xFFFFF800  }
0x94: {  	[spmem:s2] =	stream.indirect.scatter.add.f32 [tilespmem:s29], [sflag:$0x2], $0x10, s13, s20, $0xb8;
	[tilespmem:$0x1D700] =	vst v63  }
0x95: {  	_ =	swait.ge [sflag:s0], $0x800  }
0x96: {  	[sflag:s0] =	ssyncset.done $0x0  }
0x97: {  	s15 =	simm.s32 $0xE80;
	[sflag:s0] =	ssyncadd.s32 $0xFFFFF800  }
0x98: {  	[spmem:s2] =	stream.indirect.scatter.add.f32 [tilespmem:s31], [sflag:$0x2], $0x10, s15, s20, $0xb8;
	[tilespmem:$0x1D700] =	vst v63  }
0x99: {  	_ =	swait.ge [sflag:s0], $0x800  }
0x9a: {  	[sflag:s0] =	ssyncset.done $0x0  }
0x9b: {  	s13 =	simm.s32 $0xF00;
	[sflag:s0] =	ssyncadd.s32 $0xFFFFF800  }
0x9c: {  	[spmem:s2] =	stream.indirect.scatter.add.f32 [tilespmem:s1], [sflag:$0x2], $0x10, s13, s20, $0xb8;
	[tilespmem:$0x1D700] =	vst v63  }
0x9d: {  	_ =	swait.ge [sflag:s0], $0x800  }
0x9e: {  	[sflag:s0] =	ssyncset.done $0x0  }
0x9f: {  	s15 =	simm.s32 $0xF80;
	[sflag:s0] =	ssyncadd.s32 $0xFFFFF800  }
0xa0: {  	[spmem:s2] =	stream.indirect.scatter.add.f32 [tilespmem:s14], [sflag:$0x2], $0x10, s15, s20, $0xb8;
	[tilespmem:$0x1D700] =	vst v63  }
0xa1: {  	_ =	swait.ge [sflag:s25], $0x800  }
0xa2: {  	[sflag:s25] =	ssyncset.done $0x0  }
0xa3: {  	[sflag:s25] =	ssyncadd.s32 $0xFFFFF800  }
0xa4: {  	_ =	swait.ge [sflag:s25], $0x800  }
0xa5: {  	[sflag:s25] =	ssyncset.done $0x0  }
0xa6: {  	[sflag:s25] =	ssyncadd.s32 $0xFFFFF800  }
0xa7: {  	_ =	swait.ge [sflag:s25], $0x800  }
0xa8: {  	[sflag:s25] =	ssyncset.done $0x0  }
0xa9: {  	[sflag:s25] =	ssyncadd.s32 $0xFFFFF800  }
0xaa: {  	_ =	swait.ge [sflag:s25], $0x800  }
0xab: {  	[sflag:s25] =	ssyncset.done $0x0  }
0xac: {  	[sflag:s25] =	ssyncadd.s32 $0xFFFFF800  }
0xad: {  	_ =	swait.ge [sflag:s25], $0x800  }
0xae: {  	[sflag:s25] =	ssyncset.done $0x0  }
0xaf: {  	[sflag:s25] =	ssyncadd.s32 $0xFFFFF800  }
0xb0: {  	_ =	swait.ge [sflag:s25], $0x800  }
0xb1: {  	[sflag:s25] =	ssyncset.done $0x0  }
0xb2: {  	[sflag:s25] =	ssyncadd.s32 $0xFFFFF800  }
0xb3: {  	_ =	swait.ge [sflag:s25], $0x800  }
0xb4: {  	[sflag:s25] =	ssyncset.done $0x0  }
0xb5: {  	[sflag:s25] =	ssyncadd.s32 $0xFFFFF800  }
0xb6: {  	_ =	swait.ge [sflag:s25], $0x800  }
0xb7: {  	s8 =	simm.s32 $0xFFFFA000;
	[sflag:s25] =	ssyncset.done $0x0  }
.LBB2_3:
0xb8: {  	[sflag:s25] =	ssyncadd.s32 $0xFFFFF800;
	s13 =	smov.u32 s8;
	s8 =	sadd.s32 $0x200, s8  }
0xb9: {  	_ =	swait.ge [sflag:s18], $0x800;
	p1 =	seq.s32 s8, $0x0  }
0xba: {  	s15 =	sadd.s32 s13, s12;
	[sflag:s18] =	ssyncset.done $0x0  }
0xbb: {  	s15 =	sadd.s32 $0x6300, s15;
	[sflag:s18] =	ssyncadd.s32 $0xFFFFF800  }
0xbc: {  	[tilespmem:s19], [sflag:$0x3] =	stream.linear.gather [hbm4b:s15+s3], $0x800, $0x38;
	[tilespmem:$0x1D700] =	vst v63  }
0xbd: {  	_ = 	snop  }
0xbe: {  	[tilespmem:s21], [sflag:$0x1] =	stream.indirect.gather [hbm4b:s5+s20], $0x10, s3, s20, $0xb8;
	[tilespmem:$0x1D700] =	vst v63  }
0xbf: {  	_ = 	snop  }
0xc0: {  	[tilespmem:s22], [sflag:$0x1] =	stream.indirect.gather [hbm4b:s5+s20], $0x10, s20, s20, $0xb8;
	[tilespmem:$0x1D700] =	vst v63  }
0xc1: {  	s15 =	simm.s32 $0x100  }
0xc2: {  	[tilespmem:s24], [sflag:$0x1] =	stream.indirect.gather [hbm4b:s5+s20], $0x10, s15, s20, $0xb8;
	[tilespmem:$0x1D700] =	vst v63  }
0xc3: {  	s15 =	simm.s32 $0x180  }
0xc4: {  	[tilespmem:s26], [sflag:$0x1] =	stream.indirect.gather [hbm4b:s5+s20], $0x10, s15, s20, $0xb8;
	[tilespmem:$0x1D700] =	vst v63  }
0xc5: {  	s15 =	simm.s32 $0x200  }
0xc6: {  	[tilespmem:s29], [sflag:$0x1] =	stream.indirect.gather [hbm4b:s5+s20], $0x10, s15, s20, $0xb8;
	[tilespmem:$0x1D700] =	vst v63  }
0xc7: {  	s15 =	simm.s32 $0x280  }
0xc8: {  	[tilespmem:s31], [sflag:$0x1] =	stream.indirect.gather [hbm4b:s5+s20], $0x10, s15, s20, $0xb8;
	[tilespmem:$0x1D700] =	vst v63  }
0xc9: {  	_ =	swait.ge [sflag:s0], $0x800  }
0xca: {  	[sflag:s0] =	ssyncset.done $0x0  }
0xcb: {  	s15 =	simm.s32 $0x300;
	[sflag:s0] =	ssyncadd.s32 $0xFFFFF800  }
0xcc: {  	[tilespmem:s1], [sflag:$0x1] =	stream.indirect.gather [hbm4b:s5+s20], $0x10, s15, s20, $0xb8;
	[tilespmem:$0x1D700] =	vst v63  }
0xcd: {  	_ = 	snop  }
0xce: {  	[spmem:s2] =	stream.indirect.scatter.add.f32 [tilespmem:s21], [sflag:$0x2], $0x10, s17, s20, $0xb8;
	[tilespmem:$0x1D700] =	vst v63  }
0xcf: {  	_ =	swait.ge [sflag:s0], $0x800  }
0xd0: {  	[sflag:s0] =	ssyncset.done $0x0  }
0xd1: {  	[sflag:s0] =	ssyncadd.s32 $0xFFFFF800  }
0xd2: {  	[tilespmem:s14], [sflag:$0x1] =	stream.indirect.gather [hbm4b:s5+s20], $0x10, s23, s20, $0xb8;
	[tilespmem:$0x1D700] =	vst v63  }
0xd3: {  	_ = 	snop  }
0xd4: {  	[spmem:s2] =	stream.indirect.scatter.add.f32 [tilespmem:s22], [sflag:$0x2], $0x10, s28, s20, $0xb8;
	[tilespmem:$0x1D700] =	vst v63  }
0xd5: {  	_ =	swait.ge [sflag:s0], $0x800  }
0xd6: {  	[sflag:s0] =	ssyncset.done $0x0  }
0xd7: {  	[sflag:s0] =	ssyncadd.s32 $0xFFFFF800  }
0xd8: {  	[spmem:s2] =	stream.indirect.scatter.add.f32 [tilespmem:s24], [sflag:$0x2], $0x10, s30, s20, $0xb8;
	[tilespmem:$0x1D700] =	vst v63  }
0xd9: {  	_ =	swait.ge [sflag:s0], $0x800  }
0xda: {  	[sflag:s0] =	ssyncset.done $0x0  }
0xdb: {  	[sflag:s0] =	ssyncadd.s32 $0xFFFFF800  }
0xdc: {  	[spmem:s2] =	stream.indirect.scatter.add.f32 [tilespmem:s26], [sflag:$0x2], $0x10, s4, s20, $0xb8;
	[tilespmem:$0x1D700] =	vst v63  }
0xdd: {  	_ =	swait.ge [sflag:s0], $0x800  }
0xde: {  	[sflag:s0] =	ssyncset.done $0x0  }
0xdf: {  	[sflag:s0] =	ssyncadd.s32 $0xFFFFF800  }
0xe0: {  	[spmem:s2] =	stream.indirect.scatter.add.f32 [tilespmem:s29], [sflag:$0x2], $0x10, s9, s20, $0xb8;
	[tilespmem:$0x1D700] =	vst v63  }
0xe1: {  	_ =	swait.ge [sflag:s0], $0x800  }
0xe2: {  	[sflag:s0] =	ssyncset.done $0x0  }
0xe3: {  	[sflag:s0] =	ssyncadd.s32 $0xFFFFF800  }
0xe4: {  	[spmem:s2] =	stream.indirect.scatter.add.f32 [tilespmem:s31], [sflag:$0x2], $0x10, s10, s20, $0xb8;
	[tilespmem:$0x1D700] =	vst v63  }
0xe5: {  	_ =	swait.ge [sflag:s0], $0x800  }
0xe6: {  	[sflag:s0] =	ssyncset.done $0x0  }
0xe7: {  	[sflag:s0] =	ssyncadd.s32 $0xFFFFF800  }
0xe8: {  	[spmem:s2] =	stream.indirect.scatter.add.f32 [tilespmem:s1], [sflag:$0x2], $0x10, s11, s20, $0xb8;
	[tilespmem:$0x1D700] =	vst v63  }
0xe9: {  	_ =	swait.ge [sflag:s0], $0x800  }
0xea: {  	[sflag:s0] =	ssyncset.done $0x0  }
0xeb: {  	[sflag:s0] =	ssyncadd.s32 $0xFFFFF800  }
0xec: {  	[spmem:s2] =	stream.indirect.scatter.add.f32 [tilespmem:s14], [sflag:$0x2], $0x10, s16, s20, $0xb8;
	[tilespmem:$0x1D700] =	vst v63  }
0xed: {  	_ =	swait.ge [sflag:s25], $0x800  }
0xee: {  	[sflag:s25] =	ssyncset.done $0x0  }
0xef: {  	[sflag:s25] =	ssyncadd.s32 $0xFFFFF800  }
0xf0: {  	_ =	swait.ge [sflag:s25], $0x800  }
0xf1: {  	[sflag:s25] =	ssyncset.done $0x0  }
0xf2: {  	[sflag:s25] =	ssyncadd.s32 $0xFFFFF800  }
0xf3: {  	_ =	swait.ge [sflag:s25], $0x800  }
0xf4: {  	[sflag:s25] =	ssyncset.done $0x0  }
0xf5: {  	[sflag:s25] =	ssyncadd.s32 $0xFFFFF800  }
0xf6: {  	_ =	swait.ge [sflag:s25], $0x800  }
0xf7: {  	[sflag:s25] =	ssyncset.done $0x0  }
0xf8: {  	[sflag:s25] =	ssyncadd.s32 $0xFFFFF800  }
0xf9: {  	_ =	swait.ge [sflag:s25], $0x800  }
0xfa: {  	[sflag:s25] =	ssyncset.done $0x0  }
0xfb: {  	[sflag:s25] =	ssyncadd.s32 $0xFFFFF800  }
0xfc: {  	_ =	swait.ge [sflag:s25], $0x800  }
0xfd: {  	[sflag:s25] =	ssyncset.done $0x0  }
0xfe: {  	[sflag:s25] =	ssyncadd.s32 $0xFFFFF800  }
0xff: {  	_ =	swait.ge [sflag:s25], $0x800  }
0x100: {  	[sflag:s25] =	ssyncset.done $0x0  }
0x101: {  	[sflag:s25] =	ssyncadd.s32 $0xFFFFF800  }
0x102: {  	_ =	swait.ge [sflag:s25], $0x800  }
0x103: {  	[sflag:s25] =	ssyncset.done $0x0  }
0x104: {  	[sflag:s25] =	ssyncadd.s32 $0xFFFFF800  }
0x105: {  	p2 =	seq.s32 s13, $0xFFFFFE00;
	_ =	swait.ge [sflag:s18], $0x800  }
0x106: {  	s13 =	sadd.s32 @!p2 s13, s12;
	[sflag:s18] =	ssyncset.done $0x0  }
0x107: {  	s13 =	sadd.s32 @!p2 $0x6400, s13;
	s15 =	simm.s32 @!p2 $0x0;
	[sflag:s18] =	ssyncadd.s32 $0xFFFFF800  }
0x108: {  	[tilespmem:s15], [sflag:$0x3] =	stream.linear.gather @!p2 [hbm4b:s13+s15], $0x800, $0x38;
	[tilespmem:$0x1D700] =	vst v63  }
0x109: {  	s13 =	simm.s32 $0x880;
	_ =	sdelay $0x1  }
0x10a: {  	[tilespmem:s21], [sflag:$0x1] =	stream.indirect.gather [hbm4b:s5+s20], $0x10, s19, s20, $0xb8;
	[tilespmem:$0x1D700] =	vst v63  }
0x10b: {  	_ = 	snop  }
0x10c: {  	[tilespmem:s22], [sflag:$0x1] =	stream.indirect.gather [hbm4b:s5+s20], $0x10, s13, s20, $0xb8;
	[tilespmem:$0x1D700] =	vst v63  }
0x10d: {  	s13 =	simm.s32 $0x900;
	_ =	sdelay $0x1  }
0x10e: {  	[tilespmem:s24], [sflag:$0x1] =	stream.indirect.gather [hbm4b:s5+s20], $0x10, s13, s20, $0xb8;
	[tilespmem:$0x1D700] =	vst v63  }
0x10f: {  	s13 =	simm.s32 $0x980;
	_ =	sdelay $0x1  }
0x110: {  	[tilespmem:s26], [sflag:$0x1] =	stream.indirect.gather [hbm4b:s5+s20], $0x10, s13, s20, $0xb8;
	[tilespmem:$0x1D700] =	vst v63  }
0x111: {  	s13 =	simm.s32 $0xA00;
	_ =	sdelay $0x1  }
0x112: {  	[tilespmem:s29], [sflag:$0x1] =	stream.indirect.gather [hbm4b:s5+s20], $0x10, s13, s20, $0xb8;
	[tilespmem:$0x1D700] =	vst v63  }
0x113: {  	s13 =	simm.s32 $0xA80;
	_ =	sdelay $0x1  }
0x114: {  	[tilespmem:s31], [sflag:$0x1] =	stream.indirect.gather [hbm4b:s5+s20], $0x10, s13, s20, $0xb8;
	[tilespmem:$0x1D700] =	vst v63  }
0x115: {  	s13 =	simm.s32 $0xB00  }
0x116: {  	_ =	swait.ge [sflag:s0], $0x800  }
0x117: {  	[sflag:s0] =	ssyncset.done $0x0  }
0x118: {  	[sflag:s0] =	ssyncadd.s32 $0xFFFFF800  }
0x119: {  	[tilespmem:s1], [sflag:$0x1] =	stream.indirect.gather [hbm4b:s5+s20], $0x10, s13, s20, $0xb8;
	[tilespmem:$0x1D700] =	vst v63  }
0x11a: {  	s13 =	simm.s32 $0xC00;
	_ =	sdelay $0x1  }
0x11b: {  	[spmem:s2] =	stream.indirect.scatter.add.f32 [tilespmem:s21], [sflag:$0x2], $0x10, s13, s20, $0xb8;
	[tilespmem:$0x1D700] =	vst v63  }
0x11c: {  	s13 =	simm.s32 $0xB80  }
0x11d: {  	_ =	swait.ge [sflag:s0], $0x800  }
0x11e: {  	[sflag:s0] =	ssyncset.done $0x0  }
0x11f: {  	[sflag:s0] =	ssyncadd.s32 $0xFFFFF800  }
0x120: {  	[tilespmem:s14], [sflag:$0x1] =	stream.indirect.gather [hbm4b:s5+s20], $0x10, s13, s20, $0xb8;
	[tilespmem:$0x1D700] =	vst v63  }
0x121: {  	s13 =	simm.s32 $0xC80;
	_ =	sdelay $0x1  }
0x122: {  	[spmem:s2] =	stream.indirect.scatter.add.f32 [tilespmem:s22], [sflag:$0x2], $0x10, s13, s20, $0xb8;
	[tilespmem:$0x1D700] =	vst v63  }
0x123: {  	s13 =	simm.s32 $0xD00  }
0x124: {  	_ =	swait.ge [sflag:s0], $0x800  }
0x125: {  	[sflag:s0] =	ssyncset.done $0x0  }
0x126: {  	[sflag:s0] =	ssyncadd.s32 $0xFFFFF800  }
0x127: {  	[spmem:s2] =	stream.indirect.scatter.add.f32 [tilespmem:s24], [sflag:$0x2], $0x10, s13, s20, $0xb8;
	[tilespmem:$0x1D700] =	vst v63  }
0x128: {  	s13 =	simm.s32 $0xD80  }
0x129: {  	_ =	swait.ge [sflag:s0], $0x800  }
0x12a: {  	[sflag:s0] =	ssyncset.done $0x0  }
0x12b: {  	[sflag:s0] =	ssyncadd.s32 $0xFFFFF800  }
0x12c: {  	[spmem:s2] =	stream.indirect.scatter.add.f32 [tilespmem:s26], [sflag:$0x2], $0x10, s13, s20, $0xb8;
	[tilespmem:$0x1D700] =	vst v63  }
0x12d: {  	s13 =	simm.s32 $0xE00  }
0x12e: {  	_ =	swait.ge [sflag:s0], $0x800  }
0x12f: {  	[sflag:s0] =	ssyncset.done $0x0  }
0x130: {  	[sflag:s0] =	ssyncadd.s32 $0xFFFFF800  }
0x131: {  	[spmem:s2] =	stream.indirect.scatter.add.f32 [tilespmem:s29], [sflag:$0x2], $0x10, s13, s20, $0xb8;
	[tilespmem:$0x1D700] =	vst v63  }
0x132: {  	s13 =	simm.s32 $0xE80  }
0x133: {  	_ =	swait.ge [sflag:s0], $0x800  }
0x134: {  	[sflag:s0] =	ssyncset.done $0x0  }
0x135: {  	[sflag:s0] =	ssyncadd.s32 $0xFFFFF800  }
0x136: {  	[spmem:s2] =	stream.indirect.scatter.add.f32 [tilespmem:s31], [sflag:$0x2], $0x10, s13, s20, $0xb8;
	[tilespmem:$0x1D700] =	vst v63  }
0x137: {  	s13 =	simm.s32 $0xF00  }
0x138: {  	_ =	swait.ge [sflag:s0], $0x800  }
0x139: {  	[sflag:s0] =	ssyncset.done $0x0  }
0x13a: {  	[sflag:s0] =	ssyncadd.s32 $0xFFFFF800  }
0x13b: {  	[spmem:s2] =	stream.indirect.scatter.add.f32 [tilespmem:s1], [sflag:$0x2], $0x10, s13, s20, $0xb8;
	[tilespmem:$0x1D700] =	vst v63  }
0x13c: {  	s13 =	simm.s32 $0xF80  }
0x13d: {  	_ =	swait.ge [sflag:s0], $0x800  }
0x13e: {  	[sflag:s0] =	ssyncset.done $0x0  }
0x13f: {  	[sflag:s0] =	ssyncadd.s32 $0xFFFFF800  }
0x140: {  	[spmem:s2] =	stream.indirect.scatter.add.f32 [tilespmem:s14], [sflag:$0x2], $0x10, s13, s20, $0xb8;
	[tilespmem:$0x1D700] =	vst v63  }
0x141: {  	_ =	swait.ge [sflag:s25], $0x800  }
0x142: {  	[sflag:s25] =	ssyncset.done $0x0  }
0x143: {  	[sflag:s25] =	ssyncadd.s32 $0xFFFFF800  }
0x144: {  	_ =	swait.ge [sflag:s25], $0x800  }
0x145: {  	[sflag:s25] =	ssyncset.done $0x0  }
0x146: {  	[sflag:s25] =	ssyncadd.s32 $0xFFFFF800  }
0x147: {  	_ =	swait.ge [sflag:s25], $0x800  }
0x148: {  	[sflag:s25] =	ssyncset.done $0x0  }
0x149: {  	[sflag:s25] =	ssyncadd.s32 $0xFFFFF800  }
0x14a: {  	_ =	swait.ge [sflag:s25], $0x800  }
0x14b: {  	[sflag:s25] =	ssyncset.done $0x0  }
0x14c: {  	[sflag:s25] =	ssyncadd.s32 $0xFFFFF800  }
0x14d: {  	_ =	swait.ge [sflag:s25], $0x800  }
0x14e: {  	[sflag:s25] =	ssyncset.done $0x0  }
0x14f: {  	[sflag:s25] =	ssyncadd.s32 $0xFFFFF800  }
0x150: {  	_ =	swait.ge [sflag:s25], $0x800  }
0x151: {  	[sflag:s25] =	ssyncset.done $0x0  }
0x152: {  	[sflag:s25] =	ssyncadd.s32 $0xFFFFF800  }
.Ltmp1:
0x153: {  	_ =	swait.ge [sflag:s25], $0x800;
	(pc) =	sbr.rel @!p1 .LBB2_3-.Ltmp1, $4  }
0x154: {  	[sflag:s25] =	ssyncset.done $0x0  }
0x155: {  	[sflag:s25] =	ssyncadd.s32 $0xFFFFF800  }
0x156: {  	_ =	swait.ge [sflag:s25], $0x800  }
0x157: {  	[sflag:s25] =	ssyncset.done $0x0  }
.Ltmp2:
0x158: {  	(pc) =	sbr.rel .LBB2_8-.Ltmp2, $3  }
0x159: {  	_ =	sdelay $0x1  }
0x15a: {  	[sflag:s25] =	ssyncadd.s32 $0xFFFFF800  }
0x15b: {  	s8 =	rddreg [dreg:$0x2]  }
.LBB2_5:
0x15c: {  	_ =	swait.ge [sflag:s18], $0x800  }
0x15d: {  	s8 =	sadd.s32 $0xFFFF9E00, s12;
	[sflag:s18] =	ssyncset.done $0x0  }
0x15e: {  	s8 =	sadd.s32 $0x6300, s8;
	[sflag:s18] =	ssyncadd.s32 $0xFFFFF800  }
0x15f: {  	[tilespmem:s19], [sflag:$0x3] =	stream.linear.gather [hbm4b:s8+s3], $0x800, $0x38;
	[tilespmem:$0x1D700] =	vst v63  }
0x160: {  	_ = 	snop  }
0x161: {  	[tilespmem:s21], [sflag:$0x1] =	stream.indirect.gather [hbm4b:s6+s20], $0x10, s3, s20, $0xb8;
	[tilespmem:$0x1D700] =	vst v63  }
0x162: {  	_ = 	snop  }
0x163: {  	[tilespmem:s22], [sflag:$0x1] =	stream.indirect.gather [hbm4b:s6+s20], $0x10, s20, s20, $0xb8;
	[tilespmem:$0x1D700] =	vst v63  }
0x164: {  	s4 =	simm.s32 $0x100  }
0x165: {  	[tilespmem:s24], [sflag:$0x1] =	stream.indirect.gather [hbm4b:s6+s20], $0x10, s4, s20, $0xb8;
	[tilespmem:$0x1D700] =	vst v63  }
0x166: {  	s17 =	simm.s32 $0x180  }
0x167: {  	[tilespmem:s26], [sflag:$0x1] =	stream.indirect.gather [hbm4b:s6+s20], $0x10, s17, s20, $0xb8;
	[tilespmem:$0x1D700] =	vst v63  }
0x168: {  	s23 =	simm.s32 $0x200  }
0x169: {  	[tilespmem:s29], [sflag:$0x1] =	stream.indirect.gather [hbm4b:s6+s20], $0x10, s23, s20, $0xb8;
	[tilespmem:$0x1D700] =	vst v63  }
0x16a: {  	s8 =	simm.s32 $0x280  }
0x16b: {  	[tilespmem:s31], [sflag:$0x1] =	stream.indirect.gather [hbm4b:s6+s20], $0x10, s8, s20, $0xb8;
	[tilespmem:$0x1D700] =	vst v63  }
0x16c: {  	_ =	swait.ge [sflag:s0], $0x800  }
0x16d: {  	[sflag:s0] =	ssyncset.done $0x0  }
0x16e: {  	s9 =	simm.s32 $0x300;
	[sflag:s0] =	ssyncadd.s32 $0xFFFFF800  }
0x16f: {  	[tilespmem:s1], [sflag:$0x1] =	stream.indirect.gather [hbm4b:s6+s20], $0x10, s9, s20, $0xb8;
	[tilespmem:$0x1D700] =	vst v63  }
0x170: {  	s10 =	simm.s32 $0x400  }
0x171: {  	[spmem:s2] =	stream.indirect.scatter.add.f32 [tilespmem:s21], [sflag:$0x2], $0x10, s10, s20, $0xb8;
	[tilespmem:$0x1D700] =	vst v63  }
0x172: {  	_ =	swait.ge [sflag:s0], $0x800  }
0x173: {  	[sflag:s0] =	ssyncset.done $0x0  }
0x174: {  	s11 =	simm.s32 $0x380;
	[sflag:s0] =	ssyncadd.s32 $0xFFFFF800  }
0x175: {  	[tilespmem:s14], [sflag:$0x1] =	stream.indirect.gather [hbm4b:s6+s20], $0x10, s11, s20, $0xb8;
	[tilespmem:$0x1D700] =	vst v63  }
0x176: {  	s13 =	simm.s32 $0x480  }
0x177: {  	[spmem:s2] =	stream.indirect.scatter.add.f32 [tilespmem:s22], [sflag:$0x2], $0x10, s13, s20, $0xb8;
	[tilespmem:$0x1D700] =	vst v63  }
0x178: {  	_ =	swait.ge [sflag:s0], $0x800  }
0x179: {  	[sflag:s0] =	ssyncset.done $0x0  }
0x17a: {  	s30 =	simm.s32 $0x500;
	[sflag:s0] =	ssyncadd.s32 $0xFFFFF800  }
0x17b: {  	[spmem:s2] =	stream.indirect.scatter.add.f32 [tilespmem:s24], [sflag:$0x2], $0x10, s30, s20, $0xb8;
	[tilespmem:$0x1D700] =	vst v63  }
0x17c: {  	_ =	swait.ge [sflag:s0], $0x800  }
0x17d: {  	[sflag:s0] =	ssyncset.done $0x0  }
0x17e: {  	s4 =	simm.s32 $0x580;
	[sflag:s0] =	ssyncadd.s32 $0xFFFFF800  }
0x17f: {  	[spmem:s2] =	stream.indirect.scatter.add.f32 [tilespmem:s26], [sflag:$0x2], $0x10, s4, s20, $0xb8;
	[tilespmem:$0x1D700] =	vst v63  }
0x180: {  	_ =	swait.ge [sflag:s0], $0x800  }
0x181: {  	[sflag:s0] =	ssyncset.done $0x0  }
0x182: {  	s9 =	simm.s32 $0x600;
	[sflag:s0] =	ssyncadd.s32 $0xFFFFF800  }
0x183: {  	[spmem:s2] =	stream.indirect.scatter.add.f32 [tilespmem:s29], [sflag:$0x2], $0x10, s9, s20, $0xb8;
	[tilespmem:$0x1D700] =	vst v63  }
0x184: {  	_ =	swait.ge [sflag:s0], $0x800  }
0x185: {  	[sflag:s0] =	ssyncset.done $0x0  }
0x186: {  	s10 =	simm.s32 $0x680;
	[sflag:s0] =	ssyncadd.s32 $0xFFFFF800  }
0x187: {  	[spmem:s2] =	stream.indirect.scatter.add.f32 [tilespmem:s31], [sflag:$0x2], $0x10, s10, s20, $0xb8;
	[tilespmem:$0x1D700] =	vst v63  }
0x188: {  	_ =	swait.ge [sflag:s0], $0x800  }
0x189: {  	[sflag:s0] =	ssyncset.done $0x0  }
0x18a: {  	s11 =	simm.s32 $0x700;
	[sflag:s0] =	ssyncadd.s32 $0xFFFFF800  }
0x18b: {  	[spmem:s2] =	stream.indirect.scatter.add.f32 [tilespmem:s1], [sflag:$0x2], $0x10, s11, s20, $0xb8;
	[tilespmem:$0x1D700] =	vst v63  }
0x18c: {  	_ =	swait.ge [sflag:s0], $0x800  }
0x18d: {  	[sflag:s0] =	ssyncset.done $0x0  }
0x18e: {  	s16 =	simm.s32 $0x780;
	[sflag:s0] =	ssyncadd.s32 $0xFFFFF800  }
0x18f: {  	[spmem:s2] =	stream.indirect.scatter.add.f32 [tilespmem:s14], [sflag:$0x2], $0x10, s16, s20, $0xb8;
	[tilespmem:$0x1D700] =	vst v63  }
0x190: {  	_ =	swait.ge [sflag:s25], $0x800  }
0x191: {  	[sflag:s25] =	ssyncset.done $0x0  }
0x192: {  	[sflag:s25] =	ssyncadd.s32 $0xFFFFF800  }
0x193: {  	_ =	swait.ge [sflag:s25], $0x800  }
0x194: {  	[sflag:s25] =	ssyncset.done $0x0  }
0x195: {  	[sflag:s25] =	ssyncadd.s32 $0xFFFFF800  }
0x196: {  	_ =	swait.ge [sflag:s25], $0x800  }
0x197: {  	[sflag:s25] =	ssyncset.done $0x0  }
0x198: {  	[sflag:s25] =	ssyncadd.s32 $0xFFFFF800  }
0x199: {  	_ =	swait.ge [sflag:s25], $0x800  }
0x19a: {  	[sflag:s25] =	ssyncset.done $0x0  }
0x19b: {  	[sflag:s25] =	ssyncadd.s32 $0xFFFFF800  }
0x19c: {  	_ =	swait.ge [sflag:s25], $0x800  }
0x19d: {  	[sflag:s25] =	ssyncset.done $0x0  }
0x19e: {  	[sflag:s25] =	ssyncadd.s32 $0xFFFFF800  }
0x19f: {  	_ =	swait.ge [sflag:s25], $0x800  }
0x1a0: {  	[sflag:s25] =	ssyncset.done $0x0  }
0x1a1: {  	[sflag:s25] =	ssyncadd.s32 $0xFFFFF800  }
0x1a2: {  	_ =	swait.ge [sflag:s25], $0x800  }
0x1a3: {  	[sflag:s25] =	ssyncset.done $0x0  }
0x1a4: {  	[sflag:s25] =	ssyncadd.s32 $0xFFFFF800  }
0x1a5: {  	_ =	swait.ge [sflag:s25], $0x800  }
0x1a6: {  	[sflag:s25] =	ssyncset.done $0x0  }
0x1a7: {  	[sflag:s25] =	ssyncadd.s32 $0xFFFFF800  }
0x1a8: {  	p1 =	por $0x0, $0x0;
	_ =	swait.ge [sflag:s18], $0x800  }
0x1a9: {  	s8 =	sadd.s32 @!p1 $0xFFFF9E00, s12;
	[sflag:s18] =	ssyncset.done $0x0  }
0x1aa: {  	s8 =	sadd.s32 @!p1 $0x6400, s8;
	s13 =	simm.s32 @!p1 $0x0;
	[sflag:s18] =	ssyncadd.s32 $0xFFFFF800  }
0x1ab: {  	[tilespmem:s13], [sflag:$0x3] =	stream.linear.gather @!p1 [hbm4b:s8+s13], $0x800, $0x38;
	[tilespmem:$0x1D700] =	vst v63  }
0x1ac: {  	_ = 	snop  }
0x1ad: {  	[tilespmem:s21], [sflag:$0x1] =	stream.indirect.gather [hbm4b:s6+s20], $0x10, s19, s20, $0xb8;
	[tilespmem:$0x1D700] =	vst v63  }
0x1ae: {  	s15 =	simm.s32 $0x880  }
0x1af: {  	[tilespmem:s22], [sflag:$0x1] =	stream.indirect.gather [hbm4b:s6+s20], $0x10, s15, s20, $0xb8;
	[tilespmem:$0x1D700] =	vst v63  }
0x1b0: {  	s13 =	simm.s32 $0x900  }
0x1b1: {  	[tilespmem:s24], [sflag:$0x1] =	stream.indirect.gather [hbm4b:s6+s20], $0x10, s13, s20, $0xb8;
	[tilespmem:$0x1D700] =	vst v63  }
0x1b2: {  	s15 =	simm.s32 $0x980  }
0x1b3: {  	[tilespmem:s26], [sflag:$0x1] =	stream.indirect.gather [hbm4b:s6+s20], $0x10, s15, s20, $0xb8;
	[tilespmem:$0x1D700] =	vst v63  }
0x1b4: {  	s13 =	simm.s32 $0xA00  }
0x1b5: {  	[tilespmem:s29], [sflag:$0x1] =	stream.indirect.gather [hbm4b:s6+s20], $0x10, s13, s20, $0xb8;
	[tilespmem:$0x1D700] =	vst v63  }
0x1b6: {  	s15 =	simm.s32 $0xA80  }
0x1b7: {  	[tilespmem:s31], [sflag:$0x1] =	stream.indirect.gather [hbm4b:s6+s20], $0x10, s15, s20, $0xb8;
	[tilespmem:$0x1D700] =	vst v63  }
0x1b8: {  	_ =	swait.ge [sflag:s0], $0x800  }
0x1b9: {  	[sflag:s0] =	ssyncset.done $0x0  }
0x1ba: {  	s13 =	simm.s32 $0xB00;
	[sflag:s0] =	ssyncadd.s32 $0xFFFFF800  }
0x1bb: {  	[tilespmem:s1], [sflag:$0x1] =	stream.indirect.gather [hbm4b:s6+s20], $0x10, s13, s20, $0xb8;
	[tilespmem:$0x1D700] =	vst v63  }
0x1bc: {  	s15 =	simm.s32 $0xC00  }
0x1bd: {  	[spmem:s2] =	stream.indirect.scatter.add.f32 [tilespmem:s21], [sflag:$0x2], $0x10, s15, s20, $0xb8;
	[tilespmem:$0x1D700] =	vst v63  }
0x1be: {  	_ =	swait.ge [sflag:s0], $0x800  }
0x1bf: {  	[sflag:s0] =	ssyncset.done $0x0  }
0x1c0: {  	s13 =	simm.s32 $0xB80;
	[sflag:s0] =	ssyncadd.s32 $0xFFFFF800  }
0x1c1: {  	[tilespmem:s14], [sflag:$0x1] =	stream.indirect.gather [hbm4b:s6+s20], $0x10, s13, s20, $0xb8;
	[tilespmem:$0x1D700] =	vst v63  }
0x1c2: {  	s15 =	simm.s32 $0xC80  }
0x1c3: {  	[spmem:s2] =	stream.indirect.scatter.add.f32 [tilespmem:s22], [sflag:$0x2], $0x10, s15, s20, $0xb8;
	[tilespmem:$0x1D700] =	vst v63  }
0x1c4: {  	_ =	swait.ge [sflag:s0], $0x800  }
0x1c5: {  	[sflag:s0] =	ssyncset.done $0x0  }
0x1c6: {  	s13 =	simm.s32 $0xD00;
	[sflag:s0] =	ssyncadd.s32 $0xFFFFF800  }
0x1c7: {  	[spmem:s2] =	stream.indirect.scatter.add.f32 [tilespmem:s24], [sflag:$0x2], $0x10, s13, s20, $0xb8;
	[tilespmem:$0x1D700] =	vst v63  }
0x1c8: {  	_ =	swait.ge [sflag:s0], $0x800  }
0x1c9: {  	[sflag:s0] =	ssyncset.done $0x0  }
0x1ca: {  	s15 =	simm.s32 $0xD80;
	[sflag:s0] =	ssyncadd.s32 $0xFFFFF800  }
0x1cb: {  	[spmem:s2] =	stream.indirect.scatter.add.f32 [tilespmem:s26], [sflag:$0x2], $0x10, s15, s20, $0xb8;
	[tilespmem:$0x1D700] =	vst v63  }
0x1cc: {  	_ =	swait.ge [sflag:s0], $0x800  }
0x1cd: {  	[sflag:s0] =	ssyncset.done $0x0  }
0x1ce: {  	s13 =	simm.s32 $0xE00;
	[sflag:s0] =	ssyncadd.s32 $0xFFFFF800  }
0x1cf: {  	[spmem:s2] =	stream.indirect.scatter.add.f32 [tilespmem:s29], [sflag:$0x2], $0x10, s13, s20, $0xb8;
	[tilespmem:$0x1D700] =	vst v63  }
0x1d0: {  	_ =	swait.ge [sflag:s0], $0x800  }
0x1d1: {  	[sflag:s0] =	ssyncset.done $0x0  }
0x1d2: {  	s15 =	simm.s32 $0xE80;
	[sflag:s0] =	ssyncadd.s32 $0xFFFFF800  }
0x1d3: {  	[spmem:s2] =	stream.indirect.scatter.add.f32 [tilespmem:s31], [sflag:$0x2], $0x10, s15, s20, $0xb8;
	[tilespmem:$0x1D700] =	vst v63  }
0x1d4: {  	_ =	swait.ge [sflag:s0], $0x800  }
0x1d5: {  	[sflag:s0] =	ssyncset.done $0x0  }
0x1d6: {  	s13 =	simm.s32 $0xF00;
	[sflag:s0] =	ssyncadd.s32 $0xFFFFF800  }
0x1d7: {  	[spmem:s2] =	stream.indirect.scatter.add.f32 [tilespmem:s1], [sflag:$0x2], $0x10, s13, s20, $0xb8;
	[tilespmem:$0x1D700] =	vst v63  }
0x1d8: {  	_ =	swait.ge [sflag:s0], $0x800  }
0x1d9: {  	[sflag:s0] =	ssyncset.done $0x0  }
0x1da: {  	s15 =	simm.s32 $0xF80;
	[sflag:s0] =	ssyncadd.s32 $0xFFFFF800  }
0x1db: {  	[spmem:s2] =	stream.indirect.scatter.add.f32 [tilespmem:s14], [sflag:$0x2], $0x10, s15, s20, $0xb8;
	[tilespmem:$0x1D700] =	vst v63  }
0x1dc: {  	_ =	swait.ge [sflag:s25], $0x800  }
0x1dd: {  	[sflag:s25] =	ssyncset.done $0x0  }
0x1de: {  	[sflag:s25] =	ssyncadd.s32 $0xFFFFF800  }
0x1df: {  	_ =	swait.ge [sflag:s25], $0x800  }
0x1e0: {  	[sflag:s25] =	ssyncset.done $0x0  }
0x1e1: {  	[sflag:s25] =	ssyncadd.s32 $0xFFFFF800  }
0x1e2: {  	_ =	swait.ge [sflag:s25], $0x800  }
0x1e3: {  	[sflag:s25] =	ssyncset.done $0x0  }
0x1e4: {  	[sflag:s25] =	ssyncadd.s32 $0xFFFFF800  }
0x1e5: {  	_ =	swait.ge [sflag:s25], $0x800  }
0x1e6: {  	[sflag:s25] =	ssyncset.done $0x0  }
0x1e7: {  	[sflag:s25] =	ssyncadd.s32 $0xFFFFF800  }
0x1e8: {  	_ =	swait.ge [sflag:s25], $0x800  }
0x1e9: {  	[sflag:s25] =	ssyncset.done $0x0  }
0x1ea: {  	[sflag:s25] =	ssyncadd.s32 $0xFFFFF800  }
0x1eb: {  	_ =	swait.ge [sflag:s25], $0x800  }
0x1ec: {  	[sflag:s25] =	ssyncset.done $0x0  }
0x1ed: {  	[sflag:s25] =	ssyncadd.s32 $0xFFFFF800  }
0x1ee: {  	_ =	swait.ge [sflag:s25], $0x800  }
0x1ef: {  	[sflag:s25] =	ssyncset.done $0x0  }
0x1f0: {  	[sflag:s25] =	ssyncadd.s32 $0xFFFFF800  }
0x1f1: {  	s28 =	simm.s32 $0x380;
	s17 =	simm.s32 $0x480;
	_ =	swait.ge [sflag:s25], $0x800  }
0x1f2: {  	s23 =	simm.s32 $0x400;
	s8 =	simm.s32 $0xFFFFA000;
	[sflag:s25] =	ssyncset.done $0x0  }
.LBB2_6:
0x1f3: {  	[sflag:s25] =	ssyncadd.s32 $0xFFFFF800;
	s13 =	smov.u32 s8;
	s8 =	sadd.s32 $0x200, s8  }
0x1f4: {  	_ =	swait.ge [sflag:s18], $0x800;
	p1 =	sne.s32 s8, $0x0  }
0x1f5: {  	s15 =	sadd.s32 s13, s12;
	[sflag:s18] =	ssyncset.done $0x0  }
0x1f6: {  	s15 =	sadd.s32 $0x6300, s15;
	[sflag:s18] =	ssyncadd.s32 $0xFFFFF800  }
0x1f7: {  	[tilespmem:s19], [sflag:$0x3] =	stream.linear.gather [hbm4b:s15+s3], $0x800, $0x38;
	[tilespmem:$0x1D700] =	vst v63  }
0x1f8: {  	_ = 	snop  }
0x1f9: {  	[tilespmem:s21], [sflag:$0x1] =	stream.indirect.gather [hbm4b:s6+s20], $0x10, s3, s20, $0xb8;
	[tilespmem:$0x1D700] =	vst v63  }
0x1fa: {  	_ = 	snop  }
0x1fb: {  	[tilespmem:s22], [sflag:$0x1] =	stream.indirect.gather [hbm4b:s6+s20], $0x10, s20, s20, $0xb8;
	[tilespmem:$0x1D700] =	vst v63  }
0x1fc: {  	s15 =	simm.s32 $0x100  }
0x1fd: {  	[tilespmem:s24], [sflag:$0x1] =	stream.indirect.gather [hbm4b:s6+s20], $0x10, s15, s20, $0xb8;
	[tilespmem:$0x1D700] =	vst v63  }
0x1fe: {  	s15 =	simm.s32 $0x180  }
0x1ff: {  	[tilespmem:s26], [sflag:$0x1] =	stream.indirect.gather [hbm4b:s6+s20], $0x10, s15, s20, $0xb8;
	[tilespmem:$0x1D700] =	vst v63  }
0x200: {  	s15 =	simm.s32 $0x200  }
0x201: {  	[tilespmem:s29], [sflag:$0x1] =	stream.indirect.gather [hbm4b:s6+s20], $0x10, s15, s20, $0xb8;
	[tilespmem:$0x1D700] =	vst v63  }
0x202: {  	s15 =	simm.s32 $0x280  }
0x203: {  	[tilespmem:s31], [sflag:$0x1] =	stream.indirect.gather [hbm4b:s6+s20], $0x10, s15, s20, $0xb8;
	[tilespmem:$0x1D700] =	vst v63  }
0x204: {  	_ =	swait.ge [sflag:s0], $0x800  }
0x205: {  	[sflag:s0] =	ssyncset.done $0x0  }
0x206: {  	s15 =	simm.s32 $0x300;
	[sflag:s0] =	ssyncadd.s32 $0xFFFFF800  }
0x207: {  	[tilespmem:s1], [sflag:$0x1] =	stream.indirect.gather [hbm4b:s6+s20], $0x10, s15, s20, $0xb8;
	[tilespmem:$0x1D700] =	vst v63  }
0x208: {  	_ = 	snop  }
0x209: {  	[spmem:s2] =	stream.indirect.scatter.add.f32 [tilespmem:s21], [sflag:$0x2], $0x10, s23, s20, $0xb8;
	[tilespmem:$0x1D700] =	vst v63  }
0x20a: {  	_ =	swait.ge [sflag:s0], $0x800  }
0x20b: {  	[sflag:s0] =	ssyncset.done $0x0  }
0x20c: {  	[sflag:s0] =	ssyncadd.s32 $0xFFFFF800  }
0x20d: {  	[tilespmem:s14], [sflag:$0x1] =	stream.indirect.gather [hbm4b:s6+s20], $0x10, s28, s20, $0xb8;
	[tilespmem:$0x1D700] =	vst v63  }
0x20e: {  	_ = 	snop  }
0x20f: {  	[spmem:s2] =	stream.indirect.scatter.add.f32 [tilespmem:s22], [sflag:$0x2], $0x10, s17, s20, $0xb8;
	[tilespmem:$0x1D700] =	vst v63  }
0x210: {  	_ =	swait.ge [sflag:s0], $0x800  }
0x211: {  	[sflag:s0] =	ssyncset.done $0x0  }
0x212: {  	[sflag:s0] =	ssyncadd.s32 $0xFFFFF800  }
0x213: {  	[spmem:s2] =	stream.indirect.scatter.add.f32 [tilespmem:s24], [sflag:$0x2], $0x10, s30, s20, $0xb8;
	[tilespmem:$0x1D700] =	vst v63  }
0x214: {  	_ =	swait.ge [sflag:s0], $0x800  }
0x215: {  	[sflag:s0] =	ssyncset.done $0x0  }
0x216: {  	[sflag:s0] =	ssyncadd.s32 $0xFFFFF800  }
0x217: {  	[spmem:s2] =	stream.indirect.scatter.add.f32 [tilespmem:s26], [sflag:$0x2], $0x10, s4, s20, $0xb8;
	[tilespmem:$0x1D700] =	vst v63  }
0x218: {  	_ =	swait.ge [sflag:s0], $0x800  }
0x219: {  	[sflag:s0] =	ssyncset.done $0x0  }
0x21a: {  	[sflag:s0] =	ssyncadd.s32 $0xFFFFF800  }
0x21b: {  	[spmem:s2] =	stream.indirect.scatter.add.f32 [tilespmem:s29], [sflag:$0x2], $0x10, s9, s20, $0xb8;
	[tilespmem:$0x1D700] =	vst v63  }
0x21c: {  	_ =	swait.ge [sflag:s0], $0x800  }
0x21d: {  	[sflag:s0] =	ssyncset.done $0x0  }
0x21e: {  	[sflag:s0] =	ssyncadd.s32 $0xFFFFF800  }
0x21f: {  	[spmem:s2] =	stream.indirect.scatter.add.f32 [tilespmem:s31], [sflag:$0x2], $0x10, s10, s20, $0xb8;
	[tilespmem:$0x1D700] =	vst v63  }
0x220: {  	_ =	swait.ge [sflag:s0], $0x800  }
0x221: {  	[sflag:s0] =	ssyncset.done $0x0  }
0x222: {  	[sflag:s0] =	ssyncadd.s32 $0xFFFFF800  }
0x223: {  	[spmem:s2] =	stream.indirect.scatter.add.f32 [tilespmem:s1], [sflag:$0x2], $0x10, s11, s20, $0xb8;
	[tilespmem:$0x1D700] =	vst v63  }
0x224: {  	_ =	swait.ge [sflag:s0], $0x800  }
0x225: {  	[sflag:s0] =	ssyncset.done $0x0  }
0x226: {  	[sflag:s0] =	ssyncadd.s32 $0xFFFFF800  }
0x227: {  	[spmem:s2] =	stream.indirect.scatter.add.f32 [tilespmem:s14], [sflag:$0x2], $0x10, s16, s20, $0xb8;
	[tilespmem:$0x1D700] =	vst v63  }
0x228: {  	_ =	swait.ge [sflag:s25], $0x800  }
0x229: {  	[sflag:s25] =	ssyncset.done $0x0  }
0x22a: {  	[sflag:s25] =	ssyncadd.s32 $0xFFFFF800  }
0x22b: {  	_ =	swait.ge [sflag:s25], $0x800  }
0x22c: {  	[sflag:s25] =	ssyncset.done $0x0  }
0x22d: {  	[sflag:s25] =	ssyncadd.s32 $0xFFFFF800  }
0x22e: {  	_ =	swait.ge [sflag:s25], $0x800  }
0x22f: {  	[sflag:s25] =	ssyncset.done $0x0  }
0x230: {  	[sflag:s25] =	ssyncadd.s32 $0xFFFFF800  }
0x231: {  	_ =	swait.ge [sflag:s25], $0x800  }
0x232: {  	[sflag:s25] =	ssyncset.done $0x0  }
0x233: {  	[sflag:s25] =	ssyncadd.s32 $0xFFFFF800  }
0x234: {  	_ =	swait.ge [sflag:s25], $0x800  }
0x235: {  	[sflag:s25] =	ssyncset.done $0x0  }
0x236: {  	[sflag:s25] =	ssyncadd.s32 $0xFFFFF800  }
0x237: {  	_ =	swait.ge [sflag:s25], $0x800  }
0x238: {  	[sflag:s25] =	ssyncset.done $0x0  }
0x239: {  	[sflag:s25] =	ssyncadd.s32 $0xFFFFF800  }
0x23a: {  	_ =	swait.ge [sflag:s25], $0x800  }
0x23b: {  	[sflag:s25] =	ssyncset.done $0x0  }
0x23c: {  	[sflag:s25] =	ssyncadd.s32 $0xFFFFF800  }
0x23d: {  	_ =	swait.ge [sflag:s25], $0x800  }
0x23e: {  	[sflag:s25] =	ssyncset.done $0x0  }
0x23f: {  	[sflag:s25] =	ssyncadd.s32 $0xFFFFF800  }
0x240: {  	p2 =	seq.s32 s13, $0xFFFFFE00;
	_ =	swait.ge [sflag:s18], $0x800  }
0x241: {  	s13 =	sadd.s32 @!p2 s13, s12;
	[sflag:s18] =	ssyncset.done $0x0  }
0x242: {  	s13 =	sadd.s32 @!p2 $0x6400, s13;
	s15 =	simm.s32 @!p2 $0x0;
	[sflag:s18] =	ssyncadd.s32 $0xFFFFF800  }
0x243: {  	[tilespmem:s15], [sflag:$0x3] =	stream.linear.gather @!p2 [hbm4b:s13+s15], $0x800, $0x38;
	[tilespmem:$0x1D700] =	vst v63  }
0x244: {  	s13 =	simm.s32 $0x880;
	_ =	sdelay $0x1  }
0x245: {  	[tilespmem:s21], [sflag:$0x1] =	stream.indirect.gather [hbm4b:s6+s20], $0x10, s19, s20, $0xb8;
	[tilespmem:$0x1D700] =	vst v63  }
0x246: {  	_ = 	snop  }
0x247: {  	[tilespmem:s22], [sflag:$0x1] =	stream.indirect.gather [hbm4b:s6+s20], $0x10, s13, s20, $0xb8;
	[tilespmem:$0x1D700] =	vst v63  }
0x248: {  	s13 =	simm.s32 $0x900;
	_ =	sdelay $0x1  }
0x249: {  	[tilespmem:s24], [sflag:$0x1] =	stream.indirect.gather [hbm4b:s6+s20], $0x10, s13, s20, $0xb8;
	[tilespmem:$0x1D700] =	vst v63  }
0x24a: {  	s13 =	simm.s32 $0x980;
	_ =	sdelay $0x1  }
0x24b: {  	[tilespmem:s26], [sflag:$0x1] =	stream.indirect.gather [hbm4b:s6+s20], $0x10, s13, s20, $0xb8;
	[tilespmem:$0x1D700] =	vst v63  }
0x24c: {  	s13 =	simm.s32 $0xA00;
	_ =	sdelay $0x1  }
0x24d: {  	[tilespmem:s29], [sflag:$0x1] =	stream.indirect.gather [hbm4b:s6+s20], $0x10, s13, s20, $0xb8;
	[tilespmem:$0x1D700] =	vst v63  }
0x24e: {  	s13 =	simm.s32 $0xA80;
	_ =	sdelay $0x1  }
0x24f: {  	[tilespmem:s31], [sflag:$0x1] =	stream.indirect.gather [hbm4b:s6+s20], $0x10, s13, s20, $0xb8;
	[tilespmem:$0x1D700] =	vst v63  }
0x250: {  	s13 =	simm.s32 $0xB00  }
0x251: {  	_ =	swait.ge [sflag:s0], $0x800  }
0x252: {  	[sflag:s0] =	ssyncset.done $0x0  }
0x253: {  	[sflag:s0] =	ssyncadd.s32 $0xFFFFF800  }
0x254: {  	[tilespmem:s1], [sflag:$0x1] =	stream.indirect.gather [hbm4b:s6+s20], $0x10, s13, s20, $0xb8;
	[tilespmem:$0x1D700] =	vst v63  }
0x255: {  	s13 =	simm.s32 $0xC00;
	_ =	sdelay $0x1  }
0x256: {  	[spmem:s2] =	stream.indirect.scatter.add.f32 [tilespmem:s21], [sflag:$0x2], $0x10, s13, s20, $0xb8;
	[tilespmem:$0x1D700] =	vst v63  }
0x257: {  	s13 =	simm.s32 $0xB80  }
0x258: {  	_ =	swait.ge [sflag:s0], $0x800  }
0x259: {  	[sflag:s0] =	ssyncset.done $0x0  }
0x25a: {  	[sflag:s0] =	ssyncadd.s32 $0xFFFFF800  }
0x25b: {  	[tilespmem:s14], [sflag:$0x1] =	stream.indirect.gather [hbm4b:s6+s20], $0x10, s13, s20, $0xb8;
	[tilespmem:$0x1D700] =	vst v63  }
0x25c: {  	s13 =	simm.s32 $0xC80;
	_ =	sdelay $0x1  }
0x25d: {  	[spmem:s2] =	stream.indirect.scatter.add.f32 [tilespmem:s22], [sflag:$0x2], $0x10, s13, s20, $0xb8;
	[tilespmem:$0x1D700] =	vst v63  }
0x25e: {  	s13 =	simm.s32 $0xD00  }
0x25f: {  	_ =	swait.ge [sflag:s0], $0x800  }
0x260: {  	[sflag:s0] =	ssyncset.done $0x0  }
0x261: {  	[sflag:s0] =	ssyncadd.s32 $0xFFFFF800  }
0x262: {  	[spmem:s2] =	stream.indirect.scatter.add.f32 [tilespmem:s24], [sflag:$0x2], $0x10, s13, s20, $0xb8;
	[tilespmem:$0x1D700] =	vst v63  }
0x263: {  	s13 =	simm.s32 $0xD80  }
0x264: {  	_ =	swait.ge [sflag:s0], $0x800  }
0x265: {  	[sflag:s0] =	ssyncset.done $0x0  }
0x266: {  	[sflag:s0] =	ssyncadd.s32 $0xFFFFF800  }
0x267: {  	[spmem:s2] =	stream.indirect.scatter.add.f32 [tilespmem:s26], [sflag:$0x2], $0x10, s13, s20, $0xb8;
	[tilespmem:$0x1D700] =	vst v63  }
0x268: {  	s13 =	simm.s32 $0xE00  }
0x269: {  	_ =	swait.ge [sflag:s0], $0x800  }
0x26a: {  	[sflag:s0] =	ssyncset.done $0x0  }
0x26b: {  	[sflag:s0] =	ssyncadd.s32 $0xFFFFF800  }
0x26c: {  	[spmem:s2] =	stream.indirect.scatter.add.f32 [tilespmem:s29], [sflag:$0x2], $0x10, s13, s20, $0xb8;
	[tilespmem:$0x1D700] =	vst v63  }
0x26d: {  	s13 =	simm.s32 $0xE80  }
0x26e: {  	_ =	swait.ge [sflag:s0], $0x800  }
0x26f: {  	[sflag:s0] =	ssyncset.done $0x0  }
0x270: {  	[sflag:s0] =	ssyncadd.s32 $0xFFFFF800  }
0x271: {  	[spmem:s2] =	stream.indirect.scatter.add.f32 [tilespmem:s31], [sflag:$0x2], $0x10, s13, s20, $0xb8;
	[tilespmem:$0x1D700] =	vst v63  }
0x272: {  	s13 =	simm.s32 $0xF00  }
0x273: {  	_ =	swait.ge [sflag:s0], $0x800  }
0x274: {  	[sflag:s0] =	ssyncset.done $0x0  }
0x275: {  	[sflag:s0] =	ssyncadd.s32 $0xFFFFF800  }
0x276: {  	[spmem:s2] =	stream.indirect.scatter.add.f32 [tilespmem:s1], [sflag:$0x2], $0x10, s13, s20, $0xb8;
	[tilespmem:$0x1D700] =	vst v63  }
0x277: {  	s13 =	simm.s32 $0xF80  }
0x278: {  	_ =	swait.ge [sflag:s0], $0x800  }
0x279: {  	[sflag:s0] =	ssyncset.done $0x0  }
0x27a: {  	[sflag:s0] =	ssyncadd.s32 $0xFFFFF800  }
0x27b: {  	[spmem:s2] =	stream.indirect.scatter.add.f32 [tilespmem:s14], [sflag:$0x2], $0x10, s13, s20, $0xb8;
	[tilespmem:$0x1D700] =	vst v63  }
0x27c: {  	_ =	swait.ge [sflag:s25], $0x800  }
0x27d: {  	[sflag:s25] =	ssyncset.done $0x0  }
0x27e: {  	[sflag:s25] =	ssyncadd.s32 $0xFFFFF800  }
0x27f: {  	_ =	swait.ge [sflag:s25], $0x800  }
0x280: {  	[sflag:s25] =	ssyncset.done $0x0  }
0x281: {  	[sflag:s25] =	ssyncadd.s32 $0xFFFFF800  }
0x282: {  	_ =	swait.ge [sflag:s25], $0x800  }
0x283: {  	[sflag:s25] =	ssyncset.done $0x0  }
0x284: {  	[sflag:s25] =	ssyncadd.s32 $0xFFFFF800  }
0x285: {  	_ =	swait.ge [sflag:s25], $0x800  }
0x286: {  	[sflag:s25] =	ssyncset.done $0x0  }
0x287: {  	[sflag:s25] =	ssyncadd.s32 $0xFFFFF800  }
0x288: {  	_ =	swait.ge [sflag:s25], $0x800  }
0x289: {  	[sflag:s25] =	ssyncset.done $0x0  }
0x28a: {  	[sflag:s25] =	ssyncadd.s32 $0xFFFFF800  }
0x28b: {  	_ =	swait.ge [sflag:s25], $0x800  }
0x28c: {  	[sflag:s25] =	ssyncset.done $0x0  }
0x28d: {  	[sflag:s25] =	ssyncadd.s32 $0xFFFFF800  }
.Ltmp3:
0x28e: {  	_ =	swait.ge [sflag:s25], $0x800;
	(pc) =	sbr.rel @p1 .LBB2_6-.Ltmp3, $4  }
0x28f: {  	[sflag:s25] =	ssyncset.done $0x0  }
0x290: {  	[sflag:s25] =	ssyncadd.s32 $0xFFFFF800  }
0x291: {  	_ =	swait.ge [sflag:s25], $0x800  }
0x292: {  	[sflag:s25] =	ssyncset.done $0x0  }
0x293: {  	[sflag:s25] =	ssyncadd.s32 $0xFFFFF800;
	s8 =	rddreg [dreg:$0x6]  }
.LBB2_8:
0x294: {  	s13 =	rddreg [dreg:$0x7];
	[bflag:$0x0] =	sbarrier.arrive $0xFFFF  }
0x295: {  	s15 =	rddreg [dreg:$0x9]  }
0x296: {  	s11 =	simm.s32 $0x4;
	s8 =	sadd.s32 s8, s13;
	s4 =	rddreg [dreg:$0xd]  }
0x297: {  	[hbm:s8], [sflag:s15] =	dma.local [spmem:s4], $0x30E0  }
0x298: {  	_ =	swait.ge [sflag:s11], $0x30E0  }
0x299: {  	[sflag:s11] =	ssyncset.done $0x0  }
0x29a: {  	[sflag:s11] =	ssyncadd.s32 $0xFFFFCF20  }
0x29b: {  	[bflag:$0x0] =	sbarrier.arrive $0xFFFF  }
0x29c: {  	s12 =	rddreg [dreg:$0x8]  }
0x29d: {  	[spmem:s4], [sflag:s15] =	dma.local [hbm:s12], $0x30E0  }
0x29e: {  	_ =	swait.ge [sflag:s11], $0x30E0  }
0x29f: {  	[sflag:s11] =	ssyncset.done $0x0  }
0x2a0: {  	[sflag:s11] =	ssyncadd.s32 $0xFFFFCF20  }
0x2a1: {  	[bflag:$0x0] =	sbarrier.arrive $0xFFFF  }
0x2a2: {  	s13 =	rddreg [dreg:$0xa]  }
0x2a3: {  	[tilespmem:s3], [sflag:$0x3] =	stream.linear.gather [hbm4b:s13+s3], $0x800, $0x38;
	[tilespmem:$0x1D700] =	vst v63  }
0x2a4: {  	_ =	swait.ge [sflag:s18], $0x800  }
0x2a5: {  	s15 =	rddreg [dreg:$0x5]  }
0x2a6: {  	[sflag:s18] =	ssyncset.done $0x0;
	s8 =	sadd.s32 $0xFFFFD000, s15  }
0x2a7: {  	[sflag:s18] =	ssyncadd.s32 $0xFFFFF800;
	s16 =	sadd.s32 $0x3100, s8  }
0x2a8: {  	[tilespmem:s19], [sflag:$0x3] =	stream.linear.gather [hbm4b:s16+s3], $0x800, $0x38;
	[tilespmem:$0x1D700] =	vst v63  }
0x2a9: {  	_ = 	snop  }
0x2aa: {  	[tilespmem:s21], [sflag:$0x1] =	stream.indirect.gather [hbm4b:s7+s20], $0x10, s3, s20, $0xb8;
	[tilespmem:$0x1D700] =	vst v63  }
0x2ab: {  	_ = 	snop  }
0x2ac: {  	[tilespmem:s22], [sflag:$0x1] =	stream.indirect.gather [hbm4b:s7+s20], $0x10, s20, s20, $0xb8;
	[tilespmem:$0x1D700] =	vst v63  }
0x2ad: {  	s17 =	simm.s32 $0x100  }
0x2ae: {  	[tilespmem:s24], [sflag:$0x1] =	stream.indirect.gather [hbm4b:s7+s20], $0x10, s17, s20, $0xb8;
	[tilespmem:$0x1D700] =	vst v63  }
0x2af: {  	s23 =	simm.s32 $0x180  }
0x2b0: {  	[tilespmem:s26], [sflag:$0x1] =	stream.indirect.gather [hbm4b:s7+s20], $0x10, s23, s20, $0xb8;
	[tilespmem:$0x1D700] =	vst v63  }
0x2b1: {  	s9 =	simm.s32 $0x200  }
0x2b2: {  	[tilespmem:s29], [sflag:$0x1] =	stream.indirect.gather [hbm4b:s7+s20], $0x10, s9, s20, $0xb8;
	[tilespmem:$0x1D700] =	vst v63  }
0x2b3: {  	s10 =	simm.s32 $0x280  }
0x2b4: {  	[tilespmem:s31], [sflag:$0x1] =	stream.indirect.gather [hbm4b:s7+s20], $0x10, s10, s20, $0xb8;
	[tilespmem:$0x1D700] =	vst v63  }
0x2b5: {  	_ =	swait.ge [sflag:s0], $0x800  }
0x2b6: {  	[sflag:s0] =	ssyncset.done $0x0  }
0x2b7: {  	s11 =	simm.s32 $0x300;
	[sflag:s0] =	ssyncadd.s32 $0xFFFFF800  }
0x2b8: {  	[tilespmem:s1], [sflag:$0x1] =	stream.indirect.gather [hbm4b:s7+s20], $0x10, s11, s20, $0xb8;
	[tilespmem:$0x1D700] =	vst v63  }
0x2b9: {  	s12 =	simm.s32 $0x400  }
0x2ba: {  	[spmem:s2] =	stream.indirect.scatter.add.f32 [tilespmem:s21], [sflag:$0x2], $0x10, s12, s20, $0xb8;
	[tilespmem:$0x1D700] =	vst v63  }
0x2bb: {  	_ =	swait.ge [sflag:s0], $0x800  }
0x2bc: {  	[sflag:s0] =	ssyncset.done $0x0  }
0x2bd: {  	s13 =	simm.s32 $0x380;
	[sflag:s0] =	ssyncadd.s32 $0xFFFFF800  }
0x2be: {  	[tilespmem:s14], [sflag:$0x1] =	stream.indirect.gather [hbm4b:s7+s20], $0x10, s13, s20, $0xb8;
	[tilespmem:$0x1D700] =	vst v63  }
0x2bf: {  	s15 =	simm.s32 $0x480  }
0x2c0: {  	[spmem:s2] =	stream.indirect.scatter.add.f32 [tilespmem:s22], [sflag:$0x2], $0x10, s15, s20, $0xb8;
	[tilespmem:$0x1D700] =	vst v63  }
0x2c1: {  	_ =	swait.ge [sflag:s0], $0x800  }
0x2c2: {  	[sflag:s0] =	ssyncset.done $0x0  }
0x2c3: {  	s16 =	simm.s32 $0x500;
	[sflag:s0] =	ssyncadd.s32 $0xFFFFF800  }
0x2c4: {  	[spmem:s2] =	stream.indirect.scatter.add.f32 [tilespmem:s24], [sflag:$0x2], $0x10, s16, s20, $0xb8;
	[tilespmem:$0x1D700] =	vst v63  }
0x2c5: {  	_ =	swait.ge [sflag:s0], $0x800  }
0x2c6: {  	[sflag:s0] =	ssyncset.done $0x0  }
0x2c7: {  	s17 =	simm.s32 $0x580;
	[sflag:s0] =	ssyncadd.s32 $0xFFFFF800  }
0x2c8: {  	[spmem:s2] =	stream.indirect.scatter.add.f32 [tilespmem:s26], [sflag:$0x2], $0x10, s17, s20, $0xb8;
	[tilespmem:$0x1D700] =	vst v63  }
0x2c9: {  	_ =	swait.ge [sflag:s0], $0x800  }
0x2ca: {  	[sflag:s0] =	ssyncset.done $0x0  }
0x2cb: {  	s23 =	simm.s32 $0x600;
	[sflag:s0] =	ssyncadd.s32 $0xFFFFF800  }
0x2cc: {  	[spmem:s2] =	stream.indirect.scatter.add.f32 [tilespmem:s29], [sflag:$0x2], $0x10, s23, s20, $0xb8;
	[tilespmem:$0x1D700] =	vst v63  }
0x2cd: {  	_ =	swait.ge [sflag:s0], $0x800  }
0x2ce: {  	[sflag:s0] =	ssyncset.done $0x0  }
0x2cf: {  	s9 =	simm.s32 $0x680;
	[sflag:s0] =	ssyncadd.s32 $0xFFFFF800  }
0x2d0: {  	[spmem:s2] =	stream.indirect.scatter.add.f32 [tilespmem:s31], [sflag:$0x2], $0x10, s9, s20, $0xb8;
	[tilespmem:$0x1D700] =	vst v63  }
0x2d1: {  	_ =	swait.ge [sflag:s0], $0x800  }
0x2d2: {  	[sflag:s0] =	ssyncset.done $0x0  }
0x2d3: {  	s10 =	simm.s32 $0x700;
	[sflag:s0] =	ssyncadd.s32 $0xFFFFF800  }
0x2d4: {  	[spmem:s2] =	stream.indirect.scatter.add.f32 [tilespmem:s1], [sflag:$0x2], $0x10, s10, s20, $0xb8;
	[tilespmem:$0x1D700] =	vst v63  }
0x2d5: {  	_ =	swait.ge [sflag:s0], $0x800  }
0x2d6: {  	[sflag:s0] =	ssyncset.done $0x0  }
0x2d7: {  	s11 =	simm.s32 $0x780;
	[sflag:s0] =	ssyncadd.s32 $0xFFFFF800  }
0x2d8: {  	[spmem:s2] =	stream.indirect.scatter.add.f32 [tilespmem:s14], [sflag:$0x2], $0x10, s11, s20, $0xb8;
	[tilespmem:$0x1D700] =	vst v63  }
0x2d9: {  	_ =	swait.ge [sflag:s25], $0x800  }
0x2da: {  	[sflag:s25] =	ssyncset.done $0x0  }
0x2db: {  	[sflag:s25] =	ssyncadd.s32 $0xFFFFF800  }
0x2dc: {  	_ =	swait.ge [sflag:s25], $0x800  }
0x2dd: {  	[sflag:s25] =	ssyncset.done $0x0  }
0x2de: {  	[sflag:s25] =	ssyncadd.s32 $0xFFFFF800  }
0x2df: {  	_ =	swait.ge [sflag:s25], $0x800  }
0x2e0: {  	[sflag:s25] =	ssyncset.done $0x0  }
0x2e1: {  	[sflag:s25] =	ssyncadd.s32 $0xFFFFF800  }
0x2e2: {  	_ =	swait.ge [sflag:s25], $0x800  }
0x2e3: {  	[sflag:s25] =	ssyncset.done $0x0  }
0x2e4: {  	[sflag:s25] =	ssyncadd.s32 $0xFFFFF800  }
0x2e5: {  	_ =	swait.ge [sflag:s25], $0x800  }
0x2e6: {  	[sflag:s25] =	ssyncset.done $0x0  }
0x2e7: {  	[sflag:s25] =	ssyncadd.s32 $0xFFFFF800  }
0x2e8: {  	_ =	swait.ge [sflag:s25], $0x800  }
0x2e9: {  	[sflag:s25] =	ssyncset.done $0x0  }
0x2ea: {  	[sflag:s25] =	ssyncadd.s32 $0xFFFFF800  }
0x2eb: {  	_ =	swait.ge [sflag:s25], $0x800  }
0x2ec: {  	[sflag:s25] =	ssyncset.done $0x0  }
0x2ed: {  	[sflag:s25] =	ssyncadd.s32 $0xFFFFF800  }
0x2ee: {  	_ =	swait.ge [sflag:s25], $0x800  }
0x2ef: {  	[sflag:s25] =	ssyncset.done $0x0  }
0x2f0: {  	[sflag:s25] =	ssyncadd.s32 $0xFFFFF800  }
0x2f1: {  	_ =	swait.ge [sflag:s18], $0x800  }
0x2f2: {  	[sflag:s18] =	ssyncset.done $0x0  }
0x2f3: {  	s8 =	sadd.s32 $0x3200, s8;
	[sflag:s18] =	ssyncadd.s32 $0xFFFFF800  }
0x2f4: {  	[tilespmem:s3], [sflag:$0x3] =	stream.linear.gather [hbm4b:s8+s3], $0x800, $0x38;
	[tilespmem:$0x1D700] =	vst v63  }
0x2f5: {  	_ = 	snop  }
0x2f6: {  	[tilespmem:s21], [sflag:$0x1] =	stream.indirect.gather [hbm4b:s7+s20], $0x10, s19, s20, $0xb8;
	[tilespmem:$0x1D700] =	vst v63  }
0x2f7: {  	s12 =	simm.s32 $0x880  }
0x2f8: {  	[tilespmem:s22], [sflag:$0x1] =	stream.indirect.gather [hbm4b:s7+s20], $0x10, s12, s20, $0xb8;
	[tilespmem:$0x1D700] =	vst v63  }
0x2f9: {  	s13 =	simm.s32 $0x900  }
0x2fa: {  	[tilespmem:s24], [sflag:$0x1] =	stream.indirect.gather [hbm4b:s7+s20], $0x10, s13, s20, $0xb8;
	[tilespmem:$0x1D700] =	vst v63  }
0x2fb: {  	s15 =	simm.s32 $0x980  }
0x2fc: {  	[tilespmem:s26], [sflag:$0x1] =	stream.indirect.gather [hbm4b:s7+s20], $0x10, s15, s20, $0xb8;
	[tilespmem:$0x1D700] =	vst v63  }
0x2fd: {  	s16 =	simm.s32 $0xA00  }
0x2fe: {  	[tilespmem:s29], [sflag:$0x1] =	stream.indirect.gather [hbm4b:s7+s20], $0x10, s16, s20, $0xb8;
	[tilespmem:$0x1D700] =	vst v63  }
0x2ff: {  	s17 =	simm.s32 $0xA80  }
0x300: {  	[tilespmem:s31], [sflag:$0x1] =	stream.indirect.gather [hbm4b:s7+s20], $0x10, s17, s20, $0xb8;
	[tilespmem:$0x1D700] =	vst v63  }
0x301: {  	_ =	swait.ge [sflag:s0], $0x800  }
0x302: {  	[sflag:s0] =	ssyncset.done $0x0  }
0x303: {  	s23 =	simm.s32 $0xB00;
	[sflag:s0] =	ssyncadd.s32 $0xFFFFF800  }
0x304: {  	[tilespmem:s1], [sflag:$0x1] =	stream.indirect.gather [hbm4b:s7+s20], $0x10, s23, s20, $0xb8;
	[tilespmem:$0x1D700] =	vst v63  }
0x305: {  	s23 =	simm.s32 $0xC00  }
0x306: {  	[spmem:s2] =	stream.indirect.scatter.add.f32 [tilespmem:s21], [sflag:$0x2], $0x10, s23, s20, $0xb8;
	[tilespmem:$0x1D700] =	vst v63  }
0x307: {  	_ =	swait.ge [sflag:s0], $0x800  }
0x308: {  	[sflag:s0] =	ssyncset.done $0x0  }
0x309: {  	s28 =	simm.s32 $0xB80;
	[sflag:s0] =	ssyncadd.s32 $0xFFFFF800  }
0x30a: {  	[tilespmem:s14], [sflag:$0x1] =	stream.indirect.gather [hbm4b:s7+s20], $0x10, s28, s20, $0xb8;
	[tilespmem:$0x1D700] =	vst v63  }
0x30b: {  	s30 =	simm.s32 $0xC80  }
0x30c: {  	[spmem:s2] =	stream.indirect.scatter.add.f32 [tilespmem:s22], [sflag:$0x2], $0x10, s30, s20, $0xb8;
	[tilespmem:$0x1D700] =	vst v63  }
0x30d: {  	_ =	swait.ge [sflag:s0], $0x800  }
0x30e: {  	[sflag:s0] =	ssyncset.done $0x0  }
0x30f: {  	s4 =	simm.s32 $0xD00;
	[sflag:s0] =	ssyncadd.s32 $0xFFFFF800  }
0x310: {  	[spmem:s2] =	stream.indirect.scatter.add.f32 [tilespmem:s24], [sflag:$0x2], $0x10, s4, s20, $0xb8;
	[tilespmem:$0x1D700] =	vst v63  }
0x311: {  	_ =	swait.ge [sflag:s0], $0x800  }
0x312: {  	[sflag:s0] =	ssyncset.done $0x0  }
0x313: {  	s9 =	simm.s32 $0xD80;
	[sflag:s0] =	ssyncadd.s32 $0xFFFFF800  }
0x314: {  	[spmem:s2] =	stream.indirect.scatter.add.f32 [tilespmem:s26], [sflag:$0x2], $0x10, s9, s20, $0xb8;
	[tilespmem:$0x1D700] =	vst v63  }
0x315: {  	_ =	swait.ge [sflag:s0], $0x800  }
0x316: {  	[sflag:s0] =	ssyncset.done $0x0  }
0x317: {  	s10 =	simm.s32 $0xE00;
	[sflag:s0] =	ssyncadd.s32 $0xFFFFF800  }
0x318: {  	[spmem:s2] =	stream.indirect.scatter.add.f32 [tilespmem:s29], [sflag:$0x2], $0x10, s10, s20, $0xb8;
	[tilespmem:$0x1D700] =	vst v63  }
0x319: {  	_ =	swait.ge [sflag:s0], $0x800  }
0x31a: {  	[sflag:s0] =	ssyncset.done $0x0  }
0x31b: {  	s11 =	simm.s32 $0xE80;
	[sflag:s0] =	ssyncadd.s32 $0xFFFFF800  }
0x31c: {  	[spmem:s2] =	stream.indirect.scatter.add.f32 [tilespmem:s31], [sflag:$0x2], $0x10, s11, s20, $0xb8;
	[tilespmem:$0x1D700] =	vst v63  }
0x31d: {  	_ =	swait.ge [sflag:s0], $0x800  }
0x31e: {  	[sflag:s0] =	ssyncset.done $0x0  }
0x31f: {  	s16 =	simm.s32 $0xF00;
	[sflag:s0] =	ssyncadd.s32 $0xFFFFF800  }
0x320: {  	[spmem:s2] =	stream.indirect.scatter.add.f32 [tilespmem:s1], [sflag:$0x2], $0x10, s16, s20, $0xb8;
	[tilespmem:$0x1D700] =	vst v63  }
0x321: {  	_ =	swait.ge [sflag:s0], $0x800  }
0x322: {  	[sflag:s0] =	ssyncset.done $0x0  }
0x323: {  	s17 =	simm.s32 $0xF80;
	[sflag:s0] =	ssyncadd.s32 $0xFFFFF800  }
0x324: {  	[spmem:s2] =	stream.indirect.scatter.add.f32 [tilespmem:s14], [sflag:$0x2], $0x10, s17, s20, $0xb8;
	[tilespmem:$0x1D700] =	vst v63  }
0x325: {  	_ =	swait.ge [sflag:s25], $0x800  }
0x326: {  	[sflag:s25] =	ssyncset.done $0x0  }
0x327: {  	[sflag:s25] =	ssyncadd.s32 $0xFFFFF800  }
0x328: {  	_ =	swait.ge [sflag:s25], $0x800  }
0x329: {  	[sflag:s25] =	ssyncset.done $0x0  }
0x32a: {  	[sflag:s25] =	ssyncadd.s32 $0xFFFFF800  }
0x32b: {  	_ =	swait.ge [sflag:s25], $0x800  }
0x32c: {  	[sflag:s25] =	ssyncset.done $0x0  }
0x32d: {  	[sflag:s25] =	ssyncadd.s32 $0xFFFFF800  }
0x32e: {  	_ =	swait.ge [sflag:s25], $0x800  }
0x32f: {  	[sflag:s25] =	ssyncset.done $0x0  }
0x330: {  	[sflag:s25] =	ssyncadd.s32 $0xFFFFF800  }
0x331: {  	_ =	swait.ge [sflag:s25], $0x800  }
0x332: {  	[sflag:s25] =	ssyncset.done $0x0  }
0x333: {  	[sflag:s25] =	ssyncadd.s32 $0xFFFFF800  }
0x334: {  	_ =	swait.ge [sflag:s25], $0x800  }
0x335: {  	[sflag:s25] =	ssyncset.done $0x0  }
0x336: {  	[sflag:s25] =	ssyncadd.s32 $0xFFFFF800  }
0x337: {  	_ =	swait.ge [sflag:s25], $0x800  }
0x338: {  	[sflag:s25] =	ssyncset.done $0x0  }
0x339: {  	[sflag:s25] =	ssyncadd.s32 $0xFFFFF800  }
0x33a: {  	_ =	swait.ge [sflag:s25], $0x800  }
0x33b: {  	s8 =	simm.s32 $0xFFFFD200;
	[sflag:s25] =	ssyncset.done $0x0  }
.LBB2_9:
0x33c: {  	[sflag:s25] =	ssyncadd.s32 $0xFFFFF800  }
0x33d: {  	_ =	swait.ge [sflag:s18], $0x800  }
0x33e: {  	s13 =	smov.u32 s8;
	s15 =	rddreg [dreg:$0x5]  }
0x33f: {  	[sflag:s18] =	ssyncset.done $0x0;
	s13 =	sadd.s32 s13, s15  }
0x340: {  	[sflag:s18] =	ssyncadd.s32 $0xFFFFF800;
	s15 =	sadd.s32 $0x3100, s13  }
0x341: {  	[tilespmem:s19], [sflag:$0x3] =	stream.linear.gather [hbm4b:s15+s3], $0x800, $0x38;
	[tilespmem:$0x1D700] =	vst v63  }
0x342: {  	_ = 	snop  }
0x343: {  	[tilespmem:s21], [sflag:$0x1] =	stream.indirect.gather [hbm4b:s7+s20], $0x10, s3, s20, $0xb8;
	[tilespmem:$0x1D700] =	vst v63  }
0x344: {  	_ = 	snop  }
0x345: {  	[tilespmem:s22], [sflag:$0x1] =	stream.indirect.gather [hbm4b:s7+s20], $0x10, s20, s20, $0xb8;
	[tilespmem:$0x1D700] =	vst v63  }
0x346: {  	s15 =	simm.s32 $0x100  }
0x347: {  	[tilespmem:s24], [sflag:$0x1] =	stream.indirect.gather [hbm4b:s7+s20], $0x10, s15, s20, $0xb8;
	[tilespmem:$0x1D700] =	vst v63  }
0x348: {  	s12 =	simm.s32 $0x180  }
0x349: {  	[tilespmem:s26], [sflag:$0x1] =	stream.indirect.gather [hbm4b:s7+s20], $0x10, s12, s20, $0xb8;
	[tilespmem:$0x1D700] =	vst v63  }
0x34a: {  	s12 =	simm.s32 $0x200  }
0x34b: {  	[tilespmem:s29], [sflag:$0x1] =	stream.indirect.gather [hbm4b:s7+s20], $0x10, s12, s20, $0xb8;
	[tilespmem:$0x1D700] =	vst v63  }
0x34c: {  	s12 =	simm.s32 $0x280  }
0x34d: {  	[tilespmem:s31], [sflag:$0x1] =	stream.indirect.gather [hbm4b:s7+s20], $0x10, s12, s20, $0xb8;
	[tilespmem:$0x1D700] =	vst v63  }
0x34e: {  	_ =	swait.ge [sflag:s0], $0x800  }
0x34f: {  	[sflag:s0] =	ssyncset.done $0x0  }
0x350: {  	s12 =	simm.s32 $0x300;
	[sflag:s0] =	ssyncadd.s32 $0xFFFFF800  }
0x351: {  	[tilespmem:s1], [sflag:$0x1] =	stream.indirect.gather [hbm4b:s7+s20], $0x10, s12, s20, $0xb8;
	[tilespmem:$0x1D700] =	vst v63  }
0x352: {  	s12 =	simm.s32 $0x400  }
0x353: {  	[spmem:s2] =	stream.indirect.scatter.add.f32 [tilespmem:s21], [sflag:$0x2], $0x10, s12, s20, $0xb8;
	[tilespmem:$0x1D700] =	vst v63  }
0x354: {  	_ =	swait.ge [sflag:s0], $0x800  }
0x355: {  	[sflag:s0] =	ssyncset.done $0x0  }
0x356: {  	s12 =	simm.s32 $0x380;
	[sflag:s0] =	ssyncadd.s32 $0xFFFFF800  }
0x357: {  	[tilespmem:s14], [sflag:$0x1] =	stream.indirect.gather [hbm4b:s7+s20], $0x10, s12, s20, $0xb8;
	[tilespmem:$0x1D700] =	vst v63  }
0x358: {  	s12 =	simm.s32 $0x480  }
0x359: {  	[spmem:s2] =	stream.indirect.scatter.add.f32 [tilespmem:s22], [sflag:$0x2], $0x10, s12, s20, $0xb8;
	[tilespmem:$0x1D700] =	vst v63  }
0x35a: {  	_ =	swait.ge [sflag:s0], $0x800  }
0x35b: {  	[sflag:s0] =	ssyncset.done $0x0  }
0x35c: {  	s12 =	simm.s32 $0x500;
	[sflag:s0] =	ssyncadd.s32 $0xFFFFF800  }
0x35d: {  	[spmem:s2] =	stream.indirect.scatter.add.f32 [tilespmem:s24], [sflag:$0x2], $0x10, s12, s20, $0xb8;
	[tilespmem:$0x1D700] =	vst v63  }
0x35e: {  	_ =	swait.ge [sflag:s0], $0x800  }
0x35f: {  	[sflag:s0] =	ssyncset.done $0x0  }
0x360: {  	s12 =	simm.s32 $0x580;
	[sflag:s0] =	ssyncadd.s32 $0xFFFFF800  }
0x361: {  	[spmem:s2] =	stream.indirect.scatter.add.f32 [tilespmem:s26], [sflag:$0x2], $0x10, s12, s20, $0xb8;
	[tilespmem:$0x1D700] =	vst v63  }
0x362: {  	_ =	swait.ge [sflag:s0], $0x800  }
0x363: {  	[sflag:s0] =	ssyncset.done $0x0  }
0x364: {  	s12 =	simm.s32 $0x600;
	[sflag:s0] =	ssyncadd.s32 $0xFFFFF800  }
0x365: {  	[spmem:s2] =	stream.indirect.scatter.add.f32 [tilespmem:s29], [sflag:$0x2], $0x10, s12, s20, $0xb8;
	[tilespmem:$0x1D700] =	vst v63  }
0x366: {  	_ =	swait.ge [sflag:s0], $0x800  }
0x367: {  	[sflag:s0] =	ssyncset.done $0x0  }
0x368: {  	s12 =	simm.s32 $0x680;
	[sflag:s0] =	ssyncadd.s32 $0xFFFFF800  }
0x369: {  	[spmem:s2] =	stream.indirect.scatter.add.f32 [tilespmem:s31], [sflag:$0x2], $0x10, s12, s20, $0xb8;
	[tilespmem:$0x1D700] =	vst v63  }
0x36a: {  	_ =	swait.ge [sflag:s0], $0x800  }
0x36b: {  	[sflag:s0] =	ssyncset.done $0x0  }
0x36c: {  	s12 =	simm.s32 $0x700;
	[sflag:s0] =	ssyncadd.s32 $0xFFFFF800  }
0x36d: {  	[spmem:s2] =	stream.indirect.scatter.add.f32 [tilespmem:s1], [sflag:$0x2], $0x10, s12, s20, $0xb8;
	[tilespmem:$0x1D700] =	vst v63  }
0x36e: {  	_ =	swait.ge [sflag:s0], $0x800  }
0x36f: {  	[sflag:s0] =	ssyncset.done $0x0  }
0x370: {  	s12 =	simm.s32 $0x780;
	[sflag:s0] =	ssyncadd.s32 $0xFFFFF800  }
0x371: {  	[spmem:s2] =	stream.indirect.scatter.add.f32 [tilespmem:s14], [sflag:$0x2], $0x10, s12, s20, $0xb8;
	[tilespmem:$0x1D700] =	vst v63  }
0x372: {  	_ =	swait.ge [sflag:s25], $0x800  }
0x373: {  	[sflag:s25] =	ssyncset.done $0x0  }
0x374: {  	[sflag:s25] =	ssyncadd.s32 $0xFFFFF800  }
0x375: {  	_ =	swait.ge [sflag:s25], $0x800  }
0x376: {  	[sflag:s25] =	ssyncset.done $0x0  }
0x377: {  	[sflag:s25] =	ssyncadd.s32 $0xFFFFF800  }
0x378: {  	_ =	swait.ge [sflag:s25], $0x800  }
0x379: {  	[sflag:s25] =	ssyncset.done $0x0  }
0x37a: {  	[sflag:s25] =	ssyncadd.s32 $0xFFFFF800  }
0x37b: {  	_ =	swait.ge [sflag:s25], $0x800  }
0x37c: {  	[sflag:s25] =	ssyncset.done $0x0  }
0x37d: {  	[sflag:s25] =	ssyncadd.s32 $0xFFFFF800  }
0x37e: {  	_ =	swait.ge [sflag:s25], $0x800  }
0x37f: {  	[sflag:s25] =	ssyncset.done $0x0  }
0x380: {  	[sflag:s25] =	ssyncadd.s32 $0xFFFFF800  }
0x381: {  	_ =	swait.ge [sflag:s25], $0x800  }
0x382: {  	[sflag:s25] =	ssyncset.done $0x0  }
0x383: {  	[sflag:s25] =	ssyncadd.s32 $0xFFFFF800  }
0x384: {  	_ =	swait.ge [sflag:s25], $0x800  }
0x385: {  	[sflag:s25] =	ssyncset.done $0x0  }
0x386: {  	[sflag:s25] =	ssyncadd.s32 $0xFFFFF800  }
0x387: {  	_ =	swait.ge [sflag:s25], $0x800  }
0x388: {  	[sflag:s25] =	ssyncset.done $0x0  }
0x389: {  	[sflag:s25] =	ssyncadd.s32 $0xFFFFF800  }
0x38a: {  	_ =	swait.ge [sflag:s18], $0x800  }
0x38b: {  	[sflag:s18] =	ssyncset.done $0x0  }
0x38c: {  	s13 =	sadd.s32 $0x3200, s13;
	[sflag:s18] =	ssyncadd.s32 $0xFFFFF800  }
0x38d: {  	[tilespmem:s3], [sflag:$0x3] =	stream.linear.gather [hbm4b:s13+s3], $0x800, $0x38;
	[tilespmem:$0x1D700] =	vst v63  }
0x38e: {  	_ = 	snop  }
0x38f: {  	[tilespmem:s21], [sflag:$0x1] =	stream.indirect.gather [hbm4b:s7+s20], $0x10, s19, s20, $0xb8;
	[tilespmem:$0x1D700] =	vst v63  }
0x390: {  	s13 =	simm.s32 $0x880  }
0x391: {  	[tilespmem:s22], [sflag:$0x1] =	stream.indirect.gather [hbm4b:s7+s20], $0x10, s13, s20, $0xb8;
	[tilespmem:$0x1D700] =	vst v63  }
0x392: {  	s13 =	simm.s32 $0x900  }
0x393: {  	[tilespmem:s24], [sflag:$0x1] =	stream.indirect.gather [hbm4b:s7+s20], $0x10, s13, s20, $0xb8;
	[tilespmem:$0x1D700] =	vst v63  }
0x394: {  	s13 =	simm.s32 $0x980  }
0x395: {  	[tilespmem:s26], [sflag:$0x1] =	stream.indirect.gather [hbm4b:s7+s20], $0x10, s13, s20, $0xb8;
	[tilespmem:$0x1D700] =	vst v63  }
0x396: {  	s13 =	simm.s32 $0xA00  }
0x397: {  	[tilespmem:s29], [sflag:$0x1] =	stream.indirect.gather [hbm4b:s7+s20], $0x10, s13, s20, $0xb8;
	[tilespmem:$0x1D700] =	vst v63  }
0x398: {  	s13 =	simm.s32 $0xA80  }
0x399: {  	[tilespmem:s31], [sflag:$0x1] =	stream.indirect.gather [hbm4b:s7+s20], $0x10, s13, s20, $0xb8;
	[tilespmem:$0x1D700] =	vst v63  }
0x39a: {  	_ =	swait.ge [sflag:s0], $0x800  }
0x39b: {  	[sflag:s0] =	ssyncset.done $0x0  }
0x39c: {  	s13 =	simm.s32 $0xB00;
	[sflag:s0] =	ssyncadd.s32 $0xFFFFF800  }
0x39d: {  	[tilespmem:s1], [sflag:$0x1] =	stream.indirect.gather [hbm4b:s7+s20], $0x10, s13, s20, $0xb8;
	[tilespmem:$0x1D700] =	vst v63  }
0x39e: {  	_ = 	snop  }
0x39f: {  	[spmem:s2] =	stream.indirect.scatter.add.f32 [tilespmem:s21], [sflag:$0x2], $0x10, s23, s20, $0xb8;
	[tilespmem:$0x1D700] =	vst v63  }
0x3a0: {  	_ =	swait.ge [sflag:s0], $0x800  }
0x3a1: {  	[sflag:s0] =	ssyncset.done $0x0  }
0x3a2: {  	[sflag:s0] =	ssyncadd.s32 $0xFFFFF800  }
0x3a3: {  	[tilespmem:s14], [sflag:$0x1] =	stream.indirect.gather [hbm4b:s7+s20], $0x10, s28, s20, $0xb8;
	[tilespmem:$0x1D700] =	vst v63  }
0x3a4: {  	_ = 	snop  }
0x3a5: {  	[spmem:s2] =	stream.indirect.scatter.add.f32 [tilespmem:s22], [sflag:$0x2], $0x10, s30, s20, $0xb8;
	[tilespmem:$0x1D700] =	vst v63  }
0x3a6: {  	_ =	swait.ge [sflag:s0], $0x800  }
0x3a7: {  	[sflag:s0] =	ssyncset.done $0x0  }
0x3a8: {  	[sflag:s0] =	ssyncadd.s32 $0xFFFFF800  }
0x3a9: {  	[spmem:s2] =	stream.indirect.scatter.add.f32 [tilespmem:s24], [sflag:$0x2], $0x10, s4, s20, $0xb8;
	[tilespmem:$0x1D700] =	vst v63  }
0x3aa: {  	_ =	swait.ge [sflag:s0], $0x800  }
0x3ab: {  	[sflag:s0] =	ssyncset.done $0x0  }
0x3ac: {  	[sflag:s0] =	ssyncadd.s32 $0xFFFFF800  }
0x3ad: {  	[spmem:s2] =	stream.indirect.scatter.add.f32 [tilespmem:s26], [sflag:$0x2], $0x10, s9, s20, $0xb8;
	[tilespmem:$0x1D700] =	vst v63  }
0x3ae: {  	_ =	swait.ge [sflag:s0], $0x800  }
0x3af: {  	[sflag:s0] =	ssyncset.done $0x0  }
0x3b0: {  	[sflag:s0] =	ssyncadd.s32 $0xFFFFF800  }
0x3b1: {  	[spmem:s2] =	stream.indirect.scatter.add.f32 [tilespmem:s29], [sflag:$0x2], $0x10, s10, s20, $0xb8;
	[tilespmem:$0x1D700] =	vst v63  }
0x3b2: {  	_ =	swait.ge [sflag:s0], $0x800  }
0x3b3: {  	[sflag:s0] =	ssyncset.done $0x0  }
0x3b4: {  	[sflag:s0] =	ssyncadd.s32 $0xFFFFF800  }
0x3b5: {  	[spmem:s2] =	stream.indirect.scatter.add.f32 [tilespmem:s31], [sflag:$0x2], $0x10, s11, s20, $0xb8;
	[tilespmem:$0x1D700] =	vst v63  }
0x3b6: {  	_ =	swait.ge [sflag:s0], $0x800  }
0x3b7: {  	[sflag:s0] =	ssyncset.done $0x0  }
0x3b8: {  	[sflag:s0] =	ssyncadd.s32 $0xFFFFF800  }
0x3b9: {  	[spmem:s2] =	stream.indirect.scatter.add.f32 [tilespmem:s1], [sflag:$0x2], $0x10, s16, s20, $0xb8;
	[tilespmem:$0x1D700] =	vst v63  }
0x3ba: {  	_ =	swait.ge [sflag:s0], $0x800  }
0x3bb: {  	[sflag:s0] =	ssyncset.done $0x0  }
0x3bc: {  	[sflag:s0] =	ssyncadd.s32 $0xFFFFF800  }
0x3bd: {  	[spmem:s2] =	stream.indirect.scatter.add.f32 [tilespmem:s14], [sflag:$0x2], $0x10, s17, s20, $0xb8;
	[tilespmem:$0x1D700] =	vst v63  }
0x3be: {  	_ =	swait.ge [sflag:s25], $0x800  }
0x3bf: {  	[sflag:s25] =	ssyncset.done $0x0  }
0x3c0: {  	[sflag:s25] =	ssyncadd.s32 $0xFFFFF800  }
0x3c1: {  	_ =	swait.ge [sflag:s25], $0x800  }
0x3c2: {  	[sflag:s25] =	ssyncset.done $0x0  }
0x3c3: {  	[sflag:s25] =	ssyncadd.s32 $0xFFFFF800  }
0x3c4: {  	_ =	swait.ge [sflag:s25], $0x800  }
0x3c5: {  	[sflag:s25] =	ssyncset.done $0x0  }
0x3c6: {  	[sflag:s25] =	ssyncadd.s32 $0xFFFFF800  }
0x3c7: {  	_ =	swait.ge [sflag:s25], $0x800  }
0x3c8: {  	[sflag:s25] =	ssyncset.done $0x0  }
0x3c9: {  	[sflag:s25] =	ssyncadd.s32 $0xFFFFF800  }
0x3ca: {  	_ =	swait.ge [sflag:s25], $0x800  }
0x3cb: {  	[sflag:s25] =	ssyncset.done $0x0  }
0x3cc: {  	[sflag:s25] =	ssyncadd.s32 $0xFFFFF800  }
0x3cd: {  	_ =	swait.ge [sflag:s25], $0x800  }
0x3ce: {  	[sflag:s25] =	ssyncset.done $0x0  }
0x3cf: {  	p1 =	sne.s32 s8, $0xFFFFFE00;
	[sflag:s25] =	ssyncadd.s32 $0xFFFFF800  }
.Ltmp4:
0x3d0: {  	_ =	swait.ge [sflag:s25], $0x800;
	(pc) =	sbr.rel @p1 .LBB2_9-.Ltmp4, $4  }
0x3d1: {  	[sflag:s25] =	ssyncset.done $0x0  }
0x3d2: {  	[sflag:s25] =	ssyncadd.s32 $0xFFFFF800  }
0x3d3: {  	_ =	swait.ge [sflag:s25], $0x800  }
0x3d4: {  	s8 =	sadd.s32 $0x200, s8;
	[sflag:s25] =	ssyncset.done $0x0  }
0x3d5: {  	[sflag:s25] =	ssyncadd.s32 $0xFFFFF800  }
0x3d6: {  	_ =	swait.ge [sflag:s18], $0x800  }
0x3d7: {  	[sflag:s18] =	ssyncset.done $0x0  }
0x3d8: {  	[sflag:s18] =	ssyncadd.s32 $0xFFFFF800  }
0x3d9: {  	[tilespmem:s21], [sflag:$0x1] =	stream.indirect.gather [hbm4b:s7+s20], $0x10, s3, s20, $0xb8;
	[tilespmem:$0x1D700] =	vst v63  }
0x3da: {  	_ = 	snop  }
0x3db: {  	[tilespmem:s22], [sflag:$0x1] =	stream.indirect.gather [hbm4b:s7+s20], $0x10, s20, s20, $0xb8;
	[tilespmem:$0x1D700] =	vst v63  }
0x3dc: {  	_ = 	snop  }
0x3dd: {  	[tilespmem:s24], [sflag:$0x1] =	stream.indirect.gather [hbm4b:s7+s20], $0x10, s15, s20, $0xb8;
	[tilespmem:$0x1D700] =	vst v63  }
0x3de: {  	s4 =	simm.s32 $0x180  }
0x3df: {  	[tilespmem:s26], [sflag:$0x1] =	stream.indirect.gather [hbm4b:s7+s20], $0x10, s4, s20, $0xb8;
	[tilespmem:$0x1D700] =	vst v63  }
0x3e0: {  	s17 =	simm.s32 $0x200  }
0x3e1: {  	[tilespmem:s29], [sflag:$0x1] =	stream.indirect.gather [hbm4b:s7+s20], $0x10, s17, s20, $0xb8;
	[tilespmem:$0x1D700] =	vst v63  }
0x3e2: {  	s23 =	simm.s32 $0x280  }
0x3e3: {  	[tilespmem:s31], [sflag:$0x1] =	stream.indirect.gather [hbm4b:s7+s20], $0x10, s23, s20, $0xb8;
	[tilespmem:$0x1D700] =	vst v63  }
0x3e4: {  	_ =	swait.ge [sflag:s0], $0x800  }
0x3e5: {  	[sflag:s0] =	ssyncset.done $0x0  }
0x3e6: {  	s28 =	simm.s32 $0x300;
	[sflag:s0] =	ssyncadd.s32 $0xFFFFF800  }
0x3e7: {  	[tilespmem:s1], [sflag:$0x1] =	stream.indirect.gather [hbm4b:s7+s20], $0x10, s28, s20, $0xb8;
	[tilespmem:$0x1D700] =	vst v63  }
0x3e8: {  	s30 =	simm.s32 $0x400  }
0x3e9: {  	[spmem:s2] =	stream.indirect.scatter.add.f32 [tilespmem:s21], [sflag:$0x2], $0x10, s30, s20, $0xb8;
	[tilespmem:$0x1D700] =	vst v63  }
0x3ea: {  	_ =	swait.ge [sflag:s0], $0x800  }
0x3eb: {  	[sflag:s0] =	ssyncset.done $0x0  }
0x3ec: {  	s8 =	simm.s32 $0x380;
	[sflag:s0] =	ssyncadd.s32 $0xFFFFF800  }
0x3ed: {  	[tilespmem:s14], [sflag:$0x1] =	stream.indirect.gather [hbm4b:s7+s20], $0x10, s8, s20, $0xb8;
	[tilespmem:$0x1D700] =	vst v63  }
0x3ee: {  	s9 =	simm.s32 $0x480  }
0x3ef: {  	[spmem:s2] =	stream.indirect.scatter.add.f32 [tilespmem:s22], [sflag:$0x2], $0x10, s9, s20, $0xb8;
	[tilespmem:$0x1D700] =	vst v63  }
0x3f0: {  	_ =	swait.ge [sflag:s0], $0x800  }
0x3f1: {  	[sflag:s0] =	ssyncset.done $0x0  }
0x3f2: {  	s10 =	simm.s32 $0x500;
	[sflag:s0] =	ssyncadd.s32 $0xFFFFF800  }
0x3f3: {  	[spmem:s2] =	stream.indirect.scatter.add.f32 [tilespmem:s24], [sflag:$0x2], $0x10, s10, s20, $0xb8;
	[tilespmem:$0x1D700] =	vst v63  }
0x3f4: {  	_ =	swait.ge [sflag:s0], $0x800  }
0x3f5: {  	[sflag:s0] =	ssyncset.done $0x0  }
0x3f6: {  	s11 =	simm.s32 $0x580;
	[sflag:s0] =	ssyncadd.s32 $0xFFFFF800  }
0x3f7: {  	[spmem:s2] =	stream.indirect.scatter.add.f32 [tilespmem:s26], [sflag:$0x2], $0x10, s11, s20, $0xb8;
	[tilespmem:$0x1D700] =	vst v63  }
0x3f8: {  	_ =	swait.ge [sflag:s0], $0x800  }
0x3f9: {  	[sflag:s0] =	ssyncset.done $0x0  }
0x3fa: {  	s12 =	simm.s32 $0x600;
	[sflag:s0] =	ssyncadd.s32 $0xFFFFF800  }
0x3fb: {  	[spmem:s2] =	stream.indirect.scatter.add.f32 [tilespmem:s29], [sflag:$0x2], $0x10, s12, s20, $0xb8;
	[tilespmem:$0x1D700] =	vst v63  }
0x3fc: {  	_ =	swait.ge [sflag:s0], $0x800  }
0x3fd: {  	[sflag:s0] =	ssyncset.done $0x0  }
0x3fe: {  	s13 =	simm.s32 $0x680;
	[sflag:s0] =	ssyncadd.s32 $0xFFFFF800  }
0x3ff: {  	[spmem:s2] =	stream.indirect.scatter.add.f32 [tilespmem:s31], [sflag:$0x2], $0x10, s13, s20, $0xb8;
	[tilespmem:$0x1D700] =	vst v63  }
0x400: {  	_ =	swait.ge [sflag:s0], $0x800  }
0x401: {  	[sflag:s0] =	ssyncset.done $0x0  }
0x402: {  	s15 =	simm.s32 $0x700;
	[sflag:s0] =	ssyncadd.s32 $0xFFFFF800  }
0x403: {  	[spmem:s2] =	stream.indirect.scatter.add.f32 [tilespmem:s1], [sflag:$0x2], $0x10, s15, s20, $0xb8;
	[tilespmem:$0x1D700] =	vst v63  }
0x404: {  	_ =	swait.ge [sflag:s0], $0x800  }
0x405: {  	[sflag:s0] =	ssyncset.done $0x0  }
0x406: {  	s16 =	simm.s32 $0x780;
	[sflag:s0] =	ssyncadd.s32 $0xFFFFF800  }
0x407: {  	[spmem:s2] =	stream.indirect.scatter.add.f32 [tilespmem:s14], [sflag:$0x2], $0x10, s16, s20, $0xb8;
	[tilespmem:$0x1D700] =	vst v63  }
0x408: {  	_ =	swait.ge [sflag:s25], $0x800  }
0x409: {  	[sflag:s25] =	ssyncset.done $0x0  }
0x40a: {  	[sflag:s25] =	ssyncadd.s32 $0xFFFFF800  }
0x40b: {  	_ =	swait.ge [sflag:s25], $0x800  }
0x40c: {  	[sflag:s25] =	ssyncset.done $0x0  }
0x40d: {  	[sflag:s25] =	ssyncadd.s32 $0xFFFFF800  }
0x40e: {  	_ =	swait.ge [sflag:s25], $0x800  }
0x40f: {  	[sflag:s25] =	ssyncset.done $0x0  }
0x410: {  	[sflag:s25] =	ssyncadd.s32 $0xFFFFF800  }
0x411: {  	_ =	swait.ge [sflag:s25], $0x800  }
0x412: {  	[sflag:s25] =	ssyncset.done $0x0  }
0x413: {  	[sflag:s25] =	ssyncadd.s32 $0xFFFFF800  }
0x414: {  	_ =	swait.ge [sflag:s25], $0x800  }
0x415: {  	[sflag:s25] =	ssyncset.done $0x0  }
0x416: {  	[sflag:s25] =	ssyncadd.s32 $0xFFFFF800  }
0x417: {  	_ =	swait.ge [sflag:s25], $0x800  }
0x418: {  	[sflag:s25] =	ssyncset.done $0x0  }
0x419: {  	[sflag:s25] =	ssyncadd.s32 $0xFFFFF800  }
0x41a: {  	_ =	swait.ge [sflag:s25], $0x800  }
0x41b: {  	[sflag:s25] =	ssyncset.done $0x0  }
0x41c: {  	[sflag:s25] =	ssyncadd.s32 $0xFFFFF800  }
0x41d: {  	_ =	swait.ge [sflag:s25], $0x800  }
0x41e: {  	[sflag:s25] =	ssyncset.done $0x0  }
0x41f: {  	[sflag:s25] =	ssyncadd.s32 $0xFFFFF800  }
0x420: {  	[bflag:$0x0] =	sbarrier.arrive $0xFFFF  }
0x421: {  	s13 =	rddreg [dreg:$0x9]  }
0x422: {  	s8 =	rddreg [dreg:$0xc]  }
0x423: {  	s17 =	simm.s32 $0x4;
	s15 =	rddreg [dreg:$0xd]  }
0x424: {  	[hbm:s8], [sflag:s13] =	dma.local [spmem:s15], $0x30E0  }
0x425: {  	_ =	swait.ge [sflag:s17], $0x30E0  }
0x426: {  	s23 =	rddreg [dreg:$0xe]  }
0x427: {  	s28 =	rddreg [dreg:$0xb];
	s4 =	sadd.s32 $0x1, s23  }
0x428: {  	p1 =	sne.s32 s4, s28  }
.Ltmp5:
0x429: {  	_ = 	snop;
	(pc) =	sbr.rel @p1 .LBB2_1-.Ltmp5, $3  }
0x42a: {  	_ =	sdelay $0x1  }
0x42b: {  	s30 =	simm.s32 $0x4;
	[sflag:s17] =	ssyncset.done $0x0  }
0x42c: {  	s12 =	rddreg [dreg:$0xf];
	[sflag:s30] =	ssyncadd.s32 $0xFFFFCF20  }
0x42d: {  	_ =	sfence.sel $0x180000  }
0x42e: {  	[bflag:$0x0] =	sbarrier.arrive $0xFFFF  }
0x42f: {  	_ =	strace $0x90000047  }
0x430: {  	s0 =	stileid.u32;
	[bflag:$0x2] =	sbarrier.arrive $0xFFFF  }
0x431: {  	p0 =	sne.s32 s0, $0x0;
	s0 =	rddreg [dreg:$0x4]  }
0x432: {  	s0 =	sadd.s32 @!p0 $0x100000, s0  }
0x433: {  	[sflag:s0] =	ssyncadd.tile.s32 @!p0 $0x1;
	_ =	shalt  }
.Lfunc_end2:
_tile_overlayer_lowered:
.L_overlay_start_2:
0x434: {  	(tag) =	ssettag $0x2  }
0x435: {  	s0 =	rddreg [dreg:$0x0];
	s2 =	stileid.u32  }
0x436: {  	s1 =	rddreg [dreg:$0x1];
	p0 =	sne.s32 s2, $0x0  }
0x437: {  	s3 =	rddreg [dreg:$0x2];
	[bflag:$0x3] =	sbarrier.arrive $0xFFFF;
	s2 =	simm.s32 @!p0 $0x1C04  }
0x438: {  	[timem:s3], [sflag:s2] =	dma.local @!p0 [hbm:s0], s1  }
0x439: {  	s0 =	simm.s32 @!p0 $0x4  }
0x43a: {  	_ =	swait.ge @!p0 [sflag:s0], s1  }
0x43b: {  	s1 =	ssub.s32 @!p0 $0x0, s1;
	[sflag:s0] =	ssyncset.done @!p0 $0x0  }
0x43c: {  	[sflag:s0] =	ssyncadd.s32 @!p0 s1  }
0x43d: {  	[bflag:$0x3] =	sbarrier.arrive $0xFFFF  }
0x43e: {  	_ =	shalt  }

</sc_bundles>
